<compile_context>
chip_gen: v7x
topology: tpu7x:2x2x1
jax: 0.10.2.dev20260603
libtpu: 0.0.44.dev20260713+nightly
codegen_flags: <defaults>
</compile_context>

<pallas_src>
import functools

import jax
import jax.numpy as jnp
from jax import lax
from jax.experimental import pallas as pl
from jax.experimental.pallas import tpu as pltpu
from jax.experimental.pallas import tpu_sc as plsc

F32 = jnp.float32
C = 128


def _pre_body(h_ref, w_ref, b_ref, out_ref):
    out_ref[...] = jnp.dot(h_ref[...], w_ref[0],
                           preferred_element_type=F32) + b_ref[0]


def _precompute_tables(h, w_stk, b_stk, N, BN):
    nb = N // BN
    return pl.pallas_call(
        _pre_body,
        grid=(2, nb),
        in_specs=[
            pl.BlockSpec((BN, 128), lambda j, i: (i, 0)),
            pl.BlockSpec((1, 128, 128), lambda j, i: (j, 0, 0)),
            pl.BlockSpec((1, 1, 128), lambda j, i: (j, 0, 0)),
        ],
        out_specs=pl.BlockSpec((BN, 128), lambda j, i: (j * nb + i, 0)),
        out_shape=jax.ShapeDtypeStruct((2 * N, 128), F32),
    )(h, w_stk, b_stk)


def _ring_gather(table, idx3d, E2, W, tc_tiling):
    NW = 32
    per_w = E2 // NW
    iters = per_w // C
    mesh = plsc.VectorSubcoreMesh(core_axis_name="c", subcore_axis_name="s")

    @functools.partial(
        pl.kernel,
        mesh=mesh,
        out_type=jax.ShapeDtypeStruct((E2, W), F32),
        scratch_types=[
            pltpu.VMEM((1, iters, C), jnp.int32),
            pltpu.VMEM((C, W), F32),
            pltpu.VMEM((C, W), F32),
            pltpu.VMEM((C, W), F32),
            pltpu.VMEM((C, W), F32),
            pltpu.SemaphoreType.DMA,
            pltpu.SemaphoreType.DMA,
            pltpu.SemaphoreType.DMA,
            pltpu.SemaphoreType.DMA,
            pltpu.SemaphoreType.DMA,
            pltpu.SemaphoreType.DMA,
            pltpu.SemaphoreType.DMA,
            pltpu.SemaphoreType.DMA,
        ],
        compiler_params=pltpu.CompilerParams(use_tc_tiling_on_sc=tc_tiling),
    )
    def gather_k(table_hbm, idx_hbm, out_hbm, idx_v,
                 r0, r1, r2, r3, g0, g1, g2, g3, w0, w1, w2, w3):
        wid = lax.axis_index("c") * 16 + lax.axis_index("s")
        base = wid * per_w
        rows = (r0, r1, r2, r3)
        gs = (g0, g1, g2, g3)
        ws = (w0, w1, w2, w3)
        pltpu.sync_copy(idx_hbm.at[pl.ds(wid, 1)], idx_v)
        for b in (0, 1, 2):
            pltpu.async_copy(table_hbm.at[idx_v.at[0, b]], rows[b], gs[b])

        def quad(g, carry):
            for b in (0, 1, 2, 3):
                i = 4 * g + b
                nb = (b + 3) % 4
                pltpu.make_async_copy(
                    table_hbm.at[idx_v.at[0, i]], rows[b], gs[b]).wait()

                @pl.when((i >= 1) & (i + 3 < iters))
                def _():
                    pltpu.make_async_copy(
                        rows[nb], out_hbm.at[pl.ds(base + (i - 1) * C, C)],
                        ws[nb]).wait()

                @pl.when(i + 3 < iters)
                def _():
                    pltpu.async_copy(
                        table_hbm.at[idx_v.at[0, i + 3]], rows[nb], gs[nb])

                pltpu.async_copy(
                    rows[b], out_hbm.at[pl.ds(base + i * C, C)], ws[b])
            return carry

        lax.fori_loop(0, iters // 4, quad, 0)
        for k in range(4):
            i = iters - 4 + k
            pltpu.make_async_copy(
                rows[i % 4], out_hbm.at[pl.ds(base + i * C, C)],
                ws[i % 4]).wait()

    return gather_k(table, idx3d)


def _edge_body(gpr_ref, gpc_ref, gcr_ref, gcc_ref, ea_ref, we1r_ref,
               we1et_ref, we2t_ref, be2_ref, wc1t_ref, bc1_ref, wc2t_ref,
               feat_ref, tr_ref):
    a = gpr_ref[...] + gpc_ref[...]
    cd = gcr_ref[...] - gcc_ref[...]
    radial = jnp.sum(cd * cd, axis=1, keepdims=True)
    ef = a + radial * we1r_ref[...] + jnp.dot(
        ea_ref[...], we1et_ref[...], preferred_element_type=F32)
    ef = jnp.maximum(ef, 0.0)
    feat = jnp.maximum(
        jnp.dot(ef, we2t_ref[...], preferred_element_type=F32) + be2_ref[...],
        0.0)
    feat_ref[...] = feat
    cm = jnp.maximum(
        jnp.dot(feat, wc1t_ref[...], preferred_element_type=F32) + bc1_ref[...],
        0.0)
    m = jnp.dot(cm, wc2t_ref[...], preferred_element_type=F32)
    tr = jnp.clip(cd * m, -100.0, 100.0)
    one3 = (lax.broadcasted_iota(jnp.int32, (1, 16), 1) == 3).astype(F32)
    tr_ref[...] = tr + one3


def _edge_mlp(gp, g16, ea, we1r, we1et, we2t, be2, wc1t, bc1, wc2t,
              H, BE, s, nall):
    nb = H // BE
    wspec = lambda shape: pl.BlockSpec(shape, lambda i: tuple(0 for _ in shape))
    return pl.pallas_call(
        _edge_body,
        grid=(nb,),
        in_specs=[
            pl.BlockSpec((BE, 128), lambda i: (i, 0)),
            pl.BlockSpec((BE, 128), lambda i: (i + nb, 0)),
            pl.BlockSpec((BE, 16), lambda i: (s * nb + i, 0)),
            pl.BlockSpec((BE, 16), lambda i: (nall + s * nb + i, 0)),
            pl.BlockSpec((BE, 16), lambda i: (s * nb + i, 0)),
            wspec((1, 128)),
            wspec((16, 128)),
            wspec((128, 128)),
            wspec((1, 128)),
            wspec((128, 128)),
            wspec((1, 128)),
            wspec((128, 1)),
        ],
        out_specs=[
            pl.BlockSpec((BE, 128), lambda i: (i, 0)),
            pl.BlockSpec((BE, 16), lambda i: (i, 0)),
        ],
        out_shape=[
            jax.ShapeDtypeStruct((H, 128), F32),
            jax.ShapeDtypeStruct((H, 16), F32),
        ],
    )(gp, gp, g16, g16, ea, we1r, we1et, we2t, be2, wc1t, bc1, wc2t)


def _segment_feat(feat, cat_rc3, z128, NA, EP):
    NT = 16
    per_t = EP // NT
    iters = per_t // C
    HI = iters // 2
    mesh = plsc.VectorSubcoreMesh(core_axis_name="c", subcore_axis_name="s")

    @functools.partial(
        pl.kernel,
        mesh=mesh,
        out_type=(
            jax.ShapeDtypeStruct((NA, 128), F32),
            jax.ShapeDtypeStruct((NA, 128), F32),
        ),
        scratch_types=[
            pltpu.VMEM((1, HI, C), jnp.int32),
            pltpu.VMEM((C, 128), F32),
            pltpu.VMEM((C, 128), F32),
            pltpu.SemaphoreType.DMA,
            pltpu.SemaphoreType.DMA,
            pltpu.SemaphoreType.DMA,
            pltpu.VMEM_SHARED((NA, 128), F32),
        ],
    )
    def scatter_k(feat_hbm, idx_hbm, z_hbm, outr_hbm, outc_hbm,
                  idx_v, f0, f1, fs0, fs1, ssem, accf):
        c = lax.axis_index("c")
        s = lax.axis_index("s")
        blk = c * 16 + s
        base = s * 640
        tail = NA - 15 * 640

        @pl.when(s < 15)
        def _():
            sl = pl.ds(base, 640)
            pltpu.sync_copy(z_hbm.at[sl], accf.at[sl])

        @pl.when(s == 15)
        def _():
            sl = pl.ds(base, tail)
            pltpu.sync_copy(z_hbm.at[sl], accf.at[sl])

        plsc.subcore_barrier()

        fb = (f0, f1)
        fs = (fs0, fs1)
        ebase = s * per_t

        for h in (0, 1):
            pltpu.sync_copy(idx_hbm.at[pl.ds(blk, 1), pl.ds(h * HI, HI)],
                            idx_v)
            hbase = ebase + h * HI * C
            pltpu.async_copy(feat_hbm.at[pl.ds(hbase, C)], fb[0], fs[0])

            def pair(g, carry):
                for b in (0, 1):
                    i = 2 * g + b
                    nb = 1 - b
                    pltpu.make_async_copy(
                        feat_hbm.at[pl.ds(hbase + i * C, C)],
                        fb[b], fs[b]).wait()

                    @pl.when(i + 1 < HI)
                    def _():
                        pltpu.async_copy(
                            feat_hbm.at[pl.ds(hbase + (i + 1) * C, C)],
                            fb[nb], fs[nb])

                    pltpu.sync_copy(fb[b], accf.at[idx_v.at[0, i]], add=True)
                return carry

            lax.fori_loop(0, HI // 2, pair, 0)

        plsc.subcore_barrier()

        @pl.when((c == 0) & (s < 15))
        def _():
            sl = pl.ds(base, 640)
            pltpu.sync_copy(accf.at[sl], outr_hbm.at[sl])

        @pl.when((c == 0) & (s == 15))
        def _():
            sl = pl.ds(base, tail)
            pltpu.sync_copy(accf.at[sl], outr_hbm.at[sl])

        @pl.when((c == 1) & (s < 15))
        def _():
            sl = pl.ds(base, 640)
            pltpu.sync_copy(accf.at[sl], outc_hbm.at[sl])

        @pl.when((c == 1) & (s == 15))
        def _():
            sl = pl.ds(base, tail)
            pltpu.sync_copy(accf.at[sl], outc_hbm.at[sl])

    return scatter_k(feat, cat_rc3, z128)


def _segment_tr(tr16, row3, z16, NA, EP):
    NT = 16
    half = EP // 2
    per_t = half // NT
    iters = per_t // C
    rows_t = NA // NT
    mesh = plsc.VectorSubcoreMesh(core_axis_name="c", subcore_axis_name="s")

    @functools.partial(
        pl.kernel,
        mesh=mesh,
        out_type=jax.ShapeDtypeStruct((2, NA, 16), F32),
        scratch_types=[
            pltpu.VMEM((1, iters, C), jnp.int32),
            pltpu.VMEM((C, 16), F32),
            pltpu.VMEM((C, 16), F32),
            pltpu.SemaphoreType.DMA,
            pltpu.SemaphoreType.DMA,
            pltpu.SemaphoreType.DMA,
            pltpu.VMEM_SHARED((NA, 16), F32),
        ],
        compiler_params=pltpu.CompilerParams(use_tc_tiling_on_sc=False),
    )
    def scattr_k(tr_hbm, idx_hbm, z_hbm, out_hbm,
                 idx_v, t0, t1, ts0, ts1, ssem, acct):
        c = lax.axis_index("c")
        s = lax.axis_index("s")
        blk = c * 16 + s
        nslice = pl.ds(s * rows_t, rows_t)
        pltpu.sync_copy(z_hbm.at[nslice], acct.at[nslice])
        plsc.subcore_barrier()

        tb = (t0, t1)
        ts = (ts0, ts1)
        ebase = c * half + s * per_t
        pltpu.sync_copy(idx_hbm.at[pl.ds(blk, 1)], idx_v)
        pltpu.async_copy(tr_hbm.at[pl.ds(ebase, C)], tb[0], ts[0])

        def pair(g, carry):
            for b in (0, 1):
                i = 2 * g + b
                nb = 1 - b
                pltpu.make_async_copy(
                    tr_hbm.at[pl.ds(ebase + i * C, C)], tb[b], ts[b]).wait()

                @pl.when(i + 1 < iters)
                def _():
                    pltpu.async_copy(
                        tr_hbm.at[pl.ds(ebase + (i + 1) * C, C)],
                        tb[nb], ts[nb])

                pltpu.sync_copy(tb[b], acct.at[idx_v.at[0, i]], add=True)
            return carry

        lax.fori_loop(0, iters // 2, pair, 0)
        plsc.subcore_barrier()
        pltpu.sync_copy(acct.at[nslice], out_hbm.at[c].at[nslice])

    return scattr_k(tr16, row3, z16)


def _node_body(aggc0_ref, aggc1_ref, h_ref, aggr0_ref, aggr1_ref,
               aggta_ref, aggtb_ref, coord_ref, vel_ref,
               wn1ot_ref, wn1ht_ref, wn1at_ref, bn1_ref, wn2t_ref, bn2_ref,
               wv1t_ref, bv1_ref, wv2t_ref, bv2_ref,
               hout_ref, cout_ref, vout_ref):
    h = h_ref[...]
    aggt = (aggta_ref[0] + aggta_ref[1]) + (aggtb_ref[0] + aggtb_ref[1])
    cnt = jnp.maximum(aggt[:, 3:4], 1.0)
    f = aggt[:, 0:3] / cnt
    hv = jnp.maximum(
        jnp.dot(h, wv1t_ref[...], preferred_element_type=F32) + bv1_ref[...],
        0.0)
    phi = jnp.dot(hv, wv2t_ref[...], preferred_element_type=F32) + bv2_ref[...]
    vel_new = phi * vel_ref[...] + f
    vout_ref[...] = vel_new
    cout_ref[...] = coord_ref[...] + vel_new
    aggc = aggc0_ref[...] + aggc1_ref[...]
    aggr = aggr0_ref[...] + aggr1_ref[...]
    pre = (jnp.dot(aggc, wn1ot_ref[...], preferred_element_type=F32)
           + jnp.dot(h, wn1ht_ref[...], preferred_element_type=F32)
           + jnp.dot(aggr, wn1at_ref[...], preferred_element_type=F32)
           + bn1_ref[...])
    hn = jnp.dot(jnp.maximum(pre, 0.0), wn2t_ref[...],
                 preferred_element_type=F32) + bn2_ref[...]
    hout_ref[...] = h + hn


def _node_update(aggc0, aggc1, h, aggr0, aggr1, aggta, aggtb, coord, vel,
                 wn1ot, wn1ht, wn1at, bn1,
                 wn2t, bn2, wv1t, bv1, wv2t, bv2, N, BN):
    nb = N // BN
    wspec = lambda shape: pl.BlockSpec(shape, lambda i: tuple(0 for _ in shape))
    return pl.pallas_call(
        _node_body,
        grid=(nb,),
        in_specs=[
            pl.BlockSpec((BN, 128), lambda i: (i, 0)),
            pl.BlockSpec((BN, 128), lambda i: (i, 0)),
            pl.BlockSpec((BN, 128), lambda i: (i, 0)),
            pl.BlockSpec((BN, 128), lambda i: (i, 0)),
            pl.BlockSpec((BN, 128), lambda i: (i, 0)),
            pl.BlockSpec((2, BN, 16), lambda i: (0, i, 0)),
            pl.BlockSpec((2, BN, 16), lambda i: (0, i, 0)),
            pl.BlockSpec((BN, 3), lambda i: (i, 0)),
            pl.BlockSpec((BN, 3), lambda i: (i, 0)),
            wspec((128, 128)),
            wspec((128, 128)),
            wspec((128, 128)),
            wspec((1, 128)),
            wspec((128, 128)),
            wspec((1, 128)),
            wspec((128, 128)),
            wspec((1, 128)),
            wspec((128, 1)),
            wspec((1, 1)),
        ],
        out_specs=[
            pl.BlockSpec((BN, 128), lambda i: (i, 0)),
            pl.BlockSpec((BN, 3), lambda i: (i, 0)),
            pl.BlockSpec((BN, 3), lambda i: (i, 0)),
        ],
        out_shape=[
            jax.ShapeDtypeStruct((N, 128), F32),
            jax.ShapeDtypeStruct((N, 3), F32),
            jax.ShapeDtypeStruct((N, 3), F32),
        ],
    )(aggc0, aggc1, h, aggr0, aggr1, aggta, aggtb, coord, vel,
      wn1ot, wn1ht, wn1at, bn1, wn2t, bn2, wv1t, bv1, wv2t, bv2)


def kernel(h, edge_index, coord, vel, edge_attr, We1, be1, We2, be2,
           Wn1, bn1, Wn2, bn2, Wc1, bc1, Wc2, Wv1, bv1, Wv2, bv2):
    N, D = h.shape
    E = edge_index.shape[1]
    BN = 2000
    BE = 4096
    EP = ((E + 8191) // 8192) * 8192
    PAD = EP - E
    NA = N + 16

    row = edge_index[0].astype(jnp.int32)
    col = edge_index[1].astype(jnp.int32)
    rowp = jnp.pad(row, (0, PAD))
    colp = jnp.pad(col, (0, PAD))
    rows_s = jnp.pad(row, (0, PAD), constant_values=N)
    cols_s = jnp.pad(col, (0, PAD), constant_values=N)

    w_stk = jnp.stack([We1[:, :D].T, We1[:, D:2 * D].T])
    b_stk = jnp.stack([jnp.zeros((1, 128), F32), be1.reshape(1, 128)])
    we1r = We1[:, 2 * D:2 * D + 1].T
    we1et = We1[:, 2 * D + 1:].T
    c16 = jnp.pad(coord, ((0, 0), (0, 13)))
    ea_p = jnp.pad(edge_attr, ((0, PAD), (0, 0)))

    table2 = _precompute_tables(h, w_stk, b_stk, N, BN)

    H = EP // 2
    cat_rc = jnp.concatenate([rowp, colp]).reshape(32, -1, C)
    g16 = _ring_gather(c16, cat_rc, 2 * EP, 16, False)
    gps = []
    for s in (0, 1):
        ci = jnp.concatenate(
            [rowp[s * H:(s + 1) * H],
             colp[s * H:(s + 1) * H] + N]).reshape(32, -1, C)
        gps.append(_ring_gather(table2, ci, 2 * H, 128, True))

    z128 = jnp.zeros((NA, 128), F32)
    z16 = jnp.zeros((NA, 16), F32)
    aggrs, aggcs, aggts = [], [], []
    for s in (0, 1):
        feat_s, tr_s = _edge_mlp(gps[s], g16, ea_p, we1r, we1et, We2.T,
                                 be2.reshape(1, 128), Wc1.T,
                                 bc1.reshape(1, 128), Wc2.T,
                                 H, BE, s, EP // BE)
        cs = jnp.concatenate(
            [rows_s[s * H:(s + 1) * H],
             cols_s[s * H:(s + 1) * H]]).reshape(32, -1, C)
        aggts.append(_segment_tr(
            tr_s, rows_s[s * H:(s + 1) * H].reshape(32, -1, C), z16, NA, H))
        r_, c_ = _segment_feat(feat_s, cs, z128, NA, H)
        aggrs.append(r_)
        aggcs.append(c_)

    h_new, coord_new, vel_new = _node_update(
        aggcs[0], aggcs[1], h, aggrs[0], aggrs[1], aggts[0], aggts[1],
        coord, vel,
        Wn1[:, :128].T, Wn1[:, 128:256].T, Wn1[:, 256:].T,
        bn1.reshape(1, 128), Wn2.T, bn2.reshape(1, 128),
        Wv1.T, bv1.reshape(1, 128), Wv2.T, bv2.reshape(1, 1), N, BN)
    return h_new, coord_new, vel_new

# --- scband reference (transcript-rebuilt; emitter-appended) ---
"""Pipeline reference for scband-e-gcl-vel-mechanics-19121194401947 (READ-ONLY COPY).

The authoritative reference and input builder live on the scoring server;
editing this copy changes nothing except your own understanding.
"""

import jax, jax.numpy as jnp
import numpy as np

N, E, D, H, DE = 10000, 320000, 128, 128, 16

def setup_inputs(seed: int = 0):
    key = jax.random.key(seed)
    def k(i):
        return jax.random.fold_in(key, i)
    def lin(i, o, fan_in):
        s = 1.0 / np.sqrt(fan_in)
        W = jax.random.uniform(k(i), (o, fan_in), minval=-s, maxval=s, dtype=jnp.float32)
        b = jax.random.uniform(k(i + 100), (o,), minval=-s, maxval=s, dtype=jnp.float32)
        return W, b
    inp = {}
    inp["h"] = jax.random.normal(k(0), (N, D), dtype=jnp.float32)
    inp["edge_index"] = jax.random.randint(k(1), (2, E), 0, N)
    inp["coord"] = jax.random.normal(k(2), (N, 3), dtype=jnp.float32)
    inp["vel"] = jax.random.normal(k(3), (N, 3), dtype=jnp.float32)
    inp["edge_attr"] = jax.random.normal(k(4), (E, DE), dtype=jnp.float32)
    inp["We1"], inp["be1"] = lin(10, H, 2 * D + 1 + DE)
    inp["We2"], inp["be2"] = lin(11, H, H)
    inp["Wn1"], inp["bn1"] = lin(12, H, H + D + H)
    inp["Wn2"], inp["bn2"] = lin(13, D, H)
    inp["Wc1"], inp["bc1"] = lin(14, H, H)
    inp["Wc2"] = jax.random.normal(k(15), (1, H), dtype=jnp.float32) * 0.001
    inp["Wv1"], inp["bv1"] = lin(16, H, D)
    inp["Wv2"], inp["bv2"] = lin(17, 1, H)
    return inp

def reference(h, edge_index, coord, vel, edge_attr, We1, be1, We2, be2, Wn1, bn1, Wn2, bn2, Wc1, bc1, Wc2, Wv1, bv1, Wv2, bv2):
    row, col = edge_index[0], edge_index[1]
    n = h.shape[0]
    # coord2radial
    coord_diff = coord[row] - coord[col]
    radial = jnp.sum(coord_diff ** 2, axis=1, keepdims=True)
    # edge_model
    ef = jnp.concatenate([h[row], h[col], radial, edge_attr], axis=1)
    ef = jax.nn.relu(ef @ We1.T + be1)
    edge_feat = jax.nn.relu(ef @ We2.T + be2)
    # coord_model: coord_mlp -> per-edge scalar, segment mean of clipped trans
    m = jax.nn.relu(edge_feat @ Wc1.T + bc1) @ Wc2.T
    trans = jnp.clip(coord_diff * m, -100.0, 100.0)
    sums = jax.ops.segment_sum(trans, row, num_segments=n)
    cnt = jax.ops.segment_sum(jnp.ones_like(trans), row, num_segments=n)
    f = (sums / jnp.clip(cnt, 1.0, None)) * 1.0  # coords_weight=1.0
    # update, type='Isolated', node_index = all nodes
    phi_v = jax.nn.relu(h @ Wv1.T + bv1) @ Wv2.T + bv2
    vel_new = phi_v * vel + f  # _a = _f / 1.0
    coord_new = coord + vel_new
    # node_model with others = incoming aggregation (hidden_nf dims)
    agg = jax.ops.segment_sum(edge_feat, row, num_segments=n)
    others = jax.ops.segment_sum(edge_feat, col, num_segments=n)
    node_in = jnp.concatenate([others, h, agg], axis=1)
    h_out = jax.nn.relu(node_in @ Wn1.T + bn1) @ Wn2.T + bn2
    h_new = h + h_out  # recurrent
    return h_new, coord_new, vel_new

if __name__ == "__main__":
    import jax
    _d = setup_inputs()
    print(jax.jit(kernel)(*tuple(_d.values())))

</pallas_src>

<mosaic_0001>
#map = affine_map<(d0, d1) -> (0, 0)>
#map1 = affine_map<(d0, d1) -> (0, 0, 0)>
module attributes {stable_mosaic.version = 14 : i64} {
  func.func @gather_k(%arg0: i32, %arg1: i32, %arg2: memref<20000x128xf32, #tpu.memory_space<hbm>>, %arg3: memref<32x80x128xi32, #tpu.memory_space<hbm>>, %arg4: memref<327680x128xf32, #tpu.memory_space<hbm>>, %arg5: memref<1x80x128xi32, #tpu.memory_space<vmem>>, %arg6: memref<128x128xf32, #tpu.memory_space<vmem>>, %arg7: memref<128x128xf32, #tpu.memory_space<vmem>>, %arg8: memref<128x128xf32, #tpu.memory_space<vmem>>, %arg9: memref<128x128xf32, #tpu.memory_space<vmem>>, %arg10: memref<!tpu.dma_semaphore, #tpu.memory_space<semaphore_mem>>, %arg11: memref<!tpu.dma_semaphore, #tpu.memory_space<semaphore_mem>>, %arg12: memref<!tpu.dma_semaphore, #tpu.memory_space<semaphore_mem>>, %arg13: memref<!tpu.dma_semaphore, #tpu.memory_space<semaphore_mem>>, %arg14: memref<!tpu.dma_semaphore, #tpu.memory_space<semaphore_mem>>, %arg15: memref<!tpu.dma_semaphore, #tpu.memory_space<semaphore_mem>>, %arg16: memref<!tpu.dma_semaphore, #tpu.memory_space<semaphore_mem>>, %arg17: memref<!tpu.dma_semaphore, #tpu.memory_space<semaphore_mem>>) attributes {dimension_semantics = [#tpu.dimension_semantics<core_parallel>, #tpu.dimension_semantics<subcore_parallel>], iteration_bounds = array<i64: 2, 16>, scalar_prefetch = 0 : i64, scratch_operands = 13 : i64, tpu.core_type = #tpu.core_type<sc_vector_subcore>, window_params = [{transform_indices = #map}, {transform_indices = #map1}, {transform_indices = #map}]} {
    %mul3A = arith.constant 16 : i32
    %mul3A_0 = arith.muli %arg0, %mul3A : i32
    %add3A = arith.addi %mul3A_0, %arg1 : i32
    %mul3A_1 = arith.constant 10240 : i32
    %mul3A_2 = arith.muli %add3A, %mul3A_1 : i32
    "tpu.region"() ({
      %run_scoped3A = tpu.sem_alloc : memref<!tpu.dma_semaphore, #tpu.memory_space<semaphore_mem>>
      %dma_start3A_54 = arith.constant 0 : i32
      %dma_start3A_55 = arith.constant 0 : i32
      %dma_start3A_56 = tpu.memref_slice %arg3[%add3A, %dma_start3A_54, %dma_start3A_55] : memref<32x80x128xi32, #tpu.memory_space<hbm>> -> memref<1x80x128xi32, #tpu.memory_space<hbm>>
      %dma_start3A_57 = arith.constant 0 : i32
      %dma_start3A_58 = arith.constant 0 : i32
      %dma_start3A_59 = tpu.memref_slice %arg3[%add3A, %dma_start3A_57, %dma_start3A_58] : memref<32x80x128xi32, #tpu.memory_space<hbm>> -> memref<1x80x128xi32, #tpu.memory_space<hbm>>
      tpu.enqueue_dma source(%dma_start3A_59 : memref<1x80x128xi32, #tpu.memory_space<hbm>>) target(%arg5 : memref<1x80x128xi32, #tpu.memory_space<vmem>>) target_semaphore(%run_scoped3A : memref<!tpu.dma_semaphore, #tpu.memory_space<semaphore_mem>>)
      %dma_wait3A_60 = arith.constant 0 : i32
      %dma_wait3A_61 = arith.constant 0 : i32
      %dma_wait3A_62 = tpu.memref_slice %arg3[%add3A, %dma_wait3A_60, %dma_wait3A_61] : memref<32x80x128xi32, #tpu.memory_space<hbm>> -> memref<1x80x128xi32, #tpu.memory_space<hbm>>
      %dma_wait3A_63 = arith.constant 0 : i32
      %dma_wait3A_64 = arith.constant 0 : i32
      %dma_wait3A_65 = tpu.memref_slice %arg3[%add3A, %dma_wait3A_63, %dma_wait3A_64] : memref<32x80x128xi32, #tpu.memory_space<hbm>> -> memref<1x80x128xi32, #tpu.memory_space<hbm>>
      tpu.wait_dma2 semaphore(%run_scoped3A : memref<!tpu.dma_semaphore, #tpu.memory_space<semaphore_mem>>) src(%dma_wait3A_65 : memref<1x80x128xi32, #tpu.memory_space<hbm>>) dst(%arg5 : memref<1x80x128xi32, #tpu.memory_space<vmem>>)
      tpu.yield
    }) : () -> ()
    %dma_start3A = arith.constant 0 : i32
    %dma_start3A_3 = arith.constant 0 : i32
    %dma_start3A_4 = arith.constant 0 : i32
    %dma_start3A_5 = tpu.memref_slice %arg5[%dma_start3A, %dma_start3A_3, %dma_start3A_4] : memref<1x80x128xi32, #tpu.memory_space<vmem>> -> memref<1x1x128xi32, #tpu.memory_space<vmem>>
    %dma_start3A_6 = tpu.memref_squeeze %dma_start3A_5 : memref<1x1x128xi32, #tpu.memory_space<vmem>> -> memref<128xi32, #tpu.memory_space<vmem>>
    %dma_start3A_7 = arith.constant 0 : i32
    %dma_start3A_8 = arith.constant 0 : i32
    %dma_start3A_9 = tpu.memref_slice %arg2[%dma_start3A_7, %dma_start3A_8] : memref<20000x128xf32, #tpu.memory_space<hbm>> -> memref<20000x128xf32, #tpu.memory_space<hbm>>
    tpu.enqueue_indirect_dma source(%dma_start3A_9 : memref<20000x128xf32, #tpu.memory_space<hbm>>) target(%arg6 : memref<128x128xf32, #tpu.memory_space<vmem>>) offsets(%dma_start3A_6 : memref<128xi32, #tpu.memory_space<vmem>>) semaphore(%arg10 : memref<!tpu.dma_semaphore, #tpu.memory_space<semaphore_mem>>)
    %dma_start3A_10 = arith.constant 0 : i32
    %dma_start3A_11 = arith.constant 1 : i32
    %dma_start3A_12 = arith.constant 0 : i32
    %dma_start3A_13 = tpu.memref_slice %arg5[%dma_start3A_10, %dma_start3A_11, %dma_start3A_12] : memref<1x80x128xi32, #tpu.memory_space<vmem>> -> memref<1x1x128xi32, #tpu.memory_space<vmem>>
    %dma_start3A_14 = tpu.memref_squeeze %dma_start3A_13 : memref<1x1x128xi32, #tpu.memory_space<vmem>> -> memref<128xi32, #tpu.memory_space<vmem>>
    %dma_start3A_15 = arith.constant 0 : i32
    %dma_start3A_16 = arith.constant 0 : i32
    %dma_start3A_17 = tpu.memref_slice %arg2[%dma_start3A_15, %dma_start3A_16] : memref<20000x128xf32, #tpu.memory_space<hbm>> -> memref<20000x128xf32, #tpu.memory_space<hbm>>
    tpu.enqueue_indirect_dma source(%dma_start3A_17 : memref<20000x128xf32, #tpu.memory_space<hbm>>) target(%arg7 : memref<128x128xf32, #tpu.memory_space<vmem>>) offsets(%dma_start3A_14 : memref<128xi32, #tpu.memory_space<vmem>>) semaphore(%arg11 : memref<!tpu.dma_semaphore, #tpu.memory_space<semaphore_mem>>)
    %dma_start3A_18 = arith.constant 0 : i32
    %dma_start3A_19 = arith.constant 2 : i32
    %dma_start3A_20 = arith.constant 0 : i32
    %dma_start3A_21 = tpu.memref_slice %arg5[%dma_start3A_18, %dma_start3A_19, %dma_start3A_20] : memref<1x80x128xi32, #tpu.memory_space<vmem>> -> memref<1x1x128xi32, #tpu.memory_space<vmem>>
    %dma_start3A_22 = tpu.memref_squeeze %dma_start3A_21 : memref<1x1x128xi32, #tpu.memory_space<vmem>> -> memref<128xi32, #tpu.memory_space<vmem>>
    %dma_start3A_23 = arith.constant 0 : i32
    %dma_start3A_24 = arith.constant 0 : i32
    %dma_start3A_25 = tpu.memref_slice %arg2[%dma_start3A_23, %dma_start3A_24] : memref<20000x128xf32, #tpu.memory_space<hbm>> -> memref<20000x128xf32, #tpu.memory_space<hbm>>
    tpu.enqueue_indirect_dma source(%dma_start3A_25 : memref<20000x128xf32, #tpu.memory_space<hbm>>) target(%arg8 : memref<128x128xf32, #tpu.memory_space<vmem>>) offsets(%dma_start3A_22 : memref<128xi32, #tpu.memory_space<vmem>>) semaphore(%arg12 : memref<!tpu.dma_semaphore, #tpu.memory_space<semaphore_mem>>)
    %scan3A = arith.constant 0 : i32
    %scan3A_26 = arith.constant 0 : i32
    %scan3A_27 = arith.constant 20 : i32
    %scan3A_28 = arith.addi %scan3A_26, %scan3A_27 : i32
    %scan3A_29 = arith.constant 1 : i32
    scf.for %scan3A_54 = %scan3A_26 to %scan3A_28 step %scan3A_29  : i32 {
      %mul3A_55 = arith.constant 4 : i32
      %mul3A_56 = arith.muli %mul3A_55, %scan3A_54 : i32
      %add3A_57 = arith.constant 0 : i32
      %add3A_58 = arith.addi %mul3A_56, %add3A_57 : i32
      %dma_wait3A_59 = arith.constant 0 : i32
      %dma_wait3A_60 = arith.constant 0 : i32
      %dma_wait3A_61 = tpu.memref_slice %arg5[%dma_wait3A_59, %add3A_58, %dma_wait3A_60] : memref<1x80x128xi32, #tpu.memory_space<vmem>> -> memref<1x1x128xi32, #tpu.memory_space<vmem>>
      %dma_wait3A_62 = tpu.memref_squeeze %dma_wait3A_61 : memref<1x1x128xi32, #tpu.memory_space<vmem>> -> memref<128xi32, #tpu.memory_space<vmem>>
      %dma_wait3A_63 = arith.constant 0 : i32
      %dma_wait3A_64 = arith.constant 0 : i32
      %dma_wait3A_65 = tpu.memref_slice %arg2[%dma_wait3A_63, %dma_wait3A_64] : memref<20000x128xf32, #tpu.memory_space<hbm>> -> memref<20000x128xf32, #tpu.memory_space<hbm>>
      tpu.wait_indirect_dma semaphore(%arg10 : memref<!tpu.dma_semaphore, #tpu.memory_space<semaphore_mem>>) src(%dma_wait3A_65 : memref<20000x128xf32, #tpu.memory_space<hbm>>) dst(%arg6 : memref<128x128xf32, #tpu.memory_space<vmem>>)
      %ge3A = arith.constant 1 : i32
      %ge3A_66 = arith.cmpi sge, %add3A_58, %ge3A : i32
      %add3A_67 = arith.constant 3 : i32
      %add3A_68 = arith.addi %add3A_58, %add3A_67 : i32
      %lt3A = arith.constant 80 : i32
      %lt3A_69 = arith.cmpi slt, %add3A_68, %lt3A : i32
      %and3A = arith.andi %ge3A_66, %lt3A_69 : i1
      %convert_element_type3A = arith.extui %and3A : i1 to i32
      %cond3A = arith.constant 0 : i32
      %cond3A_70 = arith.cmpi ne, %convert_element_type3A, %cond3A : i32
      scf.if %cond3A_70 {
        %sub3A = arith.constant 1 : i32
        %sub3A_190 = arith.subi %add3A_58, %sub3A : i32
        %mul3A_191 = arith.constant 128 : i32
        %mul3A_192 = arith.muli %sub3A_190, %mul3A_191 : i32
        %add3A_193 = arith.addi %mul3A_2, %mul3A_192 : i32
        %dma_wait3A_194 = arith.constant 0 : i32
        %dma_wait3A_195 = tpu.memref_slice %arg4[%add3A_193, %dma_wait3A_194] : memref<327680x128xf32, #tpu.memory_space<hbm>> -> memref<128x128xf32, #tpu.memory_space<hbm>>
        %dma_wait3A_196 = arith.constant 0 : i32
        %dma_wait3A_197 = tpu.memref_slice %arg4[%add3A_193, %dma_wait3A_196] : memref<327680x128xf32, #tpu.memory_space<hbm>> -> memref<128x128xf32, #tpu.memory_space<hbm>>
        tpu.wait_dma2 semaphore(%arg17 : memref<!tpu.dma_semaphore, #tpu.memory_space<semaphore_mem>>) src(%arg9 : memref<128x128xf32, #tpu.memory_space<vmem>>) dst(%dma_wait3A_197 : memref<128x128xf32, #tpu.memory_space<hbm>>)
      } else {
      }
      %add3A_71 = arith.constant 3 : i32
      %add3A_72 = arith.addi %add3A_58, %add3A_71 : i32
      %lt3A_73 = arith.constant 80 : i32
      %lt3A_74 = arith.cmpi slt, %add3A_72, %lt3A_73 : i32
      %convert_element_type3A_75 = arith.extui %lt3A_74 : i1 to i32
      %cond3A_76 = arith.constant 0 : i32
      %cond3A_77 = arith.cmpi ne, %convert_element_type3A_75, %cond3A_76 : i32
      scf.if %cond3A_77 {
        %add3A_190 = arith.constant 3 : i32
        %add3A_191 = arith.addi %add3A_58, %add3A_190 : i32
        %dma_start3A_192 = arith.constant 0 : i32
        %dma_start3A_193 = arith.constant 0 : i32
        %dma_start3A_194 = tpu.memref_slice %arg5[%dma_start3A_192, %add3A_191, %dma_start3A_193] : memref<1x80x128xi32, #tpu.memory_space<vmem>> -> memref<1x1x128xi32, #tpu.memory_space<vmem>>
        %dma_start3A_195 = tpu.memref_squeeze %dma_start3A_194 : memref<1x1x128xi32, #tpu.memory_space<vmem>> -> memref<128xi32, #tpu.memory_space<vmem>>
        %dma_start3A_196 = arith.constant 0 : i32
        %dma_start3A_197 = arith.constant 0 : i32
        %dma_start3A_198 = tpu.memref_slice %arg2[%dma_start3A_196, %dma_start3A_197] : memref<20000x128xf32, #tpu.memory_space<hbm>> -> memref<20000x128xf32, #tpu.memory_space<hbm>>
        tpu.enqueue_indirect_dma source(%dma_start3A_198 : memref<20000x128xf32, #tpu.memory_space<hbm>>) target(%arg9 : memref<128x128xf32, #tpu.memory_space<vmem>>) offsets(%dma_start3A_195 : memref<128xi32, #tpu.memory_space<vmem>>) semaphore(%arg13 : memref<!tpu.dma_semaphore, #tpu.memory_space<semaphore_mem>>)
      } else {
      }
      %mul3A_78 = arith.constant 128 : i32
      %mul3A_79 = arith.muli %add3A_58, %mul3A_78 : i32
      %add3A_80 = arith.addi %mul3A_2, %mul3A_79 : i32
      %dma_start3A_81 = arith.constant 0 : i32
      %dma_start3A_82 = tpu.memref_slice %arg4[%add3A_80, %dma_start3A_81] : memref<327680x128xf32, #tpu.memory_space<hbm>> -> memref<128x128xf32, #tpu.memory_space<hbm>>
      %dma_start3A_83 = arith.constant 0 : i32
      %dma_start3A_84 = tpu.memref_slice %arg4[%add3A_80, %dma_start3A_83] : memref<327680x128xf32, #tpu.memory_space<hbm>> -> memref<128x128xf32, #tpu.memory_space<hbm>>
      tpu.enqueue_dma source(%arg6 : memref<128x128xf32, #tpu.memory_space<vmem>>) target(%dma_start3A_84 : memref<128x128xf32, #tpu.memory_space<hbm>>) target_semaphore(%arg14 : memref<!tpu.dma_semaphore, #tpu.memory_space<semaphore_mem>>)
      %mul3A_85 = arith.constant 4 : i32
      %mul3A_86 = arith.muli %mul3A_85, %scan3A_54 : i32
      %add3A_87 = arith.constant 1 : i32
      %add3A_88 = arith.addi %mul3A_86, %add3A_87 : i32
      %dma_wait3A_89 = arith.constant 0 : i32
      %dma_wait3A_90 = arith.constant 0 : i32
      %dma_wait3A_91 = tpu.memref_slice %arg5[%dma_wait3A_89, %add3A_88, %dma_wait3A_90] : memref<1x80x128xi32, #tpu.memory_space<vmem>> -> memref<1x1x128xi32, #tpu.memory_space<vmem>>
      %dma_wait3A_92 = tpu.memref_squeeze %dma_wait3A_91 : memref<1x1x128xi32, #tpu.memory_space<vmem>> -> memref<128xi32, #tpu.memory_space<vmem>>
      %dma_wait3A_93 = arith.constant 0 : i32
      %dma_wait3A_94 = arith.constant 0 : i32
      %dma_wait3A_95 = tpu.memref_slice %arg2[%dma_wait3A_93, %dma_wait3A_94] : memref<20000x128xf32, #tpu.memory_space<hbm>> -> memref<20000x128xf32, #tpu.memory_space<hbm>>
      tpu.wait_indirect_dma semaphore(%arg11 : memref<!tpu.dma_semaphore, #tpu.memory_space<semaphore_mem>>) src(%dma_wait3A_95 : memref<20000x128xf32, #tpu.memory_space<hbm>>) dst(%arg7 : memref<128x128xf32, #tpu.memory_space<vmem>>)
      %ge3A_96 = arith.constant 1 : i32
      %ge3A_97 = arith.cmpi sge, %add3A_88, %ge3A_96 : i32
      %add3A_98 = arith.constant 3 : i32
      %add3A_99 = arith.addi %add3A_88, %add3A_98 : i32
      %lt3A_100 = arith.constant 80 : i32
      %lt3A_101 = arith.cmpi slt, %add3A_99, %lt3A_100 : i32
      %and3A_102 = arith.andi %ge3A_97, %lt3A_101 : i1
      %convert_element_type3A_103 = arith.extui %and3A_102 : i1 to i32
      %cond3A_104 = arith.constant 0 : i32
      %cond3A_105 = arith.cmpi ne, %convert_element_type3A_103, %cond3A_104 : i32
      scf.if %cond3A_105 {
        %sub3A = arith.constant 1 : i32
        %sub3A_190 = arith.subi %add3A_88, %sub3A : i32
        %mul3A_191 = arith.constant 128 : i32
        %mul3A_192 = arith.muli %sub3A_190, %mul3A_191 : i32
        %add3A_193 = arith.addi %mul3A_2, %mul3A_192 : i32
        %dma_wait3A_194 = arith.constant 0 : i32
        %dma_wait3A_195 = tpu.memref_slice %arg4[%add3A_193, %dma_wait3A_194] : memref<327680x128xf32, #tpu.memory_space<hbm>> -> memref<128x128xf32, #tpu.memory_space<hbm>>
        %dma_wait3A_196 = arith.constant 0 : i32
        %dma_wait3A_197 = tpu.memref_slice %arg4[%add3A_193, %dma_wait3A_196] : memref<327680x128xf32, #tpu.memory_space<hbm>> -> memref<128x128xf32, #tpu.memory_space<hbm>>
        tpu.wait_dma2 semaphore(%arg14 : memref<!tpu.dma_semaphore, #tpu.memory_space<semaphore_mem>>) src(%arg6 : memref<128x128xf32, #tpu.memory_space<vmem>>) dst(%dma_wait3A_197 : memref<128x128xf32, #tpu.memory_space<hbm>>)
      } else {
      }
      %add3A_106 = arith.constant 3 : i32
      %add3A_107 = arith.addi %add3A_88, %add3A_106 : i32
      %lt3A_108 = arith.constant 80 : i32
      %lt3A_109 = arith.cmpi slt, %add3A_107, %lt3A_108 : i32
      %convert_element_type3A_110 = arith.extui %lt3A_109 : i1 to i32
      %cond3A_111 = arith.constant 0 : i32
      %cond3A_112 = arith.cmpi ne, %convert_element_type3A_110, %cond3A_111 : i32
      scf.if %cond3A_112 {
        %add3A_190 = arith.constant 3 : i32
        %add3A_191 = arith.addi %add3A_88, %add3A_190 : i32
        %dma_start3A_192 = arith.constant 0 : i32
        %dma_start3A_193 = arith.constant 0 : i32
        %dma_start3A_194 = tpu.memref_slice %arg5[%dma_start3A_192, %add3A_191, %dma_start3A_193] : memref<1x80x128xi32, #tpu.memory_space<vmem>> -> memref<1x1x128xi32, #tpu.memory_space<vmem>>
        %dma_start3A_195 = tpu.memref_squeeze %dma_start3A_194 : memref<1x1x128xi32, #tpu.memory_space<vmem>> -> memref<128xi32, #tpu.memory_space<vmem>>
        %dma_start3A_196 = arith.constant 0 : i32
        %dma_start3A_197 = arith.constant 0 : i32
        %dma_start3A_198 = tpu.memref_slice %arg2[%dma_start3A_196, %dma_start3A_197] : memref<20000x128xf32, #tpu.memory_space<hbm>> -> memref<20000x128xf32, #tpu.memory_space<hbm>>
        tpu.enqueue_indirect_dma source(%dma_start3A_198 : memref<20000x128xf32, #tpu.memory_space<hbm>>) target(%arg6 : memref<128x128xf32, #tpu.memory_space<vmem>>) offsets(%dma_start3A_195 : memref<128xi32, #tpu.memory_space<vmem>>) semaphore(%arg10 : memref<!tpu.dma_semaphore, #tpu.memory_space<semaphore_mem>>)
      } else {
      }
      %mul3A_113 = arith.constant 128 : i32
      %mul3A_114 = arith.muli %add3A_88, %mul3A_113 : i32
      %add3A_115 = arith.addi %mul3A_2, %mul3A_114 : i32
      %dma_start3A_116 = arith.constant 0 : i32
      %dma_start3A_117 = tpu.memref_slice %arg4[%add3A_115, %dma_start3A_116] : memref<327680x128xf32, #tpu.memory_space<hbm>> -> memref<128x128xf32, #tpu.memory_space<hbm>>
      %dma_start3A_118 = arith.constant 0 : i32
      %dma_start3A_119 = tpu.memref_slice %arg4[%add3A_115, %dma_start3A_118] : memref<327680x128xf32, #tpu.memory_space<hbm>> -> memref<128x128xf32, #tpu.memory_space<hbm>>
      tpu.enqueue_dma source(%arg7 : memref<128x128xf32, #tpu.memory_space<vmem>>) target(%dma_start3A_119 : memref<128x128xf32, #tpu.memory_space<hbm>>) target_semaphore(%arg15 : memref<!tpu.dma_semaphore, #tpu.memory_space<semaphore_mem>>)
      %mul3A_120 = arith.constant 4 : i32
      %mul3A_121 = arith.muli %mul3A_120, %scan3A_54 : i32
      %add3A_122 = arith.constant 2 : i32
      %add3A_123 = arith.addi %mul3A_121, %add3A_122 : i32
      %dma_wait3A_124 = arith.constant 0 : i32
      %dma_wait3A_125 = arith.constant 0 : i32
      %dma_wait3A_126 = tpu.memref_slice %arg5[%dma_wait3A_124, %add3A_123, %dma_wait3A_125] : memref<1x80x128xi32, #tpu.memory_space<vmem>> -> memref<1x1x128xi32, #tpu.memory_space<vmem>>
      %dma_wait3A_127 = tpu.memref_squeeze %dma_wait3A_126 : memref<1x1x128xi32, #tpu.memory_space<vmem>> -> memref<128xi32, #tpu.memory_space<vmem>>
      %dma_wait3A_128 = arith.constant 0 : i32
      %dma_wait3A_129 = arith.constant 0 : i32
      %dma_wait3A_130 = tpu.memref_slice %arg2[%dma_wait3A_128, %dma_wait3A_129] : memref<20000x128xf32, #tpu.memory_space<hbm>> -> memref<20000x128xf32, #tpu.memory_space<hbm>>
      tpu.wait_indirect_dma semaphore(%arg12 : memref<!tpu.dma_semaphore, #tpu.memory_space<semaphore_mem>>) src(%dma_wait3A_130 : memref<20000x128xf32, #tpu.memory_space<hbm>>) dst(%arg8 : memref<128x128xf32, #tpu.memory_space<vmem>>)
      %ge3A_131 = arith.constant 1 : i32
      %ge3A_132 = arith.cmpi sge, %add3A_123, %ge3A_131 : i32
      %add3A_133 = arith.constant 3 : i32
      %add3A_134 = arith.addi %add3A_123, %add3A_133 : i32
      %lt3A_135 = arith.constant 80 : i32
      %lt3A_136 = arith.cmpi slt, %add3A_134, %lt3A_135 : i32
      %and3A_137 = arith.andi %ge3A_132, %lt3A_136 : i1
      %convert_element_type3A_138 = arith.extui %and3A_137 : i1 to i32
      %cond3A_139 = arith.constant 0 : i32
      %cond3A_140 = arith.cmpi ne, %convert_element_type3A_138, %cond3A_139 : i32
      scf.if %cond3A_140 {
        %sub3A = arith.constant 1 : i32
        %sub3A_190 = arith.subi %add3A_123, %sub3A : i32
        %mul3A_191 = arith.constant 128 : i32
        %mul3A_192 = arith.muli %sub3A_190, %mul3A_191 : i32
        %add3A_193 = arith.addi %mul3A_2, %mul3A_192 : i32
        %dma_wait3A_194 = arith.constant 0 : i32
        %dma_wait3A_195 = tpu.memref_slice %arg4[%add3A_193, %dma_wait3A_194] : memref<327680x128xf32, #tpu.memory_space<hbm>> -> memref<128x128xf32, #tpu.memory_space<hbm>>
        %dma_wait3A_196 = arith.constant 0 : i32
        %dma_wait3A_197 = tpu.memref_slice %arg4[%add3A_193, %dma_wait3A_196] : memref<327680x128xf32, #tpu.memory_space<hbm>> -> memref<128x128xf32, #tpu.memory_space<hbm>>
        tpu.wait_dma2 semaphore(%arg15 : memref<!tpu.dma_semaphore, #tpu.memory_space<semaphore_mem>>) src(%arg7 : memref<128x128xf32, #tpu.memory_space<vmem>>) dst(%dma_wait3A_197 : memref<128x128xf32, #tpu.memory_space<hbm>>)
      } else {
      }
      %add3A_141 = arith.constant 3 : i32
      %add3A_142 = arith.addi %add3A_123, %add3A_141 : i32
      %lt3A_143 = arith.constant 80 : i32
      %lt3A_144 = arith.cmpi slt, %add3A_142, %lt3A_143 : i32
      %convert_element_type3A_145 = arith.extui %lt3A_144 : i1 to i32
      %cond3A_146 = arith.constant 0 : i32
      %cond3A_147 = arith.cmpi ne, %convert_element_type3A_145, %cond3A_146 : i32
      scf.if %cond3A_147 {
        %add3A_190 = arith.constant 3 : i32
        %add3A_191 = arith.addi %add3A_123, %add3A_190 : i32
        %dma_start3A_192 = arith.constant 0 : i32
        %dma_start3A_193 = arith.constant 0 : i32
        %dma_start3A_194 = tpu.memref_slice %arg5[%dma_start3A_192, %add3A_191, %dma_start3A_193] : memref<1x80x128xi32, #tpu.memory_space<vmem>> -> memref<1x1x128xi32, #tpu.memory_space<vmem>>
        %dma_start3A_195 = tpu.memref_squeeze %dma_start3A_194 : memref<1x1x128xi32, #tpu.memory_space<vmem>> -> memref<128xi32, #tpu.memory_space<vmem>>
        %dma_start3A_196 = arith.constant 0 : i32
        %dma_start3A_197 = arith.constant 0 : i32
        %dma_start3A_198 = tpu.memref_slice %arg2[%dma_start3A_196, %dma_start3A_197] : memref<20000x128xf32, #tpu.memory_space<hbm>> -> memref<20000x128xf32, #tpu.memory_space<hbm>>
        tpu.enqueue_indirect_dma source(%dma_start3A_198 : memref<20000x128xf32, #tpu.memory_space<hbm>>) target(%arg7 : memref<128x128xf32, #tpu.memory_space<vmem>>) offsets(%dma_start3A_195 : memref<128xi32, #tpu.memory_space<vmem>>) semaphore(%arg11 : memref<!tpu.dma_semaphore, #tpu.memory_space<semaphore_mem>>)
      } else {
      }
      %mul3A_148 = arith.constant 128 : i32
      %mul3A_149 = arith.muli %add3A_123, %mul3A_148 : i32
      %add3A_150 = arith.addi %mul3A_2, %mul3A_149 : i32
      %dma_start3A_151 = arith.constant 0 : i32
      %dma_start3A_152 = tpu.memref_slice %arg4[%add3A_150, %dma_start3A_151] : memref<327680x128xf32, #tpu.memory_space<hbm>> -> memref<128x128xf32, #tpu.memory_space<hbm>>
      %dma_start3A_153 = arith.constant 0 : i32
      %dma_start3A_154 = tpu.memref_slice %arg4[%add3A_150, %dma_start3A_153] : memref<327680x128xf32, #tpu.memory_space<hbm>> -> memref<128x128xf32, #tpu.memory_space<hbm>>
      tpu.enqueue_dma source(%arg8 : memref<128x128xf32, #tpu.memory_space<vmem>>) target(%dma_start3A_154 : memref<128x128xf32, #tpu.memory_space<hbm>>) target_semaphore(%arg16 : memref<!tpu.dma_semaphore, #tpu.memory_space<semaphore_mem>>)
      %mul3A_155 = arith.constant 4 : i32
      %mul3A_156 = arith.muli %mul3A_155, %scan3A_54 : i32
      %add3A_157 = arith.constant 3 : i32
      %add3A_158 = arith.addi %mul3A_156, %add3A_157 : i32
      %dma_wait3A_159 = arith.constant 0 : i32
      %dma_wait3A_160 = arith.constant 0 : i32
      %dma_wait3A_161 = tpu.memref_slice %arg5[%dma_wait3A_159, %add3A_158, %dma_wait3A_160] : memref<1x80x128xi32, #tpu.memory_space<vmem>> -> memref<1x1x128xi32, #tpu.memory_space<vmem>>
      %dma_wait3A_162 = tpu.memref_squeeze %dma_wait3A_161 : memref<1x1x128xi32, #tpu.memory_space<vmem>> -> memref<128xi32, #tpu.memory_space<vmem>>
      %dma_wait3A_163 = arith.constant 0 : i32
      %dma_wait3A_164 = arith.constant 0 : i32
      %dma_wait3A_165 = tpu.memref_slice %arg2[%dma_wait3A_163, %dma_wait3A_164] : memref<20000x128xf32, #tpu.memory_space<hbm>> -> memref<20000x128xf32, #tpu.memory_space<hbm>>
      tpu.wait_indirect_dma semaphore(%arg13 : memref<!tpu.dma_semaphore, #tpu.memory_space<semaphore_mem>>) src(%dma_wait3A_165 : memref<20000x128xf32, #tpu.memory_space<hbm>>) dst(%arg9 : memref<128x128xf32, #tpu.memory_space<vmem>>)
      %ge3A_166 = arith.constant 1 : i32
      %ge3A_167 = arith.cmpi sge, %add3A_158, %ge3A_166 : i32
      %add3A_168 = arith.constant 3 : i32
      %add3A_169 = arith.addi %add3A_158, %add3A_168 : i32
      %lt3A_170 = arith.constant 80 : i32
      %lt3A_171 = arith.cmpi slt, %add3A_169, %lt3A_170 : i32
      %and3A_172 = arith.andi %ge3A_167, %lt3A_171 : i1
      %convert_element_type3A_173 = arith.extui %and3A_172 : i1 to i32
      %cond3A_174 = arith.constant 0 : i32
      %cond3A_175 = arith.cmpi ne, %convert_element_type3A_173, %cond3A_174 : i32
      scf.if %cond3A_175 {
        %sub3A = arith.constant 1 : i32
        %sub3A_190 = arith.subi %add3A_158, %sub3A : i32
        %mul3A_191 = arith.constant 128 : i32
        %mul3A_192 = arith.muli %sub3A_190, %mul3A_191 : i32
        %add3A_193 = arith.addi %mul3A_2, %mul3A_192 : i32
        %dma_wait3A_194 = arith.constant 0 : i32
        %dma_wait3A_195 = tpu.memref_slice %arg4[%add3A_193, %dma_wait3A_194] : memref<327680x128xf32, #tpu.memory_space<hbm>> -> memref<128x128xf32, #tpu.memory_space<hbm>>
        %dma_wait3A_196 = arith.constant 0 : i32
        %dma_wait3A_197 = tpu.memref_slice %arg4[%add3A_193, %dma_wait3A_196] : memref<327680x128xf32, #tpu.memory_space<hbm>> -> memref<128x128xf32, #tpu.memory_space<hbm>>
        tpu.wait_dma2 semaphore(%arg16 : memref<!tpu.dma_semaphore, #tpu.memory_space<semaphore_mem>>) src(%arg8 : memref<128x128xf32, #tpu.memory_space<vmem>>) dst(%dma_wait3A_197 : memref<128x128xf32, #tpu.memory_space<hbm>>)
      } else {
      }
      %add3A_176 = arith.constant 3 : i32
      %add3A_177 = arith.addi %add3A_158, %add3A_176 : i32
      %lt3A_178 = arith.constant 80 : i32
      %lt3A_179 = arith.cmpi slt, %add3A_177, %lt3A_178 : i32
      %convert_element_type3A_180 = arith.extui %lt3A_179 : i1 to i32
      %cond3A_181 = arith.constant 0 : i32
      %cond3A_182 = arith.cmpi ne, %convert_element_type3A_180, %cond3A_181 : i32
      scf.if %cond3A_182 {
        %add3A_190 = arith.constant 3 : i32
        %add3A_191 = arith.addi %add3A_158, %add3A_190 : i32
        %dma_start3A_192 = arith.constant 0 : i32
        %dma_start3A_193 = arith.constant 0 : i32
        %dma_start3A_194 = tpu.memref_slice %arg5[%dma_start3A_192, %add3A_191, %dma_start3A_193] : memref<1x80x128xi32, #tpu.memory_space<vmem>> -> memref<1x1x128xi32, #tpu.memory_space<vmem>>
        %dma_start3A_195 = tpu.memref_squeeze %dma_start3A_194 : memref<1x1x128xi32, #tpu.memory_space<vmem>> -> memref<128xi32, #tpu.memory_space<vmem>>
        %dma_start3A_196 = arith.constant 0 : i32
        %dma_start3A_197 = arith.constant 0 : i32
        %dma_start3A_198 = tpu.memref_slice %arg2[%dma_start3A_196, %dma_start3A_197] : memref<20000x128xf32, #tpu.memory_space<hbm>> -> memref<20000x128xf32, #tpu.memory_space<hbm>>
        tpu.enqueue_indirect_dma source(%dma_start3A_198 : memref<20000x128xf32, #tpu.memory_space<hbm>>) target(%arg8 : memref<128x128xf32, #tpu.memory_space<vmem>>) offsets(%dma_start3A_195 : memref<128xi32, #tpu.memory_space<vmem>>) semaphore(%arg12 : memref<!tpu.dma_semaphore, #tpu.memory_space<semaphore_mem>>)
      } else {
      }
      %mul3A_183 = arith.constant 128 : i32
      %mul3A_184 = arith.muli %add3A_158, %mul3A_183 : i32
      %add3A_185 = arith.addi %mul3A_2, %mul3A_184 : i32
      %dma_start3A_186 = arith.constant 0 : i32
      %dma_start3A_187 = tpu.memref_slice %arg4[%add3A_185, %dma_start3A_186] : memref<327680x128xf32, #tpu.memory_space<hbm>> -> memref<128x128xf32, #tpu.memory_space<hbm>>
      %dma_start3A_188 = arith.constant 0 : i32
      %dma_start3A_189 = tpu.memref_slice %arg4[%add3A_185, %dma_start3A_188] : memref<327680x128xf32, #tpu.memory_space<hbm>> -> memref<128x128xf32, #tpu.memory_space<hbm>>
      tpu.enqueue_dma source(%arg9 : memref<128x128xf32, #tpu.memory_space<vmem>>) target(%dma_start3A_189 : memref<128x128xf32, #tpu.memory_space<hbm>>) target_semaphore(%arg17 : memref<!tpu.dma_semaphore, #tpu.memory_space<semaphore_mem>>)
    }
    %scan3A_30 = arith.constant 20 : i32
    %add3A_31 = arith.constant 9728 : i32
    %add3A_32 = arith.addi %mul3A_2, %add3A_31 : i32
    %dma_wait3A = arith.constant 0 : i32
    %dma_wait3A_33 = tpu.memref_slice %arg4[%add3A_32, %dma_wait3A] : memref<327680x128xf32, #tpu.memory_space<hbm>> -> memref<128x128xf32, #tpu.memory_space<hbm>>
    %dma_wait3A_34 = arith.constant 0 : i32
    %dma_wait3A_35 = tpu.memref_slice %arg4[%add3A_32, %dma_wait3A_34] : memref<327680x128xf32, #tpu.memory_space<hbm>> -> memref<128x128xf32, #tpu.memory_space<hbm>>
    tpu.wait_dma2 semaphore(%arg14 : memref<!tpu.dma_semaphore, #tpu.memory_space<semaphore_mem>>) src(%arg6 : memref<128x128xf32, #tpu.memory_space<vmem>>) dst(%dma_wait3A_35 : memref<128x128xf32, #tpu.memory_space<hbm>>)
    %add3A_36 = arith.constant 9856 : i32
    %add3A_37 = arith.addi %mul3A_2, %add3A_36 : i32
    %dma_wait3A_38 = arith.constant 0 : i32
    %dma_wait3A_39 = tpu.memref_slice %arg4[%add3A_37, %dma_wait3A_38] : memref<327680x128xf32, #tpu.memory_space<hbm>> -> memref<128x128xf32, #tpu.memory_space<hbm>>
    %dma_wait3A_40 = arith.constant 0 : i32
    %dma_wait3A_41 = tpu.memref_slice %arg4[%add3A_37, %dma_wait3A_40] : memref<327680x128xf32, #tpu.memory_space<hbm>> -> memref<128x128xf32, #tpu.memory_space<hbm>>
    tpu.wait_dma2 semaphore(%arg15 : memref<!tpu.dma_semaphore, #tpu.memory_space<semaphore_mem>>) src(%arg7 : memref<128x128xf32, #tpu.memory_space<vmem>>) dst(%dma_wait3A_41 : memref<128x128xf32, #tpu.memory_space<hbm>>)
    %add3A_42 = arith.constant 9984 : i32
    %add3A_43 = arith.addi %mul3A_2, %add3A_42 : i32
    %dma_wait3A_44 = arith.constant 0 : i32
    %dma_wait3A_45 = tpu.memref_slice %arg4[%add3A_43, %dma_wait3A_44] : memref<327680x128xf32, #tpu.memory_space<hbm>> -> memref<128x128xf32, #tpu.memory_space<hbm>>
    %dma_wait3A_46 = arith.constant 0 : i32
    %dma_wait3A_47 = tpu.memref_slice %arg4[%add3A_43, %dma_wait3A_46] : memref<327680x128xf32, #tpu.memory_space<hbm>> -> memref<128x128xf32, #tpu.memory_space<hbm>>
    tpu.wait_dma2 semaphore(%arg16 : memref<!tpu.dma_semaphore, #tpu.memory_space<semaphore_mem>>) src(%arg8 : memref<128x128xf32, #tpu.memory_space<vmem>>) dst(%dma_wait3A_47 : memref<128x128xf32, #tpu.memory_space<hbm>>)
    %add3A_48 = arith.constant 10112 : i32
    %add3A_49 = arith.addi %mul3A_2, %add3A_48 : i32
    %dma_wait3A_50 = arith.constant 0 : i32
    %dma_wait3A_51 = tpu.memref_slice %arg4[%add3A_49, %dma_wait3A_50] : memref<327680x128xf32, #tpu.memory_space<hbm>> -> memref<128x128xf32, #tpu.memory_space<hbm>>
    %dma_wait3A_52 = arith.constant 0 : i32
    %dma_wait3A_53 = tpu.memref_slice %arg4[%add3A_49, %dma_wait3A_52] : memref<327680x128xf32, #tpu.memory_space<hbm>> -> memref<128x128xf32, #tpu.memory_space<hbm>>
    tpu.wait_dma2 semaphore(%arg17 : memref<!tpu.dma_semaphore, #tpu.memory_space<semaphore_mem>>) src(%arg9 : memref<128x128xf32, #tpu.memory_space<vmem>>) dst(%dma_wait3A_53 : memref<128x128xf32, #tpu.memory_space<hbm>>)
    return
  }
}

#map = affine_map<(d0, d1) -> (0, 0)>
#map1 = affine_map<(d0, d1) -> (0, 0, 0)>
module attributes {stable_mosaic.version = 14 : i64} {
  func.func @gather_k(%arg0: i32, %arg1: i32, %arg2: memref<10000x16xf32, #tpu.memory_space<hbm>>, %arg3: memref<32x160x128xi32, #tpu.memory_space<hbm>>, %arg4: memref<655360x16xf32, #tpu.memory_space<hbm>>, %arg5: memref<1x160x128xi32, #tpu.memory_space<vmem>>, %arg6: memref<128x16xf32, #tpu.memory_space<vmem>>, %arg7: memref<128x16xf32, #tpu.memory_space<vmem>>, %arg8: memref<128x16xf32, #tpu.memory_space<vmem>>, %arg9: memref<128x16xf32, #tpu.memory_space<vmem>>, %arg10: memref<!tpu.dma_semaphore, #tpu.memory_space<semaphore_mem>>, %arg11: memref<!tpu.dma_semaphore, #tpu.memory_space<semaphore_mem>>, %arg12: memref<!tpu.dma_semaphore, #tpu.memory_space<semaphore_mem>>, %arg13: memref<!tpu.dma_semaphore, #tpu.memory_space<semaphore_mem>>, %arg14: memref<!tpu.dma_semaphore, #tpu.memory_space<semaphore_mem>>, %arg15: memref<!tpu.dma_semaphore, #tpu.memory_space<semaphore_mem>>, %arg16: memref<!tpu.dma_semaphore, #tpu.memory_space<semaphore_mem>>, %arg17: memref<!tpu.dma_semaphore, #tpu.memory_space<semaphore_mem>>) attributes {dimension_semantics = [#tpu.dimension_semantics<core_parallel>, #tpu.dimension_semantics<subcore_parallel>], iteration_bounds = array<i64: 2, 16>, scalar_prefetch = 0 : i64, scratch_operands = 13 : i64, tpu.core_type = #tpu.core_type<sc_vector_subcore>, window_params = [{transform_indices = #map}, {transform_indices = #map1}, {transform_indices = #map}]} {
    %mul3A = arith.constant 16 : i32
    %mul3A_0 = arith.muli %arg0, %mul3A : i32
    %add3A = arith.addi %mul3A_0, %arg1 : i32
    %mul3A_1 = arith.constant 20480 : i32
    %mul3A_2 = arith.muli %add3A, %mul3A_1 : i32
    "tpu.region"() ({
      %run_scoped3A = tpu.sem_alloc : memref<!tpu.dma_semaphore, #tpu.memory_space<semaphore_mem>>
      %dma_start3A_54 = arith.constant 0 : i32
      %dma_start3A_55 = arith.constant 0 : i32
      %dma_start3A_56 = tpu.memref_slice %arg3[%add3A, %dma_start3A_54, %dma_start3A_55] : memref<32x160x128xi32, #tpu.memory_space<hbm>> -> memref<1x160x128xi32, #tpu.memory_space<hbm>>
      %dma_start3A_57 = arith.constant 0 : i32
      %dma_start3A_58 = arith.constant 0 : i32
      %dma_start3A_59 = tpu.memref_slice %arg3[%add3A, %dma_start3A_57, %dma_start3A_58] : memref<32x160x128xi32, #tpu.memory_space<hbm>> -> memref<1x160x128xi32, #tpu.memory_space<hbm>>
      tpu.enqueue_dma source(%dma_start3A_59 : memref<1x160x128xi32, #tpu.memory_space<hbm>>) target(%arg5 : memref<1x160x128xi32, #tpu.memory_space<vmem>>) target_semaphore(%run_scoped3A : memref<!tpu.dma_semaphore, #tpu.memory_space<semaphore_mem>>)
      %dma_wait3A_60 = arith.constant 0 : i32
      %dma_wait3A_61 = arith.constant 0 : i32
      %dma_wait3A_62 = tpu.memref_slice %arg3[%add3A, %dma_wait3A_60, %dma_wait3A_61] : memref<32x160x128xi32, #tpu.memory_space<hbm>> -> memref<1x160x128xi32, #tpu.memory_space<hbm>>
      %dma_wait3A_63 = arith.constant 0 : i32
      %dma_wait3A_64 = arith.constant 0 : i32
      %dma_wait3A_65 = tpu.memref_slice %arg3[%add3A, %dma_wait3A_63, %dma_wait3A_64] : memref<32x160x128xi32, #tpu.memory_space<hbm>> -> memref<1x160x128xi32, #tpu.memory_space<hbm>>
      tpu.wait_dma2 semaphore(%run_scoped3A : memref<!tpu.dma_semaphore, #tpu.memory_space<semaphore_mem>>) src(%dma_wait3A_65 : memref<1x160x128xi32, #tpu.memory_space<hbm>>) dst(%arg5 : memref<1x160x128xi32, #tpu.memory_space<vmem>>)
      tpu.yield
    }) : () -> ()
    %dma_start3A = arith.constant 0 : i32
    %dma_start3A_3 = arith.constant 0 : i32
    %dma_start3A_4 = arith.constant 0 : i32
    %dma_start3A_5 = tpu.memref_slice %arg5[%dma_start3A, %dma_start3A_3, %dma_start3A_4] : memref<1x160x128xi32, #tpu.memory_space<vmem>> -> memref<1x1x128xi32, #tpu.memory_space<vmem>>
    %dma_start3A_6 = tpu.memref_squeeze %dma_start3A_5 : memref<1x1x128xi32, #tpu.memory_space<vmem>> -> memref<128xi32, #tpu.memory_space<vmem>>
    %dma_start3A_7 = arith.constant 0 : i32
    %dma_start3A_8 = arith.constant 0 : i32
    %dma_start3A_9 = tpu.memref_slice %arg2[%dma_start3A_7, %dma_start3A_8] : memref<10000x16xf32, #tpu.memory_space<hbm>> -> memref<10000x16xf32, #tpu.memory_space<hbm>>
    tpu.enqueue_indirect_dma source(%dma_start3A_9 : memref<10000x16xf32, #tpu.memory_space<hbm>>) target(%arg6 : memref<128x16xf32, #tpu.memory_space<vmem>>) offsets(%dma_start3A_6 : memref<128xi32, #tpu.memory_space<vmem>>) semaphore(%arg10 : memref<!tpu.dma_semaphore, #tpu.memory_space<semaphore_mem>>)
    %dma_start3A_10 = arith.constant 0 : i32
    %dma_start3A_11 = arith.constant 1 : i32
    %dma_start3A_12 = arith.constant 0 : i32
    %dma_start3A_13 = tpu.memref_slice %arg5[%dma_start3A_10, %dma_start3A_11, %dma_start3A_12] : memref<1x160x128xi32, #tpu.memory_space<vmem>> -> memref<1x1x128xi32, #tpu.memory_space<vmem>>
    %dma_start3A_14 = tpu.memref_squeeze %dma_start3A_13 : memref<1x1x128xi32, #tpu.memory_space<vmem>> -> memref<128xi32, #tpu.memory_space<vmem>>
    %dma_start3A_15 = arith.constant 0 : i32
    %dma_start3A_16 = arith.constant 0 : i32
    %dma_start3A_17 = tpu.memref_slice %arg2[%dma_start3A_15, %dma_start3A_16] : memref<10000x16xf32, #tpu.memory_space<hbm>> -> memref<10000x16xf32, #tpu.memory_space<hbm>>
    tpu.enqueue_indirect_dma source(%dma_start3A_17 : memref<10000x16xf32, #tpu.memory_space<hbm>>) target(%arg7 : memref<128x16xf32, #tpu.memory_space<vmem>>) offsets(%dma_start3A_14 : memref<128xi32, #tpu.memory_space<vmem>>) semaphore(%arg11 : memref<!tpu.dma_semaphore, #tpu.memory_space<semaphore_mem>>)
    %dma_start3A_18 = arith.constant 0 : i32
    %dma_start3A_19 = arith.constant 2 : i32
    %dma_start3A_20 = arith.constant 0 : i32
    %dma_start3A_21 = tpu.memref_slice %arg5[%dma_start3A_18, %dma_start3A_19, %dma_start3A_20] : memref<1x160x128xi32, #tpu.memory_space<vmem>> -> memref<1x1x128xi32, #tpu.memory_space<vmem>>
    %dma_start3A_22 = tpu.memref_squeeze %dma_start3A_21 : memref<1x1x128xi32, #tpu.memory_space<vmem>> -> memref<128xi32, #tpu.memory_space<vmem>>
    %dma_start3A_23 = arith.constant 0 : i32
    %dma_start3A_24 = arith.constant 0 : i32
    %dma_start3A_25 = tpu.memref_slice %arg2[%dma_start3A_23, %dma_start3A_24] : memref<10000x16xf32, #tpu.memory_space<hbm>> -> memref<10000x16xf32, #tpu.memory_space<hbm>>
    tpu.enqueue_indirect_dma source(%dma_start3A_25 : memref<10000x16xf32, #tpu.memory_space<hbm>>) target(%arg8 : memref<128x16xf32, #tpu.memory_space<vmem>>) offsets(%dma_start3A_22 : memref<128xi32, #tpu.memory_space<vmem>>) semaphore(%arg12 : memref<!tpu.dma_semaphore, #tpu.memory_space<semaphore_mem>>)
    %scan3A = arith.constant 0 : i32
    %scan3A_26 = arith.constant 0 : i32
    %scan3A_27 = arith.constant 40 : i32
    %scan3A_28 = arith.addi %scan3A_26, %scan3A_27 : i32
    %scan3A_29 = arith.constant 1 : i32
    scf.for %scan3A_54 = %scan3A_26 to %scan3A_28 step %scan3A_29  : i32 {
      %mul3A_55 = arith.constant 4 : i32
      %mul3A_56 = arith.muli %mul3A_55, %scan3A_54 : i32
      %add3A_57 = arith.constant 0 : i32
      %add3A_58 = arith.addi %mul3A_56, %add3A_57 : i32
      %dma_wait3A_59 = arith.constant 0 : i32
      %dma_wait3A_60 = arith.constant 0 : i32
      %dma_wait3A_61 = tpu.memref_slice %arg5[%dma_wait3A_59, %add3A_58, %dma_wait3A_60] : memref<1x160x128xi32, #tpu.memory_space<vmem>> -> memref<1x1x128xi32, #tpu.memory_space<vmem>>
      %dma_wait3A_62 = tpu.memref_squeeze %dma_wait3A_61 : memref<1x1x128xi32, #tpu.memory_space<vmem>> -> memref<128xi32, #tpu.memory_space<vmem>>
      %dma_wait3A_63 = arith.constant 0 : i32
      %dma_wait3A_64 = arith.constant 0 : i32
      %dma_wait3A_65 = tpu.memref_slice %arg2[%dma_wait3A_63, %dma_wait3A_64] : memref<10000x16xf32, #tpu.memory_space<hbm>> -> memref<10000x16xf32, #tpu.memory_space<hbm>>
      tpu.wait_indirect_dma semaphore(%arg10 : memref<!tpu.dma_semaphore, #tpu.memory_space<semaphore_mem>>) src(%dma_wait3A_65 : memref<10000x16xf32, #tpu.memory_space<hbm>>) dst(%arg6 : memref<128x16xf32, #tpu.memory_space<vmem>>)
      %ge3A = arith.constant 1 : i32
      %ge3A_66 = arith.cmpi sge, %add3A_58, %ge3A : i32
      %add3A_67 = arith.constant 3 : i32
      %add3A_68 = arith.addi %add3A_58, %add3A_67 : i32
      %lt3A = arith.constant 160 : i32
      %lt3A_69 = arith.cmpi slt, %add3A_68, %lt3A : i32
      %and3A = arith.andi %ge3A_66, %lt3A_69 : i1
      %convert_element_type3A = arith.extui %and3A : i1 to i32
      %cond3A = arith.constant 0 : i32
      %cond3A_70 = arith.cmpi ne, %convert_element_type3A, %cond3A : i32
      scf.if %cond3A_70 {
        %sub3A = arith.constant 1 : i32
        %sub3A_190 = arith.subi %add3A_58, %sub3A : i32
        %mul3A_191 = arith.constant 128 : i32
        %mul3A_192 = arith.muli %sub3A_190, %mul3A_191 : i32
        %add3A_193 = arith.addi %mul3A_2, %mul3A_192 : i32
        %dma_wait3A_194 = arith.constant 0 : i32
        %dma_wait3A_195 = tpu.memref_slice %arg4[%add3A_193, %dma_wait3A_194] : memref<655360x16xf32, #tpu.memory_space<hbm>> -> memref<128x16xf32, #tpu.memory_space<hbm>>
        %dma_wait3A_196 = arith.constant 0 : i32
        %dma_wait3A_197 = tpu.memref_slice %arg4[%add3A_193, %dma_wait3A_196] : memref<655360x16xf32, #tpu.memory_space<hbm>> -> memref<128x16xf32, #tpu.memory_space<hbm>>
        tpu.wait_dma2 semaphore(%arg17 : memref<!tpu.dma_semaphore, #tpu.memory_space<semaphore_mem>>) src(%arg9 : memref<128x16xf32, #tpu.memory_space<vmem>>) dst(%dma_wait3A_197 : memref<128x16xf32, #tpu.memory_space<hbm>>)
      } else {
      }
      %add3A_71 = arith.constant 3 : i32
      %add3A_72 = arith.addi %add3A_58, %add3A_71 : i32
      %lt3A_73 = arith.constant 160 : i32
      %lt3A_74 = arith.cmpi slt, %add3A_72, %lt3A_73 : i32
      %convert_element_type3A_75 = arith.extui %lt3A_74 : i1 to i32
      %cond3A_76 = arith.constant 0 : i32
      %cond3A_77 = arith.cmpi ne, %convert_element_type3A_75, %cond3A_76 : i32
      scf.if %cond3A_77 {
        %add3A_190 = arith.constant 3 : i32
        %add3A_191 = arith.addi %add3A_58, %add3A_190 : i32
        %dma_start3A_192 = arith.constant 0 : i32
        %dma_start3A_193 = arith.constant 0 : i32
        %dma_start3A_194 = tpu.memref_slice %arg5[%dma_start3A_192, %add3A_191, %dma_start3A_193] : memref<1x160x128xi32, #tpu.memory_space<vmem>> -> memref<1x1x128xi32, #tpu.memory_space<vmem>>
        %dma_start3A_195 = tpu.memref_squeeze %dma_start3A_194 : memref<1x1x128xi32, #tpu.memory_space<vmem>> -> memref<128xi32, #tpu.memory_space<vmem>>
        %dma_start3A_196 = arith.constant 0 : i32
        %dma_start3A_197 = arith.constant 0 : i32
        %dma_start3A_198 = tpu.memref_slice %arg2[%dma_start3A_196, %dma_start3A_197] : memref<10000x16xf32, #tpu.memory_space<hbm>> -> memref<10000x16xf32, #tpu.memory_space<hbm>>
        tpu.enqueue_indirect_dma source(%dma_start3A_198 : memref<10000x16xf32, #tpu.memory_space<hbm>>) target(%arg9 : memref<128x16xf32, #tpu.memory_space<vmem>>) offsets(%dma_start3A_195 : memref<128xi32, #tpu.memory_space<vmem>>) semaphore(%arg13 : memref<!tpu.dma_semaphore, #tpu.memory_space<semaphore_mem>>)
      } else {
      }
      %mul3A_78 = arith.constant 128 : i32
      %mul3A_79 = arith.muli %add3A_58, %mul3A_78 : i32
      %add3A_80 = arith.addi %mul3A_2, %mul3A_79 : i32
      %dma_start3A_81 = arith.constant 0 : i32
      %dma_start3A_82 = tpu.memref_slice %arg4[%add3A_80, %dma_start3A_81] : memref<655360x16xf32, #tpu.memory_space<hbm>> -> memref<128x16xf32, #tpu.memory_space<hbm>>
      %dma_start3A_83 = arith.constant 0 : i32
      %dma_start3A_84 = tpu.memref_slice %arg4[%add3A_80, %dma_start3A_83] : memref<655360x16xf32, #tpu.memory_space<hbm>> -> memref<128x16xf32, #tpu.memory_space<hbm>>
      tpu.enqueue_dma source(%arg6 : memref<128x16xf32, #tpu.memory_space<vmem>>) target(%dma_start3A_84 : memref<128x16xf32, #tpu.memory_space<hbm>>) target_semaphore(%arg14 : memref<!tpu.dma_semaphore, #tpu.memory_space<semaphore_mem>>)
      %mul3A_85 = arith.constant 4 : i32
      %mul3A_86 = arith.muli %mul3A_85, %scan3A_54 : i32
      %add3A_87 = arith.constant 1 : i32
      %add3A_88 = arith.addi %mul3A_86, %add3A_87 : i32
      %dma_wait3A_89 = arith.constant 0 : i32
      %dma_wait3A_90 = arith.constant 0 : i32
      %dma_wait3A_91 = tpu.memref_slice %arg5[%dma_wait3A_89, %add3A_88, %dma_wait3A_90] : memref<1x160x128xi32, #tpu.memory_space<vmem>> -> memref<1x1x128xi32, #tpu.memory_space<vmem>>
      %dma_wait3A_92 = tpu.memref_squeeze %dma_wait3A_91 : memref<1x1x128xi32, #tpu.memory_space<vmem>> -> memref<128xi32, #tpu.memory_space<vmem>>
      %dma_wait3A_93 = arith.constant 0 : i32
      %dma_wait3A_94 = arith.constant 0 : i32
      %dma_wait3A_95 = tpu.memref_slice %arg2[%dma_wait3A_93, %dma_wait3A_94] : memref<10000x16xf32, #tpu.memory_space<hbm>> -> memref<10000x16xf32, #tpu.memory_space<hbm>>
      tpu.wait_indirect_dma semaphore(%arg11 : memref<!tpu.dma_semaphore, #tpu.memory_space<semaphore_mem>>) src(%dma_wait3A_95 : memref<10000x16xf32, #tpu.memory_space<hbm>>) dst(%arg7 : memref<128x16xf32, #tpu.memory_space<vmem>>)
      %ge3A_96 = arith.constant 1 : i32
      %ge3A_97 = arith.cmpi sge, %add3A_88, %ge3A_96 : i32
      %add3A_98 = arith.constant 3 : i32
      %add3A_99 = arith.addi %add3A_88, %add3A_98 : i32
      %lt3A_100 = arith.constant 160 : i32
      %lt3A_101 = arith.cmpi slt, %add3A_99, %lt3A_100 : i32
      %and3A_102 = arith.andi %ge3A_97, %lt3A_101 : i1
      %convert_element_type3A_103 = arith.extui %and3A_102 : i1 to i32
      %cond3A_104 = arith.constant 0 : i32
      %cond3A_105 = arith.cmpi ne, %convert_element_type3A_103, %cond3A_104 : i32
      scf.if %cond3A_105 {
        %sub3A = arith.constant 1 : i32
        %sub3A_190 = arith.subi %add3A_88, %sub3A : i32
        %mul3A_191 = arith.constant 128 : i32
        %mul3A_192 = arith.muli %sub3A_190, %mul3A_191 : i32
        %add3A_193 = arith.addi %mul3A_2, %mul3A_192 : i32
        %dma_wait3A_194 = arith.constant 0 : i32
        %dma_wait3A_195 = tpu.memref_slice %arg4[%add3A_193, %dma_wait3A_194] : memref<655360x16xf32, #tpu.memory_space<hbm>> -> memref<128x16xf32, #tpu.memory_space<hbm>>
        %dma_wait3A_196 = arith.constant 0 : i32
        %dma_wait3A_197 = tpu.memref_slice %arg4[%add3A_193, %dma_wait3A_196] : memref<655360x16xf32, #tpu.memory_space<hbm>> -> memref<128x16xf32, #tpu.memory_space<hbm>>
        tpu.wait_dma2 semaphore(%arg14 : memref<!tpu.dma_semaphore, #tpu.memory_space<semaphore_mem>>) src(%arg6 : memref<128x16xf32, #tpu.memory_space<vmem>>) dst(%dma_wait3A_197 : memref<128x16xf32, #tpu.memory_space<hbm>>)
      } else {
      }
      %add3A_106 = arith.constant 3 : i32
      %add3A_107 = arith.addi %add3A_88, %add3A_106 : i32
      %lt3A_108 = arith.constant 160 : i32
      %lt3A_109 = arith.cmpi slt, %add3A_107, %lt3A_108 : i32
      %convert_element_type3A_110 = arith.extui %lt3A_109 : i1 to i32
      %cond3A_111 = arith.constant 0 : i32
      %cond3A_112 = arith.cmpi ne, %convert_element_type3A_110, %cond3A_111 : i32
      scf.if %cond3A_112 {
        %add3A_190 = arith.constant 3 : i32
        %add3A_191 = arith.addi %add3A_88, %add3A_190 : i32
        %dma_start3A_192 = arith.constant 0 : i32
        %dma_start3A_193 = arith.constant 0 : i32
        %dma_start3A_194 = tpu.memref_slice %arg5[%dma_start3A_192, %add3A_191, %dma_start3A_193] : memref<1x160x128xi32, #tpu.memory_space<vmem>> -> memref<1x1x128xi32, #tpu.memory_space<vmem>>
        %dma_start3A_195 = tpu.memref_squeeze %dma_start3A_194 : memref<1x1x128xi32, #tpu.memory_space<vmem>> -> memref<128xi32, #tpu.memory_space<vmem>>
        %dma_start3A_196 = arith.constant 0 : i32
        %dma_start3A_197 = arith.constant 0 : i32
        %dma_start3A_198 = tpu.memref_slice %arg2[%dma_start3A_196, %dma_start3A_197] : memref<10000x16xf32, #tpu.memory_space<hbm>> -> memref<10000x16xf32, #tpu.memory_space<hbm>>
        tpu.enqueue_indirect_dma source(%dma_start3A_198 : memref<10000x16xf32, #tpu.memory_space<hbm>>) target(%arg6 : memref<128x16xf32, #tpu.memory_space<vmem>>) offsets(%dma_start3A_195 : memref<128xi32, #tpu.memory_space<vmem>>) semaphore(%arg10 : memref<!tpu.dma_semaphore, #tpu.memory_space<semaphore_mem>>)
      } else {
      }
      %mul3A_113 = arith.constant 128 : i32
      %mul3A_114 = arith.muli %add3A_88, %mul3A_113 : i32
      %add3A_115 = arith.addi %mul3A_2, %mul3A_114 : i32
      %dma_start3A_116 = arith.constant 0 : i32
      %dma_start3A_117 = tpu.memref_slice %arg4[%add3A_115, %dma_start3A_116] : memref<655360x16xf32, #tpu.memory_space<hbm>> -> memref<128x16xf32, #tpu.memory_space<hbm>>
      %dma_start3A_118 = arith.constant 0 : i32
      %dma_start3A_119 = tpu.memref_slice %arg4[%add3A_115, %dma_start3A_118] : memref<655360x16xf32, #tpu.memory_space<hbm>> -> memref<128x16xf32, #tpu.memory_space<hbm>>
      tpu.enqueue_dma source(%arg7 : memref<128x16xf32, #tpu.memory_space<vmem>>) target(%dma_start3A_119 : memref<128x16xf32, #tpu.memory_space<hbm>>) target_semaphore(%arg15 : memref<!tpu.dma_semaphore, #tpu.memory_space<semaphore_mem>>)
      %mul3A_120 = arith.constant 4 : i32
      %mul3A_121 = arith.muli %mul3A_120, %scan3A_54 : i32
      %add3A_122 = arith.constant 2 : i32
      %add3A_123 = arith.addi %mul3A_121, %add3A_122 : i32
      %dma_wait3A_124 = arith.constant 0 : i32
      %dma_wait3A_125 = arith.constant 0 : i32
      %dma_wait3A_126 = tpu.memref_slice %arg5[%dma_wait3A_124, %add3A_123, %dma_wait3A_125] : memref<1x160x128xi32, #tpu.memory_space<vmem>> -> memref<1x1x128xi32, #tpu.memory_space<vmem>>
      %dma_wait3A_127 = tpu.memref_squeeze %dma_wait3A_126 : memref<1x1x128xi32, #tpu.memory_space<vmem>> -> memref<128xi32, #tpu.memory_space<vmem>>
      %dma_wait3A_128 = arith.constant 0 : i32
      %dma_wait3A_129 = arith.constant 0 : i32
      %dma_wait3A_130 = tpu.memref_slice %arg2[%dma_wait3A_128, %dma_wait3A_129] : memref<10000x16xf32, #tpu.memory_space<hbm>> -> memref<10000x16xf32, #tpu.memory_space<hbm>>
      tpu.wait_indirect_dma semaphore(%arg12 : memref<!tpu.dma_semaphore, #tpu.memory_space<semaphore_mem>>) src(%dma_wait3A_130 : memref<10000x16xf32, #tpu.memory_space<hbm>>) dst(%arg8 : memref<128x16xf32, #tpu.memory_space<vmem>>)
      %ge3A_131 = arith.constant 1 : i32
      %ge3A_132 = arith.cmpi sge, %add3A_123, %ge3A_131 : i32
      %add3A_133 = arith.constant 3 : i32
      %add3A_134 = arith.addi %add3A_123, %add3A_133 : i32
      %lt3A_135 = arith.constant 160 : i32
      %lt3A_136 = arith.cmpi slt, %add3A_134, %lt3A_135 : i32
      %and3A_137 = arith.andi %ge3A_132, %lt3A_136 : i1
      %convert_element_type3A_138 = arith.extui %and3A_137 : i1 to i32
      %cond3A_139 = arith.constant 0 : i32
      %cond3A_140 = arith.cmpi ne, %convert_element_type3A_138, %cond3A_139 : i32
      scf.if %cond3A_140 {
        %sub3A = arith.constant 1 : i32
        %sub3A_190 = arith.subi %add3A_123, %sub3A : i32
        %mul3A_191 = arith.constant 128 : i32
        %mul3A_192 = arith.muli %sub3A_190, %mul3A_191 : i32
        %add3A_193 = arith.addi %mul3A_2, %mul3A_192 : i32
        %dma_wait3A_194 = arith.constant 0 : i32
        %dma_wait3A_195 = tpu.memref_slice %arg4[%add3A_193, %dma_wait3A_194] : memref<655360x16xf32, #tpu.memory_space<hbm>> -> memref<128x16xf32, #tpu.memory_space<hbm>>
        %dma_wait3A_196 = arith.constant 0 : i32
        %dma_wait3A_197 = tpu.memref_slice %arg4[%add3A_193, %dma_wait3A_196] : memref<655360x16xf32, #tpu.memory_space<hbm>> -> memref<128x16xf32, #tpu.memory_space<hbm>>
        tpu.wait_dma2 semaphore(%arg15 : memref<!tpu.dma_semaphore, #tpu.memory_space<semaphore_mem>>) src(%arg7 : memref<128x16xf32, #tpu.memory_space<vmem>>) dst(%dma_wait3A_197 : memref<128x16xf32, #tpu.memory_space<hbm>>)
      } else {
      }
      %add3A_141 = arith.constant 3 : i32
      %add3A_142 = arith.addi %add3A_123, %add3A_141 : i32
      %lt3A_143 = arith.constant 160 : i32
      %lt3A_144 = arith.cmpi slt, %add3A_142, %lt3A_143 : i32
      %convert_element_type3A_145 = arith.extui %lt3A_144 : i1 to i32
      %cond3A_146 = arith.constant 0 : i32
      %cond3A_147 = arith.cmpi ne, %convert_element_type3A_145, %cond3A_146 : i32
      scf.if %cond3A_147 {
        %add3A_190 = arith.constant 3 : i32
        %add3A_191 = arith.addi %add3A_123, %add3A_190 : i32
        %dma_start3A_192 = arith.constant 0 : i32
        %dma_start3A_193 = arith.constant 0 : i32
        %dma_start3A_194 = tpu.memref_slice %arg5[%dma_start3A_192, %add3A_191, %dma_start3A_193] : memref<1x160x128xi32, #tpu.memory_space<vmem>> -> memref<1x1x128xi32, #tpu.memory_space<vmem>>
        %dma_start3A_195 = tpu.memref_squeeze %dma_start3A_194 : memref<1x1x128xi32, #tpu.memory_space<vmem>> -> memref<128xi32, #tpu.memory_space<vmem>>
        %dma_start3A_196 = arith.constant 0 : i32
        %dma_start3A_197 = arith.constant 0 : i32
        %dma_start3A_198 = tpu.memref_slice %arg2[%dma_start3A_196, %dma_start3A_197] : memref<10000x16xf32, #tpu.memory_space<hbm>> -> memref<10000x16xf32, #tpu.memory_space<hbm>>
        tpu.enqueue_indirect_dma source(%dma_start3A_198 : memref<10000x16xf32, #tpu.memory_space<hbm>>) target(%arg7 : memref<128x16xf32, #tpu.memory_space<vmem>>) offsets(%dma_start3A_195 : memref<128xi32, #tpu.memory_space<vmem>>) semaphore(%arg11 : memref<!tpu.dma_semaphore, #tpu.memory_space<semaphore_mem>>)
      } else {
      }
      %mul3A_148 = arith.constant 128 : i32
      %mul3A_149 = arith.muli %add3A_123, %mul3A_148 : i32
      %add3A_150 = arith.addi %mul3A_2, %mul3A_149 : i32
      %dma_start3A_151 = arith.constant 0 : i32
      %dma_start3A_152 = tpu.memref_slice %arg4[%add3A_150, %dma_start3A_151] : memref<655360x16xf32, #tpu.memory_space<hbm>> -> memref<128x16xf32, #tpu.memory_space<hbm>>
      %dma_start3A_153 = arith.constant 0 : i32
      %dma_start3A_154 = tpu.memref_slice %arg4[%add3A_150, %dma_start3A_153] : memref<655360x16xf32, #tpu.memory_space<hbm>> -> memref<128x16xf32, #tpu.memory_space<hbm>>
      tpu.enqueue_dma source(%arg8 : memref<128x16xf32, #tpu.memory_space<vmem>>) target(%dma_start3A_154 : memref<128x16xf32, #tpu.memory_space<hbm>>) target_semaphore(%arg16 : memref<!tpu.dma_semaphore, #tpu.memory_space<semaphore_mem>>)
      %mul3A_155 = arith.constant 4 : i32
      %mul3A_156 = arith.muli %mul3A_155, %scan3A_54 : i32
      %add3A_157 = arith.constant 3 : i32
      %add3A_158 = arith.addi %mul3A_156, %add3A_157 : i32
      %dma_wait3A_159 = arith.constant 0 : i32
      %dma_wait3A_160 = arith.constant 0 : i32
      %dma_wait3A_161 = tpu.memref_slice %arg5[%dma_wait3A_159, %add3A_158, %dma_wait3A_160] : memref<1x160x128xi32, #tpu.memory_space<vmem>> -> memref<1x1x128xi32, #tpu.memory_space<vmem>>
      %dma_wait3A_162 = tpu.memref_squeeze %dma_wait3A_161 : memref<1x1x128xi32, #tpu.memory_space<vmem>> -> memref<128xi32, #tpu.memory_space<vmem>>
      %dma_wait3A_163 = arith.constant 0 : i32
      %dma_wait3A_164 = arith.constant 0 : i32
      %dma_wait3A_165 = tpu.memref_slice %arg2[%dma_wait3A_163, %dma_wait3A_164] : memref<10000x16xf32, #tpu.memory_space<hbm>> -> memref<10000x16xf32, #tpu.memory_space<hbm>>
      tpu.wait_indirect_dma semaphore(%arg13 : memref<!tpu.dma_semaphore, #tpu.memory_space<semaphore_mem>>) src(%dma_wait3A_165 : memref<10000x16xf32, #tpu.memory_space<hbm>>) dst(%arg9 : memref<128x16xf32, #tpu.memory_space<vmem>>)
      %ge3A_166 = arith.constant 1 : i32
      %ge3A_167 = arith.cmpi sge, %add3A_158, %ge3A_166 : i32
      %add3A_168 = arith.constant 3 : i32
      %add3A_169 = arith.addi %add3A_158, %add3A_168 : i32
      %lt3A_170 = arith.constant 160 : i32
      %lt3A_171 = arith.cmpi slt, %add3A_169, %lt3A_170 : i32
      %and3A_172 = arith.andi %ge3A_167, %lt3A_171 : i1
      %convert_element_type3A_173 = arith.extui %and3A_172 : i1 to i32
      %cond3A_174 = arith.constant 0 : i32
      %cond3A_175 = arith.cmpi ne, %convert_element_type3A_173, %cond3A_174 : i32
      scf.if %cond3A_175 {
        %sub3A = arith.constant 1 : i32
        %sub3A_190 = arith.subi %add3A_158, %sub3A : i32
        %mul3A_191 = arith.constant 128 : i32
        %mul3A_192 = arith.muli %sub3A_190, %mul3A_191 : i32
        %add3A_193 = arith.addi %mul3A_2, %mul3A_192 : i32
        %dma_wait3A_194 = arith.constant 0 : i32
        %dma_wait3A_195 = tpu.memref_slice %arg4[%add3A_193, %dma_wait3A_194] : memref<655360x16xf32, #tpu.memory_space<hbm>> -> memref<128x16xf32, #tpu.memory_space<hbm>>
        %dma_wait3A_196 = arith.constant 0 : i32
        %dma_wait3A_197 = tpu.memref_slice %arg4[%add3A_193, %dma_wait3A_196] : memref<655360x16xf32, #tpu.memory_space<hbm>> -> memref<128x16xf32, #tpu.memory_space<hbm>>
        tpu.wait_dma2 semaphore(%arg16 : memref<!tpu.dma_semaphore, #tpu.memory_space<semaphore_mem>>) src(%arg8 : memref<128x16xf32, #tpu.memory_space<vmem>>) dst(%dma_wait3A_197 : memref<128x16xf32, #tpu.memory_space<hbm>>)
      } else {
      }
      %add3A_176 = arith.constant 3 : i32
      %add3A_177 = arith.addi %add3A_158, %add3A_176 : i32
      %lt3A_178 = arith.constant 160 : i32
      %lt3A_179 = arith.cmpi slt, %add3A_177, %lt3A_178 : i32
      %convert_element_type3A_180 = arith.extui %lt3A_179 : i1 to i32
      %cond3A_181 = arith.constant 0 : i32
      %cond3A_182 = arith.cmpi ne, %convert_element_type3A_180, %cond3A_181 : i32
      scf.if %cond3A_182 {
        %add3A_190 = arith.constant 3 : i32
        %add3A_191 = arith.addi %add3A_158, %add3A_190 : i32
        %dma_start3A_192 = arith.constant 0 : i32
        %dma_start3A_193 = arith.constant 0 : i32
        %dma_start3A_194 = tpu.memref_slice %arg5[%dma_start3A_192, %add3A_191, %dma_start3A_193] : memref<1x160x128xi32, #tpu.memory_space<vmem>> -> memref<1x1x128xi32, #tpu.memory_space<vmem>>
        %dma_start3A_195 = tpu.memref_squeeze %dma_start3A_194 : memref<1x1x128xi32, #tpu.memory_space<vmem>> -> memref<128xi32, #tpu.memory_space<vmem>>
        %dma_start3A_196 = arith.constant 0 : i32
        %dma_start3A_197 = arith.constant 0 : i32
        %dma_start3A_198 = tpu.memref_slice %arg2[%dma_start3A_196, %dma_start3A_197] : memref<10000x16xf32, #tpu.memory_space<hbm>> -> memref<10000x16xf32, #tpu.memory_space<hbm>>
        tpu.enqueue_indirect_dma source(%dma_start3A_198 : memref<10000x16xf32, #tpu.memory_space<hbm>>) target(%arg8 : memref<128x16xf32, #tpu.memory_space<vmem>>) offsets(%dma_start3A_195 : memref<128xi32, #tpu.memory_space<vmem>>) semaphore(%arg12 : memref<!tpu.dma_semaphore, #tpu.memory_space<semaphore_mem>>)
      } else {
      }
      %mul3A_183 = arith.constant 128 : i32
      %mul3A_184 = arith.muli %add3A_158, %mul3A_183 : i32
      %add3A_185 = arith.addi %mul3A_2, %mul3A_184 : i32
      %dma_start3A_186 = arith.constant 0 : i32
      %dma_start3A_187 = tpu.memref_slice %arg4[%add3A_185, %dma_start3A_186] : memref<655360x16xf32, #tpu.memory_space<hbm>> -> memref<128x16xf32, #tpu.memory_space<hbm>>
      %dma_start3A_188 = arith.constant 0 : i32
      %dma_start3A_189 = tpu.memref_slice %arg4[%add3A_185, %dma_start3A_188] : memref<655360x16xf32, #tpu.memory_space<hbm>> -> memref<128x16xf32, #tpu.memory_space<hbm>>
      tpu.enqueue_dma source(%arg9 : memref<128x16xf32, #tpu.memory_space<vmem>>) target(%dma_start3A_189 : memref<128x16xf32, #tpu.memory_space<hbm>>) target_semaphore(%arg17 : memref<!tpu.dma_semaphore, #tpu.memory_space<semaphore_mem>>)
    }
    %scan3A_30 = arith.constant 40 : i32
    %add3A_31 = arith.constant 19968 : i32
    %add3A_32 = arith.addi %mul3A_2, %add3A_31 : i32
    %dma_wait3A = arith.constant 0 : i32
    %dma_wait3A_33 = tpu.memref_slice %arg4[%add3A_32, %dma_wait3A] : memref<655360x16xf32, #tpu.memory_space<hbm>> -> memref<128x16xf32, #tpu.memory_space<hbm>>
    %dma_wait3A_34 = arith.constant 0 : i32
    %dma_wait3A_35 = tpu.memref_slice %arg4[%add3A_32, %dma_wait3A_34] : memref<655360x16xf32, #tpu.memory_space<hbm>> -> memref<128x16xf32, #tpu.memory_space<hbm>>
    tpu.wait_dma2 semaphore(%arg14 : memref<!tpu.dma_semaphore, #tpu.memory_space<semaphore_mem>>) src(%arg6 : memref<128x16xf32, #tpu.memory_space<vmem>>) dst(%dma_wait3A_35 : memref<128x16xf32, #tpu.memory_space<hbm>>)
    %add3A_36 = arith.constant 20096 : i32
    %add3A_37 = arith.addi %mul3A_2, %add3A_36 : i32
    %dma_wait3A_38 = arith.constant 0 : i32
    %dma_wait3A_39 = tpu.memref_slice %arg4[%add3A_37, %dma_wait3A_38] : memref<655360x16xf32, #tpu.memory_space<hbm>> -> memref<128x16xf32, #tpu.memory_space<hbm>>
    %dma_wait3A_40 = arith.constant 0 : i32
    %dma_wait3A_41 = tpu.memref_slice %arg4[%add3A_37, %dma_wait3A_40] : memref<655360x16xf32, #tpu.memory_space<hbm>> -> memref<128x16xf32, #tpu.memory_space<hbm>>
    tpu.wait_dma2 semaphore(%arg15 : memref<!tpu.dma_semaphore, #tpu.memory_space<semaphore_mem>>) src(%arg7 : memref<128x16xf32, #tpu.memory_space<vmem>>) dst(%dma_wait3A_41 : memref<128x16xf32, #tpu.memory_space<hbm>>)
    %add3A_42 = arith.constant 20224 : i32
    %add3A_43 = arith.addi %mul3A_2, %add3A_42 : i32
    %dma_wait3A_44 = arith.constant 0 : i32
    %dma_wait3A_45 = tpu.memref_slice %arg4[%add3A_43, %dma_wait3A_44] : memref<655360x16xf32, #tpu.memory_space<hbm>> -> memref<128x16xf32, #tpu.memory_space<hbm>>
    %dma_wait3A_46 = arith.constant 0 : i32
    %dma_wait3A_47 = tpu.memref_slice %arg4[%add3A_43, %dma_wait3A_46] : memref<655360x16xf32, #tpu.memory_space<hbm>> -> memref<128x16xf32, #tpu.memory_space<hbm>>
    tpu.wait_dma2 semaphore(%arg16 : memref<!tpu.dma_semaphore, #tpu.memory_space<semaphore_mem>>) src(%arg8 : memref<128x16xf32, #tpu.memory_space<vmem>>) dst(%dma_wait3A_47 : memref<128x16xf32, #tpu.memory_space<hbm>>)
    %add3A_48 = arith.constant 20352 : i32
    %add3A_49 = arith.addi %mul3A_2, %add3A_48 : i32
    %dma_wait3A_50 = arith.constant 0 : i32
    %dma_wait3A_51 = tpu.memref_slice %arg4[%add3A_49, %dma_wait3A_50] : memref<655360x16xf32, #tpu.memory_space<hbm>> -> memref<128x16xf32, #tpu.memory_space<hbm>>
    %dma_wait3A_52 = arith.constant 0 : i32
    %dma_wait3A_53 = tpu.memref_slice %arg4[%add3A_49, %dma_wait3A_52] : memref<655360x16xf32, #tpu.memory_space<hbm>> -> memref<128x16xf32, #tpu.memory_space<hbm>>
    tpu.wait_dma2 semaphore(%arg17 : memref<!tpu.dma_semaphore, #tpu.memory_space<semaphore_mem>>) src(%arg9 : memref<128x16xf32, #tpu.memory_space<vmem>>) dst(%dma_wait3A_53 : memref<128x16xf32, #tpu.memory_space<hbm>>)
    return
  }
}

#map = affine_map<(d0, d1) -> (0, 0)>
#map1 = affine_map<(d0, d1) -> (0, 0, 0)>
module attributes {stable_mosaic.version = 14 : i64} {
  func.func @scattr_k(%arg0: i32, %arg1: i32, %arg2: memref<163840x16xf32, #tpu.memory_space<hbm>>, %arg3: memref<32x40x128xi32, #tpu.memory_space<hbm>>, %arg4: memref<10016x16xf32, #tpu.memory_space<hbm>>, %arg5: memref<2x10016x16xf32, #tpu.memory_space<hbm>>, %arg6: memref<1x40x128xi32, #tpu.memory_space<vmem>>, %arg7: memref<128x16xf32, #tpu.memory_space<vmem>>, %arg8: memref<128x16xf32, #tpu.memory_space<vmem>>, %arg9: memref<!tpu.dma_semaphore, #tpu.memory_space<semaphore_mem>>, %arg10: memref<!tpu.dma_semaphore, #tpu.memory_space<semaphore_mem>>, %arg11: memref<!tpu.dma_semaphore, #tpu.memory_space<semaphore_mem>>, %arg12: memref<10016x16xf32, #tpu.memory_space<vmem_shared>>) attributes {dimension_semantics = [#tpu.dimension_semantics<core_parallel>, #tpu.dimension_semantics<subcore_parallel>], iteration_bounds = array<i64: 2, 16>, scalar_prefetch = 0 : i64, scratch_operands = 7 : i64, tpu.core_type = #tpu.core_type<sc_vector_subcore>, window_params = [{transform_indices = #map}, {transform_indices = #map1}, {transform_indices = #map}, {transform_indices = #map1}]} {
    %mul3A = arith.constant 16 : i32
    %mul3A_0 = arith.muli %arg0, %mul3A : i32
    %add3A = arith.addi %mul3A_0, %arg1 : i32
    %mul3A_1 = arith.constant 626 : i32
    %mul3A_2 = arith.muli %arg1, %mul3A_1 : i32
    "tpu.region"() ({
      %run_scoped3A = tpu.sem_alloc : memref<!tpu.dma_semaphore, #tpu.memory_space<semaphore_mem>>
      %dma_start3A_17 = arith.constant 0 : i32
      %dma_start3A_18 = tpu.memref_slice %arg12[%mul3A_2, %dma_start3A_17] : memref<10016x16xf32, #tpu.memory_space<vmem_shared>> -> memref<626x16xf32, #tpu.memory_space<vmem_shared>>
      %dma_start3A_19 = arith.constant 0 : i32
      %dma_start3A_20 = tpu.memref_slice %arg4[%mul3A_2, %dma_start3A_19] : memref<10016x16xf32, #tpu.memory_space<hbm>> -> memref<626x16xf32, #tpu.memory_space<hbm>>
      tpu.enqueue_dma source(%dma_start3A_20 : memref<626x16xf32, #tpu.memory_space<hbm>>) target(%dma_start3A_18 : memref<626x16xf32, #tpu.memory_space<vmem_shared>>) target_semaphore(%run_scoped3A : memref<!tpu.dma_semaphore, #tpu.memory_space<semaphore_mem>>)
      %dma_wait3A = arith.constant 0 : i32
      %dma_wait3A_21 = tpu.memref_slice %arg12[%mul3A_2, %dma_wait3A] : memref<10016x16xf32, #tpu.memory_space<vmem_shared>> -> memref<626x16xf32, #tpu.memory_space<vmem_shared>>
      %dma_wait3A_22 = arith.constant 0 : i32
      %dma_wait3A_23 = tpu.memref_slice %arg4[%mul3A_2, %dma_wait3A_22] : memref<10016x16xf32, #tpu.memory_space<hbm>> -> memref<626x16xf32, #tpu.memory_space<hbm>>
      tpu.wait_dma2 semaphore(%run_scoped3A : memref<!tpu.dma_semaphore, #tpu.memory_space<semaphore_mem>>) src(%dma_wait3A_23 : memref<626x16xf32, #tpu.memory_space<hbm>>) dst(%dma_wait3A_21 : memref<626x16xf32, #tpu.memory_space<vmem_shared>>)
      tpu.yield
    }) : () -> ()
    %barrier3A = arith.constant 0 : index
    tpu.barrier barrier_id(%barrier3A)
    %mul3A_3 = arith.constant 81920 : i32
    %mul3A_4 = arith.muli %arg0, %mul3A_3 : i32
    %mul3A_5 = arith.constant 5120 : i32
    %mul3A_6 = arith.muli %arg1, %mul3A_5 : i32
    %add3A_7 = arith.addi %mul3A_4, %mul3A_6 : i32
    "tpu.region"() ({
      %run_scoped3A = tpu.sem_alloc : memref<!tpu.dma_semaphore, #tpu.memory_space<semaphore_mem>>
      %dma_start3A_17 = arith.constant 0 : i32
      %dma_start3A_18 = arith.constant 0 : i32
      %dma_start3A_19 = tpu.memref_slice %arg3[%add3A, %dma_start3A_17, %dma_start3A_18] : memref<32x40x128xi32, #tpu.memory_space<hbm>> -> memref<1x40x128xi32, #tpu.memory_space<hbm>>
      %dma_start3A_20 = arith.constant 0 : i32
      %dma_start3A_21 = arith.constant 0 : i32
      %dma_start3A_22 = tpu.memref_slice %arg3[%add3A, %dma_start3A_20, %dma_start3A_21] : memref<32x40x128xi32, #tpu.memory_space<hbm>> -> memref<1x40x128xi32, #tpu.memory_space<hbm>>
      tpu.enqueue_dma source(%dma_start3A_22 : memref<1x40x128xi32, #tpu.memory_space<hbm>>) target(%arg6 : memref<1x40x128xi32, #tpu.memory_space<vmem>>) target_semaphore(%run_scoped3A : memref<!tpu.dma_semaphore, #tpu.memory_space<semaphore_mem>>)
      %dma_wait3A = arith.constant 0 : i32
      %dma_wait3A_23 = arith.constant 0 : i32
      %dma_wait3A_24 = tpu.memref_slice %arg3[%add3A, %dma_wait3A, %dma_wait3A_23] : memref<32x40x128xi32, #tpu.memory_space<hbm>> -> memref<1x40x128xi32, #tpu.memory_space<hbm>>
      %dma_wait3A_25 = arith.constant 0 : i32
      %dma_wait3A_26 = arith.constant 0 : i32
      %dma_wait3A_27 = tpu.memref_slice %arg3[%add3A, %dma_wait3A_25, %dma_wait3A_26] : memref<32x40x128xi32, #tpu.memory_space<hbm>> -> memref<1x40x128xi32, #tpu.memory_space<hbm>>
      tpu.wait_dma2 semaphore(%run_scoped3A : memref<!tpu.dma_semaphore, #tpu.memory_space<semaphore_mem>>) src(%dma_wait3A_27 : memref<1x40x128xi32, #tpu.memory_space<hbm>>) dst(%arg6 : memref<1x40x128xi32, #tpu.memory_space<vmem>>)
      tpu.yield
    }) : () -> ()
    %dma_start3A = arith.constant 0 : i32
    %dma_start3A_8 = tpu.memref_slice %arg2[%add3A_7, %dma_start3A] : memref<163840x16xf32, #tpu.memory_space<hbm>> -> memref<128x16xf32, #tpu.memory_space<hbm>>
    %dma_start3A_9 = arith.constant 0 : i32
    %dma_start3A_10 = tpu.memref_slice %arg2[%add3A_7, %dma_start3A_9] : memref<163840x16xf32, #tpu.memory_space<hbm>> -> memref<128x16xf32, #tpu.memory_space<hbm>>
    tpu.enqueue_dma source(%dma_start3A_10 : memref<128x16xf32, #tpu.memory_space<hbm>>) target(%arg7 : memref<128x16xf32, #tpu.memory_space<vmem>>) target_semaphore(%arg9 : memref<!tpu.dma_semaphore, #tpu.memory_space<semaphore_mem>>)
    %scan3A = arith.constant 0 : i32
    %scan3A_11 = arith.constant 0 : i32
    %scan3A_12 = arith.constant 20 : i32
    %scan3A_13 = arith.addi %scan3A_11, %scan3A_12 : i32
    %scan3A_14 = arith.constant 1 : i32
    scf.for %scan3A_17 = %scan3A_11 to %scan3A_13 step %scan3A_14  : i32 {
      %mul3A_18 = arith.constant 2 : i32
      %mul3A_19 = arith.muli %mul3A_18, %scan3A_17 : i32
      %add3A_20 = arith.constant 0 : i32
      %add3A_21 = arith.addi %mul3A_19, %add3A_20 : i32
      %mul3A_22 = arith.constant 128 : i32
      %mul3A_23 = arith.muli %add3A_21, %mul3A_22 : i32
      %add3A_24 = arith.addi %add3A_7, %mul3A_23 : i32
      %dma_wait3A = arith.constant 0 : i32
      %dma_wait3A_25 = tpu.memref_slice %arg2[%add3A_24, %dma_wait3A] : memref<163840x16xf32, #tpu.memory_space<hbm>> -> memref<128x16xf32, #tpu.memory_space<hbm>>
      %dma_wait3A_26 = arith.constant 0 : i32
      %dma_wait3A_27 = tpu.memref_slice %arg2[%add3A_24, %dma_wait3A_26] : memref<163840x16xf32, #tpu.memory_space<hbm>> -> memref<128x16xf32, #tpu.memory_space<hbm>>
      tpu.wait_dma2 semaphore(%arg9 : memref<!tpu.dma_semaphore, #tpu.memory_space<semaphore_mem>>) src(%dma_wait3A_27 : memref<128x16xf32, #tpu.memory_space<hbm>>) dst(%arg7 : memref<128x16xf32, #tpu.memory_space<vmem>>)
      %add3A_28 = arith.constant 1 : i32
      %add3A_29 = arith.addi %add3A_21, %add3A_28 : i32
      %lt3A = arith.constant 40 : i32
      %lt3A_30 = arith.cmpi slt, %add3A_29, %lt3A : i32
      %convert_element_type3A = arith.extui %lt3A_30 : i1 to i32
      %cond3A = arith.constant 0 : i32
      %cond3A_31 = arith.cmpi ne, %convert_element_type3A, %cond3A : i32
      scf.if %cond3A_31 {
        %add3A_51 = arith.constant 1 : i32
        %add3A_52 = arith.addi %add3A_21, %add3A_51 : i32
        %mul3A_53 = arith.constant 128 : i32
        %mul3A_54 = arith.muli %add3A_52, %mul3A_53 : i32
        %add3A_55 = arith.addi %add3A_7, %mul3A_54 : i32
        %dma_start3A_56 = arith.constant 0 : i32
        %dma_start3A_57 = tpu.memref_slice %arg2[%add3A_55, %dma_start3A_56] : memref<163840x16xf32, #tpu.memory_space<hbm>> -> memref<128x16xf32, #tpu.memory_space<hbm>>
        %dma_start3A_58 = arith.constant 0 : i32
        %dma_start3A_59 = tpu.memref_slice %arg2[%add3A_55, %dma_start3A_58] : memref<163840x16xf32, #tpu.memory_space<hbm>> -> memref<128x16xf32, #tpu.memory_space<hbm>>
        tpu.enqueue_dma source(%dma_start3A_59 : memref<128x16xf32, #tpu.memory_space<hbm>>) target(%arg8 : memref<128x16xf32, #tpu.memory_space<vmem>>) target_semaphore(%arg10 : memref<!tpu.dma_semaphore, #tpu.memory_space<semaphore_mem>>)
      } else {
      }
      %run_scoped3A = arith.constant 0 : i32
      "tpu.region"() ({
        %run_scoped3A_51 = tpu.sem_alloc : memref<!tpu.dma_semaphore, #tpu.memory_space<semaphore_mem>>
        %dma_start3A_52 = arith.constant 0 : i32
        %dma_start3A_53 = tpu.memref_slice %arg6[%run_scoped3A, %add3A_21, %dma_start3A_52] : memref<1x40x128xi32, #tpu.memory_space<vmem>> -> memref<1x1x128xi32, #tpu.memory_space<vmem>>
        %dma_start3A_54 = tpu.memref_squeeze %dma_start3A_53 : memref<1x1x128xi32, #tpu.memory_space<vmem>> -> memref<128xi32, #tpu.memory_space<vmem>>
        %dma_start3A_55 = arith.constant 0 : i32
        %dma_start3A_56 = arith.constant 0 : i32
        %dma_start3A_57 = tpu.memref_slice %arg12[%dma_start3A_55, %dma_start3A_56] : memref<10016x16xf32, #tpu.memory_space<vmem_shared>> -> memref<10016x16xf32, #tpu.memory_space<vmem_shared>>
        tpu.enqueue_indirect_dma source(%arg7 : memref<128x16xf32, #tpu.memory_space<vmem>>) target(%dma_start3A_57 : memref<10016x16xf32, #tpu.memory_space<vmem_shared>>) offsets(%dma_start3A_54 : memref<128xi32, #tpu.memory_space<vmem>>) semaphore(%run_scoped3A_51 : memref<!tpu.dma_semaphore, #tpu.memory_space<semaphore_mem>>) {add = true}
        %dma_wait3A_58 = arith.constant 0 : i32
        %dma_wait3A_59 = tpu.memref_slice %arg6[%run_scoped3A, %add3A_21, %dma_wait3A_58] : memref<1x40x128xi32, #tpu.memory_space<vmem>> -> memref<1x1x128xi32, #tpu.memory_space<vmem>>
        %dma_wait3A_60 = tpu.memref_squeeze %dma_wait3A_59 : memref<1x1x128xi32, #tpu.memory_space<vmem>> -> memref<128xi32, #tpu.memory_space<vmem>>
        %dma_wait3A_61 = arith.constant 0 : i32
        %dma_wait3A_62 = arith.constant 0 : i32
        %dma_wait3A_63 = tpu.memref_slice %arg12[%dma_wait3A_61, %dma_wait3A_62] : memref<10016x16xf32, #tpu.memory_space<vmem_shared>> -> memref<10016x16xf32, #tpu.memory_space<vmem_shared>>
        tpu.wait_indirect_dma semaphore(%run_scoped3A_51 : memref<!tpu.dma_semaphore, #tpu.memory_space<semaphore_mem>>) src(%arg7 : memref<128x16xf32, #tpu.memory_space<vmem>>) dst(%dma_wait3A_63 : memref<10016x16xf32, #tpu.memory_space<vmem_shared>>)
        tpu.yield
      }) : () -> ()
      %mul3A_32 = arith.constant 2 : i32
      %mul3A_33 = arith.muli %mul3A_32, %scan3A_17 : i32
      %add3A_34 = arith.constant 1 : i32
      %add3A_35 = arith.addi %mul3A_33, %add3A_34 : i32
      %mul3A_36 = arith.constant 128 : i32
      %mul3A_37 = arith.muli %add3A_35, %mul3A_36 : i32
      %add3A_38 = arith.addi %add3A_7, %mul3A_37 : i32
      %dma_wait3A_39 = arith.constant 0 : i32
      %dma_wait3A_40 = tpu.memref_slice %arg2[%add3A_38, %dma_wait3A_39] : memref<163840x16xf32, #tpu.memory_space<hbm>> -> memref<128x16xf32, #tpu.memory_space<hbm>>
      %dma_wait3A_41 = arith.constant 0 : i32
      %dma_wait3A_42 = tpu.memref_slice %arg2[%add3A_38, %dma_wait3A_41] : memref<163840x16xf32, #tpu.memory_space<hbm>> -> memref<128x16xf32, #tpu.memory_space<hbm>>
      tpu.wait_dma2 semaphore(%arg10 : memref<!tpu.dma_semaphore, #tpu.memory_space<semaphore_mem>>) src(%dma_wait3A_42 : memref<128x16xf32, #tpu.memory_space<hbm>>) dst(%arg8 : memref<128x16xf32, #tpu.memory_space<vmem>>)
      %add3A_43 = arith.constant 1 : i32
      %add3A_44 = arith.addi %add3A_35, %add3A_43 : i32
      %lt3A_45 = arith.constant 40 : i32
      %lt3A_46 = arith.cmpi slt, %add3A_44, %lt3A_45 : i32
      %convert_element_type3A_47 = arith.extui %lt3A_46 : i1 to i32
      %cond3A_48 = arith.constant 0 : i32
      %cond3A_49 = arith.cmpi ne, %convert_element_type3A_47, %cond3A_48 : i32
      scf.if %cond3A_49 {
        %add3A_51 = arith.constant 1 : i32
        %add3A_52 = arith.addi %add3A_35, %add3A_51 : i32
        %mul3A_53 = arith.constant 128 : i32
        %mul3A_54 = arith.muli %add3A_52, %mul3A_53 : i32
        %add3A_55 = arith.addi %add3A_7, %mul3A_54 : i32
        %dma_start3A_56 = arith.constant 0 : i32
        %dma_start3A_57 = tpu.memref_slice %arg2[%add3A_55, %dma_start3A_56] : memref<163840x16xf32, #tpu.memory_space<hbm>> -> memref<128x16xf32, #tpu.memory_space<hbm>>
        %dma_start3A_58 = arith.constant 0 : i32
        %dma_start3A_59 = tpu.memref_slice %arg2[%add3A_55, %dma_start3A_58] : memref<163840x16xf32, #tpu.memory_space<hbm>> -> memref<128x16xf32, #tpu.memory_space<hbm>>
        tpu.enqueue_dma source(%dma_start3A_59 : memref<128x16xf32, #tpu.memory_space<hbm>>) target(%arg7 : memref<128x16xf32, #tpu.memory_space<vmem>>) target_semaphore(%arg9 : memref<!tpu.dma_semaphore, #tpu.memory_space<semaphore_mem>>)
      } else {
      }
      %run_scoped3A_50 = arith.constant 0 : i32
      "tpu.region"() ({
        %run_scoped3A_51 = tpu.sem_alloc : memref<!tpu.dma_semaphore, #tpu.memory_space<semaphore_mem>>
        %dma_start3A_52 = arith.constant 0 : i32
        %dma_start3A_53 = tpu.memref_slice %arg6[%run_scoped3A_50, %add3A_35, %dma_start3A_52] : memref<1x40x128xi32, #tpu.memory_space<vmem>> -> memref<1x1x128xi32, #tpu.memory_space<vmem>>
        %dma_start3A_54 = tpu.memref_squeeze %dma_start3A_53 : memref<1x1x128xi32, #tpu.memory_space<vmem>> -> memref<128xi32, #tpu.memory_space<vmem>>
        %dma_start3A_55 = arith.constant 0 : i32
        %dma_start3A_56 = arith.constant 0 : i32
        %dma_start3A_57 = tpu.memref_slice %arg12[%dma_start3A_55, %dma_start3A_56] : memref<10016x16xf32, #tpu.memory_space<vmem_shared>> -> memref<10016x16xf32, #tpu.memory_space<vmem_shared>>
        tpu.enqueue_indirect_dma source(%arg8 : memref<128x16xf32, #tpu.memory_space<vmem>>) target(%dma_start3A_57 : memref<10016x16xf32, #tpu.memory_space<vmem_shared>>) offsets(%dma_start3A_54 : memref<128xi32, #tpu.memory_space<vmem>>) semaphore(%run_scoped3A_51 : memref<!tpu.dma_semaphore, #tpu.memory_space<semaphore_mem>>) {add = true}
        %dma_wait3A_58 = arith.constant 0 : i32
        %dma_wait3A_59 = tpu.memref_slice %arg6[%run_scoped3A_50, %add3A_35, %dma_wait3A_58] : memref<1x40x128xi32, #tpu.memory_space<vmem>> -> memref<1x1x128xi32, #tpu.memory_space<vmem>>
        %dma_wait3A_60 = tpu.memref_squeeze %dma_wait3A_59 : memref<1x1x128xi32, #tpu.memory_space<vmem>> -> memref<128xi32, #tpu.memory_space<vmem>>
        %dma_wait3A_61 = arith.constant 0 : i32
        %dma_wait3A_62 = arith.constant 0 : i32
        %dma_wait3A_63 = tpu.memref_slice %arg12[%dma_wait3A_61, %dma_wait3A_62] : memref<10016x16xf32, #tpu.memory_space<vmem_shared>> -> memref<10016x16xf32, #tpu.memory_space<vmem_shared>>
        tpu.wait_indirect_dma semaphore(%run_scoped3A_51 : memref<!tpu.dma_semaphore, #tpu.memory_space<semaphore_mem>>) src(%arg8 : memref<128x16xf32, #tpu.memory_space<vmem>>) dst(%dma_wait3A_63 : memref<10016x16xf32, #tpu.memory_space<vmem_shared>>)
        tpu.yield
      }) : () -> ()
    }
    %scan3A_15 = arith.constant 20 : i32
    %barrier3A_16 = arith.constant 0 : index
    tpu.barrier barrier_id(%barrier3A_16)
    "tpu.region"() ({
      %run_scoped3A = tpu.sem_alloc : memref<!tpu.dma_semaphore, #tpu.memory_space<semaphore_mem>>
      %dma_start3A_17 = arith.constant 0 : i32
      %dma_start3A_18 = arith.constant 0 : i32
      %dma_start3A_19 = tpu.memref_slice %arg5[%arg0, %dma_start3A_17, %dma_start3A_18] : memref<2x10016x16xf32, #tpu.memory_space<hbm>> -> memref<1x10016x16xf32, #tpu.memory_space<hbm>>
      %dma_start3A_20 = tpu.memref_squeeze %dma_start3A_19 : memref<1x10016x16xf32, #tpu.memory_space<hbm>> -> memref<10016x16xf32, #tpu.memory_space<hbm>>
      %dma_start3A_21 = arith.constant 0 : i32
      %dma_start3A_22 = tpu.memref_slice %dma_start3A_20[%mul3A_2, %dma_start3A_21] : memref<10016x16xf32, #tpu.memory_space<hbm>> -> memref<626x16xf32, #tpu.memory_space<hbm>>
      %dma_start3A_23 = arith.constant 0 : i32
      %dma_start3A_24 = tpu.memref_slice %arg12[%mul3A_2, %dma_start3A_23] : memref<10016x16xf32, #tpu.memory_space<vmem_shared>> -> memref<626x16xf32, #tpu.memory_space<vmem_shared>>
      tpu.enqueue_dma source(%dma_start3A_24 : memref<626x16xf32, #tpu.memory_space<vmem_shared>>) target(%dma_start3A_22 : memref<626x16xf32, #tpu.memory_space<hbm>>) target_semaphore(%run_scoped3A : memref<!tpu.dma_semaphore, #tpu.memory_space<semaphore_mem>>)
      %dma_wait3A = arith.constant 0 : i32
      %dma_wait3A_25 = arith.constant 0 : i32
      %dma_wait3A_26 = tpu.memref_slice %arg5[%arg0, %dma_wait3A, %dma_wait3A_25] : memref<2x10016x16xf32, #tpu.memory_space<hbm>> -> memref<1x10016x16xf32, #tpu.memory_space<hbm>>
      %dma_wait3A_27 = tpu.memref_squeeze %dma_wait3A_26 : memref<1x10016x16xf32, #tpu.memory_space<hbm>> -> memref<10016x16xf32, #tpu.memory_space<hbm>>
      %dma_wait3A_28 = arith.constant 0 : i32
      %dma_wait3A_29 = tpu.memref_slice %dma_wait3A_27[%mul3A_2, %dma_wait3A_28] : memref<10016x16xf32, #tpu.memory_space<hbm>> -> memref<626x16xf32, #tpu.memory_space<hbm>>
      %dma_wait3A_30 = arith.constant 0 : i32
      %dma_wait3A_31 = tpu.memref_slice %arg12[%mul3A_2, %dma_wait3A_30] : memref<10016x16xf32, #tpu.memory_space<vmem_shared>> -> memref<626x16xf32, #tpu.memory_space<vmem_shared>>
      tpu.wait_dma2 semaphore(%run_scoped3A : memref<!tpu.dma_semaphore, #tpu.memory_space<semaphore_mem>>) src(%dma_wait3A_31 : memref<626x16xf32, #tpu.memory_space<vmem_shared>>) dst(%dma_wait3A_29 : memref<626x16xf32, #tpu.memory_space<hbm>>)
      tpu.yield
    }) : () -> ()
    return
  }
}

#map = affine_map<(d0, d1) -> (0, 0)>
#map1 = affine_map<(d0, d1) -> (0, 0, 0)>
module attributes {stable_mosaic.version = 14 : i64} {
  func.func @gather_k(%arg0: i32, %arg1: i32, %arg2: memref<20000x128xf32, #tpu.memory_space<hbm>>, %arg3: memref<32x80x128xi32, #tpu.memory_space<hbm>>, %arg4: memref<327680x128xf32, #tpu.memory_space<hbm>>, %arg5: memref<1x80x128xi32, #tpu.memory_space<vmem>>, %arg6: memref<128x128xf32, #tpu.memory_space<vmem>>, %arg7: memref<128x128xf32, #tpu.memory_space<vmem>>, %arg8: memref<128x128xf32, #tpu.memory_space<vmem>>, %arg9: memref<128x128xf32, #tpu.memory_space<vmem>>, %arg10: memref<!tpu.dma_semaphore, #tpu.memory_space<semaphore_mem>>, %arg11: memref<!tpu.dma_semaphore, #tpu.memory_space<semaphore_mem>>, %arg12: memref<!tpu.dma_semaphore, #tpu.memory_space<semaphore_mem>>, %arg13: memref<!tpu.dma_semaphore, #tpu.memory_space<semaphore_mem>>, %arg14: memref<!tpu.dma_semaphore, #tpu.memory_space<semaphore_mem>>, %arg15: memref<!tpu.dma_semaphore, #tpu.memory_space<semaphore_mem>>, %arg16: memref<!tpu.dma_semaphore, #tpu.memory_space<semaphore_mem>>, %arg17: memref<!tpu.dma_semaphore, #tpu.memory_space<semaphore_mem>>) attributes {dimension_semantics = [#tpu.dimension_semantics<core_parallel>, #tpu.dimension_semantics<subcore_parallel>], iteration_bounds = array<i64: 2, 16>, scalar_prefetch = 0 : i64, scratch_operands = 13 : i64, tpu.core_type = #tpu.core_type<sc_vector_subcore>, window_params = [{transform_indices = #map}, {transform_indices = #map1}, {transform_indices = #map}]} {
    %mul3A = arith.constant 16 : i32
    %mul3A_0 = arith.muli %arg0, %mul3A : i32
    %add3A = arith.addi %mul3A_0, %arg1 : i32
    %mul3A_1 = arith.constant 10240 : i32
    %mul3A_2 = arith.muli %add3A, %mul3A_1 : i32
    "tpu.region"() ({
      %run_scoped3A = tpu.sem_alloc : memref<!tpu.dma_semaphore, #tpu.memory_space<semaphore_mem>>
      %dma_start3A_54 = arith.constant 0 : i32
      %dma_start3A_55 = arith.constant 0 : i32
      %dma_start3A_56 = tpu.memref_slice %arg3[%add3A, %dma_start3A_54, %dma_start3A_55] : memref<32x80x128xi32, #tpu.memory_space<hbm>> -> memref<1x80x128xi32, #tpu.memory_space<hbm>>
      %dma_start3A_57 = arith.constant 0 : i32
      %dma_start3A_58 = arith.constant 0 : i32
      %dma_start3A_59 = tpu.memref_slice %arg3[%add3A, %dma_start3A_57, %dma_start3A_58] : memref<32x80x128xi32, #tpu.memory_space<hbm>> -> memref<1x80x128xi32, #tpu.memory_space<hbm>>
      tpu.enqueue_dma source(%dma_start3A_59 : memref<1x80x128xi32, #tpu.memory_space<hbm>>) target(%arg5 : memref<1x80x128xi32, #tpu.memory_space<vmem>>) target_semaphore(%run_scoped3A : memref<!tpu.dma_semaphore, #tpu.memory_space<semaphore_mem>>)
      %dma_wait3A_60 = arith.constant 0 : i32
      %dma_wait3A_61 = arith.constant 0 : i32
      %dma_wait3A_62 = tpu.memref_slice %arg3[%add3A, %dma_wait3A_60, %dma_wait3A_61] : memref<32x80x128xi32, #tpu.memory_space<hbm>> -> memref<1x80x128xi32, #tpu.memory_space<hbm>>
      %dma_wait3A_63 = arith.constant 0 : i32
      %dma_wait3A_64 = arith.constant 0 : i32
      %dma_wait3A_65 = tpu.memref_slice %arg3[%add3A, %dma_wait3A_63, %dma_wait3A_64] : memref<32x80x128xi32, #tpu.memory_space<hbm>> -> memref<1x80x128xi32, #tpu.memory_space<hbm>>
      tpu.wait_dma2 semaphore(%run_scoped3A : memref<!tpu.dma_semaphore, #tpu.memory_space<semaphore_mem>>) src(%dma_wait3A_65 : memref<1x80x128xi32, #tpu.memory_space<hbm>>) dst(%arg5 : memref<1x80x128xi32, #tpu.memory_space<vmem>>)
      tpu.yield
    }) : () -> ()
    %dma_start3A = arith.constant 0 : i32
    %dma_start3A_3 = arith.constant 0 : i32
    %dma_start3A_4 = arith.constant 0 : i32
    %dma_start3A_5 = tpu.memref_slice %arg5[%dma_start3A, %dma_start3A_3, %dma_start3A_4] : memref<1x80x128xi32, #tpu.memory_space<vmem>> -> memref<1x1x128xi32, #tpu.memory_space<vmem>>
    %dma_start3A_6 = tpu.memref_squeeze %dma_start3A_5 : memref<1x1x128xi32, #tpu.memory_space<vmem>> -> memref<128xi32, #tpu.memory_space<vmem>>
    %dma_start3A_7 = arith.constant 0 : i32
    %dma_start3A_8 = arith.constant 0 : i32
    %dma_start3A_9 = tpu.memref_slice %arg2[%dma_start3A_7, %dma_start3A_8] : memref<20000x128xf32, #tpu.memory_space<hbm>> -> memref<20000x128xf32, #tpu.memory_space<hbm>>
    tpu.enqueue_indirect_dma source(%dma_start3A_9 : memref<20000x128xf32, #tpu.memory_space<hbm>>) target(%arg6 : memref<128x128xf32, #tpu.memory_space<vmem>>) offsets(%dma_start3A_6 : memref<128xi32, #tpu.memory_space<vmem>>) semaphore(%arg10 : memref<!tpu.dma_semaphore, #tpu.memory_space<semaphore_mem>>)
    %dma_start3A_10 = arith.constant 0 : i32
    %dma_start3A_11 = arith.constant 1 : i32
    %dma_start3A_12 = arith.constant 0 : i32
    %dma_start3A_13 = tpu.memref_slice %arg5[%dma_start3A_10, %dma_start3A_11, %dma_start3A_12] : memref<1x80x128xi32, #tpu.memory_space<vmem>> -> memref<1x1x128xi32, #tpu.memory_space<vmem>>
    %dma_start3A_14 = tpu.memref_squeeze %dma_start3A_13 : memref<1x1x128xi32, #tpu.memory_space<vmem>> -> memref<128xi32, #tpu.memory_space<vmem>>
    %dma_start3A_15 = arith.constant 0 : i32
    %dma_start3A_16 = arith.constant 0 : i32
    %dma_start3A_17 = tpu.memref_slice %arg2[%dma_start3A_15, %dma_start3A_16] : memref<20000x128xf32, #tpu.memory_space<hbm>> -> memref<20000x128xf32, #tpu.memory_space<hbm>>
    tpu.enqueue_indirect_dma source(%dma_start3A_17 : memref<20000x128xf32, #tpu.memory_space<hbm>>) target(%arg7 : memref<128x128xf32, #tpu.memory_space<vmem>>) offsets(%dma_start3A_14 : memref<128xi32, #tpu.memory_space<vmem>>) semaphore(%arg11 : memref<!tpu.dma_semaphore, #tpu.memory_space<semaphore_mem>>)
    %dma_start3A_18 = arith.constant 0 : i32
    %dma_start3A_19 = arith.constant 2 : i32
    %dma_start3A_20 = arith.constant 0 : i32
    %dma_start3A_21 = tpu.memref_slice %arg5[%dma_start3A_18, %dma_start3A_19, %dma_start3A_20] : memref<1x80x128xi32, #tpu.memory_space<vmem>> -> memref<1x1x128xi32, #tpu.memory_space<vmem>>
    %dma_start3A_22 = tpu.memref_squeeze %dma_start3A_21 : memref<1x1x128xi32, #tpu.memory_space<vmem>> -> memref<128xi32, #tpu.memory_space<vmem>>
    %dma_start3A_23 = arith.constant 0 : i32
    %dma_start3A_24 = arith.constant 0 : i32
    %dma_start3A_25 = tpu.memref_slice %arg2[%dma_start3A_23, %dma_start3A_24] : memref<20000x128xf32, #tpu.memory_space<hbm>> -> memref<20000x128xf32, #tpu.memory_space<hbm>>
    tpu.enqueue_indirect_dma source(%dma_start3A_25 : memref<20000x128xf32, #tpu.memory_space<hbm>>) target(%arg8 : memref<128x128xf32, #tpu.memory_space<vmem>>) offsets(%dma_start3A_22 : memref<128xi32, #tpu.memory_space<vmem>>) semaphore(%arg12 : memref<!tpu.dma_semaphore, #tpu.memory_space<semaphore_mem>>)
    %scan3A = arith.constant 0 : i32
    %scan3A_26 = arith.constant 0 : i32
    %scan3A_27 = arith.constant 20 : i32
    %scan3A_28 = arith.addi %scan3A_26, %scan3A_27 : i32
    %scan3A_29 = arith.constant 1 : i32
    scf.for %scan3A_54 = %scan3A_26 to %scan3A_28 step %scan3A_29  : i32 {
      %mul3A_55 = arith.constant 4 : i32
      %mul3A_56 = arith.muli %mul3A_55, %scan3A_54 : i32
      %add3A_57 = arith.constant 0 : i32
      %add3A_58 = arith.addi %mul3A_56, %add3A_57 : i32
      %dma_wait3A_59 = arith.constant 0 : i32
      %dma_wait3A_60 = arith.constant 0 : i32
      %dma_wait3A_61 = tpu.memref_slice %arg5[%dma_wait3A_59, %add3A_58, %dma_wait3A_60] : memref<1x80x128xi32, #tpu.memory_space<vmem>> -> memref<1x1x128xi32, #tpu.memory_space<vmem>>
      %dma_wait3A_62 = tpu.memref_squeeze %dma_wait3A_61 : memref<1x1x128xi32, #tpu.memory_space<vmem>> -> memref<128xi32, #tpu.memory_space<vmem>>
      %dma_wait3A_63 = arith.constant 0 : i32
      %dma_wait3A_64 = arith.constant 0 : i32
      %dma_wait3A_65 = tpu.memref_slice %arg2[%dma_wait3A_63, %dma_wait3A_64] : memref<20000x128xf32, #tpu.memory_space<hbm>> -> memref<20000x128xf32, #tpu.memory_space<hbm>>
      tpu.wait_indirect_dma semaphore(%arg10 : memref<!tpu.dma_semaphore, #tpu.memory_space<semaphore_mem>>) src(%dma_wait3A_65 : memref<20000x128xf32, #tpu.memory_space<hbm>>) dst(%arg6 : memref<128x128xf32, #tpu.memory_space<vmem>>)
      %ge3A = arith.constant 1 : i32
      %ge3A_66 = arith.cmpi sge, %add3A_58, %ge3A : i32
      %add3A_67 = arith.constant 3 : i32
      %add3A_68 = arith.addi %add3A_58, %add3A_67 : i32
      %lt3A = arith.constant 80 : i32
      %lt3A_69 = arith.cmpi slt, %add3A_68, %lt3A : i32
      %and3A = arith.andi %ge3A_66, %lt3A_69 : i1
      %convert_element_type3A = arith.extui %and3A : i1 to i32
      %cond3A = arith.constant 0 : i32
      %cond3A_70 = arith.cmpi ne, %convert_element_type3A, %cond3A : i32
      scf.if %cond3A_70 {
        %sub3A = arith.constant 1 : i32
        %sub3A_190 = arith.subi %add3A_58, %sub3A : i32
        %mul3A_191 = arith.constant 128 : i32
        %mul3A_192 = arith.muli %sub3A_190, %mul3A_191 : i32
        %add3A_193 = arith.addi %mul3A_2, %mul3A_192 : i32
        %dma_wait3A_194 = arith.constant 0 : i32
        %dma_wait3A_195 = tpu.memref_slice %arg4[%add3A_193, %dma_wait3A_194] : memref<327680x128xf32, #tpu.memory_space<hbm>> -> memref<128x128xf32, #tpu.memory_space<hbm>>
        %dma_wait3A_196 = arith.constant 0 : i32
        %dma_wait3A_197 = tpu.memref_slice %arg4[%add3A_193, %dma_wait3A_196] : memref<327680x128xf32, #tpu.memory_space<hbm>> -> memref<128x128xf32, #tpu.memory_space<hbm>>
        tpu.wait_dma2 semaphore(%arg17 : memref<!tpu.dma_semaphore, #tpu.memory_space<semaphore_mem>>) src(%arg9 : memref<128x128xf32, #tpu.memory_space<vmem>>) dst(%dma_wait3A_197 : memref<128x128xf32, #tpu.memory_space<hbm>>)
      } else {
      }
      %add3A_71 = arith.constant 3 : i32
      %add3A_72 = arith.addi %add3A_58, %add3A_71 : i32
      %lt3A_73 = arith.constant 80 : i32
      %lt3A_74 = arith.cmpi slt, %add3A_72, %lt3A_73 : i32
      %convert_element_type3A_75 = arith.extui %lt3A_74 : i1 to i32
      %cond3A_76 = arith.constant 0 : i32
      %cond3A_77 = arith.cmpi ne, %convert_element_type3A_75, %cond3A_76 : i32
      scf.if %cond3A_77 {
        %add3A_190 = arith.constant 3 : i32
        %add3A_191 = arith.addi %add3A_58, %add3A_190 : i32
        %dma_start3A_192 = arith.constant 0 : i32
        %dma_start3A_193 = arith.constant 0 : i32
        %dma_start3A_194 = tpu.memref_slice %arg5[%dma_start3A_192, %add3A_191, %dma_start3A_193] : memref<1x80x128xi32, #tpu.memory_space<vmem>> -> memref<1x1x128xi32, #tpu.memory_space<vmem>>
        %dma_start3A_195 = tpu.memref_squeeze %dma_start3A_194 : memref<1x1x128xi32, #tpu.memory_space<vmem>> -> memref<128xi32, #tpu.memory_space<vmem>>
        %dma_start3A_196 = arith.constant 0 : i32
        %dma_start3A_197 = arith.constant 0 : i32
        %dma_start3A_198 = tpu.memref_slice %arg2[%dma_start3A_196, %dma_start3A_197] : memref<20000x128xf32, #tpu.memory_space<hbm>> -> memref<20000x128xf32, #tpu.memory_space<hbm>>
        tpu.enqueue_indirect_dma source(%dma_start3A_198 : memref<20000x128xf32, #tpu.memory_space<hbm>>) target(%arg9 : memref<128x128xf32, #tpu.memory_space<vmem>>) offsets(%dma_start3A_195 : memref<128xi32, #tpu.memory_space<vmem>>) semaphore(%arg13 : memref<!tpu.dma_semaphore, #tpu.memory_space<semaphore_mem>>)
      } else {
      }
      %mul3A_78 = arith.constant 128 : i32
      %mul3A_79 = arith.muli %add3A_58, %mul3A_78 : i32
      %add3A_80 = arith.addi %mul3A_2, %mul3A_79 : i32
      %dma_start3A_81 = arith.constant 0 : i32
      %dma_start3A_82 = tpu.memref_slice %arg4[%add3A_80, %dma_start3A_81] : memref<327680x128xf32, #tpu.memory_space<hbm>> -> memref<128x128xf32, #tpu.memory_space<hbm>>
      %dma_start3A_83 = arith.constant 0 : i32
      %dma_start3A_84 = tpu.memref_slice %arg4[%add3A_80, %dma_start3A_83] : memref<327680x128xf32, #tpu.memory_space<hbm>> -> memref<128x128xf32, #tpu.memory_space<hbm>>
      tpu.enqueue_dma source(%arg6 : memref<128x128xf32, #tpu.memory_space<vmem>>) target(%dma_start3A_84 : memref<128x128xf32, #tpu.memory_space<hbm>>) target_semaphore(%arg14 : memref<!tpu.dma_semaphore, #tpu.memory_space<semaphore_mem>>)
      %mul3A_85 = arith.constant 4 : i32
      %mul3A_86 = arith.muli %mul3A_85, %scan3A_54 : i32
      %add3A_87 = arith.constant 1 : i32
      %add3A_88 = arith.addi %mul3A_86, %add3A_87 : i32
      %dma_wait3A_89 = arith.constant 0 : i32
      %dma_wait3A_90 = arith.constant 0 : i32
      %dma_wait3A_91 = tpu.memref_slice %arg5[%dma_wait3A_89, %add3A_88, %dma_wait3A_90] : memref<1x80x128xi32, #tpu.memory_space<vmem>> -> memref<1x1x128xi32, #tpu.memory_space<vmem>>
      %dma_wait3A_92 = tpu.memref_squeeze %dma_wait3A_91 : memref<1x1x128xi32, #tpu.memory_space<vmem>> -> memref<128xi32, #tpu.memory_space<vmem>>
      %dma_wait3A_93 = arith.constant 0 : i32
      %dma_wait3A_94 = arith.constant 0 : i32
      %dma_wait3A_95 = tpu.memref_slice %arg2[%dma_wait3A_93, %dma_wait3A_94] : memref<20000x128xf32, #tpu.memory_space<hbm>> -> memref<20000x128xf32, #tpu.memory_space<hbm>>
      tpu.wait_indirect_dma semaphore(%arg11 : memref<!tpu.dma_semaphore, #tpu.memory_space<semaphore_mem>>) src(%dma_wait3A_95 : memref<20000x128xf32, #tpu.memory_space<hbm>>) dst(%arg7 : memref<128x128xf32, #tpu.memory_space<vmem>>)
      %ge3A_96 = arith.constant 1 : i32
      %ge3A_97 = arith.cmpi sge, %add3A_88, %ge3A_96 : i32
      %add3A_98 = arith.constant 3 : i32
      %add3A_99 = arith.addi %add3A_88, %add3A_98 : i32
      %lt3A_100 = arith.constant 80 : i32
      %lt3A_101 = arith.cmpi slt, %add3A_99, %lt3A_100 : i32
      %and3A_102 = arith.andi %ge3A_97, %lt3A_101 : i1
      %convert_element_type3A_103 = arith.extui %and3A_102 : i1 to i32
      %cond3A_104 = arith.constant 0 : i32
      %cond3A_105 = arith.cmpi ne, %convert_element_type3A_103, %cond3A_104 : i32
      scf.if %cond3A_105 {
        %sub3A = arith.constant 1 : i32
        %sub3A_190 = arith.subi %add3A_88, %sub3A : i32
        %mul3A_191 = arith.constant 128 : i32
        %mul3A_192 = arith.muli %sub3A_190, %mul3A_191 : i32
        %add3A_193 = arith.addi %mul3A_2, %mul3A_192 : i32
        %dma_wait3A_194 = arith.constant 0 : i32
        %dma_wait3A_195 = tpu.memref_slice %arg4[%add3A_193, %dma_wait3A_194] : memref<327680x128xf32, #tpu.memory_space<hbm>> -> memref<128x128xf32, #tpu.memory_space<hbm>>
        %dma_wait3A_196 = arith.constant 0 : i32
        %dma_wait3A_197 = tpu.memref_slice %arg4[%add3A_193, %dma_wait3A_196] : memref<327680x128xf32, #tpu.memory_space<hbm>> -> memref<128x128xf32, #tpu.memory_space<hbm>>
        tpu.wait_dma2 semaphore(%arg14 : memref<!tpu.dma_semaphore, #tpu.memory_space<semaphore_mem>>) src(%arg6 : memref<128x128xf32, #tpu.memory_space<vmem>>) dst(%dma_wait3A_197 : memref<128x128xf32, #tpu.memory_space<hbm>>)
      } else {
      }
      %add3A_106 = arith.constant 3 : i32
      %add3A_107 = arith.addi %add3A_88, %add3A_106 : i32
      %lt3A_108 = arith.constant 80 : i32
      %lt3A_109 = arith.cmpi slt, %add3A_107, %lt3A_108 : i32
      %convert_element_type3A_110 = arith.extui %lt3A_109 : i1 to i32
      %cond3A_111 = arith.constant 0 : i32
      %cond3A_112 = arith.cmpi ne, %convert_element_type3A_110, %cond3A_111 : i32
      scf.if %cond3A_112 {
        %add3A_190 = arith.constant 3 : i32
        %add3A_191 = arith.addi %add3A_88, %add3A_190 : i32
        %dma_start3A_192 = arith.constant 0 : i32
        %dma_start3A_193 = arith.constant 0 : i32
        %dma_start3A_194 = tpu.memref_slice %arg5[%dma_start3A_192, %add3A_191, %dma_start3A_193] : memref<1x80x128xi32, #tpu.memory_space<vmem>> -> memref<1x1x128xi32, #tpu.memory_space<vmem>>
        %dma_start3A_195 = tpu.memref_squeeze %dma_start3A_194 : memref<1x1x128xi32, #tpu.memory_space<vmem>> -> memref<128xi32, #tpu.memory_space<vmem>>
        %dma_start3A_196 = arith.constant 0 : i32
        %dma_start3A_197 = arith.constant 0 : i32
        %dma_start3A_198 = tpu.memref_slice %arg2[%dma_start3A_196, %dma_start3A_197] : memref<20000x128xf32, #tpu.memory_space<hbm>> -> memref<20000x128xf32, #tpu.memory_space<hbm>>
        tpu.enqueue_indirect_dma source(%dma_start3A_198 : memref<20000x128xf32, #tpu.memory_space<hbm>>) target(%arg6 : memref<128x128xf32, #tpu.memory_space<vmem>>) offsets(%dma_start3A_195 : memref<128xi32, #tpu.memory_space<vmem>>) semaphore(%arg10 : memref<!tpu.dma_semaphore, #tpu.memory_space<semaphore_mem>>)
      } else {
      }
      %mul3A_113 = arith.constant 128 : i32
      %mul3A_114 = arith.muli %add3A_88, %mul3A_113 : i32
      %add3A_115 = arith.addi %mul3A_2, %mul3A_114 : i32
      %dma_start3A_116 = arith.constant 0 : i32
      %dma_start3A_117 = tpu.memref_slice %arg4[%add3A_115, %dma_start3A_116] : memref<327680x128xf32, #tpu.memory_space<hbm>> -> memref<128x128xf32, #tpu.memory_space<hbm>>
      %dma_start3A_118 = arith.constant 0 : i32
      %dma_start3A_119 = tpu.memref_slice %arg4[%add3A_115, %dma_start3A_118] : memref<327680x128xf32, #tpu.memory_space<hbm>> -> memref<128x128xf32, #tpu.memory_space<hbm>>
      tpu.enqueue_dma source(%arg7 : memref<128x128xf32, #tpu.memory_space<vmem>>) target(%dma_start3A_119 : memref<128x128xf32, #tpu.memory_space<hbm>>) target_semaphore(%arg15 : memref<!tpu.dma_semaphore, #tpu.memory_space<semaphore_mem>>)
      %mul3A_120 = arith.constant 4 : i32
      %mul3A_121 = arith.muli %mul3A_120, %scan3A_54 : i32
      %add3A_122 = arith.constant 2 : i32
      %add3A_123 = arith.addi %mul3A_121, %add3A_122 : i32
      %dma_wait3A_124 = arith.constant 0 : i32
      %dma_wait3A_125 = arith.constant 0 : i32
      %dma_wait3A_126 = tpu.memref_slice %arg5[%dma_wait3A_124, %add3A_123, %dma_wait3A_125] : memref<1x80x128xi32, #tpu.memory_space<vmem>> -> memref<1x1x128xi32, #tpu.memory_space<vmem>>
      %dma_wait3A_127 = tpu.memref_squeeze %dma_wait3A_126 : memref<1x1x128xi32, #tpu.memory_space<vmem>> -> memref<128xi32, #tpu.memory_space<vmem>>
      %dma_wait3A_128 = arith.constant 0 : i32
      %dma_wait3A_129 = arith.constant 0 : i32
      %dma_wait3A_130 = tpu.memref_slice %arg2[%dma_wait3A_128, %dma_wait3A_129] : memref<20000x128xf32, #tpu.memory_space<hbm>> -> memref<20000x128xf32, #tpu.memory_space<hbm>>
      tpu.wait_indirect_dma semaphore(%arg12 : memref<!tpu.dma_semaphore, #tpu.memory_space<semaphore_mem>>) src(%dma_wait3A_130 : memref<20000x128xf32, #tpu.memory_space<hbm>>) dst(%arg8 : memref<128x128xf32, #tpu.memory_space<vmem>>)
      %ge3A_131 = arith.constant 1 : i32
      %ge3A_132 = arith.cmpi sge, %add3A_123, %ge3A_131 : i32
      %add3A_133 = arith.constant 3 : i32
      %add3A_134 = arith.addi %add3A_123, %add3A_133 : i32
      %lt3A_135 = arith.constant 80 : i32
      %lt3A_136 = arith.cmpi slt, %add3A_134, %lt3A_135 : i32
      %and3A_137 = arith.andi %ge3A_132, %lt3A_136 : i1
      %convert_element_type3A_138 = arith.extui %and3A_137 : i1 to i32
      %cond3A_139 = arith.constant 0 : i32
      %cond3A_140 = arith.cmpi ne, %convert_element_type3A_138, %cond3A_139 : i32
      scf.if %cond3A_140 {
        %sub3A = arith.constant 1 : i32
        %sub3A_190 = arith.subi %add3A_123, %sub3A : i32
        %mul3A_191 = arith.constant 128 : i32
        %mul3A_192 = arith.muli %sub3A_190, %mul3A_191 : i32
        %add3A_193 = arith.addi %mul3A_2, %mul3A_192 : i32
        %dma_wait3A_194 = arith.constant 0 : i32
        %dma_wait3A_195 = tpu.memref_slice %arg4[%add3A_193, %dma_wait3A_194] : memref<327680x128xf32, #tpu.memory_space<hbm>> -> memref<128x128xf32, #tpu.memory_space<hbm>>
        %dma_wait3A_196 = arith.constant 0 : i32
        %dma_wait3A_197 = tpu.memref_slice %arg4[%add3A_193, %dma_wait3A_196] : memref<327680x128xf32, #tpu.memory_space<hbm>> -> memref<128x128xf32, #tpu.memory_space<hbm>>
        tpu.wait_dma2 semaphore(%arg15 : memref<!tpu.dma_semaphore, #tpu.memory_space<semaphore_mem>>) src(%arg7 : memref<128x128xf32, #tpu.memory_space<vmem>>) dst(%dma_wait3A_197 : memref<128x128xf32, #tpu.memory_space<hbm>>)
      } else {
      }
      %add3A_141 = arith.constant 3 : i32
      %add3A_142 = arith.addi %add3A_123, %add3A_141 : i32
      %lt3A_143 = arith.constant 80 : i32
      %lt3A_144 = arith.cmpi slt, %add3A_142, %lt3A_143 : i32
      %convert_element_type3A_145 = arith.extui %lt3A_144 : i1 to i32
      %cond3A_146 = arith.constant 0 : i32
      %cond3A_147 = arith.cmpi ne, %convert_element_type3A_145, %cond3A_146 : i32
      scf.if %cond3A_147 {
        %add3A_190 = arith.constant 3 : i32
        %add3A_191 = arith.addi %add3A_123, %add3A_190 : i32
        %dma_start3A_192 = arith.constant 0 : i32
        %dma_start3A_193 = arith.constant 0 : i32
        %dma_start3A_194 = tpu.memref_slice %arg5[%dma_start3A_192, %add3A_191, %dma_start3A_193] : memref<1x80x128xi32, #tpu.memory_space<vmem>> -> memref<1x1x128xi32, #tpu.memory_space<vmem>>
        %dma_start3A_195 = tpu.memref_squeeze %dma_start3A_194 : memref<1x1x128xi32, #tpu.memory_space<vmem>> -> memref<128xi32, #tpu.memory_space<vmem>>
        %dma_start3A_196 = arith.constant 0 : i32
        %dma_start3A_197 = arith.constant 0 : i32
        %dma_start3A_198 = tpu.memref_slice %arg2[%dma_start3A_196, %dma_start3A_197] : memref<20000x128xf32, #tpu.memory_space<hbm>> -> memref<20000x128xf32, #tpu.memory_space<hbm>>
        tpu.enqueue_indirect_dma source(%dma_start3A_198 : memref<20000x128xf32, #tpu.memory_space<hbm>>) target(%arg7 : memref<128x128xf32, #tpu.memory_space<vmem>>) offsets(%dma_start3A_195 : memref<128xi32, #tpu.memory_space<vmem>>) semaphore(%arg11 : memref<!tpu.dma_semaphore, #tpu.memory_space<semaphore_mem>>)
      } else {
      }
      %mul3A_148 = arith.constant 128 : i32
      %mul3A_149 = arith.muli %add3A_123, %mul3A_148 : i32
      %add3A_150 = arith.addi %mul3A_2, %mul3A_149 : i32
      %dma_start3A_151 = arith.constant 0 : i32
      %dma_start3A_152 = tpu.memref_slice %arg4[%add3A_150, %dma_start3A_151] : memref<327680x128xf32, #tpu.memory_space<hbm>> -> memref<128x128xf32, #tpu.memory_space<hbm>>
      %dma_start3A_153 = arith.constant 0 : i32
      %dma_start3A_154 = tpu.memref_slice %arg4[%add3A_150, %dma_start3A_153] : memref<327680x128xf32, #tpu.memory_space<hbm>> -> memref<128x128xf32, #tpu.memory_space<hbm>>
      tpu.enqueue_dma source(%arg8 : memref<128x128xf32, #tpu.memory_space<vmem>>) target(%dma_start3A_154 : memref<128x128xf32, #tpu.memory_space<hbm>>) target_semaphore(%arg16 : memref<!tpu.dma_semaphore, #tpu.memory_space<semaphore_mem>>)
      %mul3A_155 = arith.constant 4 : i32
      %mul3A_156 = arith.muli %mul3A_155, %scan3A_54 : i32
      %add3A_157 = arith.constant 3 : i32
      %add3A_158 = arith.addi %mul3A_156, %add3A_157 : i32
      %dma_wait3A_159 = arith.constant 0 : i32
      %dma_wait3A_160 = arith.constant 0 : i32
      %dma_wait3A_161 = tpu.memref_slice %arg5[%dma_wait3A_159, %add3A_158, %dma_wait3A_160] : memref<1x80x128xi32, #tpu.memory_space<vmem>> -> memref<1x1x128xi32, #tpu.memory_space<vmem>>
      %dma_wait3A_162 = tpu.memref_squeeze %dma_wait3A_161 : memref<1x1x128xi32, #tpu.memory_space<vmem>> -> memref<128xi32, #tpu.memory_space<vmem>>
      %dma_wait3A_163 = arith.constant 0 : i32
      %dma_wait3A_164 = arith.constant 0 : i32
      %dma_wait3A_165 = tpu.memref_slice %arg2[%dma_wait3A_163, %dma_wait3A_164] : memref<20000x128xf32, #tpu.memory_space<hbm>> -> memref<20000x128xf32, #tpu.memory_space<hbm>>
      tpu.wait_indirect_dma semaphore(%arg13 : memref<!tpu.dma_semaphore, #tpu.memory_space<semaphore_mem>>) src(%dma_wait3A_165 : memref<20000x128xf32, #tpu.memory_space<hbm>>) dst(%arg9 : memref<128x128xf32, #tpu.memory_space<vmem>>)
      %ge3A_166 = arith.constant 1 : i32
      %ge3A_167 = arith.cmpi sge, %add3A_158, %ge3A_166 : i32
      %add3A_168 = arith.constant 3 : i32
      %add3A_169 = arith.addi %add3A_158, %add3A_168 : i32
      %lt3A_170 = arith.constant 80 : i32
      %lt3A_171 = arith.cmpi slt, %add3A_169, %lt3A_170 : i32
      %and3A_172 = arith.andi %ge3A_167, %lt3A_171 : i1
      %convert_element_type3A_173 = arith.extui %and3A_172 : i1 to i32
      %cond3A_174 = arith.constant 0 : i32
      %cond3A_175 = arith.cmpi ne, %convert_element_type3A_173, %cond3A_174 : i32
      scf.if %cond3A_175 {
        %sub3A = arith.constant 1 : i32
        %sub3A_190 = arith.subi %add3A_158, %sub3A : i32
        %mul3A_191 = arith.constant 128 : i32
        %mul3A_192 = arith.muli %sub3A_190, %mul3A_191 : i32
        %add3A_193 = arith.addi %mul3A_2, %mul3A_192 : i32
        %dma_wait3A_194 = arith.constant 0 : i32
        %dma_wait3A_195 = tpu.memref_slice %arg4[%add3A_193, %dma_wait3A_194] : memref<327680x128xf32, #tpu.memory_space<hbm>> -> memref<128x128xf32, #tpu.memory_space<hbm>>
        %dma_wait3A_196 = arith.constant 0 : i32
        %dma_wait3A_197 = tpu.memref_slice %arg4[%add3A_193, %dma_wait3A_196] : memref<327680x128xf32, #tpu.memory_space<hbm>> -> memref<128x128xf32, #tpu.memory_space<hbm>>
        tpu.wait_dma2 semaphore(%arg16 : memref<!tpu.dma_semaphore, #tpu.memory_space<semaphore_mem>>) src(%arg8 : memref<128x128xf32, #tpu.memory_space<vmem>>) dst(%dma_wait3A_197 : memref<128x128xf32, #tpu.memory_space<hbm>>)
      } else {
      }
      %add3A_176 = arith.constant 3 : i32
      %add3A_177 = arith.addi %add3A_158, %add3A_176 : i32
      %lt3A_178 = arith.constant 80 : i32
      %lt3A_179 = arith.cmpi slt, %add3A_177, %lt3A_178 : i32
      %convert_element_type3A_180 = arith.extui %lt3A_179 : i1 to i32
      %cond3A_181 = arith.constant 0 : i32
      %cond3A_182 = arith.cmpi ne, %convert_element_type3A_180, %cond3A_181 : i32
      scf.if %cond3A_182 {
        %add3A_190 = arith.constant 3 : i32
        %add3A_191 = arith.addi %add3A_158, %add3A_190 : i32
        %dma_start3A_192 = arith.constant 0 : i32
        %dma_start3A_193 = arith.constant 0 : i32
        %dma_start3A_194 = tpu.memref_slice %arg5[%dma_start3A_192, %add3A_191, %dma_start3A_193] : memref<1x80x128xi32, #tpu.memory_space<vmem>> -> memref<1x1x128xi32, #tpu.memory_space<vmem>>
        %dma_start3A_195 = tpu.memref_squeeze %dma_start3A_194 : memref<1x1x128xi32, #tpu.memory_space<vmem>> -> memref<128xi32, #tpu.memory_space<vmem>>
        %dma_start3A_196 = arith.constant 0 : i32
        %dma_start3A_197 = arith.constant 0 : i32
        %dma_start3A_198 = tpu.memref_slice %arg2[%dma_start3A_196, %dma_start3A_197] : memref<20000x128xf32, #tpu.memory_space<hbm>> -> memref<20000x128xf32, #tpu.memory_space<hbm>>
        tpu.enqueue_indirect_dma source(%dma_start3A_198 : memref<20000x128xf32, #tpu.memory_space<hbm>>) target(%arg8 : memref<128x128xf32, #tpu.memory_space<vmem>>) offsets(%dma_start3A_195 : memref<128xi32, #tpu.memory_space<vmem>>) semaphore(%arg12 : memref<!tpu.dma_semaphore, #tpu.memory_space<semaphore_mem>>)
      } else {
      }
      %mul3A_183 = arith.constant 128 : i32
      %mul3A_184 = arith.muli %add3A_158, %mul3A_183 : i32
      %add3A_185 = arith.addi %mul3A_2, %mul3A_184 : i32
      %dma_start3A_186 = arith.constant 0 : i32
      %dma_start3A_187 = tpu.memref_slice %arg4[%add3A_185, %dma_start3A_186] : memref<327680x128xf32, #tpu.memory_space<hbm>> -> memref<128x128xf32, #tpu.memory_space<hbm>>
      %dma_start3A_188 = arith.constant 0 : i32
      %dma_start3A_189 = tpu.memref_slice %arg4[%add3A_185, %dma_start3A_188] : memref<327680x128xf32, #tpu.memory_space<hbm>> -> memref<128x128xf32, #tpu.memory_space<hbm>>
      tpu.enqueue_dma source(%arg9 : memref<128x128xf32, #tpu.memory_space<vmem>>) target(%dma_start3A_189 : memref<128x128xf32, #tpu.memory_space<hbm>>) target_semaphore(%arg17 : memref<!tpu.dma_semaphore, #tpu.memory_space<semaphore_mem>>)
    }
    %scan3A_30 = arith.constant 20 : i32
    %add3A_31 = arith.constant 9728 : i32
    %add3A_32 = arith.addi %mul3A_2, %add3A_31 : i32
    %dma_wait3A = arith.constant 0 : i32
    %dma_wait3A_33 = tpu.memref_slice %arg4[%add3A_32, %dma_wait3A] : memref<327680x128xf32, #tpu.memory_space<hbm>> -> memref<128x128xf32, #tpu.memory_space<hbm>>
    %dma_wait3A_34 = arith.constant 0 : i32
    %dma_wait3A_35 = tpu.memref_slice %arg4[%add3A_32, %dma_wait3A_34] : memref<327680x128xf32, #tpu.memory_space<hbm>> -> memref<128x128xf32, #tpu.memory_space<hbm>>
    tpu.wait_dma2 semaphore(%arg14 : memref<!tpu.dma_semaphore, #tpu.memory_space<semaphore_mem>>) src(%arg6 : memref<128x128xf32, #tpu.memory_space<vmem>>) dst(%dma_wait3A_35 : memref<128x128xf32, #tpu.memory_space<hbm>>)
    %add3A_36 = arith.constant 9856 : i32
    %add3A_37 = arith.addi %mul3A_2, %add3A_36 : i32
    %dma_wait3A_38 = arith.constant 0 : i32
    %dma_wait3A_39 = tpu.memref_slice %arg4[%add3A_37, %dma_wait3A_38] : memref<327680x128xf32, #tpu.memory_space<hbm>> -> memref<128x128xf32, #tpu.memory_space<hbm>>
    %dma_wait3A_40 = arith.constant 0 : i32
    %dma_wait3A_41 = tpu.memref_slice %arg4[%add3A_37, %dma_wait3A_40] : memref<327680x128xf32, #tpu.memory_space<hbm>> -> memref<128x128xf32, #tpu.memory_space<hbm>>
    tpu.wait_dma2 semaphore(%arg15 : memref<!tpu.dma_semaphore, #tpu.memory_space<semaphore_mem>>) src(%arg7 : memref<128x128xf32, #tpu.memory_space<vmem>>) dst(%dma_wait3A_41 : memref<128x128xf32, #tpu.memory_space<hbm>>)
    %add3A_42 = arith.constant 9984 : i32
    %add3A_43 = arith.addi %mul3A_2, %add3A_42 : i32
    %dma_wait3A_44 = arith.constant 0 : i32
    %dma_wait3A_45 = tpu.memref_slice %arg4[%add3A_43, %dma_wait3A_44] : memref<327680x128xf32, #tpu.memory_space<hbm>> -> memref<128x128xf32, #tpu.memory_space<hbm>>
    %dma_wait3A_46 = arith.constant 0 : i32
    %dma_wait3A_47 = tpu.memref_slice %arg4[%add3A_43, %dma_wait3A_46] : memref<327680x128xf32, #tpu.memory_space<hbm>> -> memref<128x128xf32, #tpu.memory_space<hbm>>
    tpu.wait_dma2 semaphore(%arg16 : memref<!tpu.dma_semaphore, #tpu.memory_space<semaphore_mem>>) src(%arg8 : memref<128x128xf32, #tpu.memory_space<vmem>>) dst(%dma_wait3A_47 : memref<128x128xf32, #tpu.memory_space<hbm>>)
    %add3A_48 = arith.constant 10112 : i32
    %add3A_49 = arith.addi %mul3A_2, %add3A_48 : i32
    %dma_wait3A_50 = arith.constant 0 : i32
    %dma_wait3A_51 = tpu.memref_slice %arg4[%add3A_49, %dma_wait3A_50] : memref<327680x128xf32, #tpu.memory_space<hbm>> -> memref<128x128xf32, #tpu.memory_space<hbm>>
    %dma_wait3A_52 = arith.constant 0 : i32
    %dma_wait3A_53 = tpu.memref_slice %arg4[%add3A_49, %dma_wait3A_52] : memref<327680x128xf32, #tpu.memory_space<hbm>> -> memref<128x128xf32, #tpu.memory_space<hbm>>
    tpu.wait_dma2 semaphore(%arg17 : memref<!tpu.dma_semaphore, #tpu.memory_space<semaphore_mem>>) src(%arg9 : memref<128x128xf32, #tpu.memory_space<vmem>>) dst(%dma_wait3A_53 : memref<128x128xf32, #tpu.memory_space<hbm>>)
    return
  }
}

#map = affine_map<(d0, d1) -> (0, 0)>
#map1 = affine_map<(d0, d1) -> (0, 0, 0)>
module attributes {stable_mosaic.version = 14 : i64} {
  func.func @scattr_k(%arg0: i32, %arg1: i32, %arg2: memref<163840x16xf32, #tpu.memory_space<hbm>>, %arg3: memref<32x40x128xi32, #tpu.memory_space<hbm>>, %arg4: memref<10016x16xf32, #tpu.memory_space<hbm>>, %arg5: memref<2x10016x16xf32, #tpu.memory_space<hbm>>, %arg6: memref<1x40x128xi32, #tpu.memory_space<vmem>>, %arg7: memref<128x16xf32, #tpu.memory_space<vmem>>, %arg8: memref<128x16xf32, #tpu.memory_space<vmem>>, %arg9: memref<!tpu.dma_semaphore, #tpu.memory_space<semaphore_mem>>, %arg10: memref<!tpu.dma_semaphore, #tpu.memory_space<semaphore_mem>>, %arg11: memref<!tpu.dma_semaphore, #tpu.memory_space<semaphore_mem>>, %arg12: memref<10016x16xf32, #tpu.memory_space<vmem_shared>>) attributes {dimension_semantics = [#tpu.dimension_semantics<core_parallel>, #tpu.dimension_semantics<subcore_parallel>], iteration_bounds = array<i64: 2, 16>, scalar_prefetch = 0 : i64, scratch_operands = 7 : i64, tpu.core_type = #tpu.core_type<sc_vector_subcore>, window_params = [{transform_indices = #map}, {transform_indices = #map1}, {transform_indices = #map}, {transform_indices = #map1}]} {
    %mul3A = arith.constant 16 : i32
    %mul3A_0 = arith.muli %arg0, %mul3A : i32
    %add3A = arith.addi %mul3A_0, %arg1 : i32
    %mul3A_1 = arith.constant 626 : i32
    %mul3A_2 = arith.muli %arg1, %mul3A_1 : i32
    "tpu.region"() ({
      %run_scoped3A = tpu.sem_alloc : memref<!tpu.dma_semaphore, #tpu.memory_space<semaphore_mem>>
      %dma_start3A_17 = arith.constant 0 : i32
      %dma_start3A_18 = tpu.memref_slice %arg12[%mul3A_2, %dma_start3A_17] : memref<10016x16xf32, #tpu.memory_space<vmem_shared>> -> memref<626x16xf32, #tpu.memory_space<vmem_shared>>
      %dma_start3A_19 = arith.constant 0 : i32
      %dma_start3A_20 = tpu.memref_slice %arg4[%mul3A_2, %dma_start3A_19] : memref<10016x16xf32, #tpu.memory_space<hbm>> -> memref<626x16xf32, #tpu.memory_space<hbm>>
      tpu.enqueue_dma source(%dma_start3A_20 : memref<626x16xf32, #tpu.memory_space<hbm>>) target(%dma_start3A_18 : memref<626x16xf32, #tpu.memory_space<vmem_shared>>) target_semaphore(%run_scoped3A : memref<!tpu.dma_semaphore, #tpu.memory_space<semaphore_mem>>)
      %dma_wait3A = arith.constant 0 : i32
      %dma_wait3A_21 = tpu.memref_slice %arg12[%mul3A_2, %dma_wait3A] : memref<10016x16xf32, #tpu.memory_space<vmem_shared>> -> memref<626x16xf32, #tpu.memory_space<vmem_shared>>
      %dma_wait3A_22 = arith.constant 0 : i32
      %dma_wait3A_23 = tpu.memref_slice %arg4[%mul3A_2, %dma_wait3A_22] : memref<10016x16xf32, #tpu.memory_space<hbm>> -> memref<626x16xf32, #tpu.memory_space<hbm>>
      tpu.wait_dma2 semaphore(%run_scoped3A : memref<!tpu.dma_semaphore, #tpu.memory_space<semaphore_mem>>) src(%dma_wait3A_23 : memref<626x16xf32, #tpu.memory_space<hbm>>) dst(%dma_wait3A_21 : memref<626x16xf32, #tpu.memory_space<vmem_shared>>)
      tpu.yield
    }) : () -> ()
    %barrier3A = arith.constant 0 : index
    tpu.barrier barrier_id(%barrier3A)
    %mul3A_3 = arith.constant 81920 : i32
    %mul3A_4 = arith.muli %arg0, %mul3A_3 : i32
    %mul3A_5 = arith.constant 5120 : i32
    %mul3A_6 = arith.muli %arg1, %mul3A_5 : i32
    %add3A_7 = arith.addi %mul3A_4, %mul3A_6 : i32
    "tpu.region"() ({
      %run_scoped3A = tpu.sem_alloc : memref<!tpu.dma_semaphore, #tpu.memory_space<semaphore_mem>>
      %dma_start3A_17 = arith.constant 0 : i32
      %dma_start3A_18 = arith.constant 0 : i32
      %dma_start3A_19 = tpu.memref_slice %arg3[%add3A, %dma_start3A_17, %dma_start3A_18] : memref<32x40x128xi32, #tpu.memory_space<hbm>> -> memref<1x40x128xi32, #tpu.memory_space<hbm>>
      %dma_start3A_20 = arith.constant 0 : i32
      %dma_start3A_21 = arith.constant 0 : i32
      %dma_start3A_22 = tpu.memref_slice %arg3[%add3A, %dma_start3A_20, %dma_start3A_21] : memref<32x40x128xi32, #tpu.memory_space<hbm>> -> memref<1x40x128xi32, #tpu.memory_space<hbm>>
      tpu.enqueue_dma source(%dma_start3A_22 : memref<1x40x128xi32, #tpu.memory_space<hbm>>) target(%arg6 : memref<1x40x128xi32, #tpu.memory_space<vmem>>) target_semaphore(%run_scoped3A : memref<!tpu.dma_semaphore, #tpu.memory_space<semaphore_mem>>)
      %dma_wait3A = arith.constant 0 : i32
      %dma_wait3A_23 = arith.constant 0 : i32
      %dma_wait3A_24 = tpu.memref_slice %arg3[%add3A, %dma_wait3A, %dma_wait3A_23] : memref<32x40x128xi32, #tpu.memory_space<hbm>> -> memref<1x40x128xi32, #tpu.memory_space<hbm>>
      %dma_wait3A_25 = arith.constant 0 : i32
      %dma_wait3A_26 = arith.constant 0 : i32
      %dma_wait3A_27 = tpu.memref_slice %arg3[%add3A, %dma_wait3A_25, %dma_wait3A_26] : memref<32x40x128xi32, #tpu.memory_space<hbm>> -> memref<1x40x128xi32, #tpu.memory_space<hbm>>
      tpu.wait_dma2 semaphore(%run_scoped3A : memref<!tpu.dma_semaphore, #tpu.memory_space<semaphore_mem>>) src(%dma_wait3A_27 : memref<1x40x128xi32, #tpu.memory_space<hbm>>) dst(%arg6 : memref<1x40x128xi32, #tpu.memory_space<vmem>>)
      tpu.yield
    }) : () -> ()
    %dma_start3A = arith.constant 0 : i32
    %dma_start3A_8 = tpu.memref_slice %arg2[%add3A_7, %dma_start3A] : memref<163840x16xf32, #tpu.memory_space<hbm>> -> memref<128x16xf32, #tpu.memory_space<hbm>>
    %dma_start3A_9 = arith.constant 0 : i32
    %dma_start3A_10 = tpu.memref_slice %arg2[%add3A_7, %dma_start3A_9] : memref<163840x16xf32, #tpu.memory_space<hbm>> -> memref<128x16xf32, #tpu.memory_space<hbm>>
    tpu.enqueue_dma source(%dma_start3A_10 : memref<128x16xf32, #tpu.memory_space<hbm>>) target(%arg7 : memref<128x16xf32, #tpu.memory_space<vmem>>) target_semaphore(%arg9 : memref<!tpu.dma_semaphore, #tpu.memory_space<semaphore_mem>>)
    %scan3A = arith.constant 0 : i32
    %scan3A_11 = arith.constant 0 : i32
    %scan3A_12 = arith.constant 20 : i32
    %scan3A_13 = arith.addi %scan3A_11, %scan3A_12 : i32
    %scan3A_14 = arith.constant 1 : i32
    scf.for %scan3A_17 = %scan3A_11 to %scan3A_13 step %scan3A_14  : i32 {
      %mul3A_18 = arith.constant 2 : i32
      %mul3A_19 = arith.muli %mul3A_18, %scan3A_17 : i32
      %add3A_20 = arith.constant 0 : i32
      %add3A_21 = arith.addi %mul3A_19, %add3A_20 : i32
      %mul3A_22 = arith.constant 128 : i32
      %mul3A_23 = arith.muli %add3A_21, %mul3A_22 : i32
      %add3A_24 = arith.addi %add3A_7, %mul3A_23 : i32
      %dma_wait3A = arith.constant 0 : i32
      %dma_wait3A_25 = tpu.memref_slice %arg2[%add3A_24, %dma_wait3A] : memref<163840x16xf32, #tpu.memory_space<hbm>> -> memref<128x16xf32, #tpu.memory_space<hbm>>
      %dma_wait3A_26 = arith.constant 0 : i32
      %dma_wait3A_27 = tpu.memref_slice %arg2[%add3A_24, %dma_wait3A_26] : memref<163840x16xf32, #tpu.memory_space<hbm>> -> memref<128x16xf32, #tpu.memory_space<hbm>>
      tpu.wait_dma2 semaphore(%arg9 : memref<!tpu.dma_semaphore, #tpu.memory_space<semaphore_mem>>) src(%dma_wait3A_27 : memref<128x16xf32, #tpu.memory_space<hbm>>) dst(%arg7 : memref<128x16xf32, #tpu.memory_space<vmem>>)
      %add3A_28 = arith.constant 1 : i32
      %add3A_29 = arith.addi %add3A_21, %add3A_28 : i32
      %lt3A = arith.constant 40 : i32
      %lt3A_30 = arith.cmpi slt, %add3A_29, %lt3A : i32
      %convert_element_type3A = arith.extui %lt3A_30 : i1 to i32
      %cond3A = arith.constant 0 : i32
      %cond3A_31 = arith.cmpi ne, %convert_element_type3A, %cond3A : i32
      scf.if %cond3A_31 {
        %add3A_51 = arith.constant 1 : i32
        %add3A_52 = arith.addi %add3A_21, %add3A_51 : i32
        %mul3A_53 = arith.constant 128 : i32
        %mul3A_54 = arith.muli %add3A_52, %mul3A_53 : i32
        %add3A_55 = arith.addi %add3A_7, %mul3A_54 : i32
        %dma_start3A_56 = arith.constant 0 : i32
        %dma_start3A_57 = tpu.memref_slice %arg2[%add3A_55, %dma_start3A_56] : memref<163840x16xf32, #tpu.memory_space<hbm>> -> memref<128x16xf32, #tpu.memory_space<hbm>>
        %dma_start3A_58 = arith.constant 0 : i32
        %dma_start3A_59 = tpu.memref_slice %arg2[%add3A_55, %dma_start3A_58] : memref<163840x16xf32, #tpu.memory_space<hbm>> -> memref<128x16xf32, #tpu.memory_space<hbm>>
        tpu.enqueue_dma source(%dma_start3A_59 : memref<128x16xf32, #tpu.memory_space<hbm>>) target(%arg8 : memref<128x16xf32, #tpu.memory_space<vmem>>) target_semaphore(%arg10 : memref<!tpu.dma_semaphore, #tpu.memory_space<semaphore_mem>>)
      } else {
      }
      %run_scoped3A = arith.constant 0 : i32
      "tpu.region"() ({
        %run_scoped3A_51 = tpu.sem_alloc : memref<!tpu.dma_semaphore, #tpu.memory_space<semaphore_mem>>
        %dma_start3A_52 = arith.constant 0 : i32
        %dma_start3A_53 = tpu.memref_slice %arg6[%run_scoped3A, %add3A_21, %dma_start3A_52] : memref<1x40x128xi32, #tpu.memory_space<vmem>> -> memref<1x1x128xi32, #tpu.memory_space<vmem>>
        %dma_start3A_54 = tpu.memref_squeeze %dma_start3A_53 : memref<1x1x128xi32, #tpu.memory_space<vmem>> -> memref<128xi32, #tpu.memory_space<vmem>>
        %dma_start3A_55 = arith.constant 0 : i32
        %dma_start3A_56 = arith.constant 0 : i32
        %dma_start3A_57 = tpu.memref_slice %arg12[%dma_start3A_55, %dma_start3A_56] : memref<10016x16xf32, #tpu.memory_space<vmem_shared>> -> memref<10016x16xf32, #tpu.memory_space<vmem_shared>>
        tpu.enqueue_indirect_dma source(%arg7 : memref<128x16xf32, #tpu.memory_space<vmem>>) target(%dma_start3A_57 : memref<10016x16xf32, #tpu.memory_space<vmem_shared>>) offsets(%dma_start3A_54 : memref<128xi32, #tpu.memory_space<vmem>>) semaphore(%run_scoped3A_51 : memref<!tpu.dma_semaphore, #tpu.memory_space<semaphore_mem>>) {add = true}
        %dma_wait3A_58 = arith.constant 0 : i32
        %dma_wait3A_59 = tpu.memref_slice %arg6[%run_scoped3A, %add3A_21, %dma_wait3A_58] : memref<1x40x128xi32, #tpu.memory_space<vmem>> -> memref<1x1x128xi32, #tpu.memory_space<vmem>>
        %dma_wait3A_60 = tpu.memref_squeeze %dma_wait3A_59 : memref<1x1x128xi32, #tpu.memory_space<vmem>> -> memref<128xi32, #tpu.memory_space<vmem>>
        %dma_wait3A_61 = arith.constant 0 : i32
        %dma_wait3A_62 = arith.constant 0 : i32
        %dma_wait3A_63 = tpu.memref_slice %arg12[%dma_wait3A_61, %dma_wait3A_62] : memref<10016x16xf32, #tpu.memory_space<vmem_shared>> -> memref<10016x16xf32, #tpu.memory_space<vmem_shared>>
        tpu.wait_indirect_dma semaphore(%run_scoped3A_51 : memref<!tpu.dma_semaphore, #tpu.memory_space<semaphore_mem>>) src(%arg7 : memref<128x16xf32, #tpu.memory_space<vmem>>) dst(%dma_wait3A_63 : memref<10016x16xf32, #tpu.memory_space<vmem_shared>>)
        tpu.yield
      }) : () -> ()
      %mul3A_32 = arith.constant 2 : i32
      %mul3A_33 = arith.muli %mul3A_32, %scan3A_17 : i32
      %add3A_34 = arith.constant 1 : i32
      %add3A_35 = arith.addi %mul3A_33, %add3A_34 : i32
      %mul3A_36 = arith.constant 128 : i32
      %mul3A_37 = arith.muli %add3A_35, %mul3A_36 : i32
      %add3A_38 = arith.addi %add3A_7, %mul3A_37 : i32
      %dma_wait3A_39 = arith.constant 0 : i32
      %dma_wait3A_40 = tpu.memref_slice %arg2[%add3A_38, %dma_wait3A_39] : memref<163840x16xf32, #tpu.memory_space<hbm>> -> memref<128x16xf32, #tpu.memory_space<hbm>>
      %dma_wait3A_41 = arith.constant 0 : i32
      %dma_wait3A_42 = tpu.memref_slice %arg2[%add3A_38, %dma_wait3A_41] : memref<163840x16xf32, #tpu.memory_space<hbm>> -> memref<128x16xf32, #tpu.memory_space<hbm>>
      tpu.wait_dma2 semaphore(%arg10 : memref<!tpu.dma_semaphore, #tpu.memory_space<semaphore_mem>>) src(%dma_wait3A_42 : memref<128x16xf32, #tpu.memory_space<hbm>>) dst(%arg8 : memref<128x16xf32, #tpu.memory_space<vmem>>)
      %add3A_43 = arith.constant 1 : i32
      %add3A_44 = arith.addi %add3A_35, %add3A_43 : i32
      %lt3A_45 = arith.constant 40 : i32
      %lt3A_46 = arith.cmpi slt, %add3A_44, %lt3A_45 : i32
      %convert_element_type3A_47 = arith.extui %lt3A_46 : i1 to i32
      %cond3A_48 = arith.constant 0 : i32
      %cond3A_49 = arith.cmpi ne, %convert_element_type3A_47, %cond3A_48 : i32
      scf.if %cond3A_49 {
        %add3A_51 = arith.constant 1 : i32
        %add3A_52 = arith.addi %add3A_35, %add3A_51 : i32
        %mul3A_53 = arith.constant 128 : i32
        %mul3A_54 = arith.muli %add3A_52, %mul3A_53 : i32
        %add3A_55 = arith.addi %add3A_7, %mul3A_54 : i32
        %dma_start3A_56 = arith.constant 0 : i32
        %dma_start3A_57 = tpu.memref_slice %arg2[%add3A_55, %dma_start3A_56] : memref<163840x16xf32, #tpu.memory_space<hbm>> -> memref<128x16xf32, #tpu.memory_space<hbm>>
        %dma_start3A_58 = arith.constant 0 : i32
        %dma_start3A_59 = tpu.memref_slice %arg2[%add3A_55, %dma_start3A_58] : memref<163840x16xf32, #tpu.memory_space<hbm>> -> memref<128x16xf32, #tpu.memory_space<hbm>>
        tpu.enqueue_dma source(%dma_start3A_59 : memref<128x16xf32, #tpu.memory_space<hbm>>) target(%arg7 : memref<128x16xf32, #tpu.memory_space<vmem>>) target_semaphore(%arg9 : memref<!tpu.dma_semaphore, #tpu.memory_space<semaphore_mem>>)
      } else {
      }
      %run_scoped3A_50 = arith.constant 0 : i32
      "tpu.region"() ({
        %run_scoped3A_51 = tpu.sem_alloc : memref<!tpu.dma_semaphore, #tpu.memory_space<semaphore_mem>>
        %dma_start3A_52 = arith.constant 0 : i32
        %dma_start3A_53 = tpu.memref_slice %arg6[%run_scoped3A_50, %add3A_35, %dma_start3A_52] : memref<1x40x128xi32, #tpu.memory_space<vmem>> -> memref<1x1x128xi32, #tpu.memory_space<vmem>>
        %dma_start3A_54 = tpu.memref_squeeze %dma_start3A_53 : memref<1x1x128xi32, #tpu.memory_space<vmem>> -> memref<128xi32, #tpu.memory_space<vmem>>
        %dma_start3A_55 = arith.constant 0 : i32
        %dma_start3A_56 = arith.constant 0 : i32
        %dma_start3A_57 = tpu.memref_slice %arg12[%dma_start3A_55, %dma_start3A_56] : memref<10016x16xf32, #tpu.memory_space<vmem_shared>> -> memref<10016x16xf32, #tpu.memory_space<vmem_shared>>
        tpu.enqueue_indirect_dma source(%arg8 : memref<128x16xf32, #tpu.memory_space<vmem>>) target(%dma_start3A_57 : memref<10016x16xf32, #tpu.memory_space<vmem_shared>>) offsets(%dma_start3A_54 : memref<128xi32, #tpu.memory_space<vmem>>) semaphore(%run_scoped3A_51 : memref<!tpu.dma_semaphore, #tpu.memory_space<semaphore_mem>>) {add = true}
        %dma_wait3A_58 = arith.constant 0 : i32
        %dma_wait3A_59 = tpu.memref_slice %arg6[%run_scoped3A_50, %add3A_35, %dma_wait3A_58] : memref<1x40x128xi32, #tpu.memory_space<vmem>> -> memref<1x1x128xi32, #tpu.memory_space<vmem>>
        %dma_wait3A_60 = tpu.memref_squeeze %dma_wait3A_59 : memref<1x1x128xi32, #tpu.memory_space<vmem>> -> memref<128xi32, #tpu.memory_space<vmem>>
        %dma_wait3A_61 = arith.constant 0 : i32
        %dma_wait3A_62 = arith.constant 0 : i32
        %dma_wait3A_63 = tpu.memref_slice %arg12[%dma_wait3A_61, %dma_wait3A_62] : memref<10016x16xf32, #tpu.memory_space<vmem_shared>> -> memref<10016x16xf32, #tpu.memory_space<vmem_shared>>
        tpu.wait_indirect_dma semaphore(%run_scoped3A_51 : memref<!tpu.dma_semaphore, #tpu.memory_space<semaphore_mem>>) src(%arg8 : memref<128x16xf32, #tpu.memory_space<vmem>>) dst(%dma_wait3A_63 : memref<10016x16xf32, #tpu.memory_space<vmem_shared>>)
        tpu.yield
      }) : () -> ()
    }
    %scan3A_15 = arith.constant 20 : i32
    %barrier3A_16 = arith.constant 0 : index
    tpu.barrier barrier_id(%barrier3A_16)
    "tpu.region"() ({
      %run_scoped3A = tpu.sem_alloc : memref<!tpu.dma_semaphore, #tpu.memory_space<semaphore_mem>>
      %dma_start3A_17 = arith.constant 0 : i32
      %dma_start3A_18 = arith.constant 0 : i32
      %dma_start3A_19 = tpu.memref_slice %arg5[%arg0, %dma_start3A_17, %dma_start3A_18] : memref<2x10016x16xf32, #tpu.memory_space<hbm>> -> memref<1x10016x16xf32, #tpu.memory_space<hbm>>
      %dma_start3A_20 = tpu.memref_squeeze %dma_start3A_19 : memref<1x10016x16xf32, #tpu.memory_space<hbm>> -> memref<10016x16xf32, #tpu.memory_space<hbm>>
      %dma_start3A_21 = arith.constant 0 : i32
      %dma_start3A_22 = tpu.memref_slice %dma_start3A_20[%mul3A_2, %dma_start3A_21] : memref<10016x16xf32, #tpu.memory_space<hbm>> -> memref<626x16xf32, #tpu.memory_space<hbm>>
      %dma_start3A_23 = arith.constant 0 : i32
      %dma_start3A_24 = tpu.memref_slice %arg12[%mul3A_2, %dma_start3A_23] : memref<10016x16xf32, #tpu.memory_space<vmem_shared>> -> memref<626x16xf32, #tpu.memory_space<vmem_shared>>
      tpu.enqueue_dma source(%dma_start3A_24 : memref<626x16xf32, #tpu.memory_space<vmem_shared>>) target(%dma_start3A_22 : memref<626x16xf32, #tpu.memory_space<hbm>>) target_semaphore(%run_scoped3A : memref<!tpu.dma_semaphore, #tpu.memory_space<semaphore_mem>>)
      %dma_wait3A = arith.constant 0 : i32
      %dma_wait3A_25 = arith.constant 0 : i32
      %dma_wait3A_26 = tpu.memref_slice %arg5[%arg0, %dma_wait3A, %dma_wait3A_25] : memref<2x10016x16xf32, #tpu.memory_space<hbm>> -> memref<1x10016x16xf32, #tpu.memory_space<hbm>>
      %dma_wait3A_27 = tpu.memref_squeeze %dma_wait3A_26 : memref<1x10016x16xf32, #tpu.memory_space<hbm>> -> memref<10016x16xf32, #tpu.memory_space<hbm>>
      %dma_wait3A_28 = arith.constant 0 : i32
      %dma_wait3A_29 = tpu.memref_slice %dma_wait3A_27[%mul3A_2, %dma_wait3A_28] : memref<10016x16xf32, #tpu.memory_space<hbm>> -> memref<626x16xf32, #tpu.memory_space<hbm>>
      %dma_wait3A_30 = arith.constant 0 : i32
      %dma_wait3A_31 = tpu.memref_slice %arg12[%mul3A_2, %dma_wait3A_30] : memref<10016x16xf32, #tpu.memory_space<vmem_shared>> -> memref<626x16xf32, #tpu.memory_space<vmem_shared>>
      tpu.wait_dma2 semaphore(%run_scoped3A : memref<!tpu.dma_semaphore, #tpu.memory_space<semaphore_mem>>) src(%dma_wait3A_31 : memref<626x16xf32, #tpu.memory_space<vmem_shared>>) dst(%dma_wait3A_29 : memref<626x16xf32, #tpu.memory_space<hbm>>)
      tpu.yield
    }) : () -> ()
    return
  }
}

#map = affine_map<(d0, d1) -> (0, 0)>
#map1 = affine_map<(d0, d1) -> (0, 0, 0)>
module attributes {stable_mosaic.version = 14 : i64} {
  func.func @scatter_k(%arg0: i32, %arg1: i32, %arg2: memref<163840x128xf32, #tpu.memory_space<hbm>>, %arg3: memref<32x80x128xi32, #tpu.memory_space<hbm>>, %arg4: memref<10016x128xf32, #tpu.memory_space<hbm>>, %arg5: memref<10016x128xf32, #tpu.memory_space<hbm>>, %arg6: memref<10016x128xf32, #tpu.memory_space<hbm>>, %arg7: memref<1x40x128xi32, #tpu.memory_space<vmem>>, %arg8: memref<128x128xf32, #tpu.memory_space<vmem>>, %arg9: memref<128x128xf32, #tpu.memory_space<vmem>>, %arg10: memref<!tpu.dma_semaphore, #tpu.memory_space<semaphore_mem>>, %arg11: memref<!tpu.dma_semaphore, #tpu.memory_space<semaphore_mem>>, %arg12: memref<!tpu.dma_semaphore, #tpu.memory_space<semaphore_mem>>, %arg13: memref<10016x128xf32, #tpu.memory_space<vmem_shared>>) attributes {dimension_semantics = [#tpu.dimension_semantics<core_parallel>, #tpu.dimension_semantics<subcore_parallel>], iteration_bounds = array<i64: 2, 16>, scalar_prefetch = 0 : i64, scratch_operands = 7 : i64, tpu.core_type = #tpu.core_type<sc_vector_subcore>, window_params = [{transform_indices = #map}, {transform_indices = #map1}, {transform_indices = #map}, {transform_indices = #map}, {transform_indices = #map}]} {
    %mul3A = arith.constant 16 : i32
    %mul3A_0 = arith.muli %arg0, %mul3A : i32
    %add3A = arith.addi %mul3A_0, %arg1 : i32
    %mul3A_1 = arith.constant 640 : i32
    %mul3A_2 = arith.muli %arg1, %mul3A_1 : i32
    %lt3A = arith.constant 15 : i32
    %lt3A_3 = arith.cmpi slt, %arg1, %lt3A : i32
    %convert_element_type3A = arith.extui %lt3A_3 : i1 to i32
    %cond3A = arith.constant 0 : i32
    %cond3A_4 = arith.cmpi ne, %convert_element_type3A, %cond3A : i32
    scf.if %cond3A_4 {
      "tpu.region"() ({
        %run_scoped3A = tpu.sem_alloc : memref<!tpu.dma_semaphore, #tpu.memory_space<semaphore_mem>>
        %dma_start3A_65 = arith.constant 0 : i32
        %dma_start3A_66 = tpu.memref_slice %arg13[%mul3A_2, %dma_start3A_65] : memref<10016x128xf32, #tpu.memory_space<vmem_shared>> -> memref<640x128xf32, #tpu.memory_space<vmem_shared>>
        %dma_start3A_67 = arith.constant 0 : i32
        %dma_start3A_68 = tpu.memref_slice %arg4[%mul3A_2, %dma_start3A_67] : memref<10016x128xf32, #tpu.memory_space<hbm>> -> memref<640x128xf32, #tpu.memory_space<hbm>>
        tpu.enqueue_dma source(%dma_start3A_68 : memref<640x128xf32, #tpu.memory_space<hbm>>) target(%dma_start3A_66 : memref<640x128xf32, #tpu.memory_space<vmem_shared>>) target_semaphore(%run_scoped3A : memref<!tpu.dma_semaphore, #tpu.memory_space<semaphore_mem>>)
        %dma_wait3A = arith.constant 0 : i32
        %dma_wait3A_69 = tpu.memref_slice %arg13[%mul3A_2, %dma_wait3A] : memref<10016x128xf32, #tpu.memory_space<vmem_shared>> -> memref<640x128xf32, #tpu.memory_space<vmem_shared>>
        %dma_wait3A_70 = arith.constant 0 : i32
        %dma_wait3A_71 = tpu.memref_slice %arg4[%mul3A_2, %dma_wait3A_70] : memref<10016x128xf32, #tpu.memory_space<hbm>> -> memref<640x128xf32, #tpu.memory_space<hbm>>
        tpu.wait_dma2 semaphore(%run_scoped3A : memref<!tpu.dma_semaphore, #tpu.memory_space<semaphore_mem>>) src(%dma_wait3A_71 : memref<640x128xf32, #tpu.memory_space<hbm>>) dst(%dma_wait3A_69 : memref<640x128xf32, #tpu.memory_space<vmem_shared>>)
        tpu.yield
      }) : () -> ()
    } else {
    }
    %eq3A = arith.constant 15 : i32
    %eq3A_5 = arith.cmpi eq, %arg1, %eq3A : i32
    %convert_element_type3A_6 = arith.extui %eq3A_5 : i1 to i32
    %cond3A_7 = arith.constant 0 : i32
    %cond3A_8 = arith.cmpi ne, %convert_element_type3A_6, %cond3A_7 : i32
    scf.if %cond3A_8 {
      "tpu.region"() ({
        %run_scoped3A = tpu.sem_alloc : memref<!tpu.dma_semaphore, #tpu.memory_space<semaphore_mem>>
        %dma_start3A_65 = arith.constant 0 : i32
        %dma_start3A_66 = tpu.memref_slice %arg13[%mul3A_2, %dma_start3A_65] : memref<10016x128xf32, #tpu.memory_space<vmem_shared>> -> memref<416x128xf32, #tpu.memory_space<vmem_shared>>
        %dma_start3A_67 = arith.constant 0 : i32
        %dma_start3A_68 = tpu.memref_slice %arg4[%mul3A_2, %dma_start3A_67] : memref<10016x128xf32, #tpu.memory_space<hbm>> -> memref<416x128xf32, #tpu.memory_space<hbm>>
        tpu.enqueue_dma source(%dma_start3A_68 : memref<416x128xf32, #tpu.memory_space<hbm>>) target(%dma_start3A_66 : memref<416x128xf32, #tpu.memory_space<vmem_shared>>) target_semaphore(%run_scoped3A : memref<!tpu.dma_semaphore, #tpu.memory_space<semaphore_mem>>)
        %dma_wait3A = arith.constant 0 : i32
        %dma_wait3A_69 = tpu.memref_slice %arg13[%mul3A_2, %dma_wait3A] : memref<10016x128xf32, #tpu.memory_space<vmem_shared>> -> memref<416x128xf32, #tpu.memory_space<vmem_shared>>
        %dma_wait3A_70 = arith.constant 0 : i32
        %dma_wait3A_71 = tpu.memref_slice %arg4[%mul3A_2, %dma_wait3A_70] : memref<10016x128xf32, #tpu.memory_space<hbm>> -> memref<416x128xf32, #tpu.memory_space<hbm>>
        tpu.wait_dma2 semaphore(%run_scoped3A : memref<!tpu.dma_semaphore, #tpu.memory_space<semaphore_mem>>) src(%dma_wait3A_71 : memref<416x128xf32, #tpu.memory_space<hbm>>) dst(%dma_wait3A_69 : memref<416x128xf32, #tpu.memory_space<vmem_shared>>)
        tpu.yield
      }) : () -> ()
    } else {
    }
    %barrier3A = arith.constant 0 : index
    tpu.barrier barrier_id(%barrier3A)
    %mul3A_9 = arith.constant 10240 : i32
    %mul3A_10 = arith.muli %arg1, %mul3A_9 : i32
    "tpu.region"() ({
      %run_scoped3A = tpu.sem_alloc : memref<!tpu.dma_semaphore, #tpu.memory_space<semaphore_mem>>
      %dma_start3A_65 = arith.constant 0 : i32
      %dma_start3A_66 = arith.constant 0 : i32
      %dma_start3A_67 = tpu.memref_slice %arg3[%add3A, %dma_start3A_65, %dma_start3A_66] : memref<32x80x128xi32, #tpu.memory_space<hbm>> -> memref<1x40x128xi32, #tpu.memory_space<hbm>>
      %dma_start3A_68 = arith.constant 0 : i32
      %dma_start3A_69 = arith.constant 0 : i32
      %dma_start3A_70 = tpu.memref_slice %arg3[%add3A, %dma_start3A_68, %dma_start3A_69] : memref<32x80x128xi32, #tpu.memory_space<hbm>> -> memref<1x40x128xi32, #tpu.memory_space<hbm>>
      tpu.enqueue_dma source(%dma_start3A_70 : memref<1x40x128xi32, #tpu.memory_space<hbm>>) target(%arg7 : memref<1x40x128xi32, #tpu.memory_space<vmem>>) target_semaphore(%run_scoped3A : memref<!tpu.dma_semaphore, #tpu.memory_space<semaphore_mem>>)
      %dma_wait3A = arith.constant 0 : i32
      %dma_wait3A_71 = arith.constant 0 : i32
      %dma_wait3A_72 = tpu.memref_slice %arg3[%add3A, %dma_wait3A, %dma_wait3A_71] : memref<32x80x128xi32, #tpu.memory_space<hbm>> -> memref<1x40x128xi32, #tpu.memory_space<hbm>>
      %dma_wait3A_73 = arith.constant 0 : i32
      %dma_wait3A_74 = arith.constant 0 : i32
      %dma_wait3A_75 = tpu.memref_slice %arg3[%add3A, %dma_wait3A_73, %dma_wait3A_74] : memref<32x80x128xi32, #tpu.memory_space<hbm>> -> memref<1x40x128xi32, #tpu.memory_space<hbm>>
      tpu.wait_dma2 semaphore(%run_scoped3A : memref<!tpu.dma_semaphore, #tpu.memory_space<semaphore_mem>>) src(%dma_wait3A_75 : memref<1x40x128xi32, #tpu.memory_space<hbm>>) dst(%arg7 : memref<1x40x128xi32, #tpu.memory_space<vmem>>)
      tpu.yield
    }) : () -> ()
    %add3A_11 = arith.constant 0 : i32
    %add3A_12 = arith.addi %mul3A_10, %add3A_11 : i32
    %dma_start3A = arith.constant 0 : i32
    %dma_start3A_13 = tpu.memref_slice %arg2[%add3A_12, %dma_start3A] : memref<163840x128xf32, #tpu.memory_space<hbm>> -> memref<128x128xf32, #tpu.memory_space<hbm>>
    %dma_start3A_14 = arith.constant 0 : i32
    %dma_start3A_15 = tpu.memref_slice %arg2[%add3A_12, %dma_start3A_14] : memref<163840x128xf32, #tpu.memory_space<hbm>> -> memref<128x128xf32, #tpu.memory_space<hbm>>
    tpu.enqueue_dma source(%dma_start3A_15 : memref<128x128xf32, #tpu.memory_space<hbm>>) target(%arg8 : memref<128x128xf32, #tpu.memory_space<vmem>>) target_semaphore(%arg10 : memref<!tpu.dma_semaphore, #tpu.memory_space<semaphore_mem>>)
    %scan3A = arith.constant 0 : i32
    %scan3A_16 = arith.constant 0 : i32
    %scan3A_17 = arith.constant 20 : i32
    %scan3A_18 = arith.addi %scan3A_16, %scan3A_17 : i32
    %scan3A_19 = arith.constant 1 : i32
    scf.for %scan3A_65 = %scan3A_16 to %scan3A_18 step %scan3A_19  : i32 {
      %mul3A_66 = arith.constant 2 : i32
      %mul3A_67 = arith.muli %mul3A_66, %scan3A_65 : i32
      %add3A_68 = arith.constant 0 : i32
      %add3A_69 = arith.addi %mul3A_67, %add3A_68 : i32
      %mul3A_70 = arith.constant 128 : i32
      %mul3A_71 = arith.muli %add3A_69, %mul3A_70 : i32
      %add3A_72 = arith.addi %add3A_12, %mul3A_71 : i32
      %dma_wait3A = arith.constant 0 : i32
      %dma_wait3A_73 = tpu.memref_slice %arg2[%add3A_72, %dma_wait3A] : memref<163840x128xf32, #tpu.memory_space<hbm>> -> memref<128x128xf32, #tpu.memory_space<hbm>>
      %dma_wait3A_74 = arith.constant 0 : i32
      %dma_wait3A_75 = tpu.memref_slice %arg2[%add3A_72, %dma_wait3A_74] : memref<163840x128xf32, #tpu.memory_space<hbm>> -> memref<128x128xf32, #tpu.memory_space<hbm>>
      tpu.wait_dma2 semaphore(%arg10 : memref<!tpu.dma_semaphore, #tpu.memory_space<semaphore_mem>>) src(%dma_wait3A_75 : memref<128x128xf32, #tpu.memory_space<hbm>>) dst(%arg8 : memref<128x128xf32, #tpu.memory_space<vmem>>)
      %add3A_76 = arith.constant 1 : i32
      %add3A_77 = arith.addi %add3A_69, %add3A_76 : i32
      %lt3A_78 = arith.constant 40 : i32
      %lt3A_79 = arith.cmpi slt, %add3A_77, %lt3A_78 : i32
      %convert_element_type3A_80 = arith.extui %lt3A_79 : i1 to i32
      %cond3A_81 = arith.constant 0 : i32
      %cond3A_82 = arith.cmpi ne, %convert_element_type3A_80, %cond3A_81 : i32
      scf.if %cond3A_82 {
        %add3A_102 = arith.constant 1 : i32
        %add3A_103 = arith.addi %add3A_69, %add3A_102 : i32
        %mul3A_104 = arith.constant 128 : i32
        %mul3A_105 = arith.muli %add3A_103, %mul3A_104 : i32
        %add3A_106 = arith.addi %add3A_12, %mul3A_105 : i32
        %dma_start3A_107 = arith.constant 0 : i32
        %dma_start3A_108 = tpu.memref_slice %arg2[%add3A_106, %dma_start3A_107] : memref<163840x128xf32, #tpu.memory_space<hbm>> -> memref<128x128xf32, #tpu.memory_space<hbm>>
        %dma_start3A_109 = arith.constant 0 : i32
        %dma_start3A_110 = tpu.memref_slice %arg2[%add3A_106, %dma_start3A_109] : memref<163840x128xf32, #tpu.memory_space<hbm>> -> memref<128x128xf32, #tpu.memory_space<hbm>>
        tpu.enqueue_dma source(%dma_start3A_110 : memref<128x128xf32, #tpu.memory_space<hbm>>) target(%arg9 : memref<128x128xf32, #tpu.memory_space<vmem>>) target_semaphore(%arg11 : memref<!tpu.dma_semaphore, #tpu.memory_space<semaphore_mem>>)
      } else {
      }
      %run_scoped3A = arith.constant 0 : i32
      "tpu.region"() ({
        %run_scoped3A_102 = tpu.sem_alloc : memref<!tpu.dma_semaphore, #tpu.memory_space<semaphore_mem>>
        %dma_start3A_103 = arith.constant 0 : i32
        %dma_start3A_104 = tpu.memref_slice %arg7[%run_scoped3A, %add3A_69, %dma_start3A_103] : memref<1x40x128xi32, #tpu.memory_space<vmem>> -> memref<1x1x128xi32, #tpu.memory_space<vmem>>
        %dma_start3A_105 = tpu.memref_squeeze %dma_start3A_104 : memref<1x1x128xi32, #tpu.memory_space<vmem>> -> memref<128xi32, #tpu.memory_space<vmem>>
        %dma_start3A_106 = arith.constant 0 : i32
        %dma_start3A_107 = arith.constant 0 : i32
        %dma_start3A_108 = tpu.memref_slice %arg13[%dma_start3A_106, %dma_start3A_107] : memref<10016x128xf32, #tpu.memory_space<vmem_shared>> -> memref<10016x128xf32, #tpu.memory_space<vmem_shared>>
        tpu.enqueue_indirect_dma source(%arg8 : memref<128x128xf32, #tpu.memory_space<vmem>>) target(%dma_start3A_108 : memref<10016x128xf32, #tpu.memory_space<vmem_shared>>) offsets(%dma_start3A_105 : memref<128xi32, #tpu.memory_space<vmem>>) semaphore(%run_scoped3A_102 : memref<!tpu.dma_semaphore, #tpu.memory_space<semaphore_mem>>) {add = true}
        %dma_wait3A_109 = arith.constant 0 : i32
        %dma_wait3A_110 = tpu.memref_slice %arg7[%run_scoped3A, %add3A_69, %dma_wait3A_109] : memref<1x40x128xi32, #tpu.memory_space<vmem>> -> memref<1x1x128xi32, #tpu.memory_space<vmem>>
        %dma_wait3A_111 = tpu.memref_squeeze %dma_wait3A_110 : memref<1x1x128xi32, #tpu.memory_space<vmem>> -> memref<128xi32, #tpu.memory_space<vmem>>
        %dma_wait3A_112 = arith.constant 0 : i32
        %dma_wait3A_113 = arith.constant 0 : i32
        %dma_wait3A_114 = tpu.memref_slice %arg13[%dma_wait3A_112, %dma_wait3A_113] : memref<10016x128xf32, #tpu.memory_space<vmem_shared>> -> memref<10016x128xf32, #tpu.memory_space<vmem_shared>>
        tpu.wait_indirect_dma semaphore(%run_scoped3A_102 : memref<!tpu.dma_semaphore, #tpu.memory_space<semaphore_mem>>) src(%arg8 : memref<128x128xf32, #tpu.memory_space<vmem>>) dst(%dma_wait3A_114 : memref<10016x128xf32, #tpu.memory_space<vmem_shared>>)
        tpu.yield
      }) : () -> ()
      %mul3A_83 = arith.constant 2 : i32
      %mul3A_84 = arith.muli %mul3A_83, %scan3A_65 : i32
      %add3A_85 = arith.constant 1 : i32
      %add3A_86 = arith.addi %mul3A_84, %add3A_85 : i32
      %mul3A_87 = arith.constant 128 : i32
      %mul3A_88 = arith.muli %add3A_86, %mul3A_87 : i32
      %add3A_89 = arith.addi %add3A_12, %mul3A_88 : i32
      %dma_wait3A_90 = arith.constant 0 : i32
      %dma_wait3A_91 = tpu.memref_slice %arg2[%add3A_89, %dma_wait3A_90] : memref<163840x128xf32, #tpu.memory_space<hbm>> -> memref<128x128xf32, #tpu.memory_space<hbm>>
      %dma_wait3A_92 = arith.constant 0 : i32
      %dma_wait3A_93 = tpu.memref_slice %arg2[%add3A_89, %dma_wait3A_92] : memref<163840x128xf32, #tpu.memory_space<hbm>> -> memref<128x128xf32, #tpu.memory_space<hbm>>
      tpu.wait_dma2 semaphore(%arg11 : memref<!tpu.dma_semaphore, #tpu.memory_space<semaphore_mem>>) src(%dma_wait3A_93 : memref<128x128xf32, #tpu.memory_space<hbm>>) dst(%arg9 : memref<128x128xf32, #tpu.memory_space<vmem>>)
      %add3A_94 = arith.constant 1 : i32
      %add3A_95 = arith.addi %add3A_86, %add3A_94 : i32
      %lt3A_96 = arith.constant 40 : i32
      %lt3A_97 = arith.cmpi slt, %add3A_95, %lt3A_96 : i32
      %convert_element_type3A_98 = arith.extui %lt3A_97 : i1 to i32
      %cond3A_99 = arith.constant 0 : i32
      %cond3A_100 = arith.cmpi ne, %convert_element_type3A_98, %cond3A_99 : i32
      scf.if %cond3A_100 {
        %add3A_102 = arith.constant 1 : i32
        %add3A_103 = arith.addi %add3A_86, %add3A_102 : i32
        %mul3A_104 = arith.constant 128 : i32
        %mul3A_105 = arith.muli %add3A_103, %mul3A_104 : i32
        %add3A_106 = arith.addi %add3A_12, %mul3A_105 : i32
        %dma_start3A_107 = arith.constant 0 : i32
        %dma_start3A_108 = tpu.memref_slice %arg2[%add3A_106, %dma_start3A_107] : memref<163840x128xf32, #tpu.memory_space<hbm>> -> memref<128x128xf32, #tpu.memory_space<hbm>>
        %dma_start3A_109 = arith.constant 0 : i32
        %dma_start3A_110 = tpu.memref_slice %arg2[%add3A_106, %dma_start3A_109] : memref<163840x128xf32, #tpu.memory_space<hbm>> -> memref<128x128xf32, #tpu.memory_space<hbm>>
        tpu.enqueue_dma source(%dma_start3A_110 : memref<128x128xf32, #tpu.memory_space<hbm>>) target(%arg8 : memref<128x128xf32, #tpu.memory_space<vmem>>) target_semaphore(%arg10 : memref<!tpu.dma_semaphore, #tpu.memory_space<semaphore_mem>>)
      } else {
      }
      %run_scoped3A_101 = arith.constant 0 : i32
      "tpu.region"() ({
        %run_scoped3A_102 = tpu.sem_alloc : memref<!tpu.dma_semaphore, #tpu.memory_space<semaphore_mem>>
        %dma_start3A_103 = arith.constant 0 : i32
        %dma_start3A_104 = tpu.memref_slice %arg7[%run_scoped3A_101, %add3A_86, %dma_start3A_103] : memref<1x40x128xi32, #tpu.memory_space<vmem>> -> memref<1x1x128xi32, #tpu.memory_space<vmem>>
        %dma_start3A_105 = tpu.memref_squeeze %dma_start3A_104 : memref<1x1x128xi32, #tpu.memory_space<vmem>> -> memref<128xi32, #tpu.memory_space<vmem>>
        %dma_start3A_106 = arith.constant 0 : i32
        %dma_start3A_107 = arith.constant 0 : i32
        %dma_start3A_108 = tpu.memref_slice %arg13[%dma_start3A_106, %dma_start3A_107] : memref<10016x128xf32, #tpu.memory_space<vmem_shared>> -> memref<10016x128xf32, #tpu.memory_space<vmem_shared>>
        tpu.enqueue_indirect_dma source(%arg9 : memref<128x128xf32, #tpu.memory_space<vmem>>) target(%dma_start3A_108 : memref<10016x128xf32, #tpu.memory_space<vmem_shared>>) offsets(%dma_start3A_105 : memref<128xi32, #tpu.memory_space<vmem>>) semaphore(%run_scoped3A_102 : memref<!tpu.dma_semaphore, #tpu.memory_space<semaphore_mem>>) {add = true}
        %dma_wait3A_109 = arith.constant 0 : i32
        %dma_wait3A_110 = tpu.memref_slice %arg7[%run_scoped3A_101, %add3A_86, %dma_wait3A_109] : memref<1x40x128xi32, #tpu.memory_space<vmem>> -> memref<1x1x128xi32, #tpu.memory_space<vmem>>
        %dma_wait3A_111 = tpu.memref_squeeze %dma_wait3A_110 : memref<1x1x128xi32, #tpu.memory_space<vmem>> -> memref<128xi32, #tpu.memory_space<vmem>>
        %dma_wait3A_112 = arith.constant 0 : i32
        %dma_wait3A_113 = arith.constant 0 : i32
        %dma_wait3A_114 = tpu.memref_slice %arg13[%dma_wait3A_112, %dma_wait3A_113] : memref<10016x128xf32, #tpu.memory_space<vmem_shared>> -> memref<10016x128xf32, #tpu.memory_space<vmem_shared>>
        tpu.wait_indirect_dma semaphore(%run_scoped3A_102 : memref<!tpu.dma_semaphore, #tpu.memory_space<semaphore_mem>>) src(%arg9 : memref<128x128xf32, #tpu.memory_space<vmem>>) dst(%dma_wait3A_114 : memref<10016x128xf32, #tpu.memory_space<vmem_shared>>)
        tpu.yield
      }) : () -> ()
    }
    %scan3A_20 = arith.constant 20 : i32
    "tpu.region"() ({
      %run_scoped3A = tpu.sem_alloc : memref<!tpu.dma_semaphore, #tpu.memory_space<semaphore_mem>>
      %dma_start3A_65 = arith.constant 40 : i32
      %dma_start3A_66 = arith.constant 0 : i32
      %dma_start3A_67 = tpu.memref_slice %arg3[%add3A, %dma_start3A_65, %dma_start3A_66] : memref<32x80x128xi32, #tpu.memory_space<hbm>> -> memref<1x40x128xi32, #tpu.memory_space<hbm>>
      %dma_start3A_68 = arith.constant 40 : i32
      %dma_start3A_69 = arith.constant 0 : i32
      %dma_start3A_70 = tpu.memref_slice %arg3[%add3A, %dma_start3A_68, %dma_start3A_69] : memref<32x80x128xi32, #tpu.memory_space<hbm>> -> memref<1x40x128xi32, #tpu.memory_space<hbm>>
      tpu.enqueue_dma source(%dma_start3A_70 : memref<1x40x128xi32, #tpu.memory_space<hbm>>) target(%arg7 : memref<1x40x128xi32, #tpu.memory_space<vmem>>) target_semaphore(%run_scoped3A : memref<!tpu.dma_semaphore, #tpu.memory_space<semaphore_mem>>)
      %dma_wait3A = arith.constant 40 : i32
      %dma_wait3A_71 = arith.constant 0 : i32
      %dma_wait3A_72 = tpu.memref_slice %arg3[%add3A, %dma_wait3A, %dma_wait3A_71] : memref<32x80x128xi32, #tpu.memory_space<hbm>> -> memref<1x40x128xi32, #tpu.memory_space<hbm>>
      %dma_wait3A_73 = arith.constant 40 : i32
      %dma_wait3A_74 = arith.constant 0 : i32
      %dma_wait3A_75 = tpu.memref_slice %arg3[%add3A, %dma_wait3A_73, %dma_wait3A_74] : memref<32x80x128xi32, #tpu.memory_space<hbm>> -> memref<1x40x128xi32, #tpu.memory_space<hbm>>
      tpu.wait_dma2 semaphore(%run_scoped3A : memref<!tpu.dma_semaphore, #tpu.memory_space<semaphore_mem>>) src(%dma_wait3A_75 : memref<1x40x128xi32, #tpu.memory_space<hbm>>) dst(%arg7 : memref<1x40x128xi32, #tpu.memory_space<vmem>>)
      tpu.yield
    }) : () -> ()
    %add3A_21 = arith.constant 5120 : i32
    %add3A_22 = arith.addi %mul3A_10, %add3A_21 : i32
    %dma_start3A_23 = arith.constant 0 : i32
    %dma_start3A_24 = tpu.memref_slice %arg2[%add3A_22, %dma_start3A_23] : memref<163840x128xf32, #tpu.memory_space<hbm>> -> memref<128x128xf32, #tpu.memory_space<hbm>>
    %dma_start3A_25 = arith.constant 0 : i32
    %dma_start3A_26 = tpu.memref_slice %arg2[%add3A_22, %dma_start3A_25] : memref<163840x128xf32, #tpu.memory_space<hbm>> -> memref<128x128xf32, #tpu.memory_space<hbm>>
    tpu.enqueue_dma source(%dma_start3A_26 : memref<128x128xf32, #tpu.memory_space<hbm>>) target(%arg8 : memref<128x128xf32, #tpu.memory_space<vmem>>) target_semaphore(%arg10 : memref<!tpu.dma_semaphore, #tpu.memory_space<semaphore_mem>>)
    %scan3A_27 = arith.constant 0 : i32
    %scan3A_28 = arith.constant 0 : i32
    %scan3A_29 = arith.constant 20 : i32
    %scan3A_30 = arith.addi %scan3A_28, %scan3A_29 : i32
    %scan3A_31 = arith.constant 1 : i32
    scf.for %scan3A_65 = %scan3A_28 to %scan3A_30 step %scan3A_31  : i32 {
      %mul3A_66 = arith.constant 2 : i32
      %mul3A_67 = arith.muli %mul3A_66, %scan3A_65 : i32
      %add3A_68 = arith.constant 0 : i32
      %add3A_69 = arith.addi %mul3A_67, %add3A_68 : i32
      %mul3A_70 = arith.constant 128 : i32
      %mul3A_71 = arith.muli %add3A_69, %mul3A_70 : i32
      %add3A_72 = arith.addi %add3A_22, %mul3A_71 : i32
      %dma_wait3A = arith.constant 0 : i32
      %dma_wait3A_73 = tpu.memref_slice %arg2[%add3A_72, %dma_wait3A] : memref<163840x128xf32, #tpu.memory_space<hbm>> -> memref<128x128xf32, #tpu.memory_space<hbm>>
      %dma_wait3A_74 = arith.constant 0 : i32
      %dma_wait3A_75 = tpu.memref_slice %arg2[%add3A_72, %dma_wait3A_74] : memref<163840x128xf32, #tpu.memory_space<hbm>> -> memref<128x128xf32, #tpu.memory_space<hbm>>
      tpu.wait_dma2 semaphore(%arg10 : memref<!tpu.dma_semaphore, #tpu.memory_space<semaphore_mem>>) src(%dma_wait3A_75 : memref<128x128xf32, #tpu.memory_space<hbm>>) dst(%arg8 : memref<128x128xf32, #tpu.memory_space<vmem>>)
      %add3A_76 = arith.constant 1 : i32
      %add3A_77 = arith.addi %add3A_69, %add3A_76 : i32
      %lt3A_78 = arith.constant 40 : i32
      %lt3A_79 = arith.cmpi slt, %add3A_77, %lt3A_78 : i32
      %convert_element_type3A_80 = arith.extui %lt3A_79 : i1 to i32
      %cond3A_81 = arith.constant 0 : i32
      %cond3A_82 = arith.cmpi ne, %convert_element_type3A_80, %cond3A_81 : i32
      scf.if %cond3A_82 {
        %add3A_102 = arith.constant 1 : i32
        %add3A_103 = arith.addi %add3A_69, %add3A_102 : i32
        %mul3A_104 = arith.constant 128 : i32
        %mul3A_105 = arith.muli %add3A_103, %mul3A_104 : i32
        %add3A_106 = arith.addi %add3A_22, %mul3A_105 : i32
        %dma_start3A_107 = arith.constant 0 : i32
        %dma_start3A_108 = tpu.memref_slice %arg2[%add3A_106, %dma_start3A_107] : memref<163840x128xf32, #tpu.memory_space<hbm>> -> memref<128x128xf32, #tpu.memory_space<hbm>>
        %dma_start3A_109 = arith.constant 0 : i32
        %dma_start3A_110 = tpu.memref_slice %arg2[%add3A_106, %dma_start3A_109] : memref<163840x128xf32, #tpu.memory_space<hbm>> -> memref<128x128xf32, #tpu.memory_space<hbm>>
        tpu.enqueue_dma source(%dma_start3A_110 : memref<128x128xf32, #tpu.memory_space<hbm>>) target(%arg9 : memref<128x128xf32, #tpu.memory_space<vmem>>) target_semaphore(%arg11 : memref<!tpu.dma_semaphore, #tpu.memory_space<semaphore_mem>>)
      } else {
      }
      %run_scoped3A = arith.constant 0 : i32
      "tpu.region"() ({
        %run_scoped3A_102 = tpu.sem_alloc : memref<!tpu.dma_semaphore, #tpu.memory_space<semaphore_mem>>
        %dma_start3A_103 = arith.constant 0 : i32
        %dma_start3A_104 = tpu.memref_slice %arg7[%run_scoped3A, %add3A_69, %dma_start3A_103] : memref<1x40x128xi32, #tpu.memory_space<vmem>> -> memref<1x1x128xi32, #tpu.memory_space<vmem>>
        %dma_start3A_105 = tpu.memref_squeeze %dma_start3A_104 : memref<1x1x128xi32, #tpu.memory_space<vmem>> -> memref<128xi32, #tpu.memory_space<vmem>>
        %dma_start3A_106 = arith.constant 0 : i32
        %dma_start3A_107 = arith.constant 0 : i32
        %dma_start3A_108 = tpu.memref_slice %arg13[%dma_start3A_106, %dma_start3A_107] : memref<10016x128xf32, #tpu.memory_space<vmem_shared>> -> memref<10016x128xf32, #tpu.memory_space<vmem_shared>>
        tpu.enqueue_indirect_dma source(%arg8 : memref<128x128xf32, #tpu.memory_space<vmem>>) target(%dma_start3A_108 : memref<10016x128xf32, #tpu.memory_space<vmem_shared>>) offsets(%dma_start3A_105 : memref<128xi32, #tpu.memory_space<vmem>>) semaphore(%run_scoped3A_102 : memref<!tpu.dma_semaphore, #tpu.memory_space<semaphore_mem>>) {add = true}
        %dma_wait3A_109 = arith.constant 0 : i32
        %dma_wait3A_110 = tpu.memref_slice %arg7[%run_scoped3A, %add3A_69, %dma_wait3A_109] : memref<1x40x128xi32, #tpu.memory_space<vmem>> -> memref<1x1x128xi32, #tpu.memory_space<vmem>>
        %dma_wait3A_111 = tpu.memref_squeeze %dma_wait3A_110 : memref<1x1x128xi32, #tpu.memory_space<vmem>> -> memref<128xi32, #tpu.memory_space<vmem>>
        %dma_wait3A_112 = arith.constant 0 : i32
        %dma_wait3A_113 = arith.constant 0 : i32
        %dma_wait3A_114 = tpu.memref_slice %arg13[%dma_wait3A_112, %dma_wait3A_113] : memref<10016x128xf32, #tpu.memory_space<vmem_shared>> -> memref<10016x128xf32, #tpu.memory_space<vmem_shared>>
        tpu.wait_indirect_dma semaphore(%run_scoped3A_102 : memref<!tpu.dma_semaphore, #tpu.memory_space<semaphore_mem>>) src(%arg8 : memref<128x128xf32, #tpu.memory_space<vmem>>) dst(%dma_wait3A_114 : memref<10016x128xf32, #tpu.memory_space<vmem_shared>>)
        tpu.yield
      }) : () -> ()
      %mul3A_83 = arith.constant 2 : i32
      %mul3A_84 = arith.muli %mul3A_83, %scan3A_65 : i32
      %add3A_85 = arith.constant 1 : i32
      %add3A_86 = arith.addi %mul3A_84, %add3A_85 : i32
      %mul3A_87 = arith.constant 128 : i32
      %mul3A_88 = arith.muli %add3A_86, %mul3A_87 : i32
      %add3A_89 = arith.addi %add3A_22, %mul3A_88 : i32
      %dma_wait3A_90 = arith.constant 0 : i32
      %dma_wait3A_91 = tpu.memref_slice %arg2[%add3A_89, %dma_wait3A_90] : memref<163840x128xf32, #tpu.memory_space<hbm>> -> memref<128x128xf32, #tpu.memory_space<hbm>>
      %dma_wait3A_92 = arith.constant 0 : i32
      %dma_wait3A_93 = tpu.memref_slice %arg2[%add3A_89, %dma_wait3A_92] : memref<163840x128xf32, #tpu.memory_space<hbm>> -> memref<128x128xf32, #tpu.memory_space<hbm>>
      tpu.wait_dma2 semaphore(%arg11 : memref<!tpu.dma_semaphore, #tpu.memory_space<semaphore_mem>>) src(%dma_wait3A_93 : memref<128x128xf32, #tpu.memory_space<hbm>>) dst(%arg9 : memref<128x128xf32, #tpu.memory_space<vmem>>)
      %add3A_94 = arith.constant 1 : i32
      %add3A_95 = arith.addi %add3A_86, %add3A_94 : i32
      %lt3A_96 = arith.constant 40 : i32
      %lt3A_97 = arith.cmpi slt, %add3A_95, %lt3A_96 : i32
      %convert_element_type3A_98 = arith.extui %lt3A_97 : i1 to i32
      %cond3A_99 = arith.constant 0 : i32
      %cond3A_100 = arith.cmpi ne, %convert_element_type3A_98, %cond3A_99 : i32
      scf.if %cond3A_100 {
        %add3A_102 = arith.constant 1 : i32
        %add3A_103 = arith.addi %add3A_86, %add3A_102 : i32
        %mul3A_104 = arith.constant 128 : i32
        %mul3A_105 = arith.muli %add3A_103, %mul3A_104 : i32
        %add3A_106 = arith.addi %add3A_22, %mul3A_105 : i32
        %dma_start3A_107 = arith.constant 0 : i32
        %dma_start3A_108 = tpu.memref_slice %arg2[%add3A_106, %dma_start3A_107] : memref<163840x128xf32, #tpu.memory_space<hbm>> -> memref<128x128xf32, #tpu.memory_space<hbm>>
        %dma_start3A_109 = arith.constant 0 : i32
        %dma_start3A_110 = tpu.memref_slice %arg2[%add3A_106, %dma_start3A_109] : memref<163840x128xf32, #tpu.memory_space<hbm>> -> memref<128x128xf32, #tpu.memory_space<hbm>>
        tpu.enqueue_dma source(%dma_start3A_110 : memref<128x128xf32, #tpu.memory_space<hbm>>) target(%arg8 : memref<128x128xf32, #tpu.memory_space<vmem>>) target_semaphore(%arg10 : memref<!tpu.dma_semaphore, #tpu.memory_space<semaphore_mem>>)
      } else {
      }
      %run_scoped3A_101 = arith.constant 0 : i32
      "tpu.region"() ({
        %run_scoped3A_102 = tpu.sem_alloc : memref<!tpu.dma_semaphore, #tpu.memory_space<semaphore_mem>>
        %dma_start3A_103 = arith.constant 0 : i32
        %dma_start3A_104 = tpu.memref_slice %arg7[%run_scoped3A_101, %add3A_86, %dma_start3A_103] : memref<1x40x128xi32, #tpu.memory_space<vmem>> -> memref<1x1x128xi32, #tpu.memory_space<vmem>>
        %dma_start3A_105 = tpu.memref_squeeze %dma_start3A_104 : memref<1x1x128xi32, #tpu.memory_space<vmem>> -> memref<128xi32, #tpu.memory_space<vmem>>
        %dma_start3A_106 = arith.constant 0 : i32
        %dma_start3A_107 = arith.constant 0 : i32
        %dma_start3A_108 = tpu.memref_slice %arg13[%dma_start3A_106, %dma_start3A_107] : memref<10016x128xf32, #tpu.memory_space<vmem_shared>> -> memref<10016x128xf32, #tpu.memory_space<vmem_shared>>
        tpu.enqueue_indirect_dma source(%arg9 : memref<128x128xf32, #tpu.memory_space<vmem>>) target(%dma_start3A_108 : memref<10016x128xf32, #tpu.memory_space<vmem_shared>>) offsets(%dma_start3A_105 : memref<128xi32, #tpu.memory_space<vmem>>) semaphore(%run_scoped3A_102 : memref<!tpu.dma_semaphore, #tpu.memory_space<semaphore_mem>>) {add = true}
        %dma_wait3A_109 = arith.constant 0 : i32
        %dma_wait3A_110 = tpu.memref_slice %arg7[%run_scoped3A_101, %add3A_86, %dma_wait3A_109] : memref<1x40x128xi32, #tpu.memory_space<vmem>> -> memref<1x1x128xi32, #tpu.memory_space<vmem>>
        %dma_wait3A_111 = tpu.memref_squeeze %dma_wait3A_110 : memref<1x1x128xi32, #tpu.memory_space<vmem>> -> memref<128xi32, #tpu.memory_space<vmem>>
        %dma_wait3A_112 = arith.constant 0 : i32
        %dma_wait3A_113 = arith.constant 0 : i32
        %dma_wait3A_114 = tpu.memref_slice %arg13[%dma_wait3A_112, %dma_wait3A_113] : memref<10016x128xf32, #tpu.memory_space<vmem_shared>> -> memref<10016x128xf32, #tpu.memory_space<vmem_shared>>
        tpu.wait_indirect_dma semaphore(%run_scoped3A_102 : memref<!tpu.dma_semaphore, #tpu.memory_space<semaphore_mem>>) src(%arg9 : memref<128x128xf32, #tpu.memory_space<vmem>>) dst(%dma_wait3A_114 : memref<10016x128xf32, #tpu.memory_space<vmem_shared>>)
        tpu.yield
      }) : () -> ()
    }
    %scan3A_32 = arith.constant 20 : i32
    %barrier3A_33 = arith.constant 0 : index
    tpu.barrier barrier_id(%barrier3A_33)
    %eq3A_34 = arith.constant 0 : i32
    %eq3A_35 = arith.cmpi eq, %arg0, %eq3A_34 : i32
    %lt3A_36 = arith.constant 15 : i32
    %lt3A_37 = arith.cmpi slt, %arg1, %lt3A_36 : i32
    %and3A = arith.andi %eq3A_35, %lt3A_37 : i1
    %convert_element_type3A_38 = arith.extui %and3A : i1 to i32
    %cond3A_39 = arith.constant 0 : i32
    %cond3A_40 = arith.cmpi ne, %convert_element_type3A_38, %cond3A_39 : i32
    scf.if %cond3A_40 {
      "tpu.region"() ({
        %run_scoped3A = tpu.sem_alloc : memref<!tpu.dma_semaphore, #tpu.memory_space<semaphore_mem>>
        %dma_start3A_65 = arith.constant 0 : i32
        %dma_start3A_66 = tpu.memref_slice %arg5[%mul3A_2, %dma_start3A_65] : memref<10016x128xf32, #tpu.memory_space<hbm>> -> memref<640x128xf32, #tpu.memory_space<hbm>>
        %dma_start3A_67 = arith.constant 0 : i32
        %dma_start3A_68 = tpu.memref_slice %arg13[%mul3A_2, %dma_start3A_67] : memref<10016x128xf32, #tpu.memory_space<vmem_shared>> -> memref<640x128xf32, #tpu.memory_space<vmem_shared>>
        tpu.enqueue_dma source(%dma_start3A_68 : memref<640x128xf32, #tpu.memory_space<vmem_shared>>) target(%dma_start3A_66 : memref<640x128xf32, #tpu.memory_space<hbm>>) target_semaphore(%run_scoped3A : memref<!tpu.dma_semaphore, #tpu.memory_space<semaphore_mem>>)
        %dma_wait3A = arith.constant 0 : i32
        %dma_wait3A_69 = tpu.memref_slice %arg5[%mul3A_2, %dma_wait3A] : memref<10016x128xf32, #tpu.memory_space<hbm>> -> memref<640x128xf32, #tpu.memory_space<hbm>>
        %dma_wait3A_70 = arith.constant 0 : i32
        %dma_wait3A_71 = tpu.memref_slice %arg13[%mul3A_2, %dma_wait3A_70] : memref<10016x128xf32, #tpu.memory_space<vmem_shared>> -> memref<640x128xf32, #tpu.memory_space<vmem_shared>>
        tpu.wait_dma2 semaphore(%run_scoped3A : memref<!tpu.dma_semaphore, #tpu.memory_space<semaphore_mem>>) src(%dma_wait3A_71 : memref<640x128xf32, #tpu.memory_space<vmem_shared>>) dst(%dma_wait3A_69 : memref<640x128xf32, #tpu.memory_space<hbm>>)
        tpu.yield
      }) : () -> ()
    } else {
    }
    %eq3A_41 = arith.constant 0 : i32
    %eq3A_42 = arith.cmpi eq, %arg0, %eq3A_41 : i32
    %eq3A_43 = arith.constant 15 : i32
    %eq3A_44 = arith.cmpi eq, %arg1, %eq3A_43 : i32
    %and3A_45 = arith.andi %eq3A_42, %eq3A_44 : i1
    %convert_element_type3A_46 = arith.extui %and3A_45 : i1 to i32
    %cond3A_47 = arith.constant 0 : i32
    %cond3A_48 = arith.cmpi ne, %convert_element_type3A_46, %cond3A_47 : i32
    scf.if %cond3A_48 {
      "tpu.region"() ({
        %run_scoped3A = tpu.sem_alloc : memref<!tpu.dma_semaphore, #tpu.memory_space<semaphore_mem>>
        %dma_start3A_65 = arith.constant 0 : i32
        %dma_start3A_66 = tpu.memref_slice %arg5[%mul3A_2, %dma_start3A_65] : memref<10016x128xf32, #tpu.memory_space<hbm>> -> memref<416x128xf32, #tpu.memory_space<hbm>>
        %dma_start3A_67 = arith.constant 0 : i32
        %dma_start3A_68 = tpu.memref_slice %arg13[%mul3A_2, %dma_start3A_67] : memref<10016x128xf32, #tpu.memory_space<vmem_shared>> -> memref<416x128xf32, #tpu.memory_space<vmem_shared>>
        tpu.enqueue_dma source(%dma_start3A_68 : memref<416x128xf32, #tpu.memory_space<vmem_shared>>) target(%dma_start3A_66 : memref<416x128xf32, #tpu.memory_space<hbm>>) target_semaphore(%run_scoped3A : memref<!tpu.dma_semaphore, #tpu.memory_space<semaphore_mem>>)
        %dma_wait3A = arith.constant 0 : i32
        %dma_wait3A_69 = tpu.memref_slice %arg5[%mul3A_2, %dma_wait3A] : memref<10016x128xf32, #tpu.memory_space<hbm>> -> memref<416x128xf32, #tpu.memory_space<hbm>>
        %dma_wait3A_70 = arith.constant 0 : i32
        %dma_wait3A_71 = tpu.memref_slice %arg13[%mul3A_2, %dma_wait3A_70] : memref<10016x128xf32, #tpu.memory_space<vmem_shared>> -> memref<416x128xf32, #tpu.memory_space<vmem_shared>>
        tpu.wait_dma2 semaphore(%run_scoped3A : memref<!tpu.dma_semaphore, #tpu.memory_space<semaphore_mem>>) src(%dma_wait3A_71 : memref<416x128xf32, #tpu.memory_space<vmem_shared>>) dst(%dma_wait3A_69 : memref<416x128xf32, #tpu.memory_space<hbm>>)
        tpu.yield
      }) : () -> ()
    } else {
    }
    %eq3A_49 = arith.constant 1 : i32
    %eq3A_50 = arith.cmpi eq, %arg0, %eq3A_49 : i32
    %lt3A_51 = arith.constant 15 : i32
    %lt3A_52 = arith.cmpi slt, %arg1, %lt3A_51 : i32
    %and3A_53 = arith.andi %eq3A_50, %lt3A_52 : i1
    %convert_element_type3A_54 = arith.extui %and3A_53 : i1 to i32
    %cond3A_55 = arith.constant 0 : i32
    %cond3A_56 = arith.cmpi ne, %convert_element_type3A_54, %cond3A_55 : i32
    scf.if %cond3A_56 {
      "tpu.region"() ({
        %run_scoped3A = tpu.sem_alloc : memref<!tpu.dma_semaphore, #tpu.memory_space<semaphore_mem>>
        %dma_start3A_65 = arith.constant 0 : i32
        %dma_start3A_66 = tpu.memref_slice %arg6[%mul3A_2, %dma_start3A_65] : memref<10016x128xf32, #tpu.memory_space<hbm>> -> memref<640x128xf32, #tpu.memory_space<hbm>>
        %dma_start3A_67 = arith.constant 0 : i32
        %dma_start3A_68 = tpu.memref_slice %arg13[%mul3A_2, %dma_start3A_67] : memref<10016x128xf32, #tpu.memory_space<vmem_shared>> -> memref<640x128xf32, #tpu.memory_space<vmem_shared>>
        tpu.enqueue_dma source(%dma_start3A_68 : memref<640x128xf32, #tpu.memory_space<vmem_shared>>) target(%dma_start3A_66 : memref<640x128xf32, #tpu.memory_space<hbm>>) target_semaphore(%run_scoped3A : memref<!tpu.dma_semaphore, #tpu.memory_space<semaphore_mem>>)
        %dma_wait3A = arith.constant 0 : i32
        %dma_wait3A_69 = tpu.memref_slice %arg6[%mul3A_2, %dma_wait3A] : memref<10016x128xf32, #tpu.memory_space<hbm>> -> memref<640x128xf32, #tpu.memory_space<hbm>>
        %dma_wait3A_70 = arith.constant 0 : i32
        %dma_wait3A_71 = tpu.memref_slice %arg13[%mul3A_2, %dma_wait3A_70] : memref<10016x128xf32, #tpu.memory_space<vmem_shared>> -> memref<640x128xf32, #tpu.memory_space<vmem_shared>>
        tpu.wait_dma2 semaphore(%run_scoped3A : memref<!tpu.dma_semaphore, #tpu.memory_space<semaphore_mem>>) src(%dma_wait3A_71 : memref<640x128xf32, #tpu.memory_space<vmem_shared>>) dst(%dma_wait3A_69 : memref<640x128xf32, #tpu.memory_space<hbm>>)
        tpu.yield
      }) : () -> ()
    } else {
    }
    %eq3A_57 = arith.constant 1 : i32
    %eq3A_58 = arith.cmpi eq, %arg0, %eq3A_57 : i32
    %eq3A_59 = arith.constant 15 : i32
    %eq3A_60 = arith.cmpi eq, %arg1, %eq3A_59 : i32
    %and3A_61 = arith.andi %eq3A_58, %eq3A_60 : i1
    %convert_element_type3A_62 = arith.extui %and3A_61 : i1 to i32
    %cond3A_63 = arith.constant 0 : i32
    %cond3A_64 = arith.cmpi ne, %convert_element_type3A_62, %cond3A_63 : i32
    scf.if %cond3A_64 {
      "tpu.region"() ({
        %run_scoped3A = tpu.sem_alloc : memref<!tpu.dma_semaphore, #tpu.memory_space<semaphore_mem>>
        %dma_start3A_65 = arith.constant 0 : i32
        %dma_start3A_66 = tpu.memref_slice %arg6[%mul3A_2, %dma_start3A_65] : memref<10016x128xf32, #tpu.memory_space<hbm>> -> memref<416x128xf32, #tpu.memory_space<hbm>>
        %dma_start3A_67 = arith.constant 0 : i32
        %dma_start3A_68 = tpu.memref_slice %arg13[%mul3A_2, %dma_start3A_67] : memref<10016x128xf32, #tpu.memory_space<vmem_shared>> -> memref<416x128xf32, #tpu.memory_space<vmem_shared>>
        tpu.enqueue_dma source(%dma_start3A_68 : memref<416x128xf32, #tpu.memory_space<vmem_shared>>) target(%dma_start3A_66 : memref<416x128xf32, #tpu.memory_space<hbm>>) target_semaphore(%run_scoped3A : memref<!tpu.dma_semaphore, #tpu.memory_space<semaphore_mem>>)
        %dma_wait3A = arith.constant 0 : i32
        %dma_wait3A_69 = tpu.memref_slice %arg6[%mul3A_2, %dma_wait3A] : memref<10016x128xf32, #tpu.memory_space<hbm>> -> memref<416x128xf32, #tpu.memory_space<hbm>>
        %dma_wait3A_70 = arith.constant 0 : i32
        %dma_wait3A_71 = tpu.memref_slice %arg13[%mul3A_2, %dma_wait3A_70] : memref<10016x128xf32, #tpu.memory_space<vmem_shared>> -> memref<416x128xf32, #tpu.memory_space<vmem_shared>>
        tpu.wait_dma2 semaphore(%run_scoped3A : memref<!tpu.dma_semaphore, #tpu.memory_space<semaphore_mem>>) src(%dma_wait3A_71 : memref<416x128xf32, #tpu.memory_space<vmem_shared>>) dst(%dma_wait3A_69 : memref<416x128xf32, #tpu.memory_space<hbm>>)
        tpu.yield
      }) : () -> ()
    } else {
    }
    return
  }
}

#map = affine_map<(d0, d1) -> (0, 0)>
#map1 = affine_map<(d0, d1) -> (0, 0, 0)>
module attributes {stable_mosaic.version = 14 : i64} {
  func.func @scatter_k(%arg0: i32, %arg1: i32, %arg2: memref<163840x128xf32, #tpu.memory_space<hbm>>, %arg3: memref<32x80x128xi32, #tpu.memory_space<hbm>>, %arg4: memref<10016x128xf32, #tpu.memory_space<hbm>>, %arg5: memref<10016x128xf32, #tpu.memory_space<hbm>>, %arg6: memref<10016x128xf32, #tpu.memory_space<hbm>>, %arg7: memref<1x40x128xi32, #tpu.memory_space<vmem>>, %arg8: memref<128x128xf32, #tpu.memory_space<vmem>>, %arg9: memref<128x128xf32, #tpu.memory_space<vmem>>, %arg10: memref<!tpu.dma_semaphore, #tpu.memory_space<semaphore_mem>>, %arg11: memref<!tpu.dma_semaphore, #tpu.memory_space<semaphore_mem>>, %arg12: memref<!tpu.dma_semaphore, #tpu.memory_space<semaphore_mem>>, %arg13: memref<10016x128xf32, #tpu.memory_space<vmem_shared>>) attributes {dimension_semantics = [#tpu.dimension_semantics<core_parallel>, #tpu.dimension_semantics<subcore_parallel>], iteration_bounds = array<i64: 2, 16>, scalar_prefetch = 0 : i64, scratch_operands = 7 : i64, tpu.core_type = #tpu.core_type<sc_vector_subcore>, window_params = [{transform_indices = #map}, {transform_indices = #map1}, {transform_indices = #map}, {transform_indices = #map}, {transform_indices = #map}]} {
    %mul3A = arith.constant 16 : i32
    %mul3A_0 = arith.muli %arg0, %mul3A : i32
    %add3A = arith.addi %mul3A_0, %arg1 : i32
    %mul3A_1 = arith.constant 640 : i32
    %mul3A_2 = arith.muli %arg1, %mul3A_1 : i32
    %lt3A = arith.constant 15 : i32
    %lt3A_3 = arith.cmpi slt, %arg1, %lt3A : i32
    %convert_element_type3A = arith.extui %lt3A_3 : i1 to i32
    %cond3A = arith.constant 0 : i32
    %cond3A_4 = arith.cmpi ne, %convert_element_type3A, %cond3A : i32
    scf.if %cond3A_4 {
      "tpu.region"() ({
        %run_scoped3A = tpu.sem_alloc : memref<!tpu.dma_semaphore, #tpu.memory_space<semaphore_mem>>
        %dma_start3A_65 = arith.constant 0 : i32
        %dma_start3A_66 = tpu.memref_slice %arg13[%mul3A_2, %dma_start3A_65] : memref<10016x128xf32, #tpu.memory_space<vmem_shared>> -> memref<640x128xf32, #tpu.memory_space<vmem_shared>>
        %dma_start3A_67 = arith.constant 0 : i32
        %dma_start3A_68 = tpu.memref_slice %arg4[%mul3A_2, %dma_start3A_67] : memref<10016x128xf32, #tpu.memory_space<hbm>> -> memref<640x128xf32, #tpu.memory_space<hbm>>
        tpu.enqueue_dma source(%dma_start3A_68 : memref<640x128xf32, #tpu.memory_space<hbm>>) target(%dma_start3A_66 : memref<640x128xf32, #tpu.memory_space<vmem_shared>>) target_semaphore(%run_scoped3A : memref<!tpu.dma_semaphore, #tpu.memory_space<semaphore_mem>>)
        %dma_wait3A = arith.constant 0 : i32
        %dma_wait3A_69 = tpu.memref_slice %arg13[%mul3A_2, %dma_wait3A] : memref<10016x128xf32, #tpu.memory_space<vmem_shared>> -> memref<640x128xf32, #tpu.memory_space<vmem_shared>>
        %dma_wait3A_70 = arith.constant 0 : i32
        %dma_wait3A_71 = tpu.memref_slice %arg4[%mul3A_2, %dma_wait3A_70] : memref<10016x128xf32, #tpu.memory_space<hbm>> -> memref<640x128xf32, #tpu.memory_space<hbm>>
        tpu.wait_dma2 semaphore(%run_scoped3A : memref<!tpu.dma_semaphore, #tpu.memory_space<semaphore_mem>>) src(%dma_wait3A_71 : memref<640x128xf32, #tpu.memory_space<hbm>>) dst(%dma_wait3A_69 : memref<640x128xf32, #tpu.memory_space<vmem_shared>>)
        tpu.yield
      }) : () -> ()
    } else {
    }
    %eq3A = arith.constant 15 : i32
    %eq3A_5 = arith.cmpi eq, %arg1, %eq3A : i32
    %convert_element_type3A_6 = arith.extui %eq3A_5 : i1 to i32
    %cond3A_7 = arith.constant 0 : i32
    %cond3A_8 = arith.cmpi ne, %convert_element_type3A_6, %cond3A_7 : i32
    scf.if %cond3A_8 {
      "tpu.region"() ({
        %run_scoped3A = tpu.sem_alloc : memref<!tpu.dma_semaphore, #tpu.memory_space<semaphore_mem>>
        %dma_start3A_65 = arith.constant 0 : i32
        %dma_start3A_66 = tpu.memref_slice %arg13[%mul3A_2, %dma_start3A_65] : memref<10016x128xf32, #tpu.memory_space<vmem_shared>> -> memref<416x128xf32, #tpu.memory_space<vmem_shared>>
        %dma_start3A_67 = arith.constant 0 : i32
        %dma_start3A_68 = tpu.memref_slice %arg4[%mul3A_2, %dma_start3A_67] : memref<10016x128xf32, #tpu.memory_space<hbm>> -> memref<416x128xf32, #tpu.memory_space<hbm>>
        tpu.enqueue_dma source(%dma_start3A_68 : memref<416x128xf32, #tpu.memory_space<hbm>>) target(%dma_start3A_66 : memref<416x128xf32, #tpu.memory_space<vmem_shared>>) target_semaphore(%run_scoped3A : memref<!tpu.dma_semaphore, #tpu.memory_space<semaphore_mem>>)
        %dma_wait3A = arith.constant 0 : i32
        %dma_wait3A_69 = tpu.memref_slice %arg13[%mul3A_2, %dma_wait3A] : memref<10016x128xf32, #tpu.memory_space<vmem_shared>> -> memref<416x128xf32, #tpu.memory_space<vmem_shared>>
        %dma_wait3A_70 = arith.constant 0 : i32
        %dma_wait3A_71 = tpu.memref_slice %arg4[%mul3A_2, %dma_wait3A_70] : memref<10016x128xf32, #tpu.memory_space<hbm>> -> memref<416x128xf32, #tpu.memory_space<hbm>>
        tpu.wait_dma2 semaphore(%run_scoped3A : memref<!tpu.dma_semaphore, #tpu.memory_space<semaphore_mem>>) src(%dma_wait3A_71 : memref<416x128xf32, #tpu.memory_space<hbm>>) dst(%dma_wait3A_69 : memref<416x128xf32, #tpu.memory_space<vmem_shared>>)
        tpu.yield
      }) : () -> ()
    } else {
    }
    %barrier3A = arith.constant 0 : index
    tpu.barrier barrier_id(%barrier3A)
    %mul3A_9 = arith.constant 10240 : i32
    %mul3A_10 = arith.muli %arg1, %mul3A_9 : i32
    "tpu.region"() ({
      %run_scoped3A = tpu.sem_alloc : memref<!tpu.dma_semaphore, #tpu.memory_space<semaphore_mem>>
      %dma_start3A_65 = arith.constant 0 : i32
      %dma_start3A_66 = arith.constant 0 : i32
      %dma_start3A_67 = tpu.memref_slice %arg3[%add3A, %dma_start3A_65, %dma_start3A_66] : memref<32x80x128xi32, #tpu.memory_space<hbm>> -> memref<1x40x128xi32, #tpu.memory_space<hbm>>
      %dma_start3A_68 = arith.constant 0 : i32
      %dma_start3A_69 = arith.constant 0 : i32
      %dma_start3A_70 = tpu.memref_slice %arg3[%add3A, %dma_start3A_68, %dma_start3A_69] : memref<32x80x128xi32, #tpu.memory_space<hbm>> -> memref<1x40x128xi32, #tpu.memory_space<hbm>>
      tpu.enqueue_dma source(%dma_start3A_70 : memref<1x40x128xi32, #tpu.memory_space<hbm>>) target(%arg7 : memref<1x40x128xi32, #tpu.memory_space<vmem>>) target_semaphore(%run_scoped3A : memref<!tpu.dma_semaphore, #tpu.memory_space<semaphore_mem>>)
      %dma_wait3A = arith.constant 0 : i32
      %dma_wait3A_71 = arith.constant 0 : i32
      %dma_wait3A_72 = tpu.memref_slice %arg3[%add3A, %dma_wait3A, %dma_wait3A_71] : memref<32x80x128xi32, #tpu.memory_space<hbm>> -> memref<1x40x128xi32, #tpu.memory_space<hbm>>
      %dma_wait3A_73 = arith.constant 0 : i32
      %dma_wait3A_74 = arith.constant 0 : i32
      %dma_wait3A_75 = tpu.memref_slice %arg3[%add3A, %dma_wait3A_73, %dma_wait3A_74] : memref<32x80x128xi32, #tpu.memory_space<hbm>> -> memref<1x40x128xi32, #tpu.memory_space<hbm>>
      tpu.wait_dma2 semaphore(%run_scoped3A : memref<!tpu.dma_semaphore, #tpu.memory_space<semaphore_mem>>) src(%dma_wait3A_75 : memref<1x40x128xi32, #tpu.memory_space<hbm>>) dst(%arg7 : memref<1x40x128xi32, #tpu.memory_space<vmem>>)
      tpu.yield
    }) : () -> ()
    %add3A_11 = arith.constant 0 : i32
    %add3A_12 = arith.addi %mul3A_10, %add3A_11 : i32
    %dma_start3A = arith.constant 0 : i32
    %dma_start3A_13 = tpu.memref_slice %arg2[%add3A_12, %dma_start3A] : memref<163840x128xf32, #tpu.memory_space<hbm>> -> memref<128x128xf32, #tpu.memory_space<hbm>>
    %dma_start3A_14 = arith.constant 0 : i32
    %dma_start3A_15 = tpu.memref_slice %arg2[%add3A_12, %dma_start3A_14] : memref<163840x128xf32, #tpu.memory_space<hbm>> -> memref<128x128xf32, #tpu.memory_space<hbm>>
    tpu.enqueue_dma source(%dma_start3A_15 : memref<128x128xf32, #tpu.memory_space<hbm>>) target(%arg8 : memref<128x128xf32, #tpu.memory_space<vmem>>) target_semaphore(%arg10 : memref<!tpu.dma_semaphore, #tpu.memory_space<semaphore_mem>>)
    %scan3A = arith.constant 0 : i32
    %scan3A_16 = arith.constant 0 : i32
    %scan3A_17 = arith.constant 20 : i32
    %scan3A_18 = arith.addi %scan3A_16, %scan3A_17 : i32
    %scan3A_19 = arith.constant 1 : i32
    scf.for %scan3A_65 = %scan3A_16 to %scan3A_18 step %scan3A_19  : i32 {
      %mul3A_66 = arith.constant 2 : i32
      %mul3A_67 = arith.muli %mul3A_66, %scan3A_65 : i32
      %add3A_68 = arith.constant 0 : i32
      %add3A_69 = arith.addi %mul3A_67, %add3A_68 : i32
      %mul3A_70 = arith.constant 128 : i32
      %mul3A_71 = arith.muli %add3A_69, %mul3A_70 : i32
      %add3A_72 = arith.addi %add3A_12, %mul3A_71 : i32
      %dma_wait3A = arith.constant 0 : i32
      %dma_wait3A_73 = tpu.memref_slice %arg2[%add3A_72, %dma_wait3A] : memref<163840x128xf32, #tpu.memory_space<hbm>> -> memref<128x128xf32, #tpu.memory_space<hbm>>
      %dma_wait3A_74 = arith.constant 0 : i32
      %dma_wait3A_75 = tpu.memref_slice %arg2[%add3A_72, %dma_wait3A_74] : memref<163840x128xf32, #tpu.memory_space<hbm>> -> memref<128x128xf32, #tpu.memory_space<hbm>>
      tpu.wait_dma2 semaphore(%arg10 : memref<!tpu.dma_semaphore, #tpu.memory_space<semaphore_mem>>) src(%dma_wait3A_75 : memref<128x128xf32, #tpu.memory_space<hbm>>) dst(%arg8 : memref<128x128xf32, #tpu.memory_space<vmem>>)
      %add3A_76 = arith.constant 1 : i32
      %add3A_77 = arith.addi %add3A_69, %add3A_76 : i32
      %lt3A_78 = arith.constant 40 : i32
      %lt3A_79 = arith.cmpi slt, %add3A_77, %lt3A_78 : i32
      %convert_element_type3A_80 = arith.extui %lt3A_79 : i1 to i32
      %cond3A_81 = arith.constant 0 : i32
      %cond3A_82 = arith.cmpi ne, %convert_element_type3A_80, %cond3A_81 : i32
      scf.if %cond3A_82 {
        %add3A_102 = arith.constant 1 : i32
        %add3A_103 = arith.addi %add3A_69, %add3A_102 : i32
        %mul3A_104 = arith.constant 128 : i32
        %mul3A_105 = arith.muli %add3A_103, %mul3A_104 : i32
        %add3A_106 = arith.addi %add3A_12, %mul3A_105 : i32
        %dma_start3A_107 = arith.constant 0 : i32
        %dma_start3A_108 = tpu.memref_slice %arg2[%add3A_106, %dma_start3A_107] : memref<163840x128xf32, #tpu.memory_space<hbm>> -> memref<128x128xf32, #tpu.memory_space<hbm>>
        %dma_start3A_109 = arith.constant 0 : i32
        %dma_start3A_110 = tpu.memref_slice %arg2[%add3A_106, %dma_start3A_109] : memref<163840x128xf32, #tpu.memory_space<hbm>> -> memref<128x128xf32, #tpu.memory_space<hbm>>
        tpu.enqueue_dma source(%dma_start3A_110 : memref<128x128xf32, #tpu.memory_space<hbm>>) target(%arg9 : memref<128x128xf32, #tpu.memory_space<vmem>>) target_semaphore(%arg11 : memref<!tpu.dma_semaphore, #tpu.memory_space<semaphore_mem>>)
      } else {
      }
      %run_scoped3A = arith.constant 0 : i32
      "tpu.region"() ({
        %run_scoped3A_102 = tpu.sem_alloc : memref<!tpu.dma_semaphore, #tpu.memory_space<semaphore_mem>>
        %dma_start3A_103 = arith.constant 0 : i32
        %dma_start3A_104 = tpu.memref_slice %arg7[%run_scoped3A, %add3A_69, %dma_start3A_103] : memref<1x40x128xi32, #tpu.memory_space<vmem>> -> memref<1x1x128xi32, #tpu.memory_space<vmem>>
        %dma_start3A_105 = tpu.memref_squeeze %dma_start3A_104 : memref<1x1x128xi32, #tpu.memory_space<vmem>> -> memref<128xi32, #tpu.memory_space<vmem>>
        %dma_start3A_106 = arith.constant 0 : i32
        %dma_start3A_107 = arith.constant 0 : i32
        %dma_start3A_108 = tpu.memref_slice %arg13[%dma_start3A_106, %dma_start3A_107] : memref<10016x128xf32, #tpu.memory_space<vmem_shared>> -> memref<10016x128xf32, #tpu.memory_space<vmem_shared>>
        tpu.enqueue_indirect_dma source(%arg8 : memref<128x128xf32, #tpu.memory_space<vmem>>) target(%dma_start3A_108 : memref<10016x128xf32, #tpu.memory_space<vmem_shared>>) offsets(%dma_start3A_105 : memref<128xi32, #tpu.memory_space<vmem>>) semaphore(%run_scoped3A_102 : memref<!tpu.dma_semaphore, #tpu.memory_space<semaphore_mem>>) {add = true}
        %dma_wait3A_109 = arith.constant 0 : i32
        %dma_wait3A_110 = tpu.memref_slice %arg7[%run_scoped3A, %add3A_69, %dma_wait3A_109] : memref<1x40x128xi32, #tpu.memory_space<vmem>> -> memref<1x1x128xi32, #tpu.memory_space<vmem>>
        %dma_wait3A_111 = tpu.memref_squeeze %dma_wait3A_110 : memref<1x1x128xi32, #tpu.memory_space<vmem>> -> memref<128xi32, #tpu.memory_space<vmem>>
        %dma_wait3A_112 = arith.constant 0 : i32
        %dma_wait3A_113 = arith.constant 0 : i32
        %dma_wait3A_114 = tpu.memref_slice %arg13[%dma_wait3A_112, %dma_wait3A_113] : memref<10016x128xf32, #tpu.memory_space<vmem_shared>> -> memref<10016x128xf32, #tpu.memory_space<vmem_shared>>
        tpu.wait_indirect_dma semaphore(%run_scoped3A_102 : memref<!tpu.dma_semaphore, #tpu.memory_space<semaphore_mem>>) src(%arg8 : memref<128x128xf32, #tpu.memory_space<vmem>>) dst(%dma_wait3A_114 : memref<10016x128xf32, #tpu.memory_space<vmem_shared>>)
        tpu.yield
      }) : () -> ()
      %mul3A_83 = arith.constant 2 : i32
      %mul3A_84 = arith.muli %mul3A_83, %scan3A_65 : i32
      %add3A_85 = arith.constant 1 : i32
      %add3A_86 = arith.addi %mul3A_84, %add3A_85 : i32
      %mul3A_87 = arith.constant 128 : i32
      %mul3A_88 = arith.muli %add3A_86, %mul3A_87 : i32
      %add3A_89 = arith.addi %add3A_12, %mul3A_88 : i32
      %dma_wait3A_90 = arith.constant 0 : i32
      %dma_wait3A_91 = tpu.memref_slice %arg2[%add3A_89, %dma_wait3A_90] : memref<163840x128xf32, #tpu.memory_space<hbm>> -> memref<128x128xf32, #tpu.memory_space<hbm>>
      %dma_wait3A_92 = arith.constant 0 : i32
      %dma_wait3A_93 = tpu.memref_slice %arg2[%add3A_89, %dma_wait3A_92] : memref<163840x128xf32, #tpu.memory_space<hbm>> -> memref<128x128xf32, #tpu.memory_space<hbm>>
      tpu.wait_dma2 semaphore(%arg11 : memref<!tpu.dma_semaphore, #tpu.memory_space<semaphore_mem>>) src(%dma_wait3A_93 : memref<128x128xf32, #tpu.memory_space<hbm>>) dst(%arg9 : memref<128x128xf32, #tpu.memory_space<vmem>>)
      %add3A_94 = arith.constant 1 : i32
      %add3A_95 = arith.addi %add3A_86, %add3A_94 : i32
      %lt3A_96 = arith.constant 40 : i32
      %lt3A_97 = arith.cmpi slt, %add3A_95, %lt3A_96 : i32
      %convert_element_type3A_98 = arith.extui %lt3A_97 : i1 to i32
      %cond3A_99 = arith.constant 0 : i32
      %cond3A_100 = arith.cmpi ne, %convert_element_type3A_98, %cond3A_99 : i32
      scf.if %cond3A_100 {
        %add3A_102 = arith.constant 1 : i32
        %add3A_103 = arith.addi %add3A_86, %add3A_102 : i32
        %mul3A_104 = arith.constant 128 : i32
        %mul3A_105 = arith.muli %add3A_103, %mul3A_104 : i32
        %add3A_106 = arith.addi %add3A_12, %mul3A_105 : i32
        %dma_start3A_107 = arith.constant 0 : i32
        %dma_start3A_108 = tpu.memref_slice %arg2[%add3A_106, %dma_start3A_107] : memref<163840x128xf32, #tpu.memory_space<hbm>> -> memref<128x128xf32, #tpu.memory_space<hbm>>
        %dma_start3A_109 = arith.constant 0 : i32
        %dma_start3A_110 = tpu.memref_slice %arg2[%add3A_106, %dma_start3A_109] : memref<163840x128xf32, #tpu.memory_space<hbm>> -> memref<128x128xf32, #tpu.memory_space<hbm>>
        tpu.enqueue_dma source(%dma_start3A_110 : memref<128x128xf32, #tpu.memory_space<hbm>>) target(%arg8 : memref<128x128xf32, #tpu.memory_space<vmem>>) target_semaphore(%arg10 : memref<!tpu.dma_semaphore, #tpu.memory_space<semaphore_mem>>)
      } else {
      }
      %run_scoped3A_101 = arith.constant 0 : i32
      "tpu.region"() ({
        %run_scoped3A_102 = tpu.sem_alloc : memref<!tpu.dma_semaphore, #tpu.memory_space<semaphore_mem>>
        %dma_start3A_103 = arith.constant 0 : i32
        %dma_start3A_104 = tpu.memref_slice %arg7[%run_scoped3A_101, %add3A_86, %dma_start3A_103] : memref<1x40x128xi32, #tpu.memory_space<vmem>> -> memref<1x1x128xi32, #tpu.memory_space<vmem>>
        %dma_start3A_105 = tpu.memref_squeeze %dma_start3A_104 : memref<1x1x128xi32, #tpu.memory_space<vmem>> -> memref<128xi32, #tpu.memory_space<vmem>>
        %dma_start3A_106 = arith.constant 0 : i32
        %dma_start3A_107 = arith.constant 0 : i32
        %dma_start3A_108 = tpu.memref_slice %arg13[%dma_start3A_106, %dma_start3A_107] : memref<10016x128xf32, #tpu.memory_space<vmem_shared>> -> memref<10016x128xf32, #tpu.memory_space<vmem_shared>>
        tpu.enqueue_indirect_dma source(%arg9 : memref<128x128xf32, #tpu.memory_space<vmem>>) target(%dma_start3A_108 : memref<10016x128xf32, #tpu.memory_space<vmem_shared>>) offsets(%dma_start3A_105 : memref<128xi32, #tpu.memory_space<vmem>>) semaphore(%run_scoped3A_102 : memref<!tpu.dma_semaphore, #tpu.memory_space<semaphore_mem>>) {add = true}
        %dma_wait3A_109 = arith.constant 0 : i32
        %dma_wait3A_110 = tpu.memref_slice %arg7[%run_scoped3A_101, %add3A_86, %dma_wait3A_109] : memref<1x40x128xi32, #tpu.memory_space<vmem>> -> memref<1x1x128xi32, #tpu.memory_space<vmem>>
        %dma_wait3A_111 = tpu.memref_squeeze %dma_wait3A_110 : memref<1x1x128xi32, #tpu.memory_space<vmem>> -> memref<128xi32, #tpu.memory_space<vmem>>
        %dma_wait3A_112 = arith.constant 0 : i32
        %dma_wait3A_113 = arith.constant 0 : i32
        %dma_wait3A_114 = tpu.memref_slice %arg13[%dma_wait3A_112, %dma_wait3A_113] : memref<10016x128xf32, #tpu.memory_space<vmem_shared>> -> memref<10016x128xf32, #tpu.memory_space<vmem_shared>>
        tpu.wait_indirect_dma semaphore(%run_scoped3A_102 : memref<!tpu.dma_semaphore, #tpu.memory_space<semaphore_mem>>) src(%arg9 : memref<128x128xf32, #tpu.memory_space<vmem>>) dst(%dma_wait3A_114 : memref<10016x128xf32, #tpu.memory_space<vmem_shared>>)
        tpu.yield
      }) : () -> ()
    }
    %scan3A_20 = arith.constant 20 : i32
    "tpu.region"() ({
      %run_scoped3A = tpu.sem_alloc : memref<!tpu.dma_semaphore, #tpu.memory_space<semaphore_mem>>
      %dma_start3A_65 = arith.constant 40 : i32
      %dma_start3A_66 = arith.constant 0 : i32
      %dma_start3A_67 = tpu.memref_slice %arg3[%add3A, %dma_start3A_65, %dma_start3A_66] : memref<32x80x128xi32, #tpu.memory_space<hbm>> -> memref<1x40x128xi32, #tpu.memory_space<hbm>>
      %dma_start3A_68 = arith.constant 40 : i32
      %dma_start3A_69 = arith.constant 0 : i32
      %dma_start3A_70 = tpu.memref_slice %arg3[%add3A, %dma_start3A_68, %dma_start3A_69] : memref<32x80x128xi32, #tpu.memory_space<hbm>> -> memref<1x40x128xi32, #tpu.memory_space<hbm>>
      tpu.enqueue_dma source(%dma_start3A_70 : memref<1x40x128xi32, #tpu.memory_space<hbm>>) target(%arg7 : memref<1x40x128xi32, #tpu.memory_space<vmem>>) target_semaphore(%run_scoped3A : memref<!tpu.dma_semaphore, #tpu.memory_space<semaphore_mem>>)
      %dma_wait3A = arith.constant 40 : i32
      %dma_wait3A_71 = arith.constant 0 : i32
      %dma_wait3A_72 = tpu.memref_slice %arg3[%add3A, %dma_wait3A, %dma_wait3A_71] : memref<32x80x128xi32, #tpu.memory_space<hbm>> -> memref<1x40x128xi32, #tpu.memory_space<hbm>>
      %dma_wait3A_73 = arith.constant 40 : i32
      %dma_wait3A_74 = arith.constant 0 : i32
      %dma_wait3A_75 = tpu.memref_slice %arg3[%add3A, %dma_wait3A_73, %dma_wait3A_74] : memref<32x80x128xi32, #tpu.memory_space<hbm>> -> memref<1x40x128xi32, #tpu.memory_space<hbm>>
      tpu.wait_dma2 semaphore(%run_scoped3A : memref<!tpu.dma_semaphore, #tpu.memory_space<semaphore_mem>>) src(%dma_wait3A_75 : memref<1x40x128xi32, #tpu.memory_space<hbm>>) dst(%arg7 : memref<1x40x128xi32, #tpu.memory_space<vmem>>)
      tpu.yield
    }) : () -> ()
    %add3A_21 = arith.constant 5120 : i32
    %add3A_22 = arith.addi %mul3A_10, %add3A_21 : i32
    %dma_start3A_23 = arith.constant 0 : i32
    %dma_start3A_24 = tpu.memref_slice %arg2[%add3A_22, %dma_start3A_23] : memref<163840x128xf32, #tpu.memory_space<hbm>> -> memref<128x128xf32, #tpu.memory_space<hbm>>
    %dma_start3A_25 = arith.constant 0 : i32
    %dma_start3A_26 = tpu.memref_slice %arg2[%add3A_22, %dma_start3A_25] : memref<163840x128xf32, #tpu.memory_space<hbm>> -> memref<128x128xf32, #tpu.memory_space<hbm>>
    tpu.enqueue_dma source(%dma_start3A_26 : memref<128x128xf32, #tpu.memory_space<hbm>>) target(%arg8 : memref<128x128xf32, #tpu.memory_space<vmem>>) target_semaphore(%arg10 : memref<!tpu.dma_semaphore, #tpu.memory_space<semaphore_mem>>)
    %scan3A_27 = arith.constant 0 : i32
    %scan3A_28 = arith.constant 0 : i32
    %scan3A_29 = arith.constant 20 : i32
    %scan3A_30 = arith.addi %scan3A_28, %scan3A_29 : i32
    %scan3A_31 = arith.constant 1 : i32
    scf.for %scan3A_65 = %scan3A_28 to %scan3A_30 step %scan3A_31  : i32 {
      %mul3A_66 = arith.constant 2 : i32
      %mul3A_67 = arith.muli %mul3A_66, %scan3A_65 : i32
      %add3A_68 = arith.constant 0 : i32
      %add3A_69 = arith.addi %mul3A_67, %add3A_68 : i32
      %mul3A_70 = arith.constant 128 : i32
      %mul3A_71 = arith.muli %add3A_69, %mul3A_70 : i32
      %add3A_72 = arith.addi %add3A_22, %mul3A_71 : i32
      %dma_wait3A = arith.constant 0 : i32
      %dma_wait3A_73 = tpu.memref_slice %arg2[%add3A_72, %dma_wait3A] : memref<163840x128xf32, #tpu.memory_space<hbm>> -> memref<128x128xf32, #tpu.memory_space<hbm>>
      %dma_wait3A_74 = arith.constant 0 : i32
      %dma_wait3A_75 = tpu.memref_slice %arg2[%add3A_72, %dma_wait3A_74] : memref<163840x128xf32, #tpu.memory_space<hbm>> -> memref<128x128xf32, #tpu.memory_space<hbm>>
      tpu.wait_dma2 semaphore(%arg10 : memref<!tpu.dma_semaphore, #tpu.memory_space<semaphore_mem>>) src(%dma_wait3A_75 : memref<128x128xf32, #tpu.memory_space<hbm>>) dst(%arg8 : memref<128x128xf32, #tpu.memory_space<vmem>>)
      %add3A_76 = arith.constant 1 : i32
      %add3A_77 = arith.addi %add3A_69, %add3A_76 : i32
      %lt3A_78 = arith.constant 40 : i32
      %lt3A_79 = arith.cmpi slt, %add3A_77, %lt3A_78 : i32
      %convert_element_type3A_80 = arith.extui %lt3A_79 : i1 to i32
      %cond3A_81 = arith.constant 0 : i32
      %cond3A_82 = arith.cmpi ne, %convert_element_type3A_80, %cond3A_81 : i32
      scf.if %cond3A_82 {
        %add3A_102 = arith.constant 1 : i32
        %add3A_103 = arith.addi %add3A_69, %add3A_102 : i32
        %mul3A_104 = arith.constant 128 : i32
        %mul3A_105 = arith.muli %add3A_103, %mul3A_104 : i32
        %add3A_106 = arith.addi %add3A_22, %mul3A_105 : i32
        %dma_start3A_107 = arith.constant 0 : i32
        %dma_start3A_108 = tpu.memref_slice %arg2[%add3A_106, %dma_start3A_107] : memref<163840x128xf32, #tpu.memory_space<hbm>> -> memref<128x128xf32, #tpu.memory_space<hbm>>
        %dma_start3A_109 = arith.constant 0 : i32
        %dma_start3A_110 = tpu.memref_slice %arg2[%add3A_106, %dma_start3A_109] : memref<163840x128xf32, #tpu.memory_space<hbm>> -> memref<128x128xf32, #tpu.memory_space<hbm>>
        tpu.enqueue_dma source(%dma_start3A_110 : memref<128x128xf32, #tpu.memory_space<hbm>>) target(%arg9 : memref<128x128xf32, #tpu.memory_space<vmem>>) target_semaphore(%arg11 : memref<!tpu.dma_semaphore, #tpu.memory_space<semaphore_mem>>)
      } else {
      }
      %run_scoped3A = arith.constant 0 : i32
      "tpu.region"() ({
        %run_scoped3A_102 = tpu.sem_alloc : memref<!tpu.dma_semaphore, #tpu.memory_space<semaphore_mem>>
        %dma_start3A_103 = arith.constant 0 : i32
        %dma_start3A_104 = tpu.memref_slice %arg7[%run_scoped3A, %add3A_69, %dma_start3A_103] : memref<1x40x128xi32, #tpu.memory_space<vmem>> -> memref<1x1x128xi32, #tpu.memory_space<vmem>>
        %dma_start3A_105 = tpu.memref_squeeze %dma_start3A_104 : memref<1x1x128xi32, #tpu.memory_space<vmem>> -> memref<128xi32, #tpu.memory_space<vmem>>
        %dma_start3A_106 = arith.constant 0 : i32
        %dma_start3A_107 = arith.constant 0 : i32
        %dma_start3A_108 = tpu.memref_slice %arg13[%dma_start3A_106, %dma_start3A_107] : memref<10016x128xf32, #tpu.memory_space<vmem_shared>> -> memref<10016x128xf32, #tpu.memory_space<vmem_shared>>
        tpu.enqueue_indirect_dma source(%arg8 : memref<128x128xf32, #tpu.memory_space<vmem>>) target(%dma_start3A_108 : memref<10016x128xf32, #tpu.memory_space<vmem_shared>>) offsets(%dma_start3A_105 : memref<128xi32, #tpu.memory_space<vmem>>) semaphore(%run_scoped3A_102 : memref<!tpu.dma_semaphore, #tpu.memory_space<semaphore_mem>>) {add = true}
        %dma_wait3A_109 = arith.constant 0 : i32
        %dma_wait3A_110 = tpu.memref_slice %arg7[%run_scoped3A, %add3A_69, %dma_wait3A_109] : memref<1x40x128xi32, #tpu.memory_space<vmem>> -> memref<1x1x128xi32, #tpu.memory_space<vmem>>
        %dma_wait3A_111 = tpu.memref_squeeze %dma_wait3A_110 : memref<1x1x128xi32, #tpu.memory_space<vmem>> -> memref<128xi32, #tpu.memory_space<vmem>>
        %dma_wait3A_112 = arith.constant 0 : i32
        %dma_wait3A_113 = arith.constant 0 : i32
        %dma_wait3A_114 = tpu.memref_slice %arg13[%dma_wait3A_112, %dma_wait3A_113] : memref<10016x128xf32, #tpu.memory_space<vmem_shared>> -> memref<10016x128xf32, #tpu.memory_space<vmem_shared>>
        tpu.wait_indirect_dma semaphore(%run_scoped3A_102 : memref<!tpu.dma_semaphore, #tpu.memory_space<semaphore_mem>>) src(%arg8 : memref<128x128xf32, #tpu.memory_space<vmem>>) dst(%dma_wait3A_114 : memref<10016x128xf32, #tpu.memory_space<vmem_shared>>)
        tpu.yield
      }) : () -> ()
      %mul3A_83 = arith.constant 2 : i32
      %mul3A_84 = arith.muli %mul3A_83, %scan3A_65 : i32
      %add3A_85 = arith.constant 1 : i32
      %add3A_86 = arith.addi %mul3A_84, %add3A_85 : i32
      %mul3A_87 = arith.constant 128 : i32
      %mul3A_88 = arith.muli %add3A_86, %mul3A_87 : i32
      %add3A_89 = arith.addi %add3A_22, %mul3A_88 : i32
      %dma_wait3A_90 = arith.constant 0 : i32
      %dma_wait3A_91 = tpu.memref_slice %arg2[%add3A_89, %dma_wait3A_90] : memref<163840x128xf32, #tpu.memory_space<hbm>> -> memref<128x128xf32, #tpu.memory_space<hbm>>
      %dma_wait3A_92 = arith.constant 0 : i32
      %dma_wait3A_93 = tpu.memref_slice %arg2[%add3A_89, %dma_wait3A_92] : memref<163840x128xf32, #tpu.memory_space<hbm>> -> memref<128x128xf32, #tpu.memory_space<hbm>>
      tpu.wait_dma2 semaphore(%arg11 : memref<!tpu.dma_semaphore, #tpu.memory_space<semaphore_mem>>) src(%dma_wait3A_93 : memref<128x128xf32, #tpu.memory_space<hbm>>) dst(%arg9 : memref<128x128xf32, #tpu.memory_space<vmem>>)
      %add3A_94 = arith.constant 1 : i32
      %add3A_95 = arith.addi %add3A_86, %add3A_94 : i32
      %lt3A_96 = arith.constant 40 : i32
      %lt3A_97 = arith.cmpi slt, %add3A_95, %lt3A_96 : i32
      %convert_element_type3A_98 = arith.extui %lt3A_97 : i1 to i32
      %cond3A_99 = arith.constant 0 : i32
      %cond3A_100 = arith.cmpi ne, %convert_element_type3A_98, %cond3A_99 : i32
      scf.if %cond3A_100 {
        %add3A_102 = arith.constant 1 : i32
        %add3A_103 = arith.addi %add3A_86, %add3A_102 : i32
        %mul3A_104 = arith.constant 128 : i32
        %mul3A_105 = arith.muli %add3A_103, %mul3A_104 : i32
        %add3A_106 = arith.addi %add3A_22, %mul3A_105 : i32
        %dma_start3A_107 = arith.constant 0 : i32
        %dma_start3A_108 = tpu.memref_slice %arg2[%add3A_106, %dma_start3A_107] : memref<163840x128xf32, #tpu.memory_space<hbm>> -> memref<128x128xf32, #tpu.memory_space<hbm>>
        %dma_start3A_109 = arith.constant 0 : i32
        %dma_start3A_110 = tpu.memref_slice %arg2[%add3A_106, %dma_start3A_109] : memref<163840x128xf32, #tpu.memory_space<hbm>> -> memref<128x128xf32, #tpu.memory_space<hbm>>
        tpu.enqueue_dma source(%dma_start3A_110 : memref<128x128xf32, #tpu.memory_space<hbm>>) target(%arg8 : memref<128x128xf32, #tpu.memory_space<vmem>>) target_semaphore(%arg10 : memref<!tpu.dma_semaphore, #tpu.memory_space<semaphore_mem>>)
      } else {
      }
      %run_scoped3A_101 = arith.constant 0 : i32
      "tpu.region"() ({
        %run_scoped3A_102 = tpu.sem_alloc : memref<!tpu.dma_semaphore, #tpu.memory_space<semaphore_mem>>
        %dma_start3A_103 = arith.constant 0 : i32
        %dma_start3A_104 = tpu.memref_slice %arg7[%run_scoped3A_101, %add3A_86, %dma_start3A_103] : memref<1x40x128xi32, #tpu.memory_space<vmem>> -> memref<1x1x128xi32, #tpu.memory_space<vmem>>
        %dma_start3A_105 = tpu.memref_squeeze %dma_start3A_104 : memref<1x1x128xi32, #tpu.memory_space<vmem>> -> memref<128xi32, #tpu.memory_space<vmem>>
        %dma_start3A_106 = arith.constant 0 : i32
        %dma_start3A_107 = arith.constant 0 : i32
        %dma_start3A_108 = tpu.memref_slice %arg13[%dma_start3A_106, %dma_start3A_107] : memref<10016x128xf32, #tpu.memory_space<vmem_shared>> -> memref<10016x128xf32, #tpu.memory_space<vmem_shared>>
        tpu.enqueue_indirect_dma source(%arg9 : memref<128x128xf32, #tpu.memory_space<vmem>>) target(%dma_start3A_108 : memref<10016x128xf32, #tpu.memory_space<vmem_shared>>) offsets(%dma_start3A_105 : memref<128xi32, #tpu.memory_space<vmem>>) semaphore(%run_scoped3A_102 : memref<!tpu.dma_semaphore, #tpu.memory_space<semaphore_mem>>) {add = true}
        %dma_wait3A_109 = arith.constant 0 : i32
        %dma_wait3A_110 = tpu.memref_slice %arg7[%run_scoped3A_101, %add3A_86, %dma_wait3A_109] : memref<1x40x128xi32, #tpu.memory_space<vmem>> -> memref<1x1x128xi32, #tpu.memory_space<vmem>>
        %dma_wait3A_111 = tpu.memref_squeeze %dma_wait3A_110 : memref<1x1x128xi32, #tpu.memory_space<vmem>> -> memref<128xi32, #tpu.memory_space<vmem>>
        %dma_wait3A_112 = arith.constant 0 : i32
        %dma_wait3A_113 = arith.constant 0 : i32
        %dma_wait3A_114 = tpu.memref_slice %arg13[%dma_wait3A_112, %dma_wait3A_113] : memref<10016x128xf32, #tpu.memory_space<vmem_shared>> -> memref<10016x128xf32, #tpu.memory_space<vmem_shared>>
        tpu.wait_indirect_dma semaphore(%run_scoped3A_102 : memref<!tpu.dma_semaphore, #tpu.memory_space<semaphore_mem>>) src(%arg9 : memref<128x128xf32, #tpu.memory_space<vmem>>) dst(%dma_wait3A_114 : memref<10016x128xf32, #tpu.memory_space<vmem_shared>>)
        tpu.yield
      }) : () -> ()
    }
    %scan3A_32 = arith.constant 20 : i32
    %barrier3A_33 = arith.constant 0 : index
    tpu.barrier barrier_id(%barrier3A_33)
    %eq3A_34 = arith.constant 0 : i32
    %eq3A_35 = arith.cmpi eq, %arg0, %eq3A_34 : i32
    %lt3A_36 = arith.constant 15 : i32
    %lt3A_37 = arith.cmpi slt, %arg1, %lt3A_36 : i32
    %and3A = arith.andi %eq3A_35, %lt3A_37 : i1
    %convert_element_type3A_38 = arith.extui %and3A : i1 to i32
    %cond3A_39 = arith.constant 0 : i32
    %cond3A_40 = arith.cmpi ne, %convert_element_type3A_38, %cond3A_39 : i32
    scf.if %cond3A_40 {
      "tpu.region"() ({
        %run_scoped3A = tpu.sem_alloc : memref<!tpu.dma_semaphore, #tpu.memory_space<semaphore_mem>>
        %dma_start3A_65 = arith.constant 0 : i32
        %dma_start3A_66 = tpu.memref_slice %arg5[%mul3A_2, %dma_start3A_65] : memref<10016x128xf32, #tpu.memory_space<hbm>> -> memref<640x128xf32, #tpu.memory_space<hbm>>
        %dma_start3A_67 = arith.constant 0 : i32
        %dma_start3A_68 = tpu.memref_slice %arg13[%mul3A_2, %dma_start3A_67] : memref<10016x128xf32, #tpu.memory_space<vmem_shared>> -> memref<640x128xf32, #tpu.memory_space<vmem_shared>>
        tpu.enqueue_dma source(%dma_start3A_68 : memref<640x128xf32, #tpu.memory_space<vmem_shared>>) target(%dma_start3A_66 : memref<640x128xf32, #tpu.memory_space<hbm>>) target_semaphore(%run_scoped3A : memref<!tpu.dma_semaphore, #tpu.memory_space<semaphore_mem>>)
        %dma_wait3A = arith.constant 0 : i32
        %dma_wait3A_69 = tpu.memref_slice %arg5[%mul3A_2, %dma_wait3A] : memref<10016x128xf32, #tpu.memory_space<hbm>> -> memref<640x128xf32, #tpu.memory_space<hbm>>
        %dma_wait3A_70 = arith.constant 0 : i32
        %dma_wait3A_71 = tpu.memref_slice %arg13[%mul3A_2, %dma_wait3A_70] : memref<10016x128xf32, #tpu.memory_space<vmem_shared>> -> memref<640x128xf32, #tpu.memory_space<vmem_shared>>
        tpu.wait_dma2 semaphore(%run_scoped3A : memref<!tpu.dma_semaphore, #tpu.memory_space<semaphore_mem>>) src(%dma_wait3A_71 : memref<640x128xf32, #tpu.memory_space<vmem_shared>>) dst(%dma_wait3A_69 : memref<640x128xf32, #tpu.memory_space<hbm>>)
        tpu.yield
      }) : () -> ()
    } else {
    }
    %eq3A_41 = arith.constant 0 : i32
    %eq3A_42 = arith.cmpi eq, %arg0, %eq3A_41 : i32
    %eq3A_43 = arith.constant 15 : i32
    %eq3A_44 = arith.cmpi eq, %arg1, %eq3A_43 : i32
    %and3A_45 = arith.andi %eq3A_42, %eq3A_44 : i1
    %convert_element_type3A_46 = arith.extui %and3A_45 : i1 to i32
    %cond3A_47 = arith.constant 0 : i32
    %cond3A_48 = arith.cmpi ne, %convert_element_type3A_46, %cond3A_47 : i32
    scf.if %cond3A_48 {
      "tpu.region"() ({
        %run_scoped3A = tpu.sem_alloc : memref<!tpu.dma_semaphore, #tpu.memory_space<semaphore_mem>>
        %dma_start3A_65 = arith.constant 0 : i32
        %dma_start3A_66 = tpu.memref_slice %arg5[%mul3A_2, %dma_start3A_65] : memref<10016x128xf32, #tpu.memory_space<hbm>> -> memref<416x128xf32, #tpu.memory_space<hbm>>
        %dma_start3A_67 = arith.constant 0 : i32
        %dma_start3A_68 = tpu.memref_slice %arg13[%mul3A_2, %dma_start3A_67] : memref<10016x128xf32, #tpu.memory_space<vmem_shared>> -> memref<416x128xf32, #tpu.memory_space<vmem_shared>>
        tpu.enqueue_dma source(%dma_start3A_68 : memref<416x128xf32, #tpu.memory_space<vmem_shared>>) target(%dma_start3A_66 : memref<416x128xf32, #tpu.memory_space<hbm>>) target_semaphore(%run_scoped3A : memref<!tpu.dma_semaphore, #tpu.memory_space<semaphore_mem>>)
        %dma_wait3A = arith.constant 0 : i32
        %dma_wait3A_69 = tpu.memref_slice %arg5[%mul3A_2, %dma_wait3A] : memref<10016x128xf32, #tpu.memory_space<hbm>> -> memref<416x128xf32, #tpu.memory_space<hbm>>
        %dma_wait3A_70 = arith.constant 0 : i32
        %dma_wait3A_71 = tpu.memref_slice %arg13[%mul3A_2, %dma_wait3A_70] : memref<10016x128xf32, #tpu.memory_space<vmem_shared>> -> memref<416x128xf32, #tpu.memory_space<vmem_shared>>
        tpu.wait_dma2 semaphore(%run_scoped3A : memref<!tpu.dma_semaphore, #tpu.memory_space<semaphore_mem>>) src(%dma_wait3A_71 : memref<416x128xf32, #tpu.memory_space<vmem_shared>>) dst(%dma_wait3A_69 : memref<416x128xf32, #tpu.memory_space<hbm>>)
        tpu.yield
      }) : () -> ()
    } else {
    }
    %eq3A_49 = arith.constant 1 : i32
    %eq3A_50 = arith.cmpi eq, %arg0, %eq3A_49 : i32
    %lt3A_51 = arith.constant 15 : i32
    %lt3A_52 = arith.cmpi slt, %arg1, %lt3A_51 : i32
    %and3A_53 = arith.andi %eq3A_50, %lt3A_52 : i1
    %convert_element_type3A_54 = arith.extui %and3A_53 : i1 to i32
    %cond3A_55 = arith.constant 0 : i32
    %cond3A_56 = arith.cmpi ne, %convert_element_type3A_54, %cond3A_55 : i32
    scf.if %cond3A_56 {
      "tpu.region"() ({
        %run_scoped3A = tpu.sem_alloc : memref<!tpu.dma_semaphore, #tpu.memory_space<semaphore_mem>>
        %dma_start3A_65 = arith.constant 0 : i32
        %dma_start3A_66 = tpu.memref_slice %arg6[%mul3A_2, %dma_start3A_65] : memref<10016x128xf32, #tpu.memory_space<hbm>> -> memref<640x128xf32, #tpu.memory_space<hbm>>
        %dma_start3A_67 = arith.constant 0 : i32
        %dma_start3A_68 = tpu.memref_slice %arg13[%mul3A_2, %dma_start3A_67] : memref<10016x128xf32, #tpu.memory_space<vmem_shared>> -> memref<640x128xf32, #tpu.memory_space<vmem_shared>>
        tpu.enqueue_dma source(%dma_start3A_68 : memref<640x128xf32, #tpu.memory_space<vmem_shared>>) target(%dma_start3A_66 : memref<640x128xf32, #tpu.memory_space<hbm>>) target_semaphore(%run_scoped3A : memref<!tpu.dma_semaphore, #tpu.memory_space<semaphore_mem>>)
        %dma_wait3A = arith.constant 0 : i32
        %dma_wait3A_69 = tpu.memref_slice %arg6[%mul3A_2, %dma_wait3A] : memref<10016x128xf32, #tpu.memory_space<hbm>> -> memref<640x128xf32, #tpu.memory_space<hbm>>
        %dma_wait3A_70 = arith.constant 0 : i32
        %dma_wait3A_71 = tpu.memref_slice %arg13[%mul3A_2, %dma_wait3A_70] : memref<10016x128xf32, #tpu.memory_space<vmem_shared>> -> memref<640x128xf32, #tpu.memory_space<vmem_shared>>
        tpu.wait_dma2 semaphore(%run_scoped3A : memref<!tpu.dma_semaphore, #tpu.memory_space<semaphore_mem>>) src(%dma_wait3A_71 : memref<640x128xf32, #tpu.memory_space<vmem_shared>>) dst(%dma_wait3A_69 : memref<640x128xf32, #tpu.memory_space<hbm>>)
        tpu.yield
      }) : () -> ()
    } else {
    }
    %eq3A_57 = arith.constant 1 : i32
    %eq3A_58 = arith.cmpi eq, %arg0, %eq3A_57 : i32
    %eq3A_59 = arith.constant 15 : i32
    %eq3A_60 = arith.cmpi eq, %arg1, %eq3A_59 : i32
    %and3A_61 = arith.andi %eq3A_58, %eq3A_60 : i1
    %convert_element_type3A_62 = arith.extui %and3A_61 : i1 to i32
    %cond3A_63 = arith.constant 0 : i32
    %cond3A_64 = arith.cmpi ne, %convert_element_type3A_62, %cond3A_63 : i32
    scf.if %cond3A_64 {
      "tpu.region"() ({
        %run_scoped3A = tpu.sem_alloc : memref<!tpu.dma_semaphore, #tpu.memory_space<semaphore_mem>>
        %dma_start3A_65 = arith.constant 0 : i32
        %dma_start3A_66 = tpu.memref_slice %arg6[%mul3A_2, %dma_start3A_65] : memref<10016x128xf32, #tpu.memory_space<hbm>> -> memref<416x128xf32, #tpu.memory_space<hbm>>
        %dma_start3A_67 = arith.constant 0 : i32
        %dma_start3A_68 = tpu.memref_slice %arg13[%mul3A_2, %dma_start3A_67] : memref<10016x128xf32, #tpu.memory_space<vmem_shared>> -> memref<416x128xf32, #tpu.memory_space<vmem_shared>>
        tpu.enqueue_dma source(%dma_start3A_68 : memref<416x128xf32, #tpu.memory_space<vmem_shared>>) target(%dma_start3A_66 : memref<416x128xf32, #tpu.memory_space<hbm>>) target_semaphore(%run_scoped3A : memref<!tpu.dma_semaphore, #tpu.memory_space<semaphore_mem>>)
        %dma_wait3A = arith.constant 0 : i32
        %dma_wait3A_69 = tpu.memref_slice %arg6[%mul3A_2, %dma_wait3A] : memref<10016x128xf32, #tpu.memory_space<hbm>> -> memref<416x128xf32, #tpu.memory_space<hbm>>
        %dma_wait3A_70 = arith.constant 0 : i32
        %dma_wait3A_71 = tpu.memref_slice %arg13[%mul3A_2, %dma_wait3A_70] : memref<10016x128xf32, #tpu.memory_space<vmem_shared>> -> memref<416x128xf32, #tpu.memory_space<vmem_shared>>
        tpu.wait_dma2 semaphore(%run_scoped3A : memref<!tpu.dma_semaphore, #tpu.memory_space<semaphore_mem>>) src(%dma_wait3A_71 : memref<416x128xf32, #tpu.memory_space<vmem_shared>>) dst(%dma_wait3A_69 : memref<416x128xf32, #tpu.memory_space<hbm>>)
        tpu.yield
      }) : () -> ()
    } else {
    }
    return
  }
}

module attributes {stable_mosaic.version = 14 : i64} {
  func.func @_pre_body(%arg0: i32, %arg1: i32, %arg2: memref<2000x128xf32, #tpu.memory_space<vmem>>, %arg3: memref<1x128x128xf32, #tpu.memory_space<vmem>>, %arg4: memref<1x1x128xf32, #tpu.memory_space<vmem>>, %arg5: memref<2000x128xf32, #tpu.memory_space<vmem>>) attributes {dimension_semantics = [#tpu.dimension_semantics<arbitrary>, #tpu.dimension_semantics<arbitrary>], iteration_bounds = array<i64: 2, 5>, scalar_prefetch = 0 : i64, scratch_operands = 0 : i64, tpu.core_type = #tpu.core_type<tc>, window_params = [{transform_indices = @transform_0, window_bounds = array<i64: 2000, 128>}, {transform_indices = @transform_1, window_bounds = array<i64: 1, 128, 128>}, {transform_indices = @transform_2, window_bounds = array<i64: 1, 1, 128>}, {transform_indices = @transform_3, window_bounds = array<i64: 2000, 128>}]} {
    %get3A = arith.constant 0 : index
    %get3A_0 = arith.constant 0 : index
    %get3A_1 = vector.load %arg2[%get3A, %get3A_0] : memref<2000x128xf32, #tpu.memory_space<vmem>>, vector<2000x128xf32>
    %get3A_2 = arith.constant 0 : index
    %get3A_3 = arith.constant 0 : index
    %get3A_4 = arith.constant 0 : index
    %get3A_5 = vector.load %arg3[%get3A_2, %get3A_3, %get3A_4] : memref<1x128x128xf32, #tpu.memory_space<vmem>>, vector<1x128x128xf32>
    %get3A_6 = vector.shape_cast %get3A_5 : vector<1x128x128xf32> to vector<128x128xf32>
    %dot_general3A = arith.constant dense<0.000000e+00> : vector<2000x128xf32>
    %dot_general3A_7 = tpu.matmul %get3A_1, %get3A_6, %dot_general3A {dimension_numbers = #tpu.dot_dimension_numbers<[1], [0], [0], [1], [0, 0, 1, 1], [], []>, transpose_lhs_hint = false} : vector<2000x128xf32>, vector<128x128xf32>, vector<2000x128xf32> -> vector<2000x128xf32>
    %get3A_8 = arith.constant 0 : index
    %get3A_9 = arith.constant 0 : index
    %get3A_10 = arith.constant 0 : index
    %get3A_11 = vector.load %arg4[%get3A_8, %get3A_9, %get3A_10] : memref<1x1x128xf32, #tpu.memory_space<vmem>>, vector<1x1x128xf32>
    %get3A_12 = vector.shape_cast %get3A_11 : vector<1x1x128xf32> to vector<1x128xf32>
    %add3A = vector.broadcast %get3A_12 : vector<1x128xf32> to vector<2000x128xf32>
    %add3A_13 = arith.addf %dot_general3A_7, %add3A : vector<2000x128xf32>
    %swap3A = arith.constant 0 : index
    %swap3A_14 = arith.constant 0 : index
    %swap3A_15 = vector.load %arg5[%swap3A, %swap3A_14] : memref<2000x128xf32, #tpu.memory_space<vmem>>, vector<2000x128xf32>
    tpu.vector_store %arg5[%swap3A, %swap3A_14], %add3A_13 {strides = array<i32>} : memref<2000x128xf32, #tpu.memory_space<vmem>>, vector<2000x128xf32>,
    return
  }
  func.func @transform_0(%arg0: i32, %arg1: i32) -> (i32, i32) {
    %c0_i32 = arith.constant 0 : i32
    %c0_i32_0 = arith.constant 0 : i32
    return %arg1, %c0_i32 : i32, i32
  }
  func.func @transform_1(%arg0: i32, %arg1: i32) -> (i32, i32, i32) {
    %c0_i32 = arith.constant 0 : i32
    %c0_i32_0 = arith.constant 0 : i32
    %c0_i32_1 = arith.constant 0 : i32
    return %arg0, %c0_i32, %c0_i32_0 : i32, i32, i32
  }
  func.func @transform_2(%arg0: i32, %arg1: i32) -> (i32, i32, i32) {
    %c0_i32 = arith.constant 0 : i32
    %c0_i32_0 = arith.constant 0 : i32
    %c0_i32_1 = arith.constant 0 : i32
    return %arg0, %c0_i32, %c0_i32_0 : i32, i32, i32
  }
  func.func @transform_3(%arg0: i32, %arg1: i32) -> (i32, i32) {
    %mul3A = arith.constant 5 : i32
    %mul3A_0 = arith.muli %arg0, %mul3A : i32
    %add3A = arith.addi %mul3A_0, %arg1 : i32
    %c0_i32 = arith.constant 0 : i32
    %c0_i32_1 = arith.constant 0 : i32
    return %add3A, %c0_i32 : i32, i32
  }
}

module attributes {stable_mosaic.version = 14 : i64} {
  func.func @_edge_body(%arg0: i32, %arg1: memref<4096x128xf32, #tpu.memory_space<vmem>>, %arg2: memref<4096x128xf32, #tpu.memory_space<vmem>>, %arg3: memref<4096x16xf32, #tpu.memory_space<vmem>>, %arg4: memref<4096x16xf32, #tpu.memory_space<vmem>>, %arg5: memref<4096x16xf32, #tpu.memory_space<vmem>>, %arg6: memref<1x128xf32, #tpu.memory_space<vmem>>, %arg7: memref<16x128xf32, #tpu.memory_space<vmem>>, %arg8: memref<128x128xf32, #tpu.memory_space<vmem>>, %arg9: memref<1x128xf32, #tpu.memory_space<vmem>>, %arg10: memref<128x128xf32, #tpu.memory_space<vmem>>, %arg11: memref<1x128xf32, #tpu.memory_space<vmem>>, %arg12: memref<128x1xf32, #tpu.memory_space<vmem>>, %arg13: memref<4096x128xf32, #tpu.memory_space<vmem>>, %arg14: memref<4096x16xf32, #tpu.memory_space<vmem>>) attributes {dimension_semantics = [#tpu.dimension_semantics<arbitrary>], iteration_bounds = array<i64: 40>, scalar_prefetch = 0 : i64, scratch_operands = 0 : i64, tpu.core_type = #tpu.core_type<tc>, window_params = [{transform_indices = @transform_0, window_bounds = array<i64: 4096, 128>}, {transform_indices = @transform_1, window_bounds = array<i64: 4096, 128>}, {transform_indices = @transform_2, window_bounds = array<i64: 4096, 16>}, {transform_indices = @transform_3, window_bounds = array<i64: 4096, 16>}, {transform_indices = @transform_4, window_bounds = array<i64: 4096, 16>}, {pipeline_mode = #tpu.pipeline_mode<synchronous>, transform_indices = @transform_5, window_bounds = array<i64: 1, 128>}, {pipeline_mode = #tpu.pipeline_mode<synchronous>, transform_indices = @transform_6, window_bounds = array<i64: 16, 128>}, {pipeline_mode = #tpu.pipeline_mode<synchronous>, transform_indices = @transform_7, window_bounds = array<i64: 128, 128>}, {pipeline_mode = #tpu.pipeline_mode<synchronous>, transform_indices = @transform_8, window_bounds = array<i64: 1, 128>}, {pipeline_mode = #tpu.pipeline_mode<synchronous>, transform_indices = @transform_9, window_bounds = array<i64: 128, 128>}, {pipeline_mode = #tpu.pipeline_mode<synchronous>, transform_indices = @transform_10, window_bounds = array<i64: 1, 128>}, {pipeline_mode = #tpu.pipeline_mode<synchronous>, transform_indices = @transform_11, window_bounds = array<i64: 128, 1>}, {transform_indices = @transform_12, window_bounds = array<i64: 4096, 128>}, {transform_indices = @transform_13, window_bounds = array<i64: 4096, 16>}]} {
    %get3A = arith.constant 0 : index
    %get3A_0 = arith.constant 0 : index
    %get3A_1 = vector.load %arg1[%get3A, %get3A_0] : memref<4096x128xf32, #tpu.memory_space<vmem>>, vector<4096x128xf32>
    %get3A_2 = arith.constant 0 : index
    %get3A_3 = arith.constant 0 : index
    %get3A_4 = vector.load %arg2[%get3A_2, %get3A_3] : memref<4096x128xf32, #tpu.memory_space<vmem>>, vector<4096x128xf32>
    %add3A = arith.addf %get3A_1, %get3A_4 : vector<4096x128xf32>
    %get3A_5 = arith.constant 0 : index
    %get3A_6 = arith.constant 0 : index
    %get3A_7 = vector.load %arg3[%get3A_5, %get3A_6] : memref<4096x16xf32, #tpu.memory_space<vmem>>, vector<4096x16xf32>
    %get3A_8 = arith.constant 0 : index
    %get3A_9 = arith.constant 0 : index
    %get3A_10 = vector.load %arg4[%get3A_8, %get3A_9] : memref<4096x16xf32, #tpu.memory_space<vmem>>, vector<4096x16xf32>
    %sub3A = arith.subf %get3A_7, %get3A_10 : vector<4096x16xf32>
    %mul3A = arith.mulf %sub3A, %sub3A : vector<4096x16xf32>
    %reduce_sum3A = arith.constant dense<0.000000e+00> : vector<4096xf32>
    %reduce_sum3A_11 = vector.multi_reduction <add>, %mul3A, %reduce_sum3A [1] : vector<4096x16xf32> to vector<4096xf32>
    %broadcast_in_dim3A = vector.shape_cast %reduce_sum3A_11 : vector<4096xf32> to vector<4096x1xf32>
    %get3A_12 = arith.constant 0 : index
    %get3A_13 = arith.constant 0 : index
    %get3A_14 = vector.load %arg6[%get3A_12, %get3A_13] : memref<1x128xf32, #tpu.memory_space<vmem>>, vector<1x128xf32>
    %mul3A_15 = vector.broadcast %broadcast_in_dim3A : vector<4096x1xf32> to vector<4096x128xf32>
    %mul3A_16 = vector.broadcast %get3A_14 : vector<1x128xf32> to vector<4096x128xf32>
    %mul3A_17 = arith.mulf %mul3A_15, %mul3A_16 : vector<4096x128xf32>
    %add3A_18 = arith.addf %add3A, %mul3A_17 : vector<4096x128xf32>
    %get3A_19 = arith.constant 0 : index
    %get3A_20 = arith.constant 0 : index
    %get3A_21 = vector.load %arg5[%get3A_19, %get3A_20] : memref<4096x16xf32, #tpu.memory_space<vmem>>, vector<4096x16xf32>
    %get3A_22 = arith.constant 0 : index
    %get3A_23 = arith.constant 0 : index
    %get3A_24 = vector.load %arg7[%get3A_22, %get3A_23] : memref<16x128xf32, #tpu.memory_space<vmem>>, vector<16x128xf32>
    %dot_general3A = arith.constant dense<0.000000e+00> : vector<4096x128xf32>
    %dot_general3A_25 = tpu.matmul %get3A_21, %get3A_24, %dot_general3A {dimension_numbers = #tpu.dot_dimension_numbers<[1], [0], [0], [1], [0, 0, 1, 1], [], []>, transpose_lhs_hint = false} : vector<4096x16xf32>, vector<16x128xf32>, vector<4096x128xf32> -> vector<4096x128xf32>
    %add3A_26 = arith.addf %add3A_18, %dot_general3A_25 : vector<4096x128xf32>
    %max3A = arith.constant 0.000000e+00 : f32
    %max3A_27 = vector.broadcast %max3A : f32 to vector<4096x128xf32>
    %max3A_28 = arith.maximumf %add3A_26, %max3A_27 : vector<4096x128xf32>
    %get3A_29 = arith.constant 0 : index
    %get3A_30 = arith.constant 0 : index
    %get3A_31 = vector.load %arg8[%get3A_29, %get3A_30] : memref<128x128xf32, #tpu.memory_space<vmem>>, vector<128x128xf32>
    %dot_general3A_32 = arith.constant dense<0.000000e+00> : vector<4096x128xf32>
    %dot_general3A_33 = tpu.matmul %max3A_28, %get3A_31, %dot_general3A_32 {dimension_numbers = #tpu.dot_dimension_numbers<[1], [0], [0], [1], [0, 0, 1, 1], [], []>, transpose_lhs_hint = false} : vector<4096x128xf32>, vector<128x128xf32>, vector<4096x128xf32> -> vector<4096x128xf32>
    %get3A_34 = arith.constant 0 : index
    %get3A_35 = arith.constant 0 : index
    %get3A_36 = vector.load %arg9[%get3A_34, %get3A_35] : memref<1x128xf32, #tpu.memory_space<vmem>>, vector<1x128xf32>
    %add3A_37 = vector.broadcast %get3A_36 : vector<1x128xf32> to vector<4096x128xf32>
    %add3A_38 = arith.addf %dot_general3A_33, %add3A_37 : vector<4096x128xf32>
    %max3A_39 = arith.constant 0.000000e+00 : f32
    %max3A_40 = vector.broadcast %max3A_39 : f32 to vector<4096x128xf32>
    %max3A_41 = arith.maximumf %add3A_38, %max3A_40 : vector<4096x128xf32>
    %swap3A = arith.constant 0 : index
    %swap3A_42 = arith.constant 0 : index
    %swap3A_43 = vector.load %arg13[%swap3A, %swap3A_42] : memref<4096x128xf32, #tpu.memory_space<vmem>>, vector<4096x128xf32>
    tpu.vector_store %arg13[%swap3A, %swap3A_42], %max3A_41 {strides = array<i32>} : memref<4096x128xf32, #tpu.memory_space<vmem>>, vector<4096x128xf32>,
    %get3A_44 = arith.constant 0 : index
    %get3A_45 = arith.constant 0 : index
    %get3A_46 = vector.load %arg10[%get3A_44, %get3A_45] : memref<128x128xf32, #tpu.memory_space<vmem>>, vector<128x128xf32>
    %dot_general3A_47 = arith.constant dense<0.000000e+00> : vector<4096x128xf32>
    %dot_general3A_48 = tpu.matmul %max3A_41, %get3A_46, %dot_general3A_47 {dimension_numbers = #tpu.dot_dimension_numbers<[1], [0], [0], [1], [0, 0, 1, 1], [], []>, transpose_lhs_hint = false} : vector<4096x128xf32>, vector<128x128xf32>, vector<4096x128xf32> -> vector<4096x128xf32>
    %get3A_49 = arith.constant 0 : index
    %get3A_50 = arith.constant 0 : index
    %get3A_51 = vector.load %arg11[%get3A_49, %get3A_50] : memref<1x128xf32, #tpu.memory_space<vmem>>, vector<1x128xf32>
    %add3A_52 = vector.broadcast %get3A_51 : vector<1x128xf32> to vector<4096x128xf32>
    %add3A_53 = arith.addf %dot_general3A_48, %add3A_52 : vector<4096x128xf32>
    %max3A_54 = arith.constant 0.000000e+00 : f32
    %max3A_55 = vector.broadcast %max3A_54 : f32 to vector<4096x128xf32>
    %max3A_56 = arith.maximumf %add3A_53, %max3A_55 : vector<4096x128xf32>
    %get3A_57 = arith.constant 0 : index
    %get3A_58 = arith.constant 0 : index
    %get3A_59 = vector.load %arg12[%get3A_57, %get3A_58] : memref<128x1xf32, #tpu.memory_space<vmem>>, vector<128x1xf32>
    %dot_general3A_60 = arith.constant dense<0.000000e+00> : vector<4096x1xf32>
    %dot_general3A_61 = tpu.matmul %max3A_56, %get3A_59, %dot_general3A_60 {dimension_numbers = #tpu.dot_dimension_numbers<[1], [0], [0], [1], [0, 0, 1, 1], [], []>, transpose_lhs_hint = false} : vector<4096x128xf32>, vector<128x1xf32>, vector<4096x1xf32> -> vector<4096x1xf32>
    %mul3A_62 = vector.broadcast %dot_general3A_61 : vector<4096x1xf32> to vector<4096x16xf32>
    %mul3A_63 = arith.mulf %sub3A, %mul3A_62 : vector<4096x16xf32>
    %jit3A = arith.constant -1.000000e+02 : f32
    %jit3A_64 = arith.constant 1.000000e+02 : f32
    %max3A_65 = vector.broadcast %jit3A : f32 to vector<4096x16xf32>
    %max3A_66 = arith.maximumf %max3A_65, %mul3A_63 : vector<4096x16xf32>
    %min3A = vector.broadcast %jit3A_64 : f32 to vector<4096x16xf32>
    %min3A_67 = arith.minimumf %min3A, %max3A_66 : vector<4096x16xf32>
    %iota3A = tpu.iota {dimensions = array<i32: 1>} : vector<1x16xi32>
    %eq3A = arith.constant 3 : i32
    %eq3A_68 = vector.broadcast %eq3A : i32 to vector<1x16xi32>
    %eq3A_69 = arith.cmpi eq, %iota3A, %eq3A_68 : vector<1x16xi32>
    %convert_element_type3A = arith.extui %eq3A_69 : vector<1x16xi1> to vector<1x16xi32>
    %convert_element_type3A_70 = arith.sitofp %convert_element_type3A : vector<1x16xi32> to vector<1x16xf32>
    %add3A_71 = vector.broadcast %convert_element_type3A_70 : vector<1x16xf32> to vector<4096x16xf32>
    %add3A_72 = arith.addf %min3A_67, %add3A_71 : vector<4096x16xf32>
    %swap3A_73 = arith.constant 0 : index
    %swap3A_74 = arith.constant 0 : index
    %swap3A_75 = vector.load %arg14[%swap3A_73, %swap3A_74] : memref<4096x16xf32, #tpu.memory_space<vmem>>, vector<4096x16xf32>
    tpu.vector_store %arg14[%swap3A_73, %swap3A_74], %add3A_72 {strides = array<i32>} : memref<4096x16xf32, #tpu.memory_space<vmem>>, vector<4096x16xf32>,
    return
  }
  func.func @transform_0(%arg0: i32) -> (i32, i32) {
    %c0_i32 = arith.constant 0 : i32
    %c0_i32_0 = arith.constant 0 : i32
    return %arg0, %c0_i32 : i32, i32
  }
  func.func @transform_1(%arg0: i32) -> (i32, i32) {
    %add3A = arith.constant 40 : i32
    %add3A_0 = arith.addi %arg0, %add3A : i32
    %c0_i32 = arith.constant 0 : i32
    %c0_i32_1 = arith.constant 0 : i32
    return %add3A_0, %c0_i32 : i32, i32
  }
  func.func @transform_2(%arg0: i32) -> (i32, i32) {
    %add3A = arith.constant 40 : i32
    %add3A_0 = arith.addi %add3A, %arg0 : i32
    %c0_i32 = arith.constant 0 : i32
    %c0_i32_1 = arith.constant 0 : i32
    return %add3A_0, %c0_i32 : i32, i32
  }
  func.func @transform_3(%arg0: i32) -> (i32, i32) {
    %add3A = arith.constant 120 : i32
    %add3A_0 = arith.addi %add3A, %arg0 : i32
    %c0_i32 = arith.constant 0 : i32
    %c0_i32_1 = arith.constant 0 : i32
    return %add3A_0, %c0_i32 : i32, i32
  }
  func.func @transform_4(%arg0: i32) -> (i32, i32) {
    %add3A = arith.constant 40 : i32
    %add3A_0 = arith.addi %add3A, %arg0 : i32
    %c0_i32 = arith.constant 0 : i32
    %c0_i32_1 = arith.constant 0 : i32
    return %add3A_0, %c0_i32 : i32, i32
  }
  func.func @transform_5(%arg0: i32) -> (i32, i32) {
    %c0_i32 = arith.constant 0 : i32
    %c0_i32_0 = arith.constant 0 : i32
    %c0_i32_1 = arith.constant 0 : i32
    return %c0_i32, %c0_i32_0 : i32, i32
  }
  func.func @transform_6(%arg0: i32) -> (i32, i32) {
    %c0_i32 = arith.constant 0 : i32
    %c0_i32_0 = arith.constant 0 : i32
    %c0_i32_1 = arith.constant 0 : i32
    return %c0_i32, %c0_i32_0 : i32, i32
  }
  func.func @transform_7(%arg0: i32) -> (i32, i32) {
    %c0_i32 = arith.constant 0 : i32
    %c0_i32_0 = arith.constant 0 : i32
    %c0_i32_1 = arith.constant 0 : i32
    return %c0_i32, %c0_i32_0 : i32, i32
  }
  func.func @transform_8(%arg0: i32) -> (i32, i32) {
    %c0_i32 = arith.constant 0 : i32
    %c0_i32_0 = arith.constant 0 : i32
    %c0_i32_1 = arith.constant 0 : i32
    return %c0_i32, %c0_i32_0 : i32, i32
  }
  func.func @transform_9(%arg0: i32) -> (i32, i32) {
    %c0_i32 = arith.constant 0 : i32
    %c0_i32_0 = arith.constant 0 : i32
    %c0_i32_1 = arith.constant 0 : i32
    return %c0_i32, %c0_i32_0 : i32, i32
  }
  func.func @transform_10(%arg0: i32) -> (i32, i32) {
    %c0_i32 = arith.constant 0 : i32
    %c0_i32_0 = arith.constant 0 : i32
    %c0_i32_1 = arith.constant 0 : i32
    return %c0_i32, %c0_i32_0 : i32, i32
  }
  func.func @transform_11(%arg0: i32) -> (i32, i32) {
    %c0_i32 = arith.constant 0 : i32
    %c0_i32_0 = arith.constant 0 : i32
    %c0_i32_1 = arith.constant 0 : i32
    return %c0_i32, %c0_i32_0 : i32, i32
  }
  func.func @transform_12(%arg0: i32) -> (i32, i32) {
    %c0_i32 = arith.constant 0 : i32
    %c0_i32_0 = arith.constant 0 : i32
    return %arg0, %c0_i32 : i32, i32
  }
  func.func @transform_13(%arg0: i32) -> (i32, i32) {
    %c0_i32 = arith.constant 0 : i32
    %c0_i32_0 = arith.constant 0 : i32
    return %arg0, %c0_i32 : i32, i32
  }
}

module attributes {stable_mosaic.version = 14 : i64} {
  func.func @_edge_body(%arg0: i32, %arg1: memref<4096x128xf32, #tpu.memory_space<vmem>>, %arg2: memref<4096x128xf32, #tpu.memory_space<vmem>>, %arg3: memref<4096x16xf32, #tpu.memory_space<vmem>>, %arg4: memref<4096x16xf32, #tpu.memory_space<vmem>>, %arg5: memref<4096x16xf32, #tpu.memory_space<vmem>>, %arg6: memref<1x128xf32, #tpu.memory_space<vmem>>, %arg7: memref<16x128xf32, #tpu.memory_space<vmem>>, %arg8: memref<128x128xf32, #tpu.memory_space<vmem>>, %arg9: memref<1x128xf32, #tpu.memory_space<vmem>>, %arg10: memref<128x128xf32, #tpu.memory_space<vmem>>, %arg11: memref<1x128xf32, #tpu.memory_space<vmem>>, %arg12: memref<128x1xf32, #tpu.memory_space<vmem>>, %arg13: memref<4096x128xf32, #tpu.memory_space<vmem>>, %arg14: memref<4096x16xf32, #tpu.memory_space<vmem>>) attributes {dimension_semantics = [#tpu.dimension_semantics<arbitrary>], iteration_bounds = array<i64: 40>, scalar_prefetch = 0 : i64, scratch_operands = 0 : i64, tpu.core_type = #tpu.core_type<tc>, window_params = [{transform_indices = @transform_0, window_bounds = array<i64: 4096, 128>}, {transform_indices = @transform_1, window_bounds = array<i64: 4096, 128>}, {transform_indices = @transform_2, window_bounds = array<i64: 4096, 16>}, {transform_indices = @transform_3, window_bounds = array<i64: 4096, 16>}, {transform_indices = @transform_4, window_bounds = array<i64: 4096, 16>}, {pipeline_mode = #tpu.pipeline_mode<synchronous>, transform_indices = @transform_5, window_bounds = array<i64: 1, 128>}, {pipeline_mode = #tpu.pipeline_mode<synchronous>, transform_indices = @transform_6, window_bounds = array<i64: 16, 128>}, {pipeline_mode = #tpu.pipeline_mode<synchronous>, transform_indices = @transform_7, window_bounds = array<i64: 128, 128>}, {pipeline_mode = #tpu.pipeline_mode<synchronous>, transform_indices = @transform_8, window_bounds = array<i64: 1, 128>}, {pipeline_mode = #tpu.pipeline_mode<synchronous>, transform_indices = @transform_9, window_bounds = array<i64: 128, 128>}, {pipeline_mode = #tpu.pipeline_mode<synchronous>, transform_indices = @transform_10, window_bounds = array<i64: 1, 128>}, {pipeline_mode = #tpu.pipeline_mode<synchronous>, transform_indices = @transform_11, window_bounds = array<i64: 128, 1>}, {transform_indices = @transform_12, window_bounds = array<i64: 4096, 128>}, {transform_indices = @transform_13, window_bounds = array<i64: 4096, 16>}]} {
    %get3A = arith.constant 0 : index
    %get3A_0 = arith.constant 0 : index
    %get3A_1 = vector.load %arg1[%get3A, %get3A_0] : memref<4096x128xf32, #tpu.memory_space<vmem>>, vector<4096x128xf32>
    %get3A_2 = arith.constant 0 : index
    %get3A_3 = arith.constant 0 : index
    %get3A_4 = vector.load %arg2[%get3A_2, %get3A_3] : memref<4096x128xf32, #tpu.memory_space<vmem>>, vector<4096x128xf32>
    %add3A = arith.addf %get3A_1, %get3A_4 : vector<4096x128xf32>
    %get3A_5 = arith.constant 0 : index
    %get3A_6 = arith.constant 0 : index
    %get3A_7 = vector.load %arg3[%get3A_5, %get3A_6] : memref<4096x16xf32, #tpu.memory_space<vmem>>, vector<4096x16xf32>
    %get3A_8 = arith.constant 0 : index
    %get3A_9 = arith.constant 0 : index
    %get3A_10 = vector.load %arg4[%get3A_8, %get3A_9] : memref<4096x16xf32, #tpu.memory_space<vmem>>, vector<4096x16xf32>
    %sub3A = arith.subf %get3A_7, %get3A_10 : vector<4096x16xf32>
    %mul3A = arith.mulf %sub3A, %sub3A : vector<4096x16xf32>
    %reduce_sum3A = arith.constant dense<0.000000e+00> : vector<4096xf32>
    %reduce_sum3A_11 = vector.multi_reduction <add>, %mul3A, %reduce_sum3A [1] : vector<4096x16xf32> to vector<4096xf32>
    %broadcast_in_dim3A = vector.shape_cast %reduce_sum3A_11 : vector<4096xf32> to vector<4096x1xf32>
    %get3A_12 = arith.constant 0 : index
    %get3A_13 = arith.constant 0 : index
    %get3A_14 = vector.load %arg6[%get3A_12, %get3A_13] : memref<1x128xf32, #tpu.memory_space<vmem>>, vector<1x128xf32>
    %mul3A_15 = vector.broadcast %broadcast_in_dim3A : vector<4096x1xf32> to vector<4096x128xf32>
    %mul3A_16 = vector.broadcast %get3A_14 : vector<1x128xf32> to vector<4096x128xf32>
    %mul3A_17 = arith.mulf %mul3A_15, %mul3A_16 : vector<4096x128xf32>
    %add3A_18 = arith.addf %add3A, %mul3A_17 : vector<4096x128xf32>
    %get3A_19 = arith.constant 0 : index
    %get3A_20 = arith.constant 0 : index
    %get3A_21 = vector.load %arg5[%get3A_19, %get3A_20] : memref<4096x16xf32, #tpu.memory_space<vmem>>, vector<4096x16xf32>
    %get3A_22 = arith.constant 0 : index
    %get3A_23 = arith.constant 0 : index
    %get3A_24 = vector.load %arg7[%get3A_22, %get3A_23] : memref<16x128xf32, #tpu.memory_space<vmem>>, vector<16x128xf32>
    %dot_general3A = arith.constant dense<0.000000e+00> : vector<4096x128xf32>
    %dot_general3A_25 = tpu.matmul %get3A_21, %get3A_24, %dot_general3A {dimension_numbers = #tpu.dot_dimension_numbers<[1], [0], [0], [1], [0, 0, 1, 1], [], []>, transpose_lhs_hint = false} : vector<4096x16xf32>, vector<16x128xf32>, vector<4096x128xf32> -> vector<4096x128xf32>
    %add3A_26 = arith.addf %add3A_18, %dot_general3A_25 : vector<4096x128xf32>
    %max3A = arith.constant 0.000000e+00 : f32
    %max3A_27 = vector.broadcast %max3A : f32 to vector<4096x128xf32>
    %max3A_28 = arith.maximumf %add3A_26, %max3A_27 : vector<4096x128xf32>
    %get3A_29 = arith.constant 0 : index
    %get3A_30 = arith.constant 0 : index
    %get3A_31 = vector.load %arg8[%get3A_29, %get3A_30] : memref<128x128xf32, #tpu.memory_space<vmem>>, vector<128x128xf32>
    %dot_general3A_32 = arith.constant dense<0.000000e+00> : vector<4096x128xf32>
    %dot_general3A_33 = tpu.matmul %max3A_28, %get3A_31, %dot_general3A_32 {dimension_numbers = #tpu.dot_dimension_numbers<[1], [0], [0], [1], [0, 0, 1, 1], [], []>, transpose_lhs_hint = false} : vector<4096x128xf32>, vector<128x128xf32>, vector<4096x128xf32> -> vector<4096x128xf32>
    %get3A_34 = arith.constant 0 : index
    %get3A_35 = arith.constant 0 : index
    %get3A_36 = vector.load %arg9[%get3A_34, %get3A_35] : memref<1x128xf32, #tpu.memory_space<vmem>>, vector<1x128xf32>
    %add3A_37 = vector.broadcast %get3A_36 : vector<1x128xf32> to vector<4096x128xf32>
    %add3A_38 = arith.addf %dot_general3A_33, %add3A_37 : vector<4096x128xf32>
    %max3A_39 = arith.constant 0.000000e+00 : f32
    %max3A_40 = vector.broadcast %max3A_39 : f32 to vector<4096x128xf32>
    %max3A_41 = arith.maximumf %add3A_38, %max3A_40 : vector<4096x128xf32>
    %swap3A = arith.constant 0 : index
    %swap3A_42 = arith.constant 0 : index
    %swap3A_43 = vector.load %arg13[%swap3A, %swap3A_42] : memref<4096x128xf32, #tpu.memory_space<vmem>>, vector<4096x128xf32>
    tpu.vector_store %arg13[%swap3A, %swap3A_42], %max3A_41 {strides = array<i32>} : memref<4096x128xf32, #tpu.memory_space<vmem>>, vector<4096x128xf32>,
    %get3A_44 = arith.constant 0 : index
    %get3A_45 = arith.constant 0 : index
    %get3A_46 = vector.load %arg10[%get3A_44, %get3A_45] : memref<128x128xf32, #tpu.memory_space<vmem>>, vector<128x128xf32>
    %dot_general3A_47 = arith.constant dense<0.000000e+00> : vector<4096x128xf32>
    %dot_general3A_48 = tpu.matmul %max3A_41, %get3A_46, %dot_general3A_47 {dimension_numbers = #tpu.dot_dimension_numbers<[1], [0], [0], [1], [0, 0, 1, 1], [], []>, transpose_lhs_hint = false} : vector<4096x128xf32>, vector<128x128xf32>, vector<4096x128xf32> -> vector<4096x128xf32>
    %get3A_49 = arith.constant 0 : index
    %get3A_50 = arith.constant 0 : index
    %get3A_51 = vector.load %arg11[%get3A_49, %get3A_50] : memref<1x128xf32, #tpu.memory_space<vmem>>, vector<1x128xf32>
    %add3A_52 = vector.broadcast %get3A_51 : vector<1x128xf32> to vector<4096x128xf32>
    %add3A_53 = arith.addf %dot_general3A_48, %add3A_52 : vector<4096x128xf32>
    %max3A_54 = arith.constant 0.000000e+00 : f32
    %max3A_55 = vector.broadcast %max3A_54 : f32 to vector<4096x128xf32>
    %max3A_56 = arith.maximumf %add3A_53, %max3A_55 : vector<4096x128xf32>
    %get3A_57 = arith.constant 0 : index
    %get3A_58 = arith.constant 0 : index
    %get3A_59 = vector.load %arg12[%get3A_57, %get3A_58] : memref<128x1xf32, #tpu.memory_space<vmem>>, vector<128x1xf32>
    %dot_general3A_60 = arith.constant dense<0.000000e+00> : vector<4096x1xf32>
    %dot_general3A_61 = tpu.matmul %max3A_56, %get3A_59, %dot_general3A_60 {dimension_numbers = #tpu.dot_dimension_numbers<[1], [0], [0], [1], [0, 0, 1, 1], [], []>, transpose_lhs_hint = false} : vector<4096x128xf32>, vector<128x1xf32>, vector<4096x1xf32> -> vector<4096x1xf32>
    %mul3A_62 = vector.broadcast %dot_general3A_61 : vector<4096x1xf32> to vector<4096x16xf32>
    %mul3A_63 = arith.mulf %sub3A, %mul3A_62 : vector<4096x16xf32>
    %jit3A = arith.constant -1.000000e+02 : f32
    %jit3A_64 = arith.constant 1.000000e+02 : f32
    %max3A_65 = vector.broadcast %jit3A : f32 to vector<4096x16xf32>
    %max3A_66 = arith.maximumf %max3A_65, %mul3A_63 : vector<4096x16xf32>
    %min3A = vector.broadcast %jit3A_64 : f32 to vector<4096x16xf32>
    %min3A_67 = arith.minimumf %min3A, %max3A_66 : vector<4096x16xf32>
    %iota3A = tpu.iota {dimensions = array<i32: 1>} : vector<1x16xi32>
    %eq3A = arith.constant 3 : i32
    %eq3A_68 = vector.broadcast %eq3A : i32 to vector<1x16xi32>
    %eq3A_69 = arith.cmpi eq, %iota3A, %eq3A_68 : vector<1x16xi32>
    %convert_element_type3A = arith.extui %eq3A_69 : vector<1x16xi1> to vector<1x16xi32>
    %convert_element_type3A_70 = arith.sitofp %convert_element_type3A : vector<1x16xi32> to vector<1x16xf32>
    %add3A_71 = vector.broadcast %convert_element_type3A_70 : vector<1x16xf32> to vector<4096x16xf32>
    %add3A_72 = arith.addf %min3A_67, %add3A_71 : vector<4096x16xf32>
    %swap3A_73 = arith.constant 0 : index
    %swap3A_74 = arith.constant 0 : index
    %swap3A_75 = vector.load %arg14[%swap3A_73, %swap3A_74] : memref<4096x16xf32, #tpu.memory_space<vmem>>, vector<4096x16xf32>
    tpu.vector_store %arg14[%swap3A_73, %swap3A_74], %add3A_72 {strides = array<i32>} : memref<4096x16xf32, #tpu.memory_space<vmem>>, vector<4096x16xf32>,
    return
  }
  func.func @transform_0(%arg0: i32) -> (i32, i32) {
    %c0_i32 = arith.constant 0 : i32
    %c0_i32_0 = arith.constant 0 : i32
    return %arg0, %c0_i32 : i32, i32
  }
  func.func @transform_1(%arg0: i32) -> (i32, i32) {
    %add3A = arith.constant 40 : i32
    %add3A_0 = arith.addi %arg0, %add3A : i32
    %c0_i32 = arith.constant 0 : i32
    %c0_i32_1 = arith.constant 0 : i32
    return %add3A_0, %c0_i32 : i32, i32
  }
  func.func @transform_2(%arg0: i32) -> (i32, i32) {
    %add3A = arith.constant 0 : i32
    %add3A_0 = arith.addi %add3A, %arg0 : i32
    %c0_i32 = arith.constant 0 : i32
    %c0_i32_1 = arith.constant 0 : i32
    return %add3A_0, %c0_i32 : i32, i32
  }
  func.func @transform_3(%arg0: i32) -> (i32, i32) {
    %add3A = arith.constant 80 : i32
    %add3A_0 = arith.addi %add3A, %arg0 : i32
    %c0_i32 = arith.constant 0 : i32
    %c0_i32_1 = arith.constant 0 : i32
    return %add3A_0, %c0_i32 : i32, i32
  }
  func.func @transform_4(%arg0: i32) -> (i32, i32) {
    %add3A = arith.constant 0 : i32
    %add3A_0 = arith.addi %add3A, %arg0 : i32
    %c0_i32 = arith.constant 0 : i32
    %c0_i32_1 = arith.constant 0 : i32
    return %add3A_0, %c0_i32 : i32, i32
  }
  func.func @transform_5(%arg0: i32) -> (i32, i32) {
    %c0_i32 = arith.constant 0 : i32
    %c0_i32_0 = arith.constant 0 : i32
    %c0_i32_1 = arith.constant 0 : i32
    return %c0_i32, %c0_i32_0 : i32, i32
  }
  func.func @transform_6(%arg0: i32) -> (i32, i32) {
    %c0_i32 = arith.constant 0 : i32
    %c0_i32_0 = arith.constant 0 : i32
    %c0_i32_1 = arith.constant 0 : i32
    return %c0_i32, %c0_i32_0 : i32, i32
  }
  func.func @transform_7(%arg0: i32) -> (i32, i32) {
    %c0_i32 = arith.constant 0 : i32
    %c0_i32_0 = arith.constant 0 : i32
    %c0_i32_1 = arith.constant 0 : i32
    return %c0_i32, %c0_i32_0 : i32, i32
  }
  func.func @transform_8(%arg0: i32) -> (i32, i32) {
    %c0_i32 = arith.constant 0 : i32
    %c0_i32_0 = arith.constant 0 : i32
    %c0_i32_1 = arith.constant 0 : i32
    return %c0_i32, %c0_i32_0 : i32, i32
  }
  func.func @transform_9(%arg0: i32) -> (i32, i32) {
    %c0_i32 = arith.constant 0 : i32
    %c0_i32_0 = arith.constant 0 : i32
    %c0_i32_1 = arith.constant 0 : i32
    return %c0_i32, %c0_i32_0 : i32, i32
  }
  func.func @transform_10(%arg0: i32) -> (i32, i32) {
    %c0_i32 = arith.constant 0 : i32
    %c0_i32_0 = arith.constant 0 : i32
    %c0_i32_1 = arith.constant 0 : i32
    return %c0_i32, %c0_i32_0 : i32, i32
  }
  func.func @transform_11(%arg0: i32) -> (i32, i32) {
    %c0_i32 = arith.constant 0 : i32
    %c0_i32_0 = arith.constant 0 : i32
    %c0_i32_1 = arith.constant 0 : i32
    return %c0_i32, %c0_i32_0 : i32, i32
  }
  func.func @transform_12(%arg0: i32) -> (i32, i32) {
    %c0_i32 = arith.constant 0 : i32
    %c0_i32_0 = arith.constant 0 : i32
    return %arg0, %c0_i32 : i32, i32
  }
  func.func @transform_13(%arg0: i32) -> (i32, i32) {
    %c0_i32 = arith.constant 0 : i32
    %c0_i32_0 = arith.constant 0 : i32
    return %arg0, %c0_i32 : i32, i32
  }
}

module attributes {stable_mosaic.version = 14 : i64} {
  func.func @_node_body(%arg0: i32, %arg1: memref<2000x128xf32, #tpu.memory_space<vmem>>, %arg2: memref<2000x128xf32, #tpu.memory_space<vmem>>, %arg3: memref<2000x128xf32, #tpu.memory_space<vmem>>, %arg4: memref<2000x128xf32, #tpu.memory_space<vmem>>, %arg5: memref<2000x128xf32, #tpu.memory_space<vmem>>, %arg6: memref<2x2000x16xf32, #tpu.memory_space<vmem>>, %arg7: memref<2x2000x16xf32, #tpu.memory_space<vmem>>, %arg8: memref<2000x3xf32, #tpu.memory_space<vmem>>, %arg9: memref<2000x3xf32, #tpu.memory_space<vmem>>, %arg10: memref<128x128xf32, #tpu.memory_space<vmem>>, %arg11: memref<128x128xf32, #tpu.memory_space<vmem>>, %arg12: memref<128x128xf32, #tpu.memory_space<vmem>>, %arg13: memref<1x128xf32, #tpu.memory_space<vmem>>, %arg14: memref<128x128xf32, #tpu.memory_space<vmem>>, %arg15: memref<1x128xf32, #tpu.memory_space<vmem>>, %arg16: memref<128x128xf32, #tpu.memory_space<vmem>>, %arg17: memref<1x128xf32, #tpu.memory_space<vmem>>, %arg18: memref<128x1xf32, #tpu.memory_space<vmem>>, %arg19: memref<1x1xf32, #tpu.memory_space<vmem>>, %arg20: memref<2000x128xf32, #tpu.memory_space<vmem>>, %arg21: memref<2000x3xf32, #tpu.memory_space<vmem>>, %arg22: memref<2000x3xf32, #tpu.memory_space<vmem>>) attributes {dimension_semantics = [#tpu.dimension_semantics<arbitrary>], iteration_bounds = array<i64: 5>, scalar_prefetch = 0 : i64, scratch_operands = 0 : i64, tpu.core_type = #tpu.core_type<tc>, window_params = [{transform_indices = @transform_0, window_bounds = array<i64: 2000, 128>}, {transform_indices = @transform_1, window_bounds = array<i64: 2000, 128>}, {transform_indices = @transform_2, window_bounds = array<i64: 2000, 128>}, {transform_indices = @transform_3, window_bounds = array<i64: 2000, 128>}, {transform_indices = @transform_4, window_bounds = array<i64: 2000, 128>}, {transform_indices = @transform_5, window_bounds = array<i64: 2, 2000, 16>}, {transform_indices = @transform_6, window_bounds = array<i64: 2, 2000, 16>}, {transform_indices = @transform_7, window_bounds = array<i64: 2000, 3>}, {transform_indices = @transform_8, window_bounds = array<i64: 2000, 3>}, {pipeline_mode = #tpu.pipeline_mode<synchronous>, transform_indices = @transform_9, window_bounds = array<i64: 128, 128>}, {pipeline_mode = #tpu.pipeline_mode<synchronous>, transform_indices = @transform_10, window_bounds = array<i64: 128, 128>}, {pipeline_mode = #tpu.pipeline_mode<synchronous>, transform_indices = @transform_11, window_bounds = array<i64: 128, 128>}, {pipeline_mode = #tpu.pipeline_mode<synchronous>, transform_indices = @transform_12, window_bounds = array<i64: 1, 128>}, {pipeline_mode = #tpu.pipeline_mode<synchronous>, transform_indices = @transform_13, window_bounds = array<i64: 128, 128>}, {pipeline_mode = #tpu.pipeline_mode<synchronous>, transform_indices = @transform_14, window_bounds = array<i64: 1, 128>}, {pipeline_mode = #tpu.pipeline_mode<synchronous>, transform_indices = @transform_15, window_bounds = array<i64: 128, 128>}, {pipeline_mode = #tpu.pipeline_mode<synchronous>, transform_indices = @transform_16, window_bounds = array<i64: 1, 128>}, {pipeline_mode = #tpu.pipeline_mode<synchronous>, transform_indices = @transform_17, window_bounds = array<i64: 128, 1>}, {pipeline_mode = #tpu.pipeline_mode<synchronous>, transform_indices = @transform_18, window_bounds = array<i64: 1, 1>}, {transform_indices = @transform_19, window_bounds = array<i64: 2000, 128>}, {transform_indices = @transform_20, window_bounds = array<i64: 2000, 3>}, {transform_indices = @transform_21, window_bounds = array<i64: 2000, 3>}]} {
    %get3A = arith.constant 0 : index
    %get3A_0 = arith.constant 0 : index
    %get3A_1 = vector.load %arg3[%get3A, %get3A_0] : memref<2000x128xf32, #tpu.memory_space<vmem>>, vector<2000x128xf32>
    %get3A_2 = arith.constant 0 : index
    %get3A_3 = arith.constant 0 : index
    %get3A_4 = arith.constant 0 : index
    %get3A_5 = vector.load %arg6[%get3A_2, %get3A_3, %get3A_4] : memref<2x2000x16xf32, #tpu.memory_space<vmem>>, vector<1x2000x16xf32>
    %get3A_6 = vector.shape_cast %get3A_5 : vector<1x2000x16xf32> to vector<2000x16xf32>
    %get3A_7 = arith.constant 1 : index
    %get3A_8 = arith.constant 0 : index
    %get3A_9 = arith.constant 0 : index
    %get3A_10 = vector.load %arg6[%get3A_7, %get3A_8, %get3A_9] : memref<2x2000x16xf32, #tpu.memory_space<vmem>>, vector<1x2000x16xf32>
    %get3A_11 = vector.shape_cast %get3A_10 : vector<1x2000x16xf32> to vector<2000x16xf32>
    %add3A = arith.addf %get3A_6, %get3A_11 : vector<2000x16xf32>
    %get3A_12 = arith.constant 0 : index
    %get3A_13 = arith.constant 0 : index
    %get3A_14 = arith.constant 0 : index
    %get3A_15 = vector.load %arg7[%get3A_12, %get3A_13, %get3A_14] : memref<2x2000x16xf32, #tpu.memory_space<vmem>>, vector<1x2000x16xf32>
    %get3A_16 = vector.shape_cast %get3A_15 : vector<1x2000x16xf32> to vector<2000x16xf32>
    %get3A_17 = arith.constant 1 : index
    %get3A_18 = arith.constant 0 : index
    %get3A_19 = arith.constant 0 : index
    %get3A_20 = vector.load %arg7[%get3A_17, %get3A_18, %get3A_19] : memref<2x2000x16xf32, #tpu.memory_space<vmem>>, vector<1x2000x16xf32>
    %get3A_21 = vector.shape_cast %get3A_20 : vector<1x2000x16xf32> to vector<2000x16xf32>
    %add3A_22 = arith.addf %get3A_16, %get3A_21 : vector<2000x16xf32>
    %add3A_23 = arith.addf %add3A, %add3A_22 : vector<2000x16xf32>
    %slice3A = vector.extract_strided_slice %add3A_23 {offsets = [0, 3], sizes = [2000, 1], strides = [1, 1]} : vector<2000x16xf32> to vector<2000x1xf32>
    %max3A = arith.constant 1.000000e+00 : f32
    %max3A_24 = vector.broadcast %max3A : f32 to vector<2000x1xf32>
    %max3A_25 = arith.maximumf %slice3A, %max3A_24 : vector<2000x1xf32>
    %slice3A_26 = vector.extract_strided_slice %add3A_23 {offsets = [0, 0], sizes = [2000, 3], strides = [1, 1]} : vector<2000x16xf32> to vector<2000x3xf32>
    %div3A = vector.broadcast %max3A_25 : vector<2000x1xf32> to vector<2000x3xf32>
    %div3A_27 = arith.divf %slice3A_26, %div3A : vector<2000x3xf32>
    %get3A_28 = arith.constant 0 : index
    %get3A_29 = arith.constant 0 : index
    %get3A_30 = vector.load %arg16[%get3A_28, %get3A_29] : memref<128x128xf32, #tpu.memory_space<vmem>>, vector<128x128xf32>
    %dot_general3A = arith.constant dense<0.000000e+00> : vector<2000x128xf32>
    %dot_general3A_31 = tpu.matmul %get3A_1, %get3A_30, %dot_general3A {dimension_numbers = #tpu.dot_dimension_numbers<[1], [0], [0], [1], [0, 0, 1, 1], [], []>, transpose_lhs_hint = false} : vector<2000x128xf32>, vector<128x128xf32>, vector<2000x128xf32> -> vector<2000x128xf32>
    %get3A_32 = arith.constant 0 : index
    %get3A_33 = arith.constant 0 : index
    %get3A_34 = vector.load %arg17[%get3A_32, %get3A_33] : memref<1x128xf32, #tpu.memory_space<vmem>>, vector<1x128xf32>
    %add3A_35 = vector.broadcast %get3A_34 : vector<1x128xf32> to vector<2000x128xf32>
    %add3A_36 = arith.addf %dot_general3A_31, %add3A_35 : vector<2000x128xf32>
    %max3A_37 = arith.constant 0.000000e+00 : f32
    %max3A_38 = vector.broadcast %max3A_37 : f32 to vector<2000x128xf32>
    %max3A_39 = arith.maximumf %add3A_36, %max3A_38 : vector<2000x128xf32>
    %get3A_40 = arith.constant 0 : index
    %get3A_41 = arith.constant 0 : index
    %get3A_42 = vector.load %arg18[%get3A_40, %get3A_41] : memref<128x1xf32, #tpu.memory_space<vmem>>, vector<128x1xf32>
    %dot_general3A_43 = arith.constant dense<0.000000e+00> : vector<2000x1xf32>
    %dot_general3A_44 = tpu.matmul %max3A_39, %get3A_42, %dot_general3A_43 {dimension_numbers = #tpu.dot_dimension_numbers<[1], [0], [0], [1], [0, 0, 1, 1], [], []>, transpose_lhs_hint = false} : vector<2000x128xf32>, vector<128x1xf32>, vector<2000x1xf32> -> vector<2000x1xf32>
    %get3A_45 = arith.constant 0 : index
    %get3A_46 = arith.constant 0 : index
    %get3A_47 = vector.load %arg19[%get3A_45, %get3A_46] : memref<1x1xf32, #tpu.memory_space<vmem>>, vector<1x1xf32>
    %add3A_48 = vector.broadcast %get3A_47 : vector<1x1xf32> to vector<2000x1xf32>
    %add3A_49 = arith.addf %dot_general3A_44, %add3A_48 : vector<2000x1xf32>
    %get3A_50 = arith.constant 0 : index
    %get3A_51 = arith.constant 0 : index
    %get3A_52 = vector.load %arg9[%get3A_50, %get3A_51] : memref<2000x3xf32, #tpu.memory_space<vmem>>, vector<2000x3xf32>
    %mul3A = vector.broadcast %add3A_49 : vector<2000x1xf32> to vector<2000x3xf32>
    %mul3A_53 = arith.mulf %mul3A, %get3A_52 : vector<2000x3xf32>
    %add3A_54 = arith.addf %mul3A_53, %div3A_27 : vector<2000x3xf32>
    %swap3A = arith.constant 0 : index
    %swap3A_55 = arith.constant 0 : index
    %swap3A_56 = vector.load %arg22[%swap3A, %swap3A_55] : memref<2000x3xf32, #tpu.memory_space<vmem>>, vector<2000x3xf32>
    tpu.vector_store %arg22[%swap3A, %swap3A_55], %add3A_54 {strides = array<i32>} : memref<2000x3xf32, #tpu.memory_space<vmem>>, vector<2000x3xf32>,
    %get3A_57 = arith.constant 0 : index
    %get3A_58 = arith.constant 0 : index
    %get3A_59 = vector.load %arg8[%get3A_57, %get3A_58] : memref<2000x3xf32, #tpu.memory_space<vmem>>, vector<2000x3xf32>
    %add3A_60 = arith.addf %get3A_59, %add3A_54 : vector<2000x3xf32>
    %swap3A_61 = arith.constant 0 : index
    %swap3A_62 = arith.constant 0 : index
    %swap3A_63 = vector.load %arg21[%swap3A_61, %swap3A_62] : memref<2000x3xf32, #tpu.memory_space<vmem>>, vector<2000x3xf32>
    tpu.vector_store %arg21[%swap3A_61, %swap3A_62], %add3A_60 {strides = array<i32>} : memref<2000x3xf32, #tpu.memory_space<vmem>>, vector<2000x3xf32>,
    %get3A_64 = arith.constant 0 : index
    %get3A_65 = arith.constant 0 : index
    %get3A_66 = vector.load %arg1[%get3A_64, %get3A_65] : memref<2000x128xf32, #tpu.memory_space<vmem>>, vector<2000x128xf32>
    %get3A_67 = arith.constant 0 : index
    %get3A_68 = arith.constant 0 : index
    %get3A_69 = vector.load %arg2[%get3A_67, %get3A_68] : memref<2000x128xf32, #tpu.memory_space<vmem>>, vector<2000x128xf32>
    %add3A_70 = arith.addf %get3A_66, %get3A_69 : vector<2000x128xf32>
    %get3A_71 = arith.constant 0 : index
    %get3A_72 = arith.constant 0 : index
    %get3A_73 = vector.load %arg4[%get3A_71, %get3A_72] : memref<2000x128xf32, #tpu.memory_space<vmem>>, vector<2000x128xf32>
    %get3A_74 = arith.constant 0 : index
    %get3A_75 = arith.constant 0 : index
    %get3A_76 = vector.load %arg5[%get3A_74, %get3A_75] : memref<2000x128xf32, #tpu.memory_space<vmem>>, vector<2000x128xf32>
    %add3A_77 = arith.addf %get3A_73, %get3A_76 : vector<2000x128xf32>
    %get3A_78 = arith.constant 0 : index
    %get3A_79 = arith.constant 0 : index
    %get3A_80 = vector.load %arg10[%get3A_78, %get3A_79] : memref<128x128xf32, #tpu.memory_space<vmem>>, vector<128x128xf32>
    %dot_general3A_81 = arith.constant dense<0.000000e+00> : vector<2000x128xf32>
    %dot_general3A_82 = tpu.matmul %add3A_70, %get3A_80, %dot_general3A_81 {dimension_numbers = #tpu.dot_dimension_numbers<[1], [0], [0], [1], [0, 0, 1, 1], [], []>, transpose_lhs_hint = false} : vector<2000x128xf32>, vector<128x128xf32>, vector<2000x128xf32> -> vector<2000x128xf32>
    %get3A_83 = arith.constant 0 : index
    %get3A_84 = arith.constant 0 : index
    %get3A_85 = vector.load %arg11[%get3A_83, %get3A_84] : memref<128x128xf32, #tpu.memory_space<vmem>>, vector<128x128xf32>
    %dot_general3A_86 = arith.constant dense<0.000000e+00> : vector<2000x128xf32>
    %dot_general3A_87 = tpu.matmul %get3A_1, %get3A_85, %dot_general3A_86 {dimension_numbers = #tpu.dot_dimension_numbers<[1], [0], [0], [1], [0, 0, 1, 1], [], []>, transpose_lhs_hint = false} : vector<2000x128xf32>, vector<128x128xf32>, vector<2000x128xf32> -> vector<2000x128xf32>
    %add3A_88 = arith.addf %dot_general3A_82, %dot_general3A_87 : vector<2000x128xf32>
    %get3A_89 = arith.constant 0 : index
    %get3A_90 = arith.constant 0 : index
    %get3A_91 = vector.load %arg12[%get3A_89, %get3A_90] : memref<128x128xf32, #tpu.memory_space<vmem>>, vector<128x128xf32>
    %dot_general3A_92 = arith.constant dense<0.000000e+00> : vector<2000x128xf32>
    %dot_general3A_93 = tpu.matmul %add3A_77, %get3A_91, %dot_general3A_92 {dimension_numbers = #tpu.dot_dimension_numbers<[1], [0], [0], [1], [0, 0, 1, 1], [], []>, transpose_lhs_hint = false} : vector<2000x128xf32>, vector<128x128xf32>, vector<2000x128xf32> -> vector<2000x128xf32>
    %add3A_94 = arith.addf %add3A_88, %dot_general3A_93 : vector<2000x128xf32>
    %get3A_95 = arith.constant 0 : index
    %get3A_96 = arith.constant 0 : index
    %get3A_97 = vector.load %arg13[%get3A_95, %get3A_96] : memref<1x128xf32, #tpu.memory_space<vmem>>, vector<1x128xf32>
    %add3A_98 = vector.broadcast %get3A_97 : vector<1x128xf32> to vector<2000x128xf32>
    %add3A_99 = arith.addf %add3A_94, %add3A_98 : vector<2000x128xf32>
    %max3A_100 = arith.constant 0.000000e+00 : f32
    %max3A_101 = vector.broadcast %max3A_100 : f32 to vector<2000x128xf32>
    %max3A_102 = arith.maximumf %add3A_99, %max3A_101 : vector<2000x128xf32>
    %get3A_103 = arith.constant 0 : index
    %get3A_104 = arith.constant 0 : index
    %get3A_105 = vector.load %arg14[%get3A_103, %get3A_104] : memref<128x128xf32, #tpu.memory_space<vmem>>, vector<128x128xf32>
    %dot_general3A_106 = arith.constant dense<0.000000e+00> : vector<2000x128xf32>
    %dot_general3A_107 = tpu.matmul %max3A_102, %get3A_105, %dot_general3A_106 {dimension_numbers = #tpu.dot_dimension_numbers<[1], [0], [0], [1], [0, 0, 1, 1], [], []>, transpose_lhs_hint = false} : vector<2000x128xf32>, vector<128x128xf32>, vector<2000x128xf32> -> vector<2000x128xf32>
    %get3A_108 = arith.constant 0 : index
    %get3A_109 = arith.constant 0 : index
    %get3A_110 = vector.load %arg15[%get3A_108, %get3A_109] : memref<1x128xf32, #tpu.memory_space<vmem>>, vector<1x128xf32>
    %add3A_111 = vector.broadcast %get3A_110 : vector<1x128xf32> to vector<2000x128xf32>
    %add3A_112 = arith.addf %dot_general3A_107, %add3A_111 : vector<2000x128xf32>
    %add3A_113 = arith.addf %get3A_1, %add3A_112 : vector<2000x128xf32>
    %swap3A_114 = arith.constant 0 : index
    %swap3A_115 = arith.constant 0 : index
    %swap3A_116 = vector.load %arg20[%swap3A_114, %swap3A_115] : memref<2000x128xf32, #tpu.memory_space<vmem>>, vector<2000x128xf32>
    tpu.vector_store %arg20[%swap3A_114, %swap3A_115], %add3A_113 {strides = array<i32>} : memref<2000x128xf32, #tpu.memory_space<vmem>>, vector<2000x128xf32>,
    return
  }
  func.func @transform_0(%arg0: i32) -> (i32, i32) {
    %c0_i32 = arith.constant 0 : i32
    %c0_i32_0 = arith.constant 0 : i32
    return %arg0, %c0_i32 : i32, i32
  }
  func.func @transform_1(%arg0: i32) -> (i32, i32) {
    %c0_i32 = arith.constant 0 : i32
    %c0_i32_0 = arith.constant 0 : i32
    return %arg0, %c0_i32 : i32, i32
  }
  func.func @transform_2(%arg0: i32) -> (i32, i32) {
    %c0_i32 = arith.constant 0 : i32
    %c0_i32_0 = arith.constant 0 : i32
    return %arg0, %c0_i32 : i32, i32
  }
  func.func @transform_3(%arg0: i32) -> (i32, i32) {
    %c0_i32 = arith.constant 0 : i32
    %c0_i32_0 = arith.constant 0 : i32
    return %arg0, %c0_i32 : i32, i32
  }
  func.func @transform_4(%arg0: i32) -> (i32, i32) {
    %c0_i32 = arith.constant 0 : i32
    %c0_i32_0 = arith.constant 0 : i32
    return %arg0, %c0_i32 : i32, i32
  }
  func.func @transform_5(%arg0: i32) -> (i32, i32, i32) {
    %c0_i32 = arith.constant 0 : i32
    %c0_i32_0 = arith.constant 0 : i32
    %c0_i32_1 = arith.constant 0 : i32
    return %c0_i32, %arg0, %c0_i32_0 : i32, i32, i32
  }
  func.func @transform_6(%arg0: i32) -> (i32, i32, i32) {
    %c0_i32 = arith.constant 0 : i32
    %c0_i32_0 = arith.constant 0 : i32
    %c0_i32_1 = arith.constant 0 : i32
    return %c0_i32, %arg0, %c0_i32_0 : i32, i32, i32
  }
  func.func @transform_7(%arg0: i32) -> (i32, i32) {
    %c0_i32 = arith.constant 0 : i32
    %c0_i32_0 = arith.constant 0 : i32
    return %arg0, %c0_i32 : i32, i32
  }
  func.func @transform_8(%arg0: i32) -> (i32, i32) {
    %c0_i32 = arith.constant 0 : i32
    %c0_i32_0 = arith.constant 0 : i32
    return %arg0, %c0_i32 : i32, i32
  }
  func.func @transform_9(%arg0: i32) -> (i32, i32) {
    %c0_i32 = arith.constant 0 : i32
    %c0_i32_0 = arith.constant 0 : i32
    %c0_i32_1 = arith.constant 0 : i32
    return %c0_i32, %c0_i32_0 : i32, i32
  }
  func.func @transform_10(%arg0: i32) -> (i32, i32) {
    %c0_i32 = arith.constant 0 : i32
    %c0_i32_0 = arith.constant 0 : i32
    %c0_i32_1 = arith.constant 0 : i32
    return %c0_i32, %c0_i32_0 : i32, i32
  }
  func.func @transform_11(%arg0: i32) -> (i32, i32) {
    %c0_i32 = arith.constant 0 : i32
    %c0_i32_0 = arith.constant 0 : i32
    %c0_i32_1 = arith.constant 0 : i32
    return %c0_i32, %c0_i32_0 : i32, i32
  }
  func.func @transform_12(%arg0: i32) -> (i32, i32) {
    %c0_i32 = arith.constant 0 : i32
    %c0_i32_0 = arith.constant 0 : i32
    %c0_i32_1 = arith.constant 0 : i32
    return %c0_i32, %c0_i32_0 : i32, i32
  }
  func.func @transform_13(%arg0: i32) -> (i32, i32) {
    %c0_i32 = arith.constant 0 : i32
    %c0_i32_0 = arith.constant 0 : i32
    %c0_i32_1 = arith.constant 0 : i32
    return %c0_i32, %c0_i32_0 : i32, i32
  }
  func.func @transform_14(%arg0: i32) -> (i32, i32) {
    %c0_i32 = arith.constant 0 : i32
    %c0_i32_0 = arith.constant 0 : i32
    %c0_i32_1 = arith.constant 0 : i32
    return %c0_i32, %c0_i32_0 : i32, i32
  }
  func.func @transform_15(%arg0: i32) -> (i32, i32) {
    %c0_i32 = arith.constant 0 : i32
    %c0_i32_0 = arith.constant 0 : i32
    %c0_i32_1 = arith.constant 0 : i32
    return %c0_i32, %c0_i32_0 : i32, i32
  }
  func.func @transform_16(%arg0: i32) -> (i32, i32) {
    %c0_i32 = arith.constant 0 : i32
    %c0_i32_0 = arith.constant 0 : i32
    %c0_i32_1 = arith.constant 0 : i32
    return %c0_i32, %c0_i32_0 : i32, i32
  }
  func.func @transform_17(%arg0: i32) -> (i32, i32) {
    %c0_i32 = arith.constant 0 : i32
    %c0_i32_0 = arith.constant 0 : i32
    %c0_i32_1 = arith.constant 0 : i32
    return %c0_i32, %c0_i32_0 : i32, i32
  }
  func.func @transform_18(%arg0: i32) -> (i32, i32) {
    %c0_i32 = arith.constant 0 : i32
    %c0_i32_0 = arith.constant 0 : i32
    %c0_i32_1 = arith.constant 0 : i32
    return %c0_i32, %c0_i32_0 : i32, i32
  }
  func.func @transform_19(%arg0: i32) -> (i32, i32) {
    %c0_i32 = arith.constant 0 : i32
    %c0_i32_0 = arith.constant 0 : i32
    return %arg0, %c0_i32 : i32, i32
  }
  func.func @transform_20(%arg0: i32) -> (i32, i32) {
    %c0_i32 = arith.constant 0 : i32
    %c0_i32_0 = arith.constant 0 : i32
    return %arg0, %c0_i32 : i32, i32
  }
  func.func @transform_21(%arg0: i32) -> (i32, i32) {
    %c0_i32 = arith.constant 0 : i32
    %c0_i32_0 = arith.constant 0 : i32
    return %arg0, %c0_i32 : i32, i32
  }
}

</mosaic_0001>

<sc_bundles>
// kernel: kernel.13.cloned.1.call-start
scs
__scs_entry_jumppad:
0x0: {  	(pc) =	sbr.rel $0x88, $3  }
0x1: {  	(tag) =	ssettag $0x0;
	lr =	simm.s32 $0x1  }
0x2: {  	[smem:$0x3F8D] =	sst lr;
	_ =	strace $0xD0000000  }
0x3: {  	_ = 	snop  }
0x4: {  	_ = 	snop  }
0x5: {  	_ = 	snop  }
0x6: {  	_ = 	snop  }
0x7: {  	_ = 	snop  }
__scs_overlays_trampoline_lowered:
0x8: {  	[smem:$0x3F9C] =	sst s0  }
0x9: {  	[smem:$0x3F9D] =	sst s1  }
0xa: {  	[smem:$0x3F9E] =	sst s2  }
0xb: {  	[smem:$0x3F9F] =	sst s3  }
0xc: {  	[smem:$0x3FA0] =	sst s4  }
0xd: {  	[smem:$0x3FA1] =	sst s5  }
0xe: {  	[smem:$0x3FA2] =	sst s6  }
0xf: {  	[smem:$0x3FA3] =	sst s7  }
0x10: {  	[smem:$0x3FA4] =	sst s8  }
0x11: {  	[smem:$0x3FA5] =	sst s9;
	s0 =	simm.s32 @!p0 $0x0  }
0x12: {  	s1 =	sld [smem:$0x3F8B];
	s0 =	simm.s32 @p0 $0x1  }
0x13: {  	[smem:$0x3FA6] =	sst s0;
	s0 =	simm.s32 @!p1 $0x0  }
0x14: {  	s2 =	sld [smem:$0x3F8A];
	s0 =	simm.s32 @p1 $0x1  }
0x15: {  	[smem:$0x3FA7] =	sst s0;
	s0 =	simm.s32 @!p2 $0x0  }
0x16: {  	s3 =	sld [smem:$0x3FDB];
	s0 =	simm.s32 @p2 $0x1  }
0x17: {  	s4 =	simm.s32 $0x1BF5;
	[smem:$0x3FA9] =	sst s0  }
0x18: {  	s0 =	sld [smem:$0x3F8C];
	_ =	swait.ge [sflag:s4], $0x0  }
0x19: {  	s7 =	sld [smem:$0x3F8D]  }
0x1a: {  	s8 =	sadd.s32 $0xFFFFE003, lr  }
0x1b: {  	s9 =	sadd.s32 $0xFFFFFEF7, lr;
	s5 =	simm.s32 $0xFFFFFFFF;
	p2 =	slt.u32 s8, $0xFFFFF086  }
0x1c: {  	p1 =	slt.u32 s9, $0xF7A;
	s5 =	simm.s32 @!p2 $0x0  }
0x1d: {  	s5 =	simm.s32 @p1 $0x1;
	p0 =	seq.s32 s7, s2  }
0x1e: {  	s7 =	smul.u32 @!p0 $0xF7A, s2;
	p2 =	seq.s32 @!p0 s5, $0x0  }
0x1f: {  	s9 =	smul.u32 $0xF7A, s1;
	s8 =	simm.s32 @!p0 $0x1BF5;
	p2 =	por !p2, p0  }
0x20: {  	[sflag:s8] =	ssyncset.s32 @!p0 $0xFFFFF086;
	s6 =	sadd.s32 @!p0 s3, s7;
	s7 =	simm.s32 @!p0 $0x108  }
0x21: {  	s3 =	sadd.s32 s3, s9;
	s6 =	sadd.s32 @!p0 $0x88, s6;
	s7 =	simm.s32 @p2 $0x1082  }
0x22: {  	[simem:s7], [sflag:s8] =	dma.local @!p0 [hbm:s6], $0xF7A  }
0x23: {  	s9 =	sor.u32 $0xD0000000, s2;
	s6 =	simm.s32 $0x108;
	_ =	swait.ge @!p0 [sflag:s8], $0x0  }
0x24: {  	s3 =	sadd.s32 $0x88, s3;
	s6 =	simm.s32 @!p1 $0x1082;
	[sflag:s4] =	ssyncset.s32 $0xFFFFF086  }
0x25: {  	[simem:s6], [sflag:s4] =	dma.local [hbm:s3], $0xF7A  }
0x26: {  	[smem:$0x3F8D] =	sst s1;
	(tag) =	ssettag s2;
	_ =	strace s9  }
0x27: {  	s1 =	sld [smem:$0x3F9D]  }
0x28: {  	s2 =	sld [smem:$0x3F9E]  }
0x29: {  	s4 =	sld [smem:$0x3FA0]  }
0x2a: {  	p0 =	seq.s32 s5, $0x0;
	s5 =	sld [smem:$0x3FA1]  }
0x2b: {  	s6 =	sld [smem:$0x3FA2]  }
0x2c: {  	s7 =	sld [smem:$0x3FA3]  }
0x2d: {  	s3 =	simm.s32 $0x108;
	s8 =	sld [smem:$0x3FA4]  }
0x2e: {  	s3 =	simm.s32 @!p0 $0x1082;
	s9 =	sld [smem:$0x3FA5]  }
0x2f: {  	lr =	sadd.s32 s0, s3;
	s0 =	sld [smem:$0x3F9C]  }
0x30: {  	s3 =	sld [smem:$0x3F9F]  }
0x31: {  	[smem:$0x3FA8] =	sst s10  }
0x32: {  	s10 =	sld [smem:$0x3FA6];
	_ =	sdelay $0x3  }
0x33: {  	p0 =	seq.s32 s10, $0x1;
	s10 =	sld [smem:$0x3FA8];
	_ =	sdelay $0x3  }
0x34: {  	[smem:$0x3FA8] =	sst s10  }
0x35: {  	s10 =	sld [smem:$0x3FA7];
	_ =	sdelay $0x3  }
0x36: {  	p1 =	seq.s32 s10, $0x1;
	s10 =	sld [smem:$0x3FA8];
	_ =	sdelay $0x3  }
0x37: {  	[smem:$0x3FA8] =	sst s10  }
0x38: {  	s10 =	sld [smem:$0x3FA9]  }
0x39: {  	_ = 	snop;
	(pc) =	sbr.ind lr, $3  }
0x3a: {  	_ = 	snop  }
0x3b: {  	_ = 	snop  }
0x3c: {  	p2 =	seq.s32 s10, $0x1;
	s10 =	sld [smem:$0x3FA8]  }
0x3d: {  	_ =	shalt  }
0x3e: {  	_ =	shalt  }
0x3f: {  	_ =	shalt  }
0x40: {  	_ =	shalt  }
0x41: {  	_ =	shalt  }
0x42: {  	_ =	shalt  }
0x43: {  	_ =	shalt  }
0x44: {  	_ =	shalt  }
0x45: {  	_ =	shalt  }
0x46: {  	_ =	shalt  }
0x47: {  	_ =	shalt  }
0x48: {  	_ =	shalt  }
0x49: {  	_ =	shalt  }
0x4a: {  	_ =	shalt  }
0x4b: {  	_ =	shalt  }
0x4c: {  	_ =	shalt  }
0x4d: {  	_ =	shalt  }
0x4e: {  	_ =	shalt  }
0x4f: {  	_ =	shalt  }
0x50: {  	_ =	shalt  }
0x51: {  	_ =	shalt  }
0x52: {  	_ =	shalt  }
0x53: {  	_ =	shalt  }
0x54: {  	_ =	shalt  }
0x55: {  	_ =	shalt  }
0x56: {  	_ =	shalt  }
0x57: {  	_ =	shalt  }
0x58: {  	_ =	shalt  }
0x59: {  	_ =	shalt  }
0x5a: {  	_ =	shalt  }
0x5b: {  	_ =	shalt  }
0x5c: {  	_ =	shalt  }
0x5d: {  	_ =	shalt  }
0x5e: {  	_ =	shalt  }
0x5f: {  	_ =	shalt  }
0x60: {  	_ =	shalt  }
0x61: {  	_ =	shalt  }
0x62: {  	_ =	shalt  }
0x63: {  	_ =	shalt  }
0x64: {  	_ =	shalt  }
0x65: {  	_ =	shalt  }
0x66: {  	_ =	shalt  }
0x67: {  	_ =	shalt  }
0x68: {  	_ =	shalt  }
0x69: {  	_ =	shalt  }
0x6a: {  	_ =	shalt  }
0x6b: {  	_ =	shalt  }
0x6c: {  	_ =	shalt  }
0x6d: {  	_ =	shalt  }
0x6e: {  	_ =	shalt  }
0x6f: {  	_ =	shalt  }
0x70: {  	_ =	shalt  }
0x71: {  	_ =	shalt  }
0x72: {  	_ =	shalt  }
0x73: {  	_ =	shalt  }
0x74: {  	_ =	shalt  }
0x75: {  	_ =	shalt  }
0x76: {  	_ =	shalt  }
0x77: {  	_ =	shalt  }
0x78: {  	_ =	shalt  }
0x79: {  	_ =	shalt  }
0x7a: {  	_ =	shalt  }
0x7b: {  	_ =	shalt  }
0x7c: {  	_ =	shalt  }
0x7d: {  	_ =	shalt  }
0x7e: {  	_ =	shalt  }
0x7f: {  	_ =	shalt  }
0x80: {  	_ =	shalt  }
0x81: {  	_ =	shalt  }
0x82: {  	_ =	shalt  }
0x83: {  	_ =	shalt  }
0x84: {  	_ =	shalt  }
0x85: {  	_ =	shalt  }
0x86: {  	_ =	shalt  }
0x87: {  	_ =	shalt  }
.Lfunc_end0:
.L_simem_size_0:
called_computation_lowered:
.L_overlay_start_0:
0x88: {  	s2 =	sld [smem:$0x3FD9]  }
0x89: {  	s3 =	sld [smem:$0x3FFE];
	_ =	sdelay $0x1  }
0x8a: {  	s1 =	srdreg.scid  }
0x8b: {  	s0 =	sand.u32 $0x1, s1  }
0x8c: {  	s16 =	sshll.u32 s0, $0xA;
	s2 =	sadd.s32 s3, s2  }
0x8d: {  	s2 =	sadd.s32 s2, s16  }
0x8e: {  	[smem:$0x3FB4] =	sst s2  }
0x8f: {  	_ = 	snop  }
0x90: {  	(tm) =	ssettm $0x1  }
0x91: {  	s17 =	sld [smem:$0x3FFB];
	_ =	sdelay $0x3  }
0x92: {  	_ =	strace s17  }
0x93: {  	s2 =	sld [smem:$0x3FFC];
	_ =	sdelay $0x3  }
0x94: {  	_ =	strace s2  }
0x95: {  	s2 =	sld [smem:$0x3FFD];
	_ =	sdelay $0x3  }
0x96: {  	_ =	strace s2  }
0x97: {  	_ =	strace $0x8FFFFFFF  }
0x98: {  	s18 =	sld [smem:$0x3FDB];
	_ =	sdelay $0x1  }
0x99: {  	s19 =	simm.s32 $_scs_section_size  }
0x9a: {  	s4 =	simm.s32 $_size__tile_overlayer_lowered;
	s5 =	simm.s32 $_tile_overlayer_lowered  }
0x9b: {  	s22 =	simm.s32 $0x1BFF;
	s21 =	sshll.u32 s5, $0x1;
	s2 =	sadd.s32 s19, s18  }
0x9c: {  	s6 =	simm.s32 $0x0;
	s20 =	sshll.u32 s4, $0x1;
	s4 =	sadd.s32 s21, s2  }
0x9d: {  	[timem:s6], [sflag:s22] =	dma.local [hbm:s4], s20  }
0x9e: {  	_ =	swait.ge [sflag:s22], s20  }
0x9f: {  	s3 =	ssub.s32 $0x0, s20;
	[sflag:s22] =	ssyncset.done $0x0  }
0xa0: {  	[sflag:s22] =	ssyncadd.s32 s3;
	_ =	sdelay $0x1  }
0xa1: {  	s23 =	simm.s32 $0x1B8B  }
0xa2: {  	_ =	swait.ge [sflag:s23], $0x1  }
0xa3: {  	[sflag:s23] =	ssyncset.done $0x0  }
0xa4: {  	s25 =	simm.s32 $0x1B8E;
	s24 =	sld [smem:$0x3FFE];
	[sflag:s23] =	ssyncadd.s32 $0xFFFFFFFF  }
0xa5: {  	s26 =	simm.s32 $execute0_lowered;
	[smem:$0x3FD2] =	sst s25  }
0xa6: {  	s4 =	sshll.u32 s26, $0x1;
	_ =	strace $0x80000046;
	[dreg:$0x1] =	wrdreg $0xFFFFFFFF  }
0xa7: {  	s28 =	simm.s32 $_size_execute0_lowered;
	s2 =	sadd.s32 s2, s4;
	[dreg:$0x0] =	wrdreg $0x0  }
0xa8: {  	s4 =	sshll.u32 s28, $0x1;
	[dreg:$0x2] =	wrdreg s2  }
0xa9: {  	[dreg:$0x3] =	wrdreg s4  }
0xaa: {  	[dreg:$0x4] =	wrdreg $0xC0  }
0xab: {  	_ =	task [dreg:s6], $0x5FFFF  }
0xac: {  	[dreg:$0x1] =	wrdreg $0xFFFFFFFF  }
0xad: {  	[dreg:$0x0] =	wrdreg $0x60  }
0xae: {  	[dreg:$0x2] =	wrdreg s24  }
0xaf: {  	[dreg:$0x3] =	wrdreg $0x9  }
0xb0: {  	_ =	task.clear_ibuf [dreg:s6], $0x4FFFF;
	_ =	strace $0x90000046  }
0xb1: {  	s29 =	simm.s32 $0x9;
	_ =	strace $0x80000048  }
0xb2: {  	_ =	swait.ge [sflag:s29], $0x1  }
0xb3: {  	[sflag:s29] =	ssyncadd.s32 $0xFFFFFFFF  }
0xb4: {  	_ =	strace $0x90000048  }
0xb5: {  	_ =	sfence  }
0xb6: {  	s30 =	sld [smem:$0x0];
	_ =	sdelay $0x2  }
0xb7: {  	s31 =	sshll.u32 s1, $0xD;
	s1 =	sshrl.u32 s1, $0x2  }
0xb8: {  	s3 =	sand.u32 $0x4000, s31;
	s1 =	sadd.s32 s1, s30  }
0xb9: {  	s0 =	sor.u32 s3, s0;
	s1 =	sshll.u32 s1, $0x11  }
0xba: {  	s0 =	sor.u32 s1, s0  }
0xbb: {  	s0 =	sadd.s32 $0x8F2B, s0  }
0xbc: {  	[sflag:s0] =	ssyncadd.remote.s32 $0x1  }
0xbd: {  	_ =	sfence.sel $0xFFFF  }
0xbe: {  	[dreg:$0x0] =	wrdreg $0xFFFFFFFF;
	(pc) =	sbr.abs _section_cstart, $3  }
0xbf: {  	[dreg:$0x1] =	wrdreg $0xFFFFFFFF  }
0xc0: {  	_ =	task.clear_ibuf [dreg:s6], $0x2FFFF;
	_ =	strace $0x9FFFFFFF  }
0xc1: {  	(tm) =	ssettm $0x7FFFFFFF  }
tec
execute0_lowered:
.L_overlay_start_1:
0x0: {  	(tag) =	ssettag $0x1  }
0x1: {  	s0 =	srdreg.scid;
	s4 =	rddreg [dreg:$0x0]  }
0x2: {  	s1 =	stileid.u32;
	s2 =	simm.s32 $0x0;
	s11 =	simm.s32 $0x80  }
0x3: {  	s12 =	simm.s32 $0x5000;
	s13 =	simm.s32 $0x5800;
	s15 =	simm.s32 $0x6000  }
0x4: {  	s16 =	simm.s32 $0x1;
	s17 =	simm.s32 $0x6800;
	s18 =	simm.s32 $0x2  }
0x5: {  	s19 =	simm.s32 $0x3;
	s20 =	simm.s32 $0x4;
	s21 =	simm.s32 $0x5  }
0x6: {  	s22 =	simm.s32 $0x6;
	s23 =	simm.s32 $0x7;
	s8 =	smul.u32 $0x5000, s1  }
0x7: {  	s24 =	simm.s32 $0x8;
	s0 =	sand.u32 $0x1, s0;
	s10 =	smul.u32 $0x50000, s1  }
0x8: {  	[smem:$0x7FF] =	sst s2;
	s9 =	sadd.s32 $0x34200, s4;
	s6 =	smul.u32 $0x500000, s0  }
0x9: {  	s3 =	sshll.u32 s0, $0x4;
	s7 =	smul.u32 $0x50000, s0;
	s0 =	ssub.s32 $0x2, s0  }
0xa: {  	_ =	strace $0x80000047;
	s3 =	sor.u32 s1, s3;
	s25 =	sshrl.u32 s0, $0x1  }
0xb: {  	s5 =	smul.u32 $0x5000, s3;
	s3 =	sadd.s32 $0x7200, s4;
	s0 =	ssub.s32 s0, s25  }
0xc: {  	s7 =	sadd.s32 s8, s7;
	s28 =	sadd.s32 s10, s6;
	s25 =	simm.s32 $0x0  }
0xd: {  	s0 =	smax.u32 s0, $0x1;
	s29 =	sshll.u32 s7, $0x1;
	s30 =	sshrl.u32 s28, $0x3  }
0xe: {  	s5 =	sshrl.u32 s5, $0x3;
	[dreg:$0x3] =	wrdreg s0;
	s31 =	sadd.s32 s29, s9  }
0xf: {  	s0 =	sor.u32 $0x1800, s28;
	s6 =	sadd.s32 s30, s9;
	s5 =	sadd.s32 s5, s4  }
0x10: {  	s7 =	sadd.s32 $0x200, s31;
	s0 =	sshrl.u32 s0, $0x3;
	s26 =	sadd.s32 $0x20200, s5  }
0x11: {  	s8 =	sadd.s32 $0x100, s31;
	s0 =	sadd.s32 s0, s9;
	[dreg:$0x2] =	wrdreg s26  }
.LBB2_1:
0x12: {  	s1 =	rddreg [dreg:$0x2];
	s10 =	simm.s32 $0x9  }
0x13: {  	[tilespmem:s2], [sflag:$0x9] =	stream.linear.gather [hbm4b:s1+s2], $0x5000, $0x38;
	[tilespmem:$0x7000] =	vst v63  }
0x14: {  	_ =	swait.ge [sflag:s10], $0x5000  }
0x15: {  	[sflag:s10] =	ssyncset.done $0x0  }
0x16: {  	[sflag:s10] =	ssyncadd.s32 $0xFFFFB000  }
0x17: {  	[tilespmem:s12], [sflag:$0x1] =	stream.indirect.gather [hbm4b:s3+s11], $0x10, s2, s11, $0xb8;
	[tilespmem:$0x7000] =	vst v63  }
0x18: {  	_ = 	snop  }
0x19: {  	[tilespmem:s13], [sflag:$0x2] =	stream.indirect.gather [hbm4b:s3+s11], $0x10, s11, s11, $0xb8;
	[tilespmem:$0x7000] =	vst v63  }
0x1a: {  	s14 =	simm.s32 $0x100  }
0x1b: {  	[tilespmem:s15], [sflag:$0x3] =	stream.indirect.gather [hbm4b:s3+s11], $0x10, s14, s11, $0xb8;
	[tilespmem:$0x7000] =	vst v63  }
0x1c: {  	_ =	swait.ge [sflag:s16], $0x800  }
0x1d: {  	p0 =	por $0x1, $0x1;
	[sflag:s16] =	ssyncset.done $0x0  }
0x1e: {  	s9 =	simm.s32 @!p0 $0x8;
	[sflag:s16] =	ssyncadd.s32 $0xFFFFF800  }
0x1f: {  	_ =	swait.ge @!p0 [sflag:s9], $0x800  }
0x20: {  	[sflag:s9] =	ssyncset.done @!p0 $0x0  }
0x21: {  	s26 =	simm.s32 $0x180;
	[sflag:s9] =	ssyncadd.s32 @!p0 $0xFFFFF800  }
0x22: {  	[tilespmem:s17], [sflag:$0x4] =	stream.indirect.gather [hbm4b:s3+s11], $0x10, s26, s11, $0xb8;
	[tilespmem:$0x7000] =	vst v63  }
0x23: {  	_ = 	snop  }
0x24: {  	[hbm4b:s6+s2] =	stream.linear.scatter [tilespmem:s12], [sflag:$0x5], $0x800, $0x38;
	[tilespmem:$0x7000] =	vst v63  }
0x25: {  	_ =	swait.ge [sflag:s18], $0x800  }
0x26: {  	p0 =	por $0x0, $0x0;
	[sflag:s18] =	ssyncset.done $0x0  }
0x27: {  	s9 =	simm.s32 @!p0 $0x5;
	[sflag:s18] =	ssyncadd.s32 $0xFFFFF800  }
0x28: {  	_ =	swait.ge @!p0 [sflag:s9], $0x800  }
0x29: {  	s26 =	simm.s32 @!p0 $0x200;
	[sflag:s9] =	ssyncset.done @!p0 $0x0  }
0x2a: {  	s28 =	simm.s32 @!p0 $0x5000;
	[sflag:s9] =	ssyncadd.s32 @!p0 $0xFFFFF800;
	s9 =	simm.s32 @!p0 $0x80  }
0x2b: {  	[tilespmem:s28], [sflag:$0x1] =	stream.indirect.gather @!p0 [hbm4b:s3+s9], $0x10, s26, s9, $0xb8;
	[tilespmem:$0x7000] =	vst v63  }
0x2c: {  	_ = 	snop  }
0x2d: {  	[hbm4b:s8+s2] =	stream.linear.scatter [tilespmem:s13], [sflag:$0x6], $0x800, $0x38;
	[tilespmem:$0x7000] =	vst v63  }
0x2e: {  	_ =	swait.ge [sflag:s19], $0x800  }
0x2f: {  	[sflag:s19] =	ssyncset.done $0x0  }
0x30: {  	s26 =	simm.s32 @!p0 $0x6;
	[sflag:s19] =	ssyncadd.s32 $0xFFFFF800  }
0x31: {  	_ =	swait.ge @!p0 [sflag:s26], $0x800  }
0x32: {  	[sflag:s26] =	ssyncset.done @!p0 $0x0  }
0x33: {  	s28 =	simm.s32 @!p0 $0x280;
	[sflag:s26] =	ssyncadd.s32 @!p0 $0xFFFFF800;
	s26 =	simm.s32 @!p0 $0x5800  }
0x34: {  	[tilespmem:s26], [sflag:$0x2] =	stream.indirect.gather @!p0 [hbm4b:s3+s9], $0x10, s28, s9, $0xb8;
	[tilespmem:$0x7000] =	vst v63  }
0x35: {  	_ = 	snop  }
0x36: {  	[hbm4b:s7+s2] =	stream.linear.scatter [tilespmem:s15], [sflag:$0x7], $0x800, $0x38;
	[tilespmem:$0x7000] =	vst v63  }
0x37: {  	_ =	swait.ge [sflag:s20], $0x800  }
0x38: {  	[sflag:s20] =	ssyncset.done $0x0  }
0x39: {  	s26 =	simm.s32 @!p0 $0x7;
	[sflag:s20] =	ssyncadd.s32 $0xFFFFF800  }
0x3a: {  	s29 =	sadd.s32 $0x400, s6;
	_ =	swait.ge @!p0 [sflag:s26], $0x800  }
0x3b: {  	s30 =	sadd.s32 $0x400, s7;
	s31 =	sadd.s32 $0x400, s8;
	[sflag:s26] =	ssyncset.done @!p0 $0x0  }
0x3c: {  	s28 =	simm.s32 @!p0 $0x300;
	[sflag:s26] =	ssyncadd.s32 @!p0 $0xFFFFF800;
	s26 =	simm.s32 @!p0 $0x6000  }
0x3d: {  	[tilespmem:s26], [sflag:$0x3] =	stream.indirect.gather @!p0 [hbm4b:s3+s9], $0x10, s28, s9, $0xb8;
	[tilespmem:$0x7000] =	vst v63  }
0x3e: {  	s26 =	simm.s32 $0x800;
	s28 =	sadd.s32 $0x400, s0;
	s9 =	smov.u32 s0  }
.LBB2_2:
0x3f: {  	[hbm4b:s9+s2] =	stream.linear.scatter [tilespmem:s17], [sflag:$0x8], $0x800, $0x38;
	[tilespmem:$0x7000] =	vst v63  }
0x40: {  	s1 =	smov.u32 s26;
	s26 =	sadd.s32 $0x800, s26;
	_ =	swait.ge [sflag:s16], $0x800  }
0x41: {  	p1 =	seq.s32 s1, $0x0;
	p0 =	sne.s32 s26, $0x14000;
	[sflag:s16] =	ssyncset.done $0x0  }
0x42: {  	s9 =	smov.u32 s28;
	s14 =	simm.s32 @!p1 $0x8;
	[sflag:s16] =	ssyncadd.s32 $0xFFFFF800  }
0x43: {  	_ =	swait.ge @!p1 [sflag:s14], $0x800  }
0x44: {  	s4 =	sshra.s32 s1, $0x2;
	[sflag:s14] =	ssyncset.done @!p1 $0x0  }
0x45: {  	s4 =	sadd.s32 $0x180, s4;
	[sflag:s14] =	ssyncadd.s32 @!p1 $0xFFFFF800  }
0x46: {  	[tilespmem:s17], [sflag:$0x4] =	stream.indirect.gather [hbm4b:s3+s11], $0x10, s4, s11, $0xb8;
	[tilespmem:$0x7000] =	vst v63  }
0x47: {  	_ = 	snop  }
0x48: {  	[hbm4b:s29+s2] =	stream.linear.scatter [tilespmem:s12], [sflag:$0x5], $0x800, $0x38;
	[tilespmem:$0x7000] =	vst v63  }
0x49: {  	_ =	swait.ge [sflag:s18], $0x800  }
0x4a: {  	p1 =	seq.s32 s1, $0x13800;
	[sflag:s18] =	ssyncset.done $0x0  }
0x4b: {  	s4 =	simm.s32 @!p1 $0x5;
	s1 =	sshra.s32 @!p1 s1, $0x2;
	[sflag:s18] =	ssyncadd.s32 $0xFFFFF800  }
0x4c: {  	s14 =	sadd.s32 @!p1 $0x200, s1;
	s5 =	sadd.s32 @!p1 $0x280, s1;
	_ =	swait.ge @!p1 [sflag:s4], $0x800  }
0x4d: {  	s1 =	sadd.s32 @!p1 $0x300, s1;
	[sflag:s4] =	ssyncset.done @!p1 $0x0  }
0x4e: {  	s10 =	simm.s32 @!p1 $0x5000;
	[sflag:s4] =	ssyncadd.s32 @!p1 $0xFFFFF800;
	s4 =	simm.s32 @!p1 $0x80  }
0x4f: {  	[tilespmem:s10], [sflag:$0x1] =	stream.indirect.gather @!p1 [hbm4b:s3+s4], $0x10, s14, s4, $0xb8;
	[tilespmem:$0x7000] =	vst v63  }
0x50: {  	_ = 	snop  }
0x51: {  	[hbm4b:s31+s2] =	stream.linear.scatter [tilespmem:s13], [sflag:$0x6], $0x800, $0x38;
	[tilespmem:$0x7000] =	vst v63  }
0x52: {  	_ =	swait.ge [sflag:s19], $0x800  }
0x53: {  	[sflag:s19] =	ssyncset.done $0x0  }
0x54: {  	s10 =	simm.s32 @!p1 $0x6;
	[sflag:s19] =	ssyncadd.s32 $0xFFFFF800  }
0x55: {  	_ =	swait.ge @!p1 [sflag:s10], $0x800  }
0x56: {  	[sflag:s10] =	ssyncset.done @!p1 $0x0  }
0x57: {  	[sflag:s10] =	ssyncadd.s32 @!p1 $0xFFFFF800;
	s10 =	simm.s32 @!p1 $0x5800  }
0x58: {  	[tilespmem:s10], [sflag:$0x2] =	stream.indirect.gather @!p1 [hbm4b:s3+s4], $0x10, s5, s4, $0xb8;
	[tilespmem:$0x7000] =	vst v63  }
0x59: {  	_ = 	snop  }
0x5a: {  	[hbm4b:s30+s2] =	stream.linear.scatter [tilespmem:s15], [sflag:$0x7], $0x800, $0x38;
	[tilespmem:$0x7000] =	vst v63  }
0x5b: {  	_ =	swait.ge [sflag:s20], $0x800  }
0x5c: {  	[sflag:s20] =	ssyncset.done $0x0  }
0x5d: {  	s5 =	simm.s32 @!p1 $0x7;
	[sflag:s20] =	ssyncadd.s32 $0xFFFFF800  }
.Ltmp0:
0x5e: {  	_ =	swait.ge @!p1 [sflag:s5], $0x800;
	(pc) =	sbr.rel @p0 .LBB2_2-.Ltmp0, $4  }
0x5f: {  	[sflag:s5] =	ssyncset.done @!p1 $0x0  }
0x60: {  	s28 =	sadd.s32 $0x400, s28;
	[sflag:s5] =	ssyncadd.s32 @!p1 $0xFFFFF800;
	s5 =	simm.s32 @!p1 $0x6000  }
0x61: {  	[tilespmem:s5], [sflag:$0x3] =	stream.indirect.gather @!p1 [hbm4b:s3+s4], $0x10, s1, s4, $0xb8;
	[tilespmem:$0x7000] =	vst v63  }
0x62: {  	s29 =	sadd.s32 $0x400, s29;
	s31 =	sadd.s32 $0x400, s31;
	s30 =	sadd.s32 $0x400, s30  }
0x63: {  	[hbm4b:s9+s2] =	stream.linear.scatter [tilespmem:s17], [sflag:$0x8], $0x800, $0x38;
	[tilespmem:$0x7000] =	vst v63  }
0x64: {  	_ =	swait.ge [sflag:s21], $0x800  }
0x65: {  	[sflag:s21] =	ssyncset.done $0x0  }
0x66: {  	[sflag:s21] =	ssyncadd.s32 $0xFFFFF800  }
0x67: {  	_ =	swait.ge [sflag:s22], $0x800  }
0x68: {  	[sflag:s22] =	ssyncset.done $0x0  }
0x69: {  	[sflag:s22] =	ssyncadd.s32 $0xFFFFF800  }
0x6a: {  	_ =	swait.ge [sflag:s23], $0x800  }
0x6b: {  	[sflag:s23] =	ssyncset.done $0x0  }
0x6c: {  	[sflag:s23] =	ssyncadd.s32 $0xFFFFF800  }
0x6d: {  	_ =	swait.ge [sflag:s24], $0x800  }
0x6e: {  	s25 =	sadd.s32 $0x1, s25;
	s1 =	rddreg [dreg:$0x3]  }
0x6f: {  	p0 =	sne.s32 s25, s1  }
.Ltmp1:
0x70: {  	_ = 	snop;
	(pc) =	sbr.rel @p0 .LBB2_1-.Ltmp1, $3  }
0x71: {  	_ =	sdelay $0x1  }
0x72: {  	[sflag:s24] =	ssyncset.done $0x0  }
0x73: {  	[sflag:s24] =	ssyncadd.s32 $0xFFFFF800  }
0x74: {  	_ =	sfence.sel $0x180000  }
0x75: {  	[bflag:$0x0] =	sbarrier.arrive $0xFFFF  }
0x76: {  	_ =	strace $0x90000047  }
0x77: {  	s0 =	stileid.u32;
	[bflag:$0x2] =	sbarrier.arrive $0xFFFF  }
0x78: {  	p0 =	sne.s32 s0, $0x0;
	s0 =	rddreg [dreg:$0x1]  }
0x79: {  	s0 =	sadd.s32 @!p0 $0x100000, s0  }
0x7a: {  	[sflag:s0] =	ssyncadd.tile.s32 @!p0 $0x1;
	_ =	shalt  }
.Lfunc_end2:
_tile_overlayer_lowered:
.L_overlay_start_2:
0x7b: {  	(tag) =	ssettag $0x2  }
0x7c: {  	s0 =	rddreg [dreg:$0x0];
	s2 =	stileid.u32  }
0x7d: {  	s1 =	rddreg [dreg:$0x1];
	p0 =	sne.s32 s2, $0x0  }
0x7e: {  	s3 =	rddreg [dreg:$0x2];
	[bflag:$0x3] =	sbarrier.arrive $0xFFFF;
	s2 =	simm.s32 @!p0 $0x1C09  }
0x7f: {  	[timem:s3], [sflag:s2] =	dma.local @!p0 [hbm:s0], s1  }
0x80: {  	s0 =	simm.s32 @!p0 $0x9  }
0x81: {  	_ =	swait.ge @!p0 [sflag:s0], s1  }
0x82: {  	s1 =	ssub.s32 @!p0 $0x0, s1;
	[sflag:s0] =	ssyncset.done @!p0 $0x0  }
0x83: {  	[sflag:s0] =	ssyncadd.s32 @!p0 s1  }
0x84: {  	[bflag:$0x3] =	sbarrier.arrive $0xFFFF  }
0x85: {  	_ =	shalt  }

// kernel: kernel.16.cloned.1.call-start
scs
__scs_entry_jumppad:
0x0: {  	(pc) =	sbr.rel $0x88, $3  }
0x1: {  	(tag) =	ssettag $0x0;
	lr =	simm.s32 $0x1  }
0x2: {  	[smem:$0x3F8D] =	sst lr;
	_ =	strace $0xD0000000  }
0x3: {  	_ = 	snop  }
0x4: {  	_ = 	snop  }
0x5: {  	_ = 	snop  }
0x6: {  	_ = 	snop  }
0x7: {  	_ = 	snop  }
__scs_overlays_trampoline_lowered:
0x8: {  	[smem:$0x3F9C] =	sst s0  }
0x9: {  	[smem:$0x3F9D] =	sst s1  }
0xa: {  	[smem:$0x3F9E] =	sst s2  }
0xb: {  	[smem:$0x3F9F] =	sst s3  }
0xc: {  	[smem:$0x3FA0] =	sst s4  }
0xd: {  	[smem:$0x3FA1] =	sst s5  }
0xe: {  	[smem:$0x3FA2] =	sst s6  }
0xf: {  	[smem:$0x3FA3] =	sst s7  }
0x10: {  	[smem:$0x3FA4] =	sst s8  }
0x11: {  	[smem:$0x3FA5] =	sst s9;
	s0 =	simm.s32 @!p0 $0x0  }
0x12: {  	s1 =	sld [smem:$0x3F8B];
	s0 =	simm.s32 @p0 $0x1  }
0x13: {  	[smem:$0x3FA6] =	sst s0;
	s0 =	simm.s32 @!p1 $0x0  }
0x14: {  	s2 =	sld [smem:$0x3F8A];
	s0 =	simm.s32 @p1 $0x1  }
0x15: {  	[smem:$0x3FA7] =	sst s0;
	s0 =	simm.s32 @!p2 $0x0  }
0x16: {  	s3 =	sld [smem:$0x3FDB];
	s0 =	simm.s32 @p2 $0x1  }
0x17: {  	s4 =	simm.s32 $0x1BF5;
	[smem:$0x3FA9] =	sst s0  }
0x18: {  	s0 =	sld [smem:$0x3F8C];
	_ =	swait.ge [sflag:s4], $0x0  }
0x19: {  	s7 =	sld [smem:$0x3F8D]  }
0x1a: {  	s8 =	sadd.s32 $0xFFFFE003, lr  }
0x1b: {  	s9 =	sadd.s32 $0xFFFFFEF7, lr;
	s5 =	simm.s32 $0xFFFFFFFF;
	p2 =	slt.u32 s8, $0xFFFFF086  }
0x1c: {  	p1 =	slt.u32 s9, $0xF7A;
	s5 =	simm.s32 @!p2 $0x0  }
0x1d: {  	s5 =	simm.s32 @p1 $0x1;
	p0 =	seq.s32 s7, s2  }
0x1e: {  	s7 =	smul.u32 @!p0 $0xF7A, s2;
	p2 =	seq.s32 @!p0 s5, $0x0  }
0x1f: {  	s9 =	smul.u32 $0xF7A, s1;
	s8 =	simm.s32 @!p0 $0x1BF5;
	p2 =	por !p2, p0  }
0x20: {  	[sflag:s8] =	ssyncset.s32 @!p0 $0xFFFFF086;
	s6 =	sadd.s32 @!p0 s3, s7;
	s7 =	simm.s32 @!p0 $0x108  }
0x21: {  	s3 =	sadd.s32 s3, s9;
	s6 =	sadd.s32 @!p0 $0x88, s6;
	s7 =	simm.s32 @p2 $0x1082  }
0x22: {  	[simem:s7], [sflag:s8] =	dma.local @!p0 [hbm:s6], $0xF7A  }
0x23: {  	s9 =	sor.u32 $0xD0000000, s2;
	s6 =	simm.s32 $0x108;
	_ =	swait.ge @!p0 [sflag:s8], $0x0  }
0x24: {  	s3 =	sadd.s32 $0x88, s3;
	s6 =	simm.s32 @!p1 $0x1082;
	[sflag:s4] =	ssyncset.s32 $0xFFFFF086  }
0x25: {  	[simem:s6], [sflag:s4] =	dma.local [hbm:s3], $0xF7A  }
0x26: {  	[smem:$0x3F8D] =	sst s1;
	(tag) =	ssettag s2;
	_ =	strace s9  }
0x27: {  	s1 =	sld [smem:$0x3F9D]  }
0x28: {  	s2 =	sld [smem:$0x3F9E]  }
0x29: {  	s4 =	sld [smem:$0x3FA0]  }
0x2a: {  	p0 =	seq.s32 s5, $0x0;
	s5 =	sld [smem:$0x3FA1]  }
0x2b: {  	s6 =	sld [smem:$0x3FA2]  }
0x2c: {  	s7 =	sld [smem:$0x3FA3]  }
0x2d: {  	s3 =	simm.s32 $0x108;
	s8 =	sld [smem:$0x3FA4]  }
0x2e: {  	s3 =	simm.s32 @!p0 $0x1082;
	s9 =	sld [smem:$0x3FA5]  }
0x2f: {  	lr =	sadd.s32 s0, s3;
	s0 =	sld [smem:$0x3F9C]  }
0x30: {  	s3 =	sld [smem:$0x3F9F]  }
0x31: {  	[smem:$0x3FA8] =	sst s10  }
0x32: {  	s10 =	sld [smem:$0x3FA6];
	_ =	sdelay $0x3  }
0x33: {  	p0 =	seq.s32 s10, $0x1;
	s10 =	sld [smem:$0x3FA8];
	_ =	sdelay $0x3  }
0x34: {  	[smem:$0x3FA8] =	sst s10  }
0x35: {  	s10 =	sld [smem:$0x3FA7];
	_ =	sdelay $0x3  }
0x36: {  	p1 =	seq.s32 s10, $0x1;
	s10 =	sld [smem:$0x3FA8];
	_ =	sdelay $0x3  }
0x37: {  	[smem:$0x3FA8] =	sst s10  }
0x38: {  	s10 =	sld [smem:$0x3FA9]  }
0x39: {  	_ = 	snop;
	(pc) =	sbr.ind lr, $3  }
0x3a: {  	_ = 	snop  }
0x3b: {  	_ = 	snop  }
0x3c: {  	p2 =	seq.s32 s10, $0x1;
	s10 =	sld [smem:$0x3FA8]  }
0x3d: {  	_ =	shalt  }
0x3e: {  	_ =	shalt  }
0x3f: {  	_ =	shalt  }
0x40: {  	_ =	shalt  }
0x41: {  	_ =	shalt  }
0x42: {  	_ =	shalt  }
0x43: {  	_ =	shalt  }
0x44: {  	_ =	shalt  }
0x45: {  	_ =	shalt  }
0x46: {  	_ =	shalt  }
0x47: {  	_ =	shalt  }
0x48: {  	_ =	shalt  }
0x49: {  	_ =	shalt  }
0x4a: {  	_ =	shalt  }
0x4b: {  	_ =	shalt  }
0x4c: {  	_ =	shalt  }
0x4d: {  	_ =	shalt  }
0x4e: {  	_ =	shalt  }
0x4f: {  	_ =	shalt  }
0x50: {  	_ =	shalt  }
0x51: {  	_ =	shalt  }
0x52: {  	_ =	shalt  }
0x53: {  	_ =	shalt  }
0x54: {  	_ =	shalt  }
0x55: {  	_ =	shalt  }
0x56: {  	_ =	shalt  }
0x57: {  	_ =	shalt  }
0x58: {  	_ =	shalt  }
0x59: {  	_ =	shalt  }
0x5a: {  	_ =	shalt  }
0x5b: {  	_ =	shalt  }
0x5c: {  	_ =	shalt  }
0x5d: {  	_ =	shalt  }
0x5e: {  	_ =	shalt  }
0x5f: {  	_ =	shalt  }
0x60: {  	_ =	shalt  }
0x61: {  	_ =	shalt  }
0x62: {  	_ =	shalt  }
0x63: {  	_ =	shalt  }
0x64: {  	_ =	shalt  }
0x65: {  	_ =	shalt  }
0x66: {  	_ =	shalt  }
0x67: {  	_ =	shalt  }
0x68: {  	_ =	shalt  }
0x69: {  	_ =	shalt  }
0x6a: {  	_ =	shalt  }
0x6b: {  	_ =	shalt  }
0x6c: {  	_ =	shalt  }
0x6d: {  	_ =	shalt  }
0x6e: {  	_ =	shalt  }
0x6f: {  	_ =	shalt  }
0x70: {  	_ =	shalt  }
0x71: {  	_ =	shalt  }
0x72: {  	_ =	shalt  }
0x73: {  	_ =	shalt  }
0x74: {  	_ =	shalt  }
0x75: {  	_ =	shalt  }
0x76: {  	_ =	shalt  }
0x77: {  	_ =	shalt  }
0x78: {  	_ =	shalt  }
0x79: {  	_ =	shalt  }
0x7a: {  	_ =	shalt  }
0x7b: {  	_ =	shalt  }
0x7c: {  	_ =	shalt  }
0x7d: {  	_ =	shalt  }
0x7e: {  	_ =	shalt  }
0x7f: {  	_ =	shalt  }
0x80: {  	_ =	shalt  }
0x81: {  	_ =	shalt  }
0x82: {  	_ =	shalt  }
0x83: {  	_ =	shalt  }
0x84: {  	_ =	shalt  }
0x85: {  	_ =	shalt  }
0x86: {  	_ =	shalt  }
0x87: {  	_ =	shalt  }
.Lfunc_end0:
.L_simem_size_0:
called_computation.1_lowered:
.L_overlay_start_0:
0x88: {  	s2 =	sld [smem:$0x3FD9]  }
0x89: {  	s3 =	sld [smem:$0x3FFE];
	_ =	sdelay $0x1  }
0x8a: {  	s1 =	srdreg.scid  }
0x8b: {  	s0 =	sand.u32 $0x1, s1  }
0x8c: {  	s17 =	sshll.u32 s0, $0xA;
	s2 =	sadd.s32 s3, s2  }
0x8d: {  	s2 =	sadd.s32 s2, s17  }
0x8e: {  	[smem:$0x3FB4] =	sst s2  }
0x8f: {  	_ = 	snop  }
0x90: {  	(tm) =	ssettm $0x1  }
0x91: {  	s18 =	sld [smem:$0x3FFB];
	_ =	sdelay $0x3  }
0x92: {  	_ =	strace s18  }
0x93: {  	s2 =	sld [smem:$0x3FFC];
	_ =	sdelay $0x3  }
0x94: {  	_ =	strace s2  }
0x95: {  	s2 =	sld [smem:$0x3FFD];
	_ =	sdelay $0x3  }
0x96: {  	_ =	strace s2  }
0x97: {  	_ =	strace $0x8FFFFFFF  }
0x98: {  	s19 =	sld [smem:$0x3FDB];
	_ =	sdelay $0x1  }
0x99: {  	s20 =	simm.s32 $_scs_section_size  }
0x9a: {  	s4 =	simm.s32 $_size__tile_overlayer_lowered;
	s5 =	simm.s32 $_tile_overlayer_lowered  }
0x9b: {  	s6 =	simm.s32 $0x1BFF;
	s21 =	sshll.u32 s5, $0x1;
	s3 =	sadd.s32 s20, s19  }
0x9c: {  	s22 =	simm.s32 $0x0;
	s4 =	sshll.u32 s4, $0x1;
	s5 =	sadd.s32 s21, s3  }
0x9d: {  	[timem:s22], [sflag:s6] =	dma.local [hbm:s5], s4  }
0x9e: {  	_ =	swait.ge [sflag:s6], s4  }
0x9f: {  	s4 =	ssub.s32 $0x0, s4;
	[sflag:s6] =	ssyncset.done $0x0  }
0xa0: {  	[sflag:s6] =	ssyncadd.s32 s4;
	_ =	sdelay $0x1  }
0xa1: {  	s23 =	simm.s32 $0x1B8B  }
0xa2: {  	_ =	swait.ge [sflag:s23], $0x1  }
0xa3: {  	[sflag:s23] =	ssyncset.done $0x0  }
0xa4: {  	[sflag:s23] =	ssyncadd.s32 $0xFFFFFFFF  }
0xa5: {  	s4 =	sld [smem:$0x0]  }
0xa6: {  	s5 =	sand.u32 $0xFFFFFFFE, s1  }
0xa7: {  	p0 =	sne.s32 s1, s5  }
0xa8: {  	s5 =	sshll.u32 @p0 s5, $0xE  }
0xa9: {  	s5 =	sadd.s32 @p0 $0x11B8D, s5;
	s6 =	sshll.u32 @p0 s4, $0x11  }
0xaa: {  	s5 =	sor.u32 @p0 s6, s5  }
0xab: {  	[sflag:s5] =	ssyncadd.remote.s32 @p0 $0x1;
	_ =	sdelay $0x1  }
0xac: {  	s5 =	simm.s32 @p0 $0x1B8D  }
0xad: {  	_ =	swait.eq @p0 [sflag:s5], $0x1  }
0xae: {  	[sflag:s5] =	ssyncadd.s32 @p0 $0xFFFFFFFF  }
0xaf: {  	s6 =	sshll.u32 @!p0 s1, $0xE  }
0xb0: {  	s6 =	sor.u32 @!p0 $0x4000, s6;
	s5 =	simm.s32 @!p0 $0x1B8D  }
0xb1: {  	s4 =	sshll.u32 @!p0 s4, $0x11;
	s6 =	sadd.s32 @!p0 $0x11B8D, s6;
	_ =	swait.eq @!p0 [sflag:s5], $0x1  }
0xb2: {  	s4 =	sor.u32 @!p0 s4, s6;
	[sflag:s5] =	ssyncadd.s32 @!p0 $0xFFFFFFFF  }
0xb3: {  	s25 =	simm.s32 $0x1B8E;
	s24 =	sld [smem:$0x3FFE];
	[sflag:s4] =	ssyncadd.remote.s32 @!p0 $0x1  }
0xb4: {  	s26 =	simm.s32 $execute0_lowered;
	[smem:$0x3FD2] =	sst s25  }
0xb5: {  	s5 =	sshll.u32 s26, $0x1;
	_ =	strace $0x8000004C;
	[dreg:$0x1] =	wrdreg $0xFFFFFFFF  }
0xb6: {  	s28 =	simm.s32 $_size_execute0_lowered;
	s3 =	sadd.s32 s3, s5;
	[dreg:$0x0] =	wrdreg $0x0  }
0xb7: {  	s5 =	sshll.u32 s28, $0x1;
	[dreg:$0x2] =	wrdreg s3  }
0xb8: {  	[dreg:$0x3] =	wrdreg s5  }
0xb9: {  	[dreg:$0x4] =	wrdreg $0xC0  }
0xba: {  	_ =	task [dreg:s22], $0x5FFFF  }
0xbb: {  	[dreg:$0x1] =	wrdreg $0xFFFFFFFF  }
0xbc: {  	[dreg:$0x0] =	wrdreg $0x60  }
0xbd: {  	[dreg:$0x2] =	wrdreg s24  }
0xbe: {  	[dreg:$0x3] =	wrdreg $0xA  }
0xbf: {  	_ =	task.clear_ibuf [dreg:s22], $0x4FFFF;
	_ =	strace $0x9000004C  }
0xc0: {  	s29 =	simm.s32 $0xA;
	_ =	strace $0x8000004E  }
0xc1: {  	_ =	swait.ge [sflag:s29], $0x1  }
0xc2: {  	[sflag:s29] =	ssyncadd.s32 $0xFFFFFFFF  }
0xc3: {  	_ =	strace $0x9000004E  }
0xc4: {  	_ =	sfence  }
0xc5: {  	s30 =	sld [smem:$0x0];
	_ =	sdelay $0x2  }
0xc6: {  	s31 =	sshll.u32 s1, $0xD;
	s1 =	sshrl.u32 s1, $0x2  }
0xc7: {  	s4 =	sand.u32 $0x4000, s31;
	s1 =	sadd.s32 s1, s30  }
0xc8: {  	s0 =	sor.u32 s4, s0;
	s1 =	sshll.u32 s1, $0x11  }
0xc9: {  	s0 =	sor.u32 s1, s0  }
0xca: {  	s0 =	sadd.s32 $0x8F2B, s0  }
0xcb: {  	[sflag:s0] =	ssyncadd.remote.s32 $0x1  }
0xcc: {  	_ =	sfence.sel $0xFFFF  }
0xcd: {  	[dreg:$0x0] =	wrdreg $0xFFFFFFFF;
	(pc) =	sbr.abs _section_cstart, $3  }
0xce: {  	[dreg:$0x1] =	wrdreg $0xFFFFFFFF  }
0xcf: {  	_ =	task.clear_ibuf [dreg:s22], $0x2FFFF;
	_ =	strace $0x9FFFFFFF  }
0xd0: {  	(tm) =	ssettm $0x7FFFFFFF  }
0xd1: {  	_ =	shalt  }
tec
execute0_lowered:
.L_overlay_start_1:
0x0: {  	(tag) =	ssettag $0x1  }
0x1: {  	s0 =	srdreg.scid;
	s23 =	stileid.u32  }
0x2: {  	s4 =	rddreg [dreg:$0x0];
	s2 =	simm.s32 $0x0;
	s12 =	simm.s32 $0x6800  }
0x3: {  	s15 =	simm.s32 $0x1;
	s16 =	simm.s32 $0xE800;
	s17 =	simm.s32 $0x2  }
0x4: {  	s18 =	simm.s32 $0x3;
	s19 =	simm.s32 $0x5;
	s20 =	simm.s32 $0x6  }
0x5: {  	s21 =	simm.s32 $0x7;
	s6 =	sand.u32 $0x1, s0;
	s28 =	smul.u32 $0x140000, s23  }
0x6: {  	[smem:$0x7FF] =	sst s2;
	s3 =	sadd.s32 $0x174200, s4;
	s30 =	smul.u32 $0x28000, s23  }
0x7: {  	s10 =	sadd.s32 $0x6E5400, s4;
	s1 =	sshll.u32 s6, $0x4;
	s11 =	smul.u32 $0x1400000, s6  }
0x8: {  	s8 =	ssub.s32 $0x2, s6;
	s6 =	smul.u32 $0x280000, s6;
	s5 =	sor.u32 s23, s1  }
0x9: {  	s22 =	simm.s32 $0x8;
	_ =	strace $0x8000004D;
	s7 =	smul.u32 $0x2800, s5  }
0xa: {  	s24 =	sshrl.u32 s8, $0x1;
	s23 =	simm.s32 $0x0;
	s9 =	smul.u32 $0x28000, s5  }
0xb: {  	s25 =	ssub.s32 s8, s24;
	s6 =	sadd.s32 s6, s10;
	s7 =	sshrl.u32 s7, $0x3  }
0xc: {  	s5 =	smax.u32 s25, $0x1;
	s29 =	sadd.s32 s10, s9;
	s7 =	sadd.s32 s7, s4  }
0xd: {  	s9 =	sadd.s32 s30, s6;
	s8 =	sadd.s32 $0x27000, s29;
	s26 =	sadd.s32 $0x6D1400, s7  }
0xe: {  	s7 =	sadd.s32 s28, s11;
	[dreg:$0x2] =	wrdreg s8;
	s11 =	simm.s32 $0x2800  }
0xf: {  	[dreg:$0x3] =	wrdreg s26;
	s31 =	sor.u32 $0xC000, s7;
	s7 =	sshrl.u32 s7, $0x3  }
0x10: {  	s8 =	sshrl.u32 s31, $0x3;
	s6 =	sadd.s32 s7, s10;
	s7 =	sadd.s32 $0x1000, s9  }
0x11: {  	s9 =	simm.s32 $0x9;
	s8 =	sadd.s32 s8, s10;
	s10 =	simm.s32 $0x80  }
.LBB2_1:
0x12: {  	s0 =	rddreg [dreg:$0x3]  }
0x13: {  	[tilespmem:s2], [sflag:$0x9] =	stream.linear.gather [hbm4b:s0+s2], $0x2800, $0x38;
	[tilespmem:$0x12800] =	vst v63  }
0x14: {  	_ =	swait.ge [sflag:s9], $0x2800  }
0x15: {  	[sflag:s9] =	ssyncset.done $0x0  }
0x16: {  	[sflag:s9] =	ssyncadd.s32 $0xFFFFD800  }
0x17: {  	[tilespmem:s11], [sflag:$0x1] =	stream.indirect.gather [hbm4b:s3+s10], $0x80, s2, s10, $0xb8;
	[tilespmem:$0x12800] =	vst v63  }
0x18: {  	_ = 	snop  }
0x19: {  	[tilespmem:s12], [sflag:$0x2] =	stream.indirect.gather [hbm4b:s3+s10], $0x80, s10, s10, $0xb8;
	[tilespmem:$0x12800] =	vst v63  }
0x1a: {  	s26 =	simm.s32 $0x100;
	s1 =	simm.s32 $0xA800  }
0x1b: {  	[tilespmem:s1], [sflag:$0x3] =	stream.indirect.gather [hbm4b:s3+s10], $0x80, s26, s10, $0xb8;
	[tilespmem:$0x12800] =	vst v63  }
0x1c: {  	_ =	swait.ge [sflag:s15], $0x4000  }
0x1d: {  	p0 =	por $0x1, $0x1;
	[sflag:s15] =	ssyncset.done $0x0  }
0x1e: {  	s24 =	simm.s32 @!p0 $0x8;
	[sflag:s15] =	ssyncadd.s32 $0xFFFFC000  }
0x1f: {  	_ =	swait.ge @!p0 [sflag:s24], $0x4000  }
0x20: {  	[sflag:s24] =	ssyncset.done @!p0 $0x0  }
0x21: {  	s30 =	simm.s32 $0x180;
	[sflag:s24] =	ssyncadd.s32 @!p0 $0xFFFFC000  }
0x22: {  	[tilespmem:s16], [sflag:$0x4] =	stream.indirect.gather [hbm4b:s3+s10], $0x80, s30, s10, $0xb8;
	[tilespmem:$0x12800] =	vst v63  }
0x23: {  	_ = 	snop  }
0x24: {  	[hbm4b:s6+s2] =	stream.linear.scatter [tilespmem:s11], [sflag:$0x5], $0x4000, $0x38;
	[tilespmem:$0x12800] =	vst v63  }
0x25: {  	_ =	swait.ge [sflag:s17], $0x4000  }
0x26: {  	p0 =	por $0x0, $0x0;
	[sflag:s17] =	ssyncset.done $0x0  }
0x27: {  	s24 =	simm.s32 @!p0 $0x5;
	[sflag:s17] =	ssyncadd.s32 $0xFFFFC000  }
0x28: {  	_ =	swait.ge @!p0 [sflag:s24], $0x4000  }
0x29: {  	s25 =	simm.s32 @!p0 $0x200;
	[sflag:s24] =	ssyncset.done @!p0 $0x0  }
0x2a: {  	s26 =	simm.s32 @!p0 $0x2800;
	[sflag:s24] =	ssyncadd.s32 @!p0 $0xFFFFC000;
	s24 =	simm.s32 @!p0 $0x80  }
0x2b: {  	[tilespmem:s26], [sflag:$0x1] =	stream.indirect.gather @!p0 [hbm4b:s3+s24], $0x80, s25, s24, $0xb8;
	[tilespmem:$0x12800] =	vst v63  }
0x2c: {  	s31 =	sadd.s32 $0xFFFFF800, s7  }
0x2d: {  	[hbm4b:s31+s2] =	stream.linear.scatter [tilespmem:s12], [sflag:$0x6], $0x4000, $0x38;
	[tilespmem:$0x12800] =	vst v63  }
0x2e: {  	_ =	swait.ge [sflag:s18], $0x4000  }
0x2f: {  	s28 =	simm.s32 @p0 $0x0;
	s29 =	simm.s32 @p0 $0xA800;
	[sflag:s18] =	ssyncset.done $0x0  }
0x30: {  	s26 =	simm.s32 @p0 $0x4;
	s25 =	rddreg [dreg:$0x2];
	[sflag:s18] =	ssyncadd.s32 $0xFFFFC000  }
0x31: {  	[hbm4b:s25+s28] =	stream.linear.scatter @p0 [tilespmem:s29], [sflag:$0x7], $0x4000, $0x38;
	[tilespmem:$0x12800] =	vst v63  }
0x32: {  	_ =	swait.ge @p0 [sflag:s26], $0x4000  }
0x33: {  	[sflag:s26] =	ssyncset.done @p0 $0x0  }
0x34: {  	s25 =	simm.s32 @!p0 $0x6;
	[sflag:s26] =	ssyncadd.s32 @p0 $0xFFFFC000  }
0x35: {  	_ =	swait.ge @!p0 [sflag:s25], $0x4000  }
0x36: {  	[sflag:s25] =	ssyncset.done @!p0 $0x0  }
0x37: {  	s26 =	simm.s32 @!p0 $0x280;
	[sflag:s25] =	ssyncadd.s32 @!p0 $0xFFFFC000;
	s25 =	simm.s32 @!p0 $0x6800  }
0x38: {  	[tilespmem:s25], [sflag:$0x2] =	stream.indirect.gather @!p0 [hbm4b:s3+s24], $0x80, s26, s24, $0xb8;
	[tilespmem:$0x12800] =	vst v63  }
0x39: {  	s28 =	simm.s32 @!p0 $0x4;
	s25 =	simm.s32 @!p0 $0x0;
	s26 =	simm.s32 @!p0 $0xA800  }
0x3a: {  	[hbm4b:s7+s25] =	stream.linear.scatter @!p0 [tilespmem:s26], [sflag:$0x7], $0x4000, $0x38;
	[tilespmem:$0x12800] =	vst v63  }
0x3b: {  	_ =	swait.ge @!p0 [sflag:s28], $0x4000  }
0x3c: {  	[sflag:s28] =	ssyncset.done @!p0 $0x0  }
0x3d: {  	s25 =	simm.s32 @!p0 $0x7;
	[sflag:s28] =	ssyncadd.s32 @!p0 $0xFFFFC000  }
0x3e: {  	_ =	swait.ge @!p0 [sflag:s25], $0x4000  }
0x3f: {  	s29 =	smov.u32 s8;
	[sflag:s25] =	ssyncset.done @!p0 $0x0  }
0x40: {  	s28 =	simm.s32 @!p0 $0x300;
	[sflag:s25] =	ssyncadd.s32 @!p0 $0xFFFFC000;
	s25 =	sadd.s32 $0x2000, s6  }
0x41: {  	[tilespmem:s26], [sflag:$0x3] =	stream.indirect.gather @!p0 [hbm4b:s3+s24], $0x80, s28, s24, $0xb8;
	[tilespmem:$0x12800] =	vst v63  }
0x42: {  	s24 =	simm.s32 $0x800;
	s26 =	sadd.s32 $0x2000, s7;
	s28 =	sadd.s32 $0x2000, s8  }
.LBB2_2:
0x43: {  	[hbm4b:s29+s2] =	stream.linear.scatter [tilespmem:s16], [sflag:$0x8], $0x4000, $0x38;
	[tilespmem:$0x12800] =	vst v63  }
0x44: {  	s30 =	smov.u32 s24;
	_ =	swait.ge [sflag:s15], $0x4000  }
0x45: {  	p1 =	seq.s32 s30, $0x0;
	[sflag:s15] =	ssyncset.done $0x0  }
0x46: {  	s31 =	simm.s32 @!p1 $0x8;
	[sflag:s15] =	ssyncadd.s32 $0xFFFFC000  }
0x47: {  	_ =	swait.ge @!p1 [sflag:s31], $0x4000  }
0x48: {  	s1 =	sshra.s32 s30, $0x2;
	[sflag:s31] =	ssyncset.done @!p1 $0x0  }
0x49: {  	s1 =	sadd.s32 $0x180, s1;
	[sflag:s31] =	ssyncadd.s32 @!p1 $0xFFFFC000  }
0x4a: {  	[tilespmem:s16], [sflag:$0x4] =	stream.indirect.gather [hbm4b:s3+s10], $0x80, s1, s10, $0xb8;
	[tilespmem:$0x12800] =	vst v63  }
0x4b: {  	_ = 	snop  }
0x4c: {  	[hbm4b:s25+s2] =	stream.linear.scatter [tilespmem:s11], [sflag:$0x5], $0x4000, $0x38;
	[tilespmem:$0x12800] =	vst v63  }
0x4d: {  	_ =	swait.ge [sflag:s17], $0x4000  }
0x4e: {  	p1 =	seq.s32 s30, $0x9800;
	[sflag:s17] =	ssyncset.done $0x0  }
0x4f: {  	s1 =	simm.s32 @!p1 $0x5;
	[sflag:s17] =	ssyncadd.s32 $0xFFFFC000  }
0x50: {  	_ =	swait.ge @!p1 [sflag:s1], $0x4000  }
0x51: {  	s30 =	sshra.s32 @!p1 s30, $0x2;
	s13 =	simm.s32 @!p1 $0x2800;
	[sflag:s1] =	ssyncset.done @!p1 $0x0  }
0x52: {  	s31 =	sadd.s32 @!p1 $0x200, s30;
	[sflag:s1] =	ssyncadd.s32 @!p1 $0xFFFFC000;
	s1 =	simm.s32 @!p1 $0x80  }
0x53: {  	[tilespmem:s13], [sflag:$0x1] =	stream.indirect.gather @!p1 [hbm4b:s3+s1], $0x80, s31, s1, $0xb8;
	[tilespmem:$0x12800] =	vst v63  }
0x54: {  	s31 =	sadd.s32 $0xFFFFF800, s26  }
0x55: {  	[hbm4b:s31+s2] =	stream.linear.scatter [tilespmem:s12], [sflag:$0x6], $0x4000, $0x38;
	[tilespmem:$0x12800] =	vst v63  }
0x56: {  	_ =	swait.ge [sflag:s18], $0x4000  }
0x57: {  	s14 =	simm.s32 @p1 $0x0;
	s4 =	simm.s32 @p1 $0xA800;
	[sflag:s18] =	ssyncset.done $0x0  }
0x58: {  	s31 =	simm.s32 @p1 $0x4;
	s13 =	rddreg [dreg:$0x2];
	[sflag:s18] =	ssyncadd.s32 $0xFFFFC000  }
0x59: {  	[hbm4b:s13+s14] =	stream.linear.scatter @p1 [tilespmem:s4], [sflag:$0x7], $0x4000, $0x38;
	[tilespmem:$0x12800] =	vst v63  }
0x5a: {  	_ =	swait.ge @p1 [sflag:s31], $0x4000  }
0x5b: {  	[sflag:s31] =	ssyncset.done @p1 $0x0  }
0x5c: {  	s4 =	simm.s32 @!p1 $0x6;
	[sflag:s31] =	ssyncadd.s32 @p1 $0xFFFFC000  }
0x5d: {  	_ =	swait.ge @!p1 [sflag:s4], $0x4000  }
0x5e: {  	[sflag:s4] =	ssyncset.done @!p1 $0x0  }
0x5f: {  	s0 =	sadd.s32 @!p1 $0x280, s30;
	[sflag:s4] =	ssyncadd.s32 @!p1 $0xFFFFC000;
	s4 =	simm.s32 @!p1 $0x6800  }
0x60: {  	[tilespmem:s4], [sflag:$0x2] =	stream.indirect.gather @!p1 [hbm4b:s3+s1], $0x80, s0, s1, $0xb8;
	[tilespmem:$0x12800] =	vst v63  }
0x61: {  	s13 =	simm.s32 @!p1 $0x4;
	s0 =	simm.s32 @!p1 $0x0;
	s4 =	simm.s32 @!p1 $0xA800  }
0x62: {  	[hbm4b:s26+s0] =	stream.linear.scatter @!p1 [tilespmem:s4], [sflag:$0x7], $0x4000, $0x38;
	[tilespmem:$0x12800] =	vst v63  }
0x63: {  	s24 =	sadd.s32 $0x800, s24;
	_ =	swait.ge @!p1 [sflag:s13], $0x4000  }
0x64: {  	p0 =	sne.s32 s24, $0xA000;
	[sflag:s13] =	ssyncset.done @!p1 $0x0  }
.Ltmp0:
0x65: {  	s0 =	simm.s32 @!p1 $0x7;
	[sflag:s13] =	ssyncadd.s32 @!p1 $0xFFFFC000;
	(pc) =	sbr.rel @p0 .LBB2_2-.Ltmp0, $4  }
0x66: {  	s29 =	smov.u32 s28;
	_ =	swait.ge @!p1 [sflag:s0], $0x4000  }
0x67: {  	s28 =	sadd.s32 $0x2000, s28;
	s30 =	sadd.s32 @!p1 $0x300, s30;
	[sflag:s0] =	ssyncset.done @!p1 $0x0  }
0x68: {  	s25 =	sadd.s32 $0x2000, s25;
	s26 =	sadd.s32 $0x2000, s26;
	[sflag:s0] =	ssyncadd.s32 @!p1 $0xFFFFC000  }
0x69: {  	[tilespmem:s4], [sflag:$0x3] =	stream.indirect.gather @!p1 [hbm4b:s3+s1], $0x80, s30, s1, $0xb8;
	[tilespmem:$0x12800] =	vst v63  }
0x6a: {  	[hbm4b:s29+s2] =	stream.linear.scatter [tilespmem:s16], [sflag:$0x8], $0x4000, $0x38;
	[tilespmem:$0x12800] =	vst v63  }
0x6b: {  	_ =	swait.ge [sflag:s19], $0x4000  }
0x6c: {  	[sflag:s19] =	ssyncset.done $0x0  }
0x6d: {  	[sflag:s19] =	ssyncadd.s32 $0xFFFFC000  }
0x6e: {  	_ =	swait.ge [sflag:s20], $0x4000  }
0x6f: {  	[sflag:s20] =	ssyncset.done $0x0  }
0x70: {  	s23 =	sadd.s32 $0x1, s23;
	[sflag:s20] =	ssyncadd.s32 $0xFFFFC000  }
0x71: {  	p0 =	sne.s32 s23, s5;
	_ =	swait.ge [sflag:s21], $0x4000  }
.Ltmp1:
0x72: {  	[sflag:s21] =	ssyncset.done $0x0;
	(pc) =	sbr.rel @p0 .LBB2_1-.Ltmp1, $4  }
0x73: {  	[sflag:s21] =	ssyncadd.s32 $0xFFFFC000  }
0x74: {  	_ =	swait.ge [sflag:s22], $0x4000  }
0x75: {  	[sflag:s22] =	ssyncset.done $0x0  }
0x76: {  	[sflag:s22] =	ssyncadd.s32 $0xFFFFC000  }
0x77: {  	_ =	sfence.sel $0x180000  }
0x78: {  	[bflag:$0x0] =	sbarrier.arrive $0xFFFF  }
0x79: {  	_ =	strace $0x9000004D  }
0x7a: {  	s0 =	stileid.u32;
	[bflag:$0x2] =	sbarrier.arrive $0xFFFF  }
0x7b: {  	p0 =	sne.s32 s0, $0x0;
	s0 =	rddreg [dreg:$0x1]  }
0x7c: {  	s0 =	sadd.s32 @!p0 $0x100000, s0  }
0x7d: {  	[sflag:s0] =	ssyncadd.tile.s32 @!p0 $0x1;
	_ =	shalt  }
.Lfunc_end2:
_tile_overlayer_lowered:
.L_overlay_start_2:
0x7e: {  	(tag) =	ssettag $0x2  }
0x7f: {  	s0 =	rddreg [dreg:$0x0];
	s2 =	stileid.u32  }
0x80: {  	s1 =	rddreg [dreg:$0x1];
	p0 =	sne.s32 s2, $0x0  }
0x81: {  	s3 =	rddreg [dreg:$0x2];
	[bflag:$0x3] =	sbarrier.arrive $0xFFFF;
	s2 =	simm.s32 @!p0 $0x1C09  }
0x82: {  	[timem:s3], [sflag:s2] =	dma.local @!p0 [hbm:s0], s1  }
0x83: {  	s0 =	simm.s32 @!p0 $0x9  }
0x84: {  	_ =	swait.ge @!p0 [sflag:s0], s1  }
0x85: {  	s1 =	ssub.s32 @!p0 $0x0, s1;
	[sflag:s0] =	ssyncset.done @!p0 $0x0  }
0x86: {  	[sflag:s0] =	ssyncadd.s32 @!p0 s1  }
0x87: {  	[bflag:$0x3] =	sbarrier.arrive $0xFFFF  }
0x88: {  	_ =	shalt  }

// kernel: kernel.19.cloned.1.call-start
scs
__scs_entry_jumppad:
0x0: {  	(pc) =	sbr.rel $0x88, $3  }
0x1: {  	(tag) =	ssettag $0x0;
	lr =	simm.s32 $0x1  }
0x2: {  	[smem:$0x3F8D] =	sst lr;
	_ =	strace $0xD0000000  }
0x3: {  	_ = 	snop  }
0x4: {  	_ = 	snop  }
0x5: {  	_ = 	snop  }
0x6: {  	_ = 	snop  }
0x7: {  	_ = 	snop  }
__scs_overlays_trampoline_lowered:
0x8: {  	[smem:$0x3F9C] =	sst s0  }
0x9: {  	[smem:$0x3F9D] =	sst s1  }
0xa: {  	[smem:$0x3F9E] =	sst s2  }
0xb: {  	[smem:$0x3F9F] =	sst s3  }
0xc: {  	[smem:$0x3FA0] =	sst s4  }
0xd: {  	[smem:$0x3FA1] =	sst s5  }
0xe: {  	[smem:$0x3FA2] =	sst s6  }
0xf: {  	[smem:$0x3FA3] =	sst s7  }
0x10: {  	[smem:$0x3FA4] =	sst s8  }
0x11: {  	[smem:$0x3FA5] =	sst s9;
	s0 =	simm.s32 @!p0 $0x0  }
0x12: {  	s1 =	sld [smem:$0x3F8B];
	s0 =	simm.s32 @p0 $0x1  }
0x13: {  	[smem:$0x3FA6] =	sst s0;
	s0 =	simm.s32 @!p1 $0x0  }
0x14: {  	s2 =	sld [smem:$0x3F8A];
	s0 =	simm.s32 @p1 $0x1  }
0x15: {  	[smem:$0x3FA7] =	sst s0;
	s0 =	simm.s32 @!p2 $0x0  }
0x16: {  	s3 =	sld [smem:$0x3FDB];
	s0 =	simm.s32 @p2 $0x1  }
0x17: {  	s4 =	simm.s32 $0x1BF5;
	[smem:$0x3FA9] =	sst s0  }
0x18: {  	s0 =	sld [smem:$0x3F8C];
	_ =	swait.ge [sflag:s4], $0x0  }
0x19: {  	s7 =	sld [smem:$0x3F8D]  }
0x1a: {  	s8 =	sadd.s32 $0xFFFFE003, lr  }
0x1b: {  	s9 =	sadd.s32 $0xFFFFFEF7, lr;
	s5 =	simm.s32 $0xFFFFFFFF;
	p2 =	slt.u32 s8, $0xFFFFF086  }
0x1c: {  	p1 =	slt.u32 s9, $0xF7A;
	s5 =	simm.s32 @!p2 $0x0  }
0x1d: {  	s5 =	simm.s32 @p1 $0x1;
	p0 =	seq.s32 s7, s2  }
0x1e: {  	s7 =	smul.u32 @!p0 $0xF7A, s2;
	p2 =	seq.s32 @!p0 s5, $0x0  }
0x1f: {  	s9 =	smul.u32 $0xF7A, s1;
	s8 =	simm.s32 @!p0 $0x1BF5;
	p2 =	por !p2, p0  }
0x20: {  	[sflag:s8] =	ssyncset.s32 @!p0 $0xFFFFF086;
	s6 =	sadd.s32 @!p0 s3, s7;
	s7 =	simm.s32 @!p0 $0x108  }
0x21: {  	s3 =	sadd.s32 s3, s9;
	s6 =	sadd.s32 @!p0 $0x88, s6;
	s7 =	simm.s32 @p2 $0x1082  }
0x22: {  	[simem:s7], [sflag:s8] =	dma.local @!p0 [hbm:s6], $0xF7A  }
0x23: {  	s9 =	sor.u32 $0xD0000000, s2;
	s6 =	simm.s32 $0x108;
	_ =	swait.ge @!p0 [sflag:s8], $0x0  }
0x24: {  	s3 =	sadd.s32 $0x88, s3;
	s6 =	simm.s32 @!p1 $0x1082;
	[sflag:s4] =	ssyncset.s32 $0xFFFFF086  }
0x25: {  	[simem:s6], [sflag:s4] =	dma.local [hbm:s3], $0xF7A  }
0x26: {  	[smem:$0x3F8D] =	sst s1;
	(tag) =	ssettag s2;
	_ =	strace s9  }
0x27: {  	s1 =	sld [smem:$0x3F9D]  }
0x28: {  	s2 =	sld [smem:$0x3F9E]  }
0x29: {  	s4 =	sld [smem:$0x3FA0]  }
0x2a: {  	p0 =	seq.s32 s5, $0x0;
	s5 =	sld [smem:$0x3FA1]  }
0x2b: {  	s6 =	sld [smem:$0x3FA2]  }
0x2c: {  	s7 =	sld [smem:$0x3FA3]  }
0x2d: {  	s3 =	simm.s32 $0x108;
	s8 =	sld [smem:$0x3FA4]  }
0x2e: {  	s3 =	simm.s32 @!p0 $0x1082;
	s9 =	sld [smem:$0x3FA5]  }
0x2f: {  	lr =	sadd.s32 s0, s3;
	s0 =	sld [smem:$0x3F9C]  }
0x30: {  	s3 =	sld [smem:$0x3F9F]  }
0x31: {  	[smem:$0x3FA8] =	sst s10  }
0x32: {  	s10 =	sld [smem:$0x3FA6];
	_ =	sdelay $0x3  }
0x33: {  	p0 =	seq.s32 s10, $0x1;
	s10 =	sld [smem:$0x3FA8];
	_ =	sdelay $0x3  }
0x34: {  	[smem:$0x3FA8] =	sst s10  }
0x35: {  	s10 =	sld [smem:$0x3FA7];
	_ =	sdelay $0x3  }
0x36: {  	p1 =	seq.s32 s10, $0x1;
	s10 =	sld [smem:$0x3FA8];
	_ =	sdelay $0x3  }
0x37: {  	[smem:$0x3FA8] =	sst s10  }
0x38: {  	s10 =	sld [smem:$0x3FA9]  }
0x39: {  	_ = 	snop;
	(pc) =	sbr.ind lr, $3  }
0x3a: {  	_ = 	snop  }
0x3b: {  	_ = 	snop  }
0x3c: {  	p2 =	seq.s32 s10, $0x1;
	s10 =	sld [smem:$0x3FA8]  }
0x3d: {  	_ =	shalt  }
0x3e: {  	_ =	shalt  }
0x3f: {  	_ =	shalt  }
0x40: {  	_ =	shalt  }
0x41: {  	_ =	shalt  }
0x42: {  	_ =	shalt  }
0x43: {  	_ =	shalt  }
0x44: {  	_ =	shalt  }
0x45: {  	_ =	shalt  }
0x46: {  	_ =	shalt  }
0x47: {  	_ =	shalt  }
0x48: {  	_ =	shalt  }
0x49: {  	_ =	shalt  }
0x4a: {  	_ =	shalt  }
0x4b: {  	_ =	shalt  }
0x4c: {  	_ =	shalt  }
0x4d: {  	_ =	shalt  }
0x4e: {  	_ =	shalt  }
0x4f: {  	_ =	shalt  }
0x50: {  	_ =	shalt  }
0x51: {  	_ =	shalt  }
0x52: {  	_ =	shalt  }
0x53: {  	_ =	shalt  }
0x54: {  	_ =	shalt  }
0x55: {  	_ =	shalt  }
0x56: {  	_ =	shalt  }
0x57: {  	_ =	shalt  }
0x58: {  	_ =	shalt  }
0x59: {  	_ =	shalt  }
0x5a: {  	_ =	shalt  }
0x5b: {  	_ =	shalt  }
0x5c: {  	_ =	shalt  }
0x5d: {  	_ =	shalt  }
0x5e: {  	_ =	shalt  }
0x5f: {  	_ =	shalt  }
0x60: {  	_ =	shalt  }
0x61: {  	_ =	shalt  }
0x62: {  	_ =	shalt  }
0x63: {  	_ =	shalt  }
0x64: {  	_ =	shalt  }
0x65: {  	_ =	shalt  }
0x66: {  	_ =	shalt  }
0x67: {  	_ =	shalt  }
0x68: {  	_ =	shalt  }
0x69: {  	_ =	shalt  }
0x6a: {  	_ =	shalt  }
0x6b: {  	_ =	shalt  }
0x6c: {  	_ =	shalt  }
0x6d: {  	_ =	shalt  }
0x6e: {  	_ =	shalt  }
0x6f: {  	_ =	shalt  }
0x70: {  	_ =	shalt  }
0x71: {  	_ =	shalt  }
0x72: {  	_ =	shalt  }
0x73: {  	_ =	shalt  }
0x74: {  	_ =	shalt  }
0x75: {  	_ =	shalt  }
0x76: {  	_ =	shalt  }
0x77: {  	_ =	shalt  }
0x78: {  	_ =	shalt  }
0x79: {  	_ =	shalt  }
0x7a: {  	_ =	shalt  }
0x7b: {  	_ =	shalt  }
0x7c: {  	_ =	shalt  }
0x7d: {  	_ =	shalt  }
0x7e: {  	_ =	shalt  }
0x7f: {  	_ =	shalt  }
0x80: {  	_ =	shalt  }
0x81: {  	_ =	shalt  }
0x82: {  	_ =	shalt  }
0x83: {  	_ =	shalt  }
0x84: {  	_ =	shalt  }
0x85: {  	_ =	shalt  }
0x86: {  	_ =	shalt  }
0x87: {  	_ =	shalt  }
.Lfunc_end0:
.L_simem_size_0:
called_computation.2_lowered:
.L_overlay_start_0:
0x88: {  	s2 =	sld [smem:$0x3FD9]  }
0x89: {  	s3 =	sld [smem:$0x3FFE];
	_ =	sdelay $0x1  }
0x8a: {  	s1 =	srdreg.scid  }
0x8b: {  	s0 =	sand.u32 $0x1, s1  }
0x8c: {  	s17 =	sshll.u32 s0, $0xA;
	s2 =	sadd.s32 s3, s2  }
0x8d: {  	s2 =	sadd.s32 s2, s17  }
0x8e: {  	[smem:$0x3FB4] =	sst s2  }
0x8f: {  	_ = 	snop  }
0x90: {  	(tm) =	ssettm $0x1  }
0x91: {  	s18 =	sld [smem:$0x3FFB];
	_ =	sdelay $0x3  }
0x92: {  	_ =	strace s18  }
0x93: {  	s2 =	sld [smem:$0x3FFC];
	_ =	sdelay $0x3  }
0x94: {  	_ =	strace s2  }
0x95: {  	s2 =	sld [smem:$0x3FFD];
	_ =	sdelay $0x3  }
0x96: {  	_ =	strace s2  }
0x97: {  	_ =	strace $0x8FFFFFFF  }
0x98: {  	s19 =	sld [smem:$0x3FDB];
	_ =	sdelay $0x1  }
0x99: {  	s20 =	simm.s32 $_scs_section_size  }
0x9a: {  	s4 =	simm.s32 $_size__tile_overlayer_lowered;
	s5 =	simm.s32 $_tile_overlayer_lowered  }
0x9b: {  	s6 =	simm.s32 $0x1BFF;
	s21 =	sshll.u32 s5, $0x1;
	s3 =	sadd.s32 s20, s19  }
0x9c: {  	s22 =	simm.s32 $0x0;
	s4 =	sshll.u32 s4, $0x1;
	s5 =	sadd.s32 s21, s3  }
0x9d: {  	[timem:s22], [sflag:s6] =	dma.local [hbm:s5], s4  }
0x9e: {  	_ =	swait.ge [sflag:s6], s4  }
0x9f: {  	s4 =	ssub.s32 $0x0, s4;
	[sflag:s6] =	ssyncset.done $0x0  }
0xa0: {  	[sflag:s6] =	ssyncadd.s32 s4;
	_ =	sdelay $0x1  }
0xa1: {  	s23 =	simm.s32 $0x1B8B  }
0xa2: {  	_ =	swait.ge [sflag:s23], $0x1  }
0xa3: {  	[sflag:s23] =	ssyncset.done $0x0  }
0xa4: {  	[sflag:s23] =	ssyncadd.s32 $0xFFFFFFFF  }
0xa5: {  	s4 =	sld [smem:$0x0]  }
0xa6: {  	s5 =	sand.u32 $0xFFFFFFFE, s1  }
0xa7: {  	p0 =	sne.s32 s1, s5  }
0xa8: {  	s5 =	sshll.u32 @p0 s5, $0xE  }
0xa9: {  	s5 =	sadd.s32 @p0 $0x11B8D, s5;
	s6 =	sshll.u32 @p0 s4, $0x11  }
0xaa: {  	s5 =	sor.u32 @p0 s6, s5  }
0xab: {  	[sflag:s5] =	ssyncadd.remote.s32 @p0 $0x1;
	_ =	sdelay $0x1  }
0xac: {  	s5 =	simm.s32 @p0 $0x1B8D  }
0xad: {  	_ =	swait.eq @p0 [sflag:s5], $0x1  }
0xae: {  	[sflag:s5] =	ssyncadd.s32 @p0 $0xFFFFFFFF  }
0xaf: {  	s6 =	sshll.u32 @!p0 s1, $0xE  }
0xb0: {  	s6 =	sor.u32 @!p0 $0x4000, s6;
	s5 =	simm.s32 @!p0 $0x1B8D  }
0xb1: {  	s4 =	sshll.u32 @!p0 s4, $0x11;
	s6 =	sadd.s32 @!p0 $0x11B8D, s6;
	_ =	swait.eq @!p0 [sflag:s5], $0x1  }
0xb2: {  	s4 =	sor.u32 @!p0 s4, s6;
	[sflag:s5] =	ssyncadd.s32 @!p0 $0xFFFFFFFF  }
0xb3: {  	s25 =	simm.s32 $0x1B8E;
	s24 =	sld [smem:$0x3FFE];
	[sflag:s4] =	ssyncadd.remote.s32 @!p0 $0x1  }
0xb4: {  	s26 =	simm.s32 $execute0_lowered;
	[smem:$0x3FD2] =	sst s25  }
0xb5: {  	s5 =	sshll.u32 s26, $0x1;
	_ =	strace $0x80000049;
	[dreg:$0x1] =	wrdreg $0xFFFFFFFF  }
0xb6: {  	s28 =	simm.s32 $_size_execute0_lowered;
	s3 =	sadd.s32 s3, s5;
	[dreg:$0x0] =	wrdreg $0x0  }
0xb7: {  	s5 =	sshll.u32 s28, $0x1;
	[dreg:$0x2] =	wrdreg s3  }
0xb8: {  	[dreg:$0x3] =	wrdreg s5  }
0xb9: {  	[dreg:$0x4] =	wrdreg $0xC0  }
0xba: {  	_ =	task [dreg:s22], $0x5FFFF  }
0xbb: {  	[dreg:$0x1] =	wrdreg $0xFFFFFFFF  }
0xbc: {  	[dreg:$0x0] =	wrdreg $0x60  }
0xbd: {  	[dreg:$0x2] =	wrdreg s24  }
0xbe: {  	[dreg:$0x3] =	wrdreg $0xB  }
0xbf: {  	_ =	task.clear_ibuf [dreg:s22], $0x4FFFF;
	_ =	strace $0x90000049  }
0xc0: {  	s29 =	simm.s32 $0xB;
	_ =	strace $0x8000004B  }
0xc1: {  	_ =	swait.ge [sflag:s29], $0x1  }
0xc2: {  	[sflag:s29] =	ssyncadd.s32 $0xFFFFFFFF  }
0xc3: {  	_ =	strace $0x9000004B  }
0xc4: {  	_ =	sfence  }
0xc5: {  	s30 =	sld [smem:$0x0];
	_ =	sdelay $0x2  }
0xc6: {  	s31 =	sshll.u32 s1, $0xD;
	s1 =	sshrl.u32 s1, $0x2  }
0xc7: {  	s4 =	sand.u32 $0x4000, s31;
	s1 =	sadd.s32 s1, s30  }
0xc8: {  	s0 =	sor.u32 s4, s0;
	s1 =	sshll.u32 s1, $0x11  }
0xc9: {  	s0 =	sor.u32 s1, s0  }
0xca: {  	s0 =	sadd.s32 $0x8F2B, s0  }
0xcb: {  	[sflag:s0] =	ssyncadd.remote.s32 $0x1  }
0xcc: {  	_ =	sfence.sel $0xFFFF  }
0xcd: {  	[dreg:$0x0] =	wrdreg $0xFFFFFFFF;
	(pc) =	sbr.abs _section_cstart, $3  }
0xce: {  	[dreg:$0x1] =	wrdreg $0xFFFFFFFF  }
0xcf: {  	_ =	task.clear_ibuf [dreg:s22], $0x2FFFF;
	_ =	strace $0x9FFFFFFF  }
0xd0: {  	(tm) =	ssettm $0x7FFFFFFF  }
0xd1: {  	_ =	shalt  }
tec
execute0_lowered:
.L_overlay_start_1:
0x0: {  	(tag) =	ssettag $0x1  }
0x1: {  	s0 =	srdreg.scid;
	s23 =	stileid.u32  }
0x2: {  	s4 =	rddreg [dreg:$0x0];
	s2 =	simm.s32 $0x0;
	s12 =	simm.s32 $0x6800  }
0x3: {  	s15 =	simm.s32 $0x1;
	s16 =	simm.s32 $0xE800;
	s17 =	simm.s32 $0x2  }
0x4: {  	s18 =	simm.s32 $0x3;
	s19 =	simm.s32 $0x5;
	s20 =	simm.s32 $0x6  }
0x5: {  	s21 =	simm.s32 $0x7;
	s6 =	sand.u32 $0x1, s0;
	s28 =	smul.u32 $0x140000, s23  }
0x6: {  	[smem:$0x7FF] =	sst s2;
	s3 =	sadd.s32 $0x174200, s4;
	s30 =	smul.u32 $0x28000, s23  }
0x7: {  	s10 =	sadd.s32 $0x1CC400, s4;
	s1 =	sshll.u32 s6, $0x4;
	s11 =	smul.u32 $0x1400000, s6  }
0x8: {  	s8 =	ssub.s32 $0x2, s6;
	s6 =	smul.u32 $0x280000, s6;
	s5 =	sor.u32 s23, s1  }
0x9: {  	s22 =	simm.s32 $0x8;
	_ =	strace $0x8000004A;
	s7 =	smul.u32 $0x2800, s5  }
0xa: {  	s24 =	sshrl.u32 s8, $0x1;
	s23 =	simm.s32 $0x0;
	s9 =	smul.u32 $0x28000, s5  }
0xb: {  	s25 =	ssub.s32 s8, s24;
	s6 =	sadd.s32 s6, s10;
	s7 =	sshrl.u32 s7, $0x3  }
0xc: {  	s5 =	smax.u32 s25, $0x1;
	s29 =	sadd.s32 s10, s9;
	s7 =	sadd.s32 s7, s4  }
0xd: {  	s9 =	sadd.s32 s30, s6;
	s8 =	sadd.s32 $0x27000, s29;
	s26 =	sadd.s32 $0x1C2400, s7  }
0xe: {  	s7 =	sadd.s32 s28, s11;
	[dreg:$0x2] =	wrdreg s8;
	s11 =	simm.s32 $0x2800  }
0xf: {  	[dreg:$0x3] =	wrdreg s26;
	s31 =	sor.u32 $0xC000, s7;
	s7 =	sshrl.u32 s7, $0x3  }
0x10: {  	s8 =	sshrl.u32 s31, $0x3;
	s6 =	sadd.s32 s7, s10;
	s7 =	sadd.s32 $0x1000, s9  }
0x11: {  	s9 =	simm.s32 $0x9;
	s8 =	sadd.s32 s8, s10;
	s10 =	simm.s32 $0x80  }
.LBB2_1:
0x12: {  	s0 =	rddreg [dreg:$0x3]  }
0x13: {  	[tilespmem:s2], [sflag:$0x9] =	stream.linear.gather [hbm4b:s0+s2], $0x2800, $0x38;
	[tilespmem:$0x12800] =	vst v63  }
0x14: {  	_ =	swait.ge [sflag:s9], $0x2800  }
0x15: {  	[sflag:s9] =	ssyncset.done $0x0  }
0x16: {  	[sflag:s9] =	ssyncadd.s32 $0xFFFFD800  }
0x17: {  	[tilespmem:s11], [sflag:$0x1] =	stream.indirect.gather [hbm4b:s3+s10], $0x80, s2, s10, $0xb8;
	[tilespmem:$0x12800] =	vst v63  }
0x18: {  	_ = 	snop  }
0x19: {  	[tilespmem:s12], [sflag:$0x2] =	stream.indirect.gather [hbm4b:s3+s10], $0x80, s10, s10, $0xb8;
	[tilespmem:$0x12800] =	vst v63  }
0x1a: {  	s26 =	simm.s32 $0x100;
	s1 =	simm.s32 $0xA800  }
0x1b: {  	[tilespmem:s1], [sflag:$0x3] =	stream.indirect.gather [hbm4b:s3+s10], $0x80, s26, s10, $0xb8;
	[tilespmem:$0x12800] =	vst v63  }
0x1c: {  	_ =	swait.ge [sflag:s15], $0x4000  }
0x1d: {  	p0 =	por $0x1, $0x1;
	[sflag:s15] =	ssyncset.done $0x0  }
0x1e: {  	s24 =	simm.s32 @!p0 $0x8;
	[sflag:s15] =	ssyncadd.s32 $0xFFFFC000  }
0x1f: {  	_ =	swait.ge @!p0 [sflag:s24], $0x4000  }
0x20: {  	[sflag:s24] =	ssyncset.done @!p0 $0x0  }
0x21: {  	s30 =	simm.s32 $0x180;
	[sflag:s24] =	ssyncadd.s32 @!p0 $0xFFFFC000  }
0x22: {  	[tilespmem:s16], [sflag:$0x4] =	stream.indirect.gather [hbm4b:s3+s10], $0x80, s30, s10, $0xb8;
	[tilespmem:$0x12800] =	vst v63  }
0x23: {  	_ = 	snop  }
0x24: {  	[hbm4b:s6+s2] =	stream.linear.scatter [tilespmem:s11], [sflag:$0x5], $0x4000, $0x38;
	[tilespmem:$0x12800] =	vst v63  }
0x25: {  	_ =	swait.ge [sflag:s17], $0x4000  }
0x26: {  	p0 =	por $0x0, $0x0;
	[sflag:s17] =	ssyncset.done $0x0  }
0x27: {  	s24 =	simm.s32 @!p0 $0x5;
	[sflag:s17] =	ssyncadd.s32 $0xFFFFC000  }
0x28: {  	_ =	swait.ge @!p0 [sflag:s24], $0x4000  }
0x29: {  	s25 =	simm.s32 @!p0 $0x200;
	[sflag:s24] =	ssyncset.done @!p0 $0x0  }
0x2a: {  	s26 =	simm.s32 @!p0 $0x2800;
	[sflag:s24] =	ssyncadd.s32 @!p0 $0xFFFFC000;
	s24 =	simm.s32 @!p0 $0x80  }
0x2b: {  	[tilespmem:s26], [sflag:$0x1] =	stream.indirect.gather @!p0 [hbm4b:s3+s24], $0x80, s25, s24, $0xb8;
	[tilespmem:$0x12800] =	vst v63  }
0x2c: {  	s31 =	sadd.s32 $0xFFFFF800, s7  }
0x2d: {  	[hbm4b:s31+s2] =	stream.linear.scatter [tilespmem:s12], [sflag:$0x6], $0x4000, $0x38;
	[tilespmem:$0x12800] =	vst v63  }
0x2e: {  	_ =	swait.ge [sflag:s18], $0x4000  }
0x2f: {  	s28 =	simm.s32 @p0 $0x0;
	s29 =	simm.s32 @p0 $0xA800;
	[sflag:s18] =	ssyncset.done $0x0  }
0x30: {  	s26 =	simm.s32 @p0 $0x4;
	s25 =	rddreg [dreg:$0x2];
	[sflag:s18] =	ssyncadd.s32 $0xFFFFC000  }
0x31: {  	[hbm4b:s25+s28] =	stream.linear.scatter @p0 [tilespmem:s29], [sflag:$0x7], $0x4000, $0x38;
	[tilespmem:$0x12800] =	vst v63  }
0x32: {  	_ =	swait.ge @p0 [sflag:s26], $0x4000  }
0x33: {  	[sflag:s26] =	ssyncset.done @p0 $0x0  }
0x34: {  	s25 =	simm.s32 @!p0 $0x6;
	[sflag:s26] =	ssyncadd.s32 @p0 $0xFFFFC000  }
0x35: {  	_ =	swait.ge @!p0 [sflag:s25], $0x4000  }
0x36: {  	[sflag:s25] =	ssyncset.done @!p0 $0x0  }
0x37: {  	s26 =	simm.s32 @!p0 $0x280;
	[sflag:s25] =	ssyncadd.s32 @!p0 $0xFFFFC000;
	s25 =	simm.s32 @!p0 $0x6800  }
0x38: {  	[tilespmem:s25], [sflag:$0x2] =	stream.indirect.gather @!p0 [hbm4b:s3+s24], $0x80, s26, s24, $0xb8;
	[tilespmem:$0x12800] =	vst v63  }
0x39: {  	s28 =	simm.s32 @!p0 $0x4;
	s25 =	simm.s32 @!p0 $0x0;
	s26 =	simm.s32 @!p0 $0xA800  }
0x3a: {  	[hbm4b:s7+s25] =	stream.linear.scatter @!p0 [tilespmem:s26], [sflag:$0x7], $0x4000, $0x38;
	[tilespmem:$0x12800] =	vst v63  }
0x3b: {  	_ =	swait.ge @!p0 [sflag:s28], $0x4000  }
0x3c: {  	[sflag:s28] =	ssyncset.done @!p0 $0x0  }
0x3d: {  	s25 =	simm.s32 @!p0 $0x7;
	[sflag:s28] =	ssyncadd.s32 @!p0 $0xFFFFC000  }
0x3e: {  	_ =	swait.ge @!p0 [sflag:s25], $0x4000  }
0x3f: {  	s29 =	smov.u32 s8;
	[sflag:s25] =	ssyncset.done @!p0 $0x0  }
0x40: {  	s28 =	simm.s32 @!p0 $0x300;
	[sflag:s25] =	ssyncadd.s32 @!p0 $0xFFFFC000;
	s25 =	sadd.s32 $0x2000, s6  }
0x41: {  	[tilespmem:s26], [sflag:$0x3] =	stream.indirect.gather @!p0 [hbm4b:s3+s24], $0x80, s28, s24, $0xb8;
	[tilespmem:$0x12800] =	vst v63  }
0x42: {  	s24 =	simm.s32 $0x800;
	s26 =	sadd.s32 $0x2000, s7;
	s28 =	sadd.s32 $0x2000, s8  }
.LBB2_2:
0x43: {  	[hbm4b:s29+s2] =	stream.linear.scatter [tilespmem:s16], [sflag:$0x8], $0x4000, $0x38;
	[tilespmem:$0x12800] =	vst v63  }
0x44: {  	s30 =	smov.u32 s24;
	_ =	swait.ge [sflag:s15], $0x4000  }
0x45: {  	p1 =	seq.s32 s30, $0x0;
	[sflag:s15] =	ssyncset.done $0x0  }
0x46: {  	s31 =	simm.s32 @!p1 $0x8;
	[sflag:s15] =	ssyncadd.s32 $0xFFFFC000  }
0x47: {  	_ =	swait.ge @!p1 [sflag:s31], $0x4000  }
0x48: {  	s1 =	sshra.s32 s30, $0x2;
	[sflag:s31] =	ssyncset.done @!p1 $0x0  }
0x49: {  	s1 =	sadd.s32 $0x180, s1;
	[sflag:s31] =	ssyncadd.s32 @!p1 $0xFFFFC000  }
0x4a: {  	[tilespmem:s16], [sflag:$0x4] =	stream.indirect.gather [hbm4b:s3+s10], $0x80, s1, s10, $0xb8;
	[tilespmem:$0x12800] =	vst v63  }
0x4b: {  	_ = 	snop  }
0x4c: {  	[hbm4b:s25+s2] =	stream.linear.scatter [tilespmem:s11], [sflag:$0x5], $0x4000, $0x38;
	[tilespmem:$0x12800] =	vst v63  }
0x4d: {  	_ =	swait.ge [sflag:s17], $0x4000  }
0x4e: {  	p1 =	seq.s32 s30, $0x9800;
	[sflag:s17] =	ssyncset.done $0x0  }
0x4f: {  	s1 =	simm.s32 @!p1 $0x5;
	[sflag:s17] =	ssyncadd.s32 $0xFFFFC000  }
0x50: {  	_ =	swait.ge @!p1 [sflag:s1], $0x4000  }
0x51: {  	s30 =	sshra.s32 @!p1 s30, $0x2;
	s13 =	simm.s32 @!p1 $0x2800;
	[sflag:s1] =	ssyncset.done @!p1 $0x0  }
0x52: {  	s31 =	sadd.s32 @!p1 $0x200, s30;
	[sflag:s1] =	ssyncadd.s32 @!p1 $0xFFFFC000;
	s1 =	simm.s32 @!p1 $0x80  }
0x53: {  	[tilespmem:s13], [sflag:$0x1] =	stream.indirect.gather @!p1 [hbm4b:s3+s1], $0x80, s31, s1, $0xb8;
	[tilespmem:$0x12800] =	vst v63  }
0x54: {  	s31 =	sadd.s32 $0xFFFFF800, s26  }
0x55: {  	[hbm4b:s31+s2] =	stream.linear.scatter [tilespmem:s12], [sflag:$0x6], $0x4000, $0x38;
	[tilespmem:$0x12800] =	vst v63  }
0x56: {  	_ =	swait.ge [sflag:s18], $0x4000  }
0x57: {  	s14 =	simm.s32 @p1 $0x0;
	s4 =	simm.s32 @p1 $0xA800;
	[sflag:s18] =	ssyncset.done $0x0  }
0x58: {  	s31 =	simm.s32 @p1 $0x4;
	s13 =	rddreg [dreg:$0x2];
	[sflag:s18] =	ssyncadd.s32 $0xFFFFC000  }
0x59: {  	[hbm4b:s13+s14] =	stream.linear.scatter @p1 [tilespmem:s4], [sflag:$0x7], $0x4000, $0x38;
	[tilespmem:$0x12800] =	vst v63  }
0x5a: {  	_ =	swait.ge @p1 [sflag:s31], $0x4000  }
0x5b: {  	[sflag:s31] =	ssyncset.done @p1 $0x0  }
0x5c: {  	s4 =	simm.s32 @!p1 $0x6;
	[sflag:s31] =	ssyncadd.s32 @p1 $0xFFFFC000  }
0x5d: {  	_ =	swait.ge @!p1 [sflag:s4], $0x4000  }
0x5e: {  	[sflag:s4] =	ssyncset.done @!p1 $0x0  }
0x5f: {  	s0 =	sadd.s32 @!p1 $0x280, s30;
	[sflag:s4] =	ssyncadd.s32 @!p1 $0xFFFFC000;
	s4 =	simm.s32 @!p1 $0x6800  }
0x60: {  	[tilespmem:s4], [sflag:$0x2] =	stream.indirect.gather @!p1 [hbm4b:s3+s1], $0x80, s0, s1, $0xb8;
	[tilespmem:$0x12800] =	vst v63  }
0x61: {  	s13 =	simm.s32 @!p1 $0x4;
	s0 =	simm.s32 @!p1 $0x0;
	s4 =	simm.s32 @!p1 $0xA800  }
0x62: {  	[hbm4b:s26+s0] =	stream.linear.scatter @!p1 [tilespmem:s4], [sflag:$0x7], $0x4000, $0x38;
	[tilespmem:$0x12800] =	vst v63  }
0x63: {  	s24 =	sadd.s32 $0x800, s24;
	_ =	swait.ge @!p1 [sflag:s13], $0x4000  }
0x64: {  	p0 =	sne.s32 s24, $0xA000;
	[sflag:s13] =	ssyncset.done @!p1 $0x0  }
.Ltmp0:
0x65: {  	s0 =	simm.s32 @!p1 $0x7;
	[sflag:s13] =	ssyncadd.s32 @!p1 $0xFFFFC000;
	(pc) =	sbr.rel @p0 .LBB2_2-.Ltmp0, $4  }
0x66: {  	s29 =	smov.u32 s28;
	_ =	swait.ge @!p1 [sflag:s0], $0x4000  }
0x67: {  	s28 =	sadd.s32 $0x2000, s28;
	s30 =	sadd.s32 @!p1 $0x300, s30;
	[sflag:s0] =	ssyncset.done @!p1 $0x0  }
0x68: {  	s25 =	sadd.s32 $0x2000, s25;
	s26 =	sadd.s32 $0x2000, s26;
	[sflag:s0] =	ssyncadd.s32 @!p1 $0xFFFFC000  }
0x69: {  	[tilespmem:s4], [sflag:$0x3] =	stream.indirect.gather @!p1 [hbm4b:s3+s1], $0x80, s30, s1, $0xb8;
	[tilespmem:$0x12800] =	vst v63  }
0x6a: {  	[hbm4b:s29+s2] =	stream.linear.scatter [tilespmem:s16], [sflag:$0x8], $0x4000, $0x38;
	[tilespmem:$0x12800] =	vst v63  }
0x6b: {  	_ =	swait.ge [sflag:s19], $0x4000  }
0x6c: {  	[sflag:s19] =	ssyncset.done $0x0  }
0x6d: {  	[sflag:s19] =	ssyncadd.s32 $0xFFFFC000  }
0x6e: {  	_ =	swait.ge [sflag:s20], $0x4000  }
0x6f: {  	[sflag:s20] =	ssyncset.done $0x0  }
0x70: {  	s23 =	sadd.s32 $0x1, s23;
	[sflag:s20] =	ssyncadd.s32 $0xFFFFC000  }
0x71: {  	p0 =	sne.s32 s23, s5;
	_ =	swait.ge [sflag:s21], $0x4000  }
.Ltmp1:
0x72: {  	[sflag:s21] =	ssyncset.done $0x0;
	(pc) =	sbr.rel @p0 .LBB2_1-.Ltmp1, $4  }
0x73: {  	[sflag:s21] =	ssyncadd.s32 $0xFFFFC000  }
0x74: {  	_ =	swait.ge [sflag:s22], $0x4000  }
0x75: {  	[sflag:s22] =	ssyncset.done $0x0  }
0x76: {  	[sflag:s22] =	ssyncadd.s32 $0xFFFFC000  }
0x77: {  	_ =	sfence.sel $0x180000  }
0x78: {  	[bflag:$0x0] =	sbarrier.arrive $0xFFFF  }
0x79: {  	_ =	strace $0x9000004A  }
0x7a: {  	s0 =	stileid.u32;
	[bflag:$0x2] =	sbarrier.arrive $0xFFFF  }
0x7b: {  	p0 =	sne.s32 s0, $0x0;
	s0 =	rddreg [dreg:$0x1]  }
0x7c: {  	s0 =	sadd.s32 @!p0 $0x100000, s0  }
0x7d: {  	[sflag:s0] =	ssyncadd.tile.s32 @!p0 $0x1;
	_ =	shalt  }
.Lfunc_end2:
_tile_overlayer_lowered:
.L_overlay_start_2:
0x7e: {  	(tag) =	ssettag $0x2  }
0x7f: {  	s0 =	rddreg [dreg:$0x0];
	s2 =	stileid.u32  }
0x80: {  	s1 =	rddreg [dreg:$0x1];
	p0 =	sne.s32 s2, $0x0  }
0x81: {  	s3 =	rddreg [dreg:$0x2];
	[bflag:$0x3] =	sbarrier.arrive $0xFFFF;
	s2 =	simm.s32 @!p0 $0x1C09  }
0x82: {  	[timem:s3], [sflag:s2] =	dma.local @!p0 [hbm:s0], s1  }
0x83: {  	s0 =	simm.s32 @!p0 $0x9  }
0x84: {  	_ =	swait.ge @!p0 [sflag:s0], s1  }
0x85: {  	s1 =	ssub.s32 @!p0 $0x0, s1;
	[sflag:s0] =	ssyncset.done @!p0 $0x0  }
0x86: {  	[sflag:s0] =	ssyncadd.s32 @!p0 s1  }
0x87: {  	[bflag:$0x3] =	sbarrier.arrive $0xFFFF  }
0x88: {  	_ =	shalt  }

// kernel: kernel.22.cloned.1.call-start
scs
__scs_entry_jumppad:
0x0: {  	(pc) =	sbr.rel $0x88, $3  }
0x1: {  	(tag) =	ssettag $0x0;
	lr =	simm.s32 $0x1  }
0x2: {  	[smem:$0x3F8D] =	sst lr;
	_ =	strace $0xD0000000  }
0x3: {  	_ = 	snop  }
0x4: {  	_ = 	snop  }
0x5: {  	_ = 	snop  }
0x6: {  	_ = 	snop  }
0x7: {  	_ = 	snop  }
__scs_overlays_trampoline_lowered:
0x8: {  	[smem:$0x3F9C] =	sst s0  }
0x9: {  	[smem:$0x3F9D] =	sst s1  }
0xa: {  	[smem:$0x3F9E] =	sst s2  }
0xb: {  	[smem:$0x3F9F] =	sst s3  }
0xc: {  	[smem:$0x3FA0] =	sst s4  }
0xd: {  	[smem:$0x3FA1] =	sst s5  }
0xe: {  	[smem:$0x3FA2] =	sst s6  }
0xf: {  	[smem:$0x3FA3] =	sst s7  }
0x10: {  	[smem:$0x3FA4] =	sst s8  }
0x11: {  	[smem:$0x3FA5] =	sst s9;
	s0 =	simm.s32 @!p0 $0x0  }
0x12: {  	s1 =	sld [smem:$0x3F8B];
	s0 =	simm.s32 @p0 $0x1  }
0x13: {  	[smem:$0x3FA6] =	sst s0;
	s0 =	simm.s32 @!p1 $0x0  }
0x14: {  	s2 =	sld [smem:$0x3F8A];
	s0 =	simm.s32 @p1 $0x1  }
0x15: {  	[smem:$0x3FA7] =	sst s0;
	s0 =	simm.s32 @!p2 $0x0  }
0x16: {  	s3 =	sld [smem:$0x3FDB];
	s0 =	simm.s32 @p2 $0x1  }
0x17: {  	s4 =	simm.s32 $0x1BF5;
	[smem:$0x3FA9] =	sst s0  }
0x18: {  	s0 =	sld [smem:$0x3F8C];
	_ =	swait.ge [sflag:s4], $0x0  }
0x19: {  	s7 =	sld [smem:$0x3F8D]  }
0x1a: {  	s8 =	sadd.s32 $0xFFFFE003, lr  }
0x1b: {  	s9 =	sadd.s32 $0xFFFFFEF7, lr;
	s5 =	simm.s32 $0xFFFFFFFF;
	p2 =	slt.u32 s8, $0xFFFFF086  }
0x1c: {  	p1 =	slt.u32 s9, $0xF7A;
	s5 =	simm.s32 @!p2 $0x0  }
0x1d: {  	s5 =	simm.s32 @p1 $0x1;
	p0 =	seq.s32 s7, s2  }
0x1e: {  	s7 =	smul.u32 @!p0 $0xF7A, s2;
	p2 =	seq.s32 @!p0 s5, $0x0  }
0x1f: {  	s9 =	smul.u32 $0xF7A, s1;
	s8 =	simm.s32 @!p0 $0x1BF5;
	p2 =	por !p2, p0  }
0x20: {  	[sflag:s8] =	ssyncset.s32 @!p0 $0xFFFFF086;
	s6 =	sadd.s32 @!p0 s3, s7;
	s7 =	simm.s32 @!p0 $0x108  }
0x21: {  	s3 =	sadd.s32 s3, s9;
	s6 =	sadd.s32 @!p0 $0x88, s6;
	s7 =	simm.s32 @p2 $0x1082  }
0x22: {  	[simem:s7], [sflag:s8] =	dma.local @!p0 [hbm:s6], $0xF7A  }
0x23: {  	s9 =	sor.u32 $0xD0000000, s2;
	s6 =	simm.s32 $0x108;
	_ =	swait.ge @!p0 [sflag:s8], $0x0  }
0x24: {  	s3 =	sadd.s32 $0x88, s3;
	s6 =	simm.s32 @!p1 $0x1082;
	[sflag:s4] =	ssyncset.s32 $0xFFFFF086  }
0x25: {  	[simem:s6], [sflag:s4] =	dma.local [hbm:s3], $0xF7A  }
0x26: {  	[smem:$0x3F8D] =	sst s1;
	(tag) =	ssettag s2;
	_ =	strace s9  }
0x27: {  	s1 =	sld [smem:$0x3F9D]  }
0x28: {  	s2 =	sld [smem:$0x3F9E]  }
0x29: {  	s4 =	sld [smem:$0x3FA0]  }
0x2a: {  	p0 =	seq.s32 s5, $0x0;
	s5 =	sld [smem:$0x3FA1]  }
0x2b: {  	s6 =	sld [smem:$0x3FA2]  }
0x2c: {  	s7 =	sld [smem:$0x3FA3]  }
0x2d: {  	s3 =	simm.s32 $0x108;
	s8 =	sld [smem:$0x3FA4]  }
0x2e: {  	s3 =	simm.s32 @!p0 $0x1082;
	s9 =	sld [smem:$0x3FA5]  }
0x2f: {  	lr =	sadd.s32 s0, s3;
	s0 =	sld [smem:$0x3F9C]  }
0x30: {  	s3 =	sld [smem:$0x3F9F]  }
0x31: {  	[smem:$0x3FA8] =	sst s10  }
0x32: {  	s10 =	sld [smem:$0x3FA6];
	_ =	sdelay $0x3  }
0x33: {  	p0 =	seq.s32 s10, $0x1;
	s10 =	sld [smem:$0x3FA8];
	_ =	sdelay $0x3  }
0x34: {  	[smem:$0x3FA8] =	sst s10  }
0x35: {  	s10 =	sld [smem:$0x3FA7];
	_ =	sdelay $0x3  }
0x36: {  	p1 =	seq.s32 s10, $0x1;
	s10 =	sld [smem:$0x3FA8];
	_ =	sdelay $0x3  }
0x37: {  	[smem:$0x3FA8] =	sst s10  }
0x38: {  	s10 =	sld [smem:$0x3FA9]  }
0x39: {  	_ = 	snop;
	(pc) =	sbr.ind lr, $3  }
0x3a: {  	_ = 	snop  }
0x3b: {  	_ = 	snop  }
0x3c: {  	p2 =	seq.s32 s10, $0x1;
	s10 =	sld [smem:$0x3FA8]  }
0x3d: {  	_ =	shalt  }
0x3e: {  	_ =	shalt  }
0x3f: {  	_ =	shalt  }
0x40: {  	_ =	shalt  }
0x41: {  	_ =	shalt  }
0x42: {  	_ =	shalt  }
0x43: {  	_ =	shalt  }
0x44: {  	_ =	shalt  }
0x45: {  	_ =	shalt  }
0x46: {  	_ =	shalt  }
0x47: {  	_ =	shalt  }
0x48: {  	_ =	shalt  }
0x49: {  	_ =	shalt  }
0x4a: {  	_ =	shalt  }
0x4b: {  	_ =	shalt  }
0x4c: {  	_ =	shalt  }
0x4d: {  	_ =	shalt  }
0x4e: {  	_ =	shalt  }
0x4f: {  	_ =	shalt  }
0x50: {  	_ =	shalt  }
0x51: {  	_ =	shalt  }
0x52: {  	_ =	shalt  }
0x53: {  	_ =	shalt  }
0x54: {  	_ =	shalt  }
0x55: {  	_ =	shalt  }
0x56: {  	_ =	shalt  }
0x57: {  	_ =	shalt  }
0x58: {  	_ =	shalt  }
0x59: {  	_ =	shalt  }
0x5a: {  	_ =	shalt  }
0x5b: {  	_ =	shalt  }
0x5c: {  	_ =	shalt  }
0x5d: {  	_ =	shalt  }
0x5e: {  	_ =	shalt  }
0x5f: {  	_ =	shalt  }
0x60: {  	_ =	shalt  }
0x61: {  	_ =	shalt  }
0x62: {  	_ =	shalt  }
0x63: {  	_ =	shalt  }
0x64: {  	_ =	shalt  }
0x65: {  	_ =	shalt  }
0x66: {  	_ =	shalt  }
0x67: {  	_ =	shalt  }
0x68: {  	_ =	shalt  }
0x69: {  	_ =	shalt  }
0x6a: {  	_ =	shalt  }
0x6b: {  	_ =	shalt  }
0x6c: {  	_ =	shalt  }
0x6d: {  	_ =	shalt  }
0x6e: {  	_ =	shalt  }
0x6f: {  	_ =	shalt  }
0x70: {  	_ =	shalt  }
0x71: {  	_ =	shalt  }
0x72: {  	_ =	shalt  }
0x73: {  	_ =	shalt  }
0x74: {  	_ =	shalt  }
0x75: {  	_ =	shalt  }
0x76: {  	_ =	shalt  }
0x77: {  	_ =	shalt  }
0x78: {  	_ =	shalt  }
0x79: {  	_ =	shalt  }
0x7a: {  	_ =	shalt  }
0x7b: {  	_ =	shalt  }
0x7c: {  	_ =	shalt  }
0x7d: {  	_ =	shalt  }
0x7e: {  	_ =	shalt  }
0x7f: {  	_ =	shalt  }
0x80: {  	_ =	shalt  }
0x81: {  	_ =	shalt  }
0x82: {  	_ =	shalt  }
0x83: {  	_ =	shalt  }
0x84: {  	_ =	shalt  }
0x85: {  	_ =	shalt  }
0x86: {  	_ =	shalt  }
0x87: {  	_ =	shalt  }
.Lfunc_end0:
.L_simem_size_0:
called_computation.3_lowered:
.L_overlay_start_0:
0x88: {  	s2 =	sld [smem:$0x3FD9]  }
0x89: {  	s3 =	sld [smem:$0x3FFE];
	_ =	sdelay $0x1  }
0x8a: {  	s1 =	srdreg.scid  }
0x8b: {  	s0 =	sand.u32 $0x1, s1  }
0x8c: {  	s17 =	sshll.u32 s0, $0xA;
	s2 =	sadd.s32 s3, s2  }
0x8d: {  	s2 =	sadd.s32 s2, s17  }
0x8e: {  	[smem:$0x3FB4] =	sst s2  }
0x8f: {  	_ = 	snop  }
0x90: {  	(tm) =	ssettm $0x1  }
0x91: {  	s18 =	sld [smem:$0x3FFB];
	_ =	sdelay $0x3  }
0x92: {  	_ =	strace s18  }
0x93: {  	s2 =	sld [smem:$0x3FFC];
	_ =	sdelay $0x3  }
0x94: {  	_ =	strace s2  }
0x95: {  	s2 =	sld [smem:$0x3FFD];
	_ =	sdelay $0x3  }
0x96: {  	_ =	strace s2  }
0x97: {  	_ =	strace $0x8FFFFFFF  }
0x98: {  	s19 =	sld [smem:$0x3FDB];
	_ =	sdelay $0x1  }
0x99: {  	s20 =	simm.s32 $_scs_section_size  }
0x9a: {  	s4 =	simm.s32 $_size__tile_overlayer_lowered;
	s5 =	simm.s32 $_tile_overlayer_lowered  }
0x9b: {  	s6 =	simm.s32 $0x1BFF;
	s21 =	sshll.u32 s5, $0x1;
	s3 =	sadd.s32 s20, s19  }
0x9c: {  	s22 =	simm.s32 $0x0;
	s4 =	sshll.u32 s4, $0x1;
	s5 =	sadd.s32 s21, s3  }
0x9d: {  	[timem:s22], [sflag:s6] =	dma.local [hbm:s5], s4  }
0x9e: {  	_ =	swait.ge [sflag:s6], s4  }
0x9f: {  	s4 =	ssub.s32 $0x0, s4;
	[sflag:s6] =	ssyncset.done $0x0  }
0xa0: {  	[sflag:s6] =	ssyncadd.s32 s4;
	_ =	sdelay $0x1  }
0xa1: {  	s23 =	simm.s32 $0x1B8B  }
0xa2: {  	_ =	swait.ge [sflag:s23], $0x1  }
0xa3: {  	[sflag:s23] =	ssyncset.done $0x0  }
0xa4: {  	[sflag:s23] =	ssyncadd.s32 $0xFFFFFFFF  }
0xa5: {  	s4 =	sld [smem:$0x0]  }
0xa6: {  	s5 =	sand.u32 $0xFFFFFFFE, s1  }
0xa7: {  	p0 =	sne.s32 s1, s5  }
0xa8: {  	s5 =	sshll.u32 @p0 s5, $0xE  }
0xa9: {  	s5 =	sadd.s32 @p0 $0x11B8D, s5;
	s6 =	sshll.u32 @p0 s4, $0x11  }
0xaa: {  	s5 =	sor.u32 @p0 s6, s5  }
0xab: {  	[sflag:s5] =	ssyncadd.remote.s32 @p0 $0x1;
	_ =	sdelay $0x1  }
0xac: {  	s5 =	simm.s32 @p0 $0x1B8D  }
0xad: {  	_ =	swait.eq @p0 [sflag:s5], $0x1  }
0xae: {  	[sflag:s5] =	ssyncadd.s32 @p0 $0xFFFFFFFF  }
0xaf: {  	s6 =	sshll.u32 @!p0 s1, $0xE  }
0xb0: {  	s6 =	sor.u32 @!p0 $0x4000, s6;
	s5 =	simm.s32 @!p0 $0x1B8D  }
0xb1: {  	s4 =	sshll.u32 @!p0 s4, $0x11;
	s6 =	sadd.s32 @!p0 $0x11B8D, s6;
	_ =	swait.eq @!p0 [sflag:s5], $0x1  }
0xb2: {  	s4 =	sor.u32 @!p0 s4, s6;
	[sflag:s5] =	ssyncadd.s32 @!p0 $0xFFFFFFFF  }
0xb3: {  	s25 =	simm.s32 $0x1B8E;
	s24 =	sld [smem:$0x3FFE];
	[sflag:s4] =	ssyncadd.remote.s32 @!p0 $0x1  }
0xb4: {  	s26 =	simm.s32 $execute0_lowered;
	[smem:$0x3FD2] =	sst s25  }
0xb5: {  	s5 =	sshll.u32 s26, $0x1;
	_ =	strace $0x80000052;
	[dreg:$0x1] =	wrdreg $0xFFFFFFFF  }
0xb6: {  	s28 =	simm.s32 $_size_execute0_lowered;
	s3 =	sadd.s32 s3, s5;
	[dreg:$0x0] =	wrdreg $0x0  }
0xb7: {  	s5 =	sshll.u32 s28, $0x1;
	[dreg:$0x2] =	wrdreg s3  }
0xb8: {  	[dreg:$0x3] =	wrdreg s5  }
0xb9: {  	[dreg:$0x4] =	wrdreg $0xC0  }
0xba: {  	_ =	task [dreg:s22], $0x5FFFF  }
0xbb: {  	[dreg:$0x1] =	wrdreg $0xFFFFFFFF  }
0xbc: {  	[dreg:$0x0] =	wrdreg $0x60  }
0xbd: {  	[dreg:$0x2] =	wrdreg s24  }
0xbe: {  	[dreg:$0x3] =	wrdreg $0x24000  }
0xbf: {  	[dreg:$0x4] =	wrdreg $0xA  }
0xc0: {  	_ =	task.clear_ibuf [dreg:s22], $0x5FFFF;
	_ =	strace $0x90000052  }
0xc1: {  	s29 =	simm.s32 $0xA;
	_ =	strace $0x80000054  }
0xc2: {  	_ =	swait.ge [sflag:s29], $0x1  }
0xc3: {  	[sflag:s29] =	ssyncadd.s32 $0xFFFFFFFF  }
0xc4: {  	_ =	strace $0x90000054  }
0xc5: {  	_ =	sfence  }
0xc6: {  	s30 =	sld [smem:$0x0];
	_ =	sdelay $0x2  }
0xc7: {  	s31 =	sshll.u32 s1, $0xD;
	s1 =	sshrl.u32 s1, $0x2  }
0xc8: {  	s4 =	sand.u32 $0x4000, s31;
	s1 =	sadd.s32 s1, s30  }
0xc9: {  	s0 =	sor.u32 s4, s0;
	s1 =	sshll.u32 s1, $0x11  }
0xca: {  	s0 =	sor.u32 s1, s0  }
0xcb: {  	s0 =	sadd.s32 $0x8F2B, s0  }
0xcc: {  	[sflag:s0] =	ssyncadd.remote.s32 $0x1  }
0xcd: {  	_ =	sfence.sel $0xFFFF  }
0xce: {  	[dreg:$0x0] =	wrdreg $0xFFFFFFFF;
	(pc) =	sbr.abs _section_cstart, $3  }
0xcf: {  	[dreg:$0x1] =	wrdreg $0xFFFFFFFF  }
0xd0: {  	_ =	task.clear_ibuf [dreg:s22], $0x2FFFF;
	_ =	strace $0x9FFFFFFF  }
0xd1: {  	(tm) =	ssettm $0x7FFFFFFF  }
tec
execute0_lowered:
.L_overlay_start_1:
0x0: {  	(tag) =	ssettag $0x1  }
0x1: {  	s0 =	srdreg.scid  }
0x2: {  	s4 =	rddreg [dreg:$0x0];
	s6 =	sand.u32 $0x1, s0;
	s0 =	stileid.u32  }
0x3: {  	s2 =	rddreg [dreg:$0x1];
	s7 =	smul.u32 $0x2720, s0  }
0x4: {  	s3 =	simm.s32 $0x0;
	s16 =	simm.s32 $0x80;
	s24 =	smul.u32 $0x4E40, s6  }
0x5: {  	s17 =	simm.s32 $0x2;
	s18 =	simm.s32 $0x1300;
	s13 =	smul.u32 $0x14000, s6  }
0x6: {  	s19 =	simm.s32 $0x1380;
	[smem:$0x7FF] =	sst s3;
	s25 =	smul.u32 $0x1400, s0  }
0x7: {  	s8 =	sadd.s32 $0x2FA000, s4;
	s1 =	sshll.u32 s6, $0x4;
	s29 =	smul.u32 $0x28000, s6  }
0x8: {  	s10 =	ssub.s32 $0x2, s6;
	s26 =	sshll.u32 s0, $0x6;
	s30 =	smul.u32 $0x2800, s0  }
0x9: {  	s5 =	sor.u32 s0, s1;
	s1 =	rddreg [dreg:$0x2];
	_ =	strace $0x80000053  }
0xa: {  	s12 =	sshrl.u32 s10, $0x1;
	s5 =	smul.u32 $0x280, s5;
	s20 =	sshrl.u32 s7, $0x3  }
0xb: {  	s14 =	sadd.s32 s24, s4;
	s10 =	ssub.s32 s10, s12;
	s15 =	sadd.s32 s7, s2  }
0xc: {  	s28 =	sadd.s32 s25, s13;
	s12 =	simm.s32 $0x3;
	s13 =	simm.s32 $0x1400  }
0xd: {  	s11 =	sadd.s32 s20, s4;
	s7 =	sshll.u32 s28, $0x1;
	s21 =	sadd.s32 $0x6D1400, s14  }
0xe: {  	s14 =	simm.s32 $0x1;
	s9 =	sadd.s32 s5, s4;
	s4 =	sadd.s32 $0x7200, s11  }
0xf: {  	s5 =	sor.u32 $0x1C03, s26;
	s7 =	sadd.s32 s8, s7;
	s11 =	sadd.s32 s29, s8  }
0x10: {  	s8 =	smax.u32 s10, $0x1;
	s20 =	sadd.s32 s20, s21;
	s21 =	simm.s32 $0x0  }
0x11: {  	s6 =	sadd.s32 $0x6CC400, s9;
	s9 =	sadd.s32 $0x2700, s7;
	s31 =	sadd.s32 s30, s11  }
0x12: {  	s11 =	sshrl.u32 s15, $0x3;
	s15 =	simm.s32 $0x1C00;
	s10 =	sadd.s32 $0x200, s31  }
.LBB2_1:
0x13: {  	[spmem:s11], [sflag:s5] =	dma.local [hbm:s4], $0x4E4  }
0x14: {  	_ =	swait.ge [sflag:s12], $0x4E4  }
0x15: {  	[sflag:s12] =	ssyncset.done $0x0  }
0x16: {  	[sflag:s12] =	ssyncadd.s32 $0xFFFFFB1C  }
0x17: {  	[bflag:$0x0] =	sbarrier.arrive $0xFFFF  }
0x18: {  	[tilespmem:s3], [sflag:$0x3] =	stream.linear.gather [hbm4b:s6+s3], $0x1400, $0x38;
	[tilespmem:$0x4B20] =	vst v63  }
0x19: {  	_ =	swait.ge [sflag:s12], $0x1400  }
0x1a: {  	[sflag:s12] =	ssyncset.done $0x0  }
0x1b: {  	[sflag:s12] =	ssyncadd.s32 $0xFFFFEC00  }
0x1c: {  	[tilespmem:s13], [sflag:$0x1] =	stream.linear.gather [hbm4b:s7+s3], $0x800, $0x38;
	[tilespmem:$0x4B20] =	vst v63  }
0x1d: {  	_ =	swait.ge [sflag:s14], $0x800  }
0x1e: {  	[sflag:s14] =	ssyncset.done $0x0  }
0x1f: {  	s22 =	sadd.s32 $0xFFFFFF00, s10;
	[sflag:s14] =	ssyncadd.s32 $0xFFFFF800  }
0x20: {  	[tilespmem:s15], [sflag:$0x2] =	stream.linear.gather [hbm4b:s22+s3], $0x800, $0x38;
	[tilespmem:$0x4B20] =	vst v63  }
0x21: {  	s30 =	simm.s32 $0x0  }
0x22: {  	[spmem:s2] =	stream.indirect.scatter.add.f32 [tilespmem:s13], [sflag:$0x3], $0x10, s30, s16, $0xb8;
	[tilespmem:$0x4B20] =	vst v63  }
0x23: {  	_ =	swait.ge [sflag:s12], $0x800  }
0x24: {  	[sflag:s12] =	ssyncset.done $0x0  }
0x25: {  	[sflag:s12] =	ssyncadd.s32 $0xFFFFF800  }
0x26: {  	_ =	swait.ge [sflag:s17], $0x800  }
0x27: {  	[sflag:s17] =	ssyncset.done $0x0  }
0x28: {  	[sflag:s17] =	ssyncadd.s32 $0xFFFFF800  }
0x29: {  	[tilespmem:s13], [sflag:$0x1] =	stream.linear.gather [hbm4b:s10+s3], $0x800, $0x38;
	[tilespmem:$0x4B20] =	vst v63  }
0x2a: {  	s31 =	simm.s32 $0x80  }
0x2b: {  	[spmem:s2] =	stream.indirect.scatter.add.f32 [tilespmem:s15], [sflag:$0x3], $0x10, s31, s16, $0xb8;
	[tilespmem:$0x4B20] =	vst v63  }
0x2c: {  	_ =	swait.ge [sflag:s12], $0x800  }
0x2d: {  	s23 =	smov.u32 s10;
	s22 =	simm.s32 $0x400;
	[sflag:s12] =	ssyncset.done $0x0  }
.LBB2_2:
0x2e: {  	p0 =	sne.s32 s22, $0x4800;
	[sflag:s12] =	ssyncadd.s32 $0xFFFFF800;
	s23 =	sadd.s32 $0x200, s23  }
0x2f: {  	s24 =	smov.u32 s22;
	s22 =	sadd.s32 $0x400, s22  }
0x30: {  	_ =	swait.ge [sflag:s14], $0x800  }
0x31: {  	[sflag:s14] =	ssyncset.done $0x0  }
0x32: {  	s25 =	sadd.s32 $0xFFFFFF00, s23;
	[sflag:s14] =	ssyncadd.s32 $0xFFFFF800  }
0x33: {  	[tilespmem:s15], [sflag:$0x2] =	stream.linear.gather [hbm4b:s25+s3], $0x800, $0x38;
	[tilespmem:$0x4B20] =	vst v63  }
0x34: {  	s24 =	sshra.s32 s24, $0x2  }
0x35: {  	[spmem:s2] =	stream.indirect.scatter.add.f32 [tilespmem:s13], [sflag:$0x3], $0x10, s24, s16, $0xb8;
	[tilespmem:$0x4B20] =	vst v63  }
0x36: {  	_ =	swait.ge [sflag:s12], $0x800  }
0x37: {  	[sflag:s12] =	ssyncset.done $0x0  }
0x38: {  	[sflag:s12] =	ssyncadd.s32 $0xFFFFF800  }
0x39: {  	_ =	swait.ge [sflag:s17], $0x800  }
0x3a: {  	[sflag:s17] =	ssyncset.done $0x0  }
0x3b: {  	[sflag:s17] =	ssyncadd.s32 $0xFFFFF800  }
0x3c: {  	[tilespmem:s13], [sflag:$0x1] =	stream.linear.gather [hbm4b:s23+s3], $0x800, $0x38;
	[tilespmem:$0x4B20] =	vst v63  }
.Ltmp0:
0x3d: {  	_ = 	snop;
	(pc) =	sbr.rel @p0 .LBB2_2-.Ltmp0, $4  }
0x3e: {  	s24 =	sadd.s32 $0x80, s24  }
0x3f: {  	[spmem:s2] =	stream.indirect.scatter.add.f32 [tilespmem:s15], [sflag:$0x3], $0x10, s24, s16, $0xb8;
	[tilespmem:$0x4B20] =	vst v63  }
0x40: {  	_ =	swait.ge [sflag:s12], $0x800  }
0x41: {  	[sflag:s12] =	ssyncset.done $0x0  }
0x42: {  	[sflag:s12] =	ssyncadd.s32 $0xFFFFF800  }
0x43: {  	_ =	swait.ge [sflag:s14], $0x800  }
0x44: {  	[sflag:s14] =	ssyncset.done $0x0  }
0x45: {  	[sflag:s14] =	ssyncadd.s32 $0xFFFFF800  }
0x46: {  	[tilespmem:s15], [sflag:$0x2] =	stream.linear.gather [hbm4b:s9+s3], $0x800, $0x38;
	[tilespmem:$0x4B20] =	vst v63  }
0x47: {  	_ = 	snop  }
0x48: {  	[spmem:s2] =	stream.indirect.scatter.add.f32 [tilespmem:s13], [sflag:$0x3], $0x10, s18, s16, $0xb8;
	[tilespmem:$0x4B20] =	vst v63  }
0x49: {  	_ =	swait.ge [sflag:s12], $0x800  }
0x4a: {  	[sflag:s12] =	ssyncset.done $0x0  }
0x4b: {  	[sflag:s12] =	ssyncadd.s32 $0xFFFFF800  }
0x4c: {  	_ =	swait.ge [sflag:s17], $0x800  }
0x4d: {  	[sflag:s17] =	ssyncset.done $0x0  }
0x4e: {  	[sflag:s17] =	ssyncadd.s32 $0xFFFFF800  }
0x4f: {  	[spmem:s2] =	stream.indirect.scatter.add.f32 [tilespmem:s15], [sflag:$0x3], $0x10, s19, s16, $0xb8;
	[tilespmem:$0x4B20] =	vst v63  }
0x50: {  	_ =	swait.ge [sflag:s12], $0x800  }
0x51: {  	s21 =	sadd.s32 $0x1, s21;
	[sflag:s12] =	ssyncset.done $0x0  }
0x52: {  	p0 =	sne.s32 s21, s8;
	[sflag:s12] =	ssyncadd.s32 $0xFFFFF800  }
.Ltmp1:
0x53: {  	[bflag:$0x0] =	sbarrier.arrive $0xFFFF;
	(pc) =	sbr.rel @p0 .LBB2_1-.Ltmp1, $4  }
0x54: {  	[hbm:s20], [sflag:s5] =	dma.local [spmem:s11], $0x4E4  }
0x55: {  	_ =	swait.ge [sflag:s12], $0x4E4  }
0x56: {  	[sflag:s12] =	ssyncset.done $0x0  }
0x57: {  	[sflag:s12] =	ssyncadd.s32 $0xFFFFFB1C  }
0x58: {  	_ =	sfence.sel $0x180000  }
0x59: {  	[bflag:$0x0] =	sbarrier.arrive $0xFFFF  }
0x5a: {  	p0 =	sne.s32 s0, $0x0;
	_ =	strace $0x90000053  }
0x5b: {  	s0 =	sadd.s32 @!p0 $0x100000, s1;
	[bflag:$0x2] =	sbarrier.arrive $0xFFFF  }
0x5c: {  	[sflag:s0] =	ssyncadd.tile.s32 @!p0 $0x1;
	_ =	shalt  }
.Lfunc_end2:
_tile_overlayer_lowered:
.L_overlay_start_2:
0x5d: {  	(tag) =	ssettag $0x2  }
0x5e: {  	s0 =	rddreg [dreg:$0x0];
	s2 =	stileid.u32  }
0x5f: {  	s1 =	rddreg [dreg:$0x1];
	p0 =	sne.s32 s2, $0x0  }
0x60: {  	s3 =	rddreg [dreg:$0x2];
	[bflag:$0x3] =	sbarrier.arrive $0xFFFF;
	s2 =	simm.s32 @!p0 $0x1C03  }
0x61: {  	[timem:s3], [sflag:s2] =	dma.local @!p0 [hbm:s0], s1  }
0x62: {  	s0 =	simm.s32 @!p0 $0x3  }
0x63: {  	_ =	swait.ge @!p0 [sflag:s0], s1  }
0x64: {  	s1 =	ssub.s32 @!p0 $0x0, s1;
	[sflag:s0] =	ssyncset.done @!p0 $0x0  }
0x65: {  	[sflag:s0] =	ssyncadd.s32 @!p0 s1  }
0x66: {  	[bflag:$0x3] =	sbarrier.arrive $0xFFFF  }
0x67: {  	_ =	shalt  }

// kernel: kernel.25.cloned.1.call-start
scs
__scs_entry_jumppad:
0x0: {  	(pc) =	sbr.rel $0x88, $3  }
0x1: {  	(tag) =	ssettag $0x0;
	lr =	simm.s32 $0x1  }
0x2: {  	[smem:$0x3F8D] =	sst lr;
	_ =	strace $0xD0000000  }
0x3: {  	_ = 	snop  }
0x4: {  	_ = 	snop  }
0x5: {  	_ = 	snop  }
0x6: {  	_ = 	snop  }
0x7: {  	_ = 	snop  }
__scs_overlays_trampoline_lowered:
0x8: {  	[smem:$0x3F9C] =	sst s0  }
0x9: {  	[smem:$0x3F9D] =	sst s1  }
0xa: {  	[smem:$0x3F9E] =	sst s2  }
0xb: {  	[smem:$0x3F9F] =	sst s3  }
0xc: {  	[smem:$0x3FA0] =	sst s4  }
0xd: {  	[smem:$0x3FA1] =	sst s5  }
0xe: {  	[smem:$0x3FA2] =	sst s6  }
0xf: {  	[smem:$0x3FA3] =	sst s7  }
0x10: {  	[smem:$0x3FA4] =	sst s8  }
0x11: {  	[smem:$0x3FA5] =	sst s9;
	s0 =	simm.s32 @!p0 $0x0  }
0x12: {  	s1 =	sld [smem:$0x3F8B];
	s0 =	simm.s32 @p0 $0x1  }
0x13: {  	[smem:$0x3FA6] =	sst s0;
	s0 =	simm.s32 @!p1 $0x0  }
0x14: {  	s2 =	sld [smem:$0x3F8A];
	s0 =	simm.s32 @p1 $0x1  }
0x15: {  	[smem:$0x3FA7] =	sst s0;
	s0 =	simm.s32 @!p2 $0x0  }
0x16: {  	s3 =	sld [smem:$0x3FDB];
	s0 =	simm.s32 @p2 $0x1  }
0x17: {  	s4 =	simm.s32 $0x1BF5;
	[smem:$0x3FA9] =	sst s0  }
0x18: {  	s0 =	sld [smem:$0x3F8C];
	_ =	swait.ge [sflag:s4], $0x0  }
0x19: {  	s7 =	sld [smem:$0x3F8D]  }
0x1a: {  	s8 =	sadd.s32 $0xFFFFE003, lr  }
0x1b: {  	s9 =	sadd.s32 $0xFFFFFEF7, lr;
	s5 =	simm.s32 $0xFFFFFFFF;
	p2 =	slt.u32 s8, $0xFFFFF086  }
0x1c: {  	p1 =	slt.u32 s9, $0xF7A;
	s5 =	simm.s32 @!p2 $0x0  }
0x1d: {  	s5 =	simm.s32 @p1 $0x1;
	p0 =	seq.s32 s7, s2  }
0x1e: {  	s7 =	smul.u32 @!p0 $0xF7A, s2;
	p2 =	seq.s32 @!p0 s5, $0x0  }
0x1f: {  	s9 =	smul.u32 $0xF7A, s1;
	s8 =	simm.s32 @!p0 $0x1BF5;
	p2 =	por !p2, p0  }
0x20: {  	[sflag:s8] =	ssyncset.s32 @!p0 $0xFFFFF086;
	s6 =	sadd.s32 @!p0 s3, s7;
	s7 =	simm.s32 @!p0 $0x108  }
0x21: {  	s3 =	sadd.s32 s3, s9;
	s6 =	sadd.s32 @!p0 $0x88, s6;
	s7 =	simm.s32 @p2 $0x1082  }
0x22: {  	[simem:s7], [sflag:s8] =	dma.local @!p0 [hbm:s6], $0xF7A  }
0x23: {  	s9 =	sor.u32 $0xD0000000, s2;
	s6 =	simm.s32 $0x108;
	_ =	swait.ge @!p0 [sflag:s8], $0x0  }
0x24: {  	s3 =	sadd.s32 $0x88, s3;
	s6 =	simm.s32 @!p1 $0x1082;
	[sflag:s4] =	ssyncset.s32 $0xFFFFF086  }
0x25: {  	[simem:s6], [sflag:s4] =	dma.local [hbm:s3], $0xF7A  }
0x26: {  	[smem:$0x3F8D] =	sst s1;
	(tag) =	ssettag s2;
	_ =	strace s9  }
0x27: {  	s1 =	sld [smem:$0x3F9D]  }
0x28: {  	s2 =	sld [smem:$0x3F9E]  }
0x29: {  	s4 =	sld [smem:$0x3FA0]  }
0x2a: {  	p0 =	seq.s32 s5, $0x0;
	s5 =	sld [smem:$0x3FA1]  }
0x2b: {  	s6 =	sld [smem:$0x3FA2]  }
0x2c: {  	s7 =	sld [smem:$0x3FA3]  }
0x2d: {  	s3 =	simm.s32 $0x108;
	s8 =	sld [smem:$0x3FA4]  }
0x2e: {  	s3 =	simm.s32 @!p0 $0x1082;
	s9 =	sld [smem:$0x3FA5]  }
0x2f: {  	lr =	sadd.s32 s0, s3;
	s0 =	sld [smem:$0x3F9C]  }
0x30: {  	s3 =	sld [smem:$0x3F9F]  }
0x31: {  	[smem:$0x3FA8] =	sst s10  }
0x32: {  	s10 =	sld [smem:$0x3FA6];
	_ =	sdelay $0x3  }
0x33: {  	p0 =	seq.s32 s10, $0x1;
	s10 =	sld [smem:$0x3FA8];
	_ =	sdelay $0x3  }
0x34: {  	[smem:$0x3FA8] =	sst s10  }
0x35: {  	s10 =	sld [smem:$0x3FA7];
	_ =	sdelay $0x3  }
0x36: {  	p1 =	seq.s32 s10, $0x1;
	s10 =	sld [smem:$0x3FA8];
	_ =	sdelay $0x3  }
0x37: {  	[smem:$0x3FA8] =	sst s10  }
0x38: {  	s10 =	sld [smem:$0x3FA9]  }
0x39: {  	_ = 	snop;
	(pc) =	sbr.ind lr, $3  }
0x3a: {  	_ = 	snop  }
0x3b: {  	_ = 	snop  }
0x3c: {  	p2 =	seq.s32 s10, $0x1;
	s10 =	sld [smem:$0x3FA8]  }
0x3d: {  	_ =	shalt  }
0x3e: {  	_ =	shalt  }
0x3f: {  	_ =	shalt  }
0x40: {  	_ =	shalt  }
0x41: {  	_ =	shalt  }
0x42: {  	_ =	shalt  }
0x43: {  	_ =	shalt  }
0x44: {  	_ =	shalt  }
0x45: {  	_ =	shalt  }
0x46: {  	_ =	shalt  }
0x47: {  	_ =	shalt  }
0x48: {  	_ =	shalt  }
0x49: {  	_ =	shalt  }
0x4a: {  	_ =	shalt  }
0x4b: {  	_ =	shalt  }
0x4c: {  	_ =	shalt  }
0x4d: {  	_ =	shalt  }
0x4e: {  	_ =	shalt  }
0x4f: {  	_ =	shalt  }
0x50: {  	_ =	shalt  }
0x51: {  	_ =	shalt  }
0x52: {  	_ =	shalt  }
0x53: {  	_ =	shalt  }
0x54: {  	_ =	shalt  }
0x55: {  	_ =	shalt  }
0x56: {  	_ =	shalt  }
0x57: {  	_ =	shalt  }
0x58: {  	_ =	shalt  }
0x59: {  	_ =	shalt  }
0x5a: {  	_ =	shalt  }
0x5b: {  	_ =	shalt  }
0x5c: {  	_ =	shalt  }
0x5d: {  	_ =	shalt  }
0x5e: {  	_ =	shalt  }
0x5f: {  	_ =	shalt  }
0x60: {  	_ =	shalt  }
0x61: {  	_ =	shalt  }
0x62: {  	_ =	shalt  }
0x63: {  	_ =	shalt  }
0x64: {  	_ =	shalt  }
0x65: {  	_ =	shalt  }
0x66: {  	_ =	shalt  }
0x67: {  	_ =	shalt  }
0x68: {  	_ =	shalt  }
0x69: {  	_ =	shalt  }
0x6a: {  	_ =	shalt  }
0x6b: {  	_ =	shalt  }
0x6c: {  	_ =	shalt  }
0x6d: {  	_ =	shalt  }
0x6e: {  	_ =	shalt  }
0x6f: {  	_ =	shalt  }
0x70: {  	_ =	shalt  }
0x71: {  	_ =	shalt  }
0x72: {  	_ =	shalt  }
0x73: {  	_ =	shalt  }
0x74: {  	_ =	shalt  }
0x75: {  	_ =	shalt  }
0x76: {  	_ =	shalt  }
0x77: {  	_ =	shalt  }
0x78: {  	_ =	shalt  }
0x79: {  	_ =	shalt  }
0x7a: {  	_ =	shalt  }
0x7b: {  	_ =	shalt  }
0x7c: {  	_ =	shalt  }
0x7d: {  	_ =	shalt  }
0x7e: {  	_ =	shalt  }
0x7f: {  	_ =	shalt  }
0x80: {  	_ =	shalt  }
0x81: {  	_ =	shalt  }
0x82: {  	_ =	shalt  }
0x83: {  	_ =	shalt  }
0x84: {  	_ =	shalt  }
0x85: {  	_ =	shalt  }
0x86: {  	_ =	shalt  }
0x87: {  	_ =	shalt  }
.Lfunc_end0:
.L_simem_size_0:
called_computation.4_lowered:
.L_overlay_start_0:
0x88: {  	s2 =	sld [smem:$0x3FD9]  }
0x89: {  	s3 =	sld [smem:$0x3FFE];
	_ =	sdelay $0x1  }
0x8a: {  	s1 =	srdreg.scid  }
0x8b: {  	s0 =	sand.u32 $0x1, s1  }
0x8c: {  	s17 =	sshll.u32 s0, $0xA;
	s2 =	sadd.s32 s3, s2  }
0x8d: {  	s2 =	sadd.s32 s2, s17  }
0x8e: {  	[smem:$0x3FB4] =	sst s2  }
0x8f: {  	_ = 	snop  }
0x90: {  	(tm) =	ssettm $0x1  }
0x91: {  	s18 =	sld [smem:$0x3FFB];
	_ =	sdelay $0x3  }
0x92: {  	_ =	strace s18  }
0x93: {  	s2 =	sld [smem:$0x3FFC];
	_ =	sdelay $0x3  }
0x94: {  	_ =	strace s2  }
0x95: {  	s2 =	sld [smem:$0x3FFD];
	_ =	sdelay $0x3  }
0x96: {  	_ =	strace s2  }
0x97: {  	_ =	strace $0x8FFFFFFF  }
0x98: {  	s19 =	sld [smem:$0x3FDB];
	_ =	sdelay $0x1  }
0x99: {  	s20 =	simm.s32 $_scs_section_size  }
0x9a: {  	s4 =	simm.s32 $_size__tile_overlayer_lowered;
	s5 =	simm.s32 $_tile_overlayer_lowered  }
0x9b: {  	s6 =	simm.s32 $0x1BFF;
	s21 =	sshll.u32 s5, $0x1;
	s3 =	sadd.s32 s20, s19  }
0x9c: {  	s22 =	simm.s32 $0x0;
	s4 =	sshll.u32 s4, $0x1;
	s5 =	sadd.s32 s21, s3  }
0x9d: {  	[timem:s22], [sflag:s6] =	dma.local [hbm:s5], s4  }
0x9e: {  	_ =	swait.ge [sflag:s6], s4  }
0x9f: {  	s4 =	ssub.s32 $0x0, s4;
	[sflag:s6] =	ssyncset.done $0x0  }
0xa0: {  	[sflag:s6] =	ssyncadd.s32 s4;
	_ =	sdelay $0x1  }
0xa1: {  	s23 =	simm.s32 $0x1B8B  }
0xa2: {  	_ =	swait.ge [sflag:s23], $0x1  }
0xa3: {  	[sflag:s23] =	ssyncset.done $0x0  }
0xa4: {  	[sflag:s23] =	ssyncadd.s32 $0xFFFFFFFF  }
0xa5: {  	s4 =	sld [smem:$0x0]  }
0xa6: {  	s5 =	sand.u32 $0xFFFFFFFE, s1  }
0xa7: {  	p0 =	sne.s32 s1, s5  }
0xa8: {  	s5 =	sshll.u32 @p0 s5, $0xE  }
0xa9: {  	s5 =	sadd.s32 @p0 $0x11B8D, s5;
	s6 =	sshll.u32 @p0 s4, $0x11  }
0xaa: {  	s5 =	sor.u32 @p0 s6, s5  }
0xab: {  	[sflag:s5] =	ssyncadd.remote.s32 @p0 $0x1;
	_ =	sdelay $0x1  }
0xac: {  	s5 =	simm.s32 @p0 $0x1B8D  }
0xad: {  	_ =	swait.eq @p0 [sflag:s5], $0x1  }
0xae: {  	[sflag:s5] =	ssyncadd.s32 @p0 $0xFFFFFFFF  }
0xaf: {  	s6 =	sshll.u32 @!p0 s1, $0xE  }
0xb0: {  	s6 =	sor.u32 @!p0 $0x4000, s6;
	s5 =	simm.s32 @!p0 $0x1B8D  }
0xb1: {  	s4 =	sshll.u32 @!p0 s4, $0x11;
	s6 =	sadd.s32 @!p0 $0x11B8D, s6;
	_ =	swait.eq @!p0 [sflag:s5], $0x1  }
0xb2: {  	s4 =	sor.u32 @!p0 s4, s6;
	[sflag:s5] =	ssyncadd.s32 @!p0 $0xFFFFFFFF  }
0xb3: {  	s25 =	simm.s32 $0x1B8E;
	s24 =	sld [smem:$0x3FFE];
	[sflag:s4] =	ssyncadd.remote.s32 @!p0 $0x1  }
0xb4: {  	s26 =	simm.s32 $execute0_lowered;
	[smem:$0x3FD2] =	sst s25  }
0xb5: {  	s5 =	sshll.u32 s26, $0x1;
	_ =	strace $0x80000058;
	[dreg:$0x1] =	wrdreg $0xFFFFFFFF  }
0xb6: {  	s28 =	simm.s32 $_size_execute0_lowered;
	s3 =	sadd.s32 s3, s5;
	[dreg:$0x0] =	wrdreg $0x0  }
0xb7: {  	s5 =	sshll.u32 s28, $0x1;
	[dreg:$0x2] =	wrdreg s3  }
0xb8: {  	[dreg:$0x3] =	wrdreg s5  }
0xb9: {  	[dreg:$0x4] =	wrdreg $0xC0  }
0xba: {  	_ =	task [dreg:s22], $0x5FFFF  }
0xbb: {  	[dreg:$0x1] =	wrdreg $0xFFFFFFFF  }
0xbc: {  	[dreg:$0x0] =	wrdreg $0x60  }
0xbd: {  	[dreg:$0x2] =	wrdreg s24  }
0xbe: {  	[dreg:$0x3] =	wrdreg $0x94000  }
0xbf: {  	[dreg:$0x4] =	wrdreg $0xB  }
0xc0: {  	_ =	task.clear_ibuf [dreg:s22], $0x5FFFF;
	_ =	strace $0x90000058  }
0xc1: {  	s29 =	simm.s32 $0xB;
	_ =	strace $0x8000005A  }
0xc2: {  	_ =	swait.ge [sflag:s29], $0x1  }
0xc3: {  	[sflag:s29] =	ssyncadd.s32 $0xFFFFFFFF  }
0xc4: {  	_ =	strace $0x9000005A  }
0xc5: {  	_ =	sfence  }
0xc6: {  	s30 =	sld [smem:$0x0];
	_ =	sdelay $0x2  }
0xc7: {  	s31 =	sshll.u32 s1, $0xD;
	s1 =	sshrl.u32 s1, $0x2  }
0xc8: {  	s4 =	sand.u32 $0x4000, s31;
	s1 =	sadd.s32 s1, s30  }
0xc9: {  	s0 =	sor.u32 s4, s0;
	s1 =	sshll.u32 s1, $0x11  }
0xca: {  	s0 =	sor.u32 s1, s0  }
0xcb: {  	s0 =	sadd.s32 $0x8F2B, s0  }
0xcc: {  	[sflag:s0] =	ssyncadd.remote.s32 $0x1  }
0xcd: {  	_ =	sfence.sel $0xFFFF  }
0xce: {  	[dreg:$0x0] =	wrdreg $0xFFFFFFFF;
	(pc) =	sbr.abs _section_cstart, $3  }
0xcf: {  	[dreg:$0x1] =	wrdreg $0xFFFFFFFF  }
0xd0: {  	_ =	task.clear_ibuf [dreg:s22], $0x2FFFF;
	_ =	strace $0x9FFFFFFF  }
0xd1: {  	(tm) =	ssettm $0x7FFFFFFF  }
tec
execute0_lowered:
.L_overlay_start_1:
0x0: {  	(tag) =	ssettag $0x1  }
0x1: {  	s4 =	rddreg [dreg:$0x0]  }
0x2: {  	s0 =	srdreg.scid;
	s2 =	rddreg [dreg:$0x1]  }
0x3: {  	s28 =	simm.s32 $0x5400;
	s29 =	simm.s32 $0x80;
	s30 =	simm.s32 $0x2  }
0x4: {  	s31 =	simm.s32 $0x1300;
	s1 =	sand.u32 $0x1, s0;
	s0 =	stileid.u32  }
0x5: {  	s15 =	sadd.s32 $0x7A000, s4;
	s14 =	sadd.s32 $0x3BF600, s4;
	s6 =	smul.u32 $0x2800, s0  }
0x6: {  	s17 =	sadd.s32 $0x3E6800, s4;
	s3 =	sshll.u32 s1, $0x4;
	s22 =	smul.u32 $0x50000, s0  }
0x7: {  	s7 =	ssub.s32 $0x2, s1;
	p0 =	seq.s32 s0, $0xF;
	s11 =	smul.u32 $0x28000, s0  }
0x8: {  	p3 =	sne.s32 s0, $0xF;
	s25 =	smul.u32 $0x140000, s0;
	p4 =	seq.s32 s1, $0x0  }
0x9: {  	p2 =	seq.s32 s1, $0x1;
	s5 =	sor.u32 s0, s3;
	s3 =	simm.s32 $0x0  }
0xa: {  	s8 =	sshrl.u32 s7, $0x1;
	p1 =	por !p4, !p3;
	p4 =	por !p4, !p0  }
0xb: {  	p5 =	por !p3, !p2;
	s5 =	smul.u32 $0x2800, s5;
	[smem:$0x7FF] =	sst s3  }
0xc: {  	s9 =	sadd.s32 s6, s4;
	s16 =	ssub.s32 s7, s8;
	s7 =	sadd.s32 $0x12C000, s2  }
0xd: {  	s23 =	sshrl.u32 s22, $0x2;
	s11 =	sadd.s32 s15, s11;
	p1 =	por !p1, !p1  }
0xe: {  	s26 =	sshrl.u32 s25, $0x3;
	p3 =	por !p4, !p4;
	p6 =	por !p5, !p5  }
0xf: {  	s25 =	simm.s32 $0x1400;
	_ =	strace $0x80000059;
	s8 =	sadd.s32 s23, s2  }
0x10: {  	s24 =	sadd.s32 $0x34A000, s9;
	s13 =	sadd.s32 $0x14000, s11;
	[dreg:$0x3] =	wrdreg s14  }
0x11: {  	s14 =	sadd.s32 s14, s6;
	s1 =	sadd.s32 s15, s26;
	[dreg:$0x4] =	wrdreg s17  }
0x12: {  	s15 =	sadd.s32 s17, s6;
	s16 =	smax.u32 s16, $0x1;
	s18 =	sadd.s32 $0x27800, s11  }
0x13: {  	s6 =	sadd.s32 $0x1000, s11;
	s20 =	sadd.s32 $0x15000, s11;
	[dreg:$0x5] =	wrdreg s7  }
0x14: {  	s21 =	sshrl.u32 @p0 s7, $0x3;
	p4 =	por !p6, p3;
	s26 =	simm.s32 $0x1  }
.Ltmp0:
0x15: {  	s5 =	sshrl.u32 s5, $0x3;
	[dreg:$0x7] =	wrdreg s24;
	(pc) =	sbr.rel .LBB2_1-.Ltmp0, $4  }
0x16: {  	s17 =	sadd.s32 $0x13800, s1;
	s1 =	sshll.u32 @!p0 s0, $0x6;
	s23 =	sshrl.u32 @!p0 s8, $0x3  }
0x17: {  	s24 =	simm.s32 $0x3;
	s5 =	sadd.s32 s5, s4;
	s4 =	sadd.s32 $0x36F800, s4  }
0x18: {  	s22 =	sor.u32 @!p0 $0x1C03, s1;
	s1 =	simm.s32 $0x1380;
	[dreg:$0x6] =	wrdreg s4  }
0x19: {  	s10 =	sadd.s32 $0x6DB400, s5;
	s12 =	sadd.s32 $0x6DB680, s5;
	s4 =	simm.s32 $0x0  }
.LBB2_7:
0x1a: {  	s4 =	sadd.s32 $0x1, s4  }
0x1b: {  	p5 =	sne.s32 s4, s16  }
.Ltmp1:
0x1c: {  	_ = 	snop;
	(pc) =	sbr.rel @!p5 .LBB2_8-.Ltmp1, $1  }
0x1d: {  	_ =	sdelay $0x3  }
.LBB2_1:
0x1e: {  	s5 =	simm.s32 @p0 $0x1FC3;
	s7 =	rddreg [dreg:$0x6]  }
0x1f: {  	[spmem:s21], [sflag:s5] =	dma.local @p0 [hbm:s7], $0x1A00  }
0x20: {  	s5 =	simm.s32 @p0 $0x3  }
0x21: {  	_ =	swait.ge @p0 [sflag:s5], $0x1A00  }
0x22: {  	[sflag:s5] =	ssyncset.done @p0 $0x0  }
0x23: {  	[sflag:s5] =	ssyncadd.s32 @p0 $0xFFFFE600;
	s5 =	rddreg [dreg:$0x7]  }
0x24: {  	[spmem:s23], [sflag:s22] =	dma.local @!p0 [hbm:s5], $0x2800  }
0x25: {  	s5 =	simm.s32 @!p0 $0x3  }
0x26: {  	_ =	swait.ge @!p0 [sflag:s5], $0x2800  }
0x27: {  	[sflag:s5] =	ssyncset.done @!p0 $0x0  }
0x28: {  	[sflag:s5] =	ssyncadd.s32 @!p0 $0xFFFFD800  }
0x29: {  	[bflag:$0x0] =	sbarrier.arrive $0xFFFF  }
0x2a: {  	[tilespmem:s3], [sflag:$0x3] =	stream.linear.gather [hbm4b:s10+s3], $0x1400, $0x38;
	[tilespmem:$0x1CD00] =	vst v63  }
0x2b: {  	_ =	swait.ge [sflag:s24], $0x1400  }
0x2c: {  	[sflag:s24] =	ssyncset.done $0x0  }
0x2d: {  	[sflag:s24] =	ssyncadd.s32 $0xFFFFEC00  }
0x2e: {  	[tilespmem:s25], [sflag:$0x1] =	stream.linear.gather [hbm4b:s11+s3], $0x4000, $0x38;
	[tilespmem:$0x1CD00] =	vst v63  }
0x2f: {  	_ =	swait.ge [sflag:s26], $0x4000  }
0x30: {  	[sflag:s26] =	ssyncset.done $0x0  }
0x31: {  	s7 =	sadd.s32 $0xFFFFF800, s6;
	[sflag:s26] =	ssyncadd.s32 $0xFFFFC000  }
0x32: {  	[tilespmem:s28], [sflag:$0x2] =	stream.linear.gather [hbm4b:s7+s3], $0x4000, $0x38;
	[tilespmem:$0x1CD00] =	vst v63  }
0x33: {  	s9 =	simm.s32 $0x0  }
0x34: {  	[spmem:s2] =	stream.indirect.scatter.add.f32 [tilespmem:s25], [sflag:$0x3], $0x80, s9, s29, $0xb8;
	[tilespmem:$0x1CD00] =	vst v63  }
0x35: {  	_ =	swait.ge [sflag:s24], $0x4000  }
0x36: {  	[sflag:s24] =	ssyncset.done $0x0  }
0x37: {  	[sflag:s24] =	ssyncadd.s32 $0xFFFFC000  }
0x38: {  	_ =	swait.ge [sflag:s30], $0x4000  }
0x39: {  	[sflag:s30] =	ssyncset.done $0x0  }
0x3a: {  	[sflag:s30] =	ssyncadd.s32 $0xFFFFC000  }
0x3b: {  	[tilespmem:s25], [sflag:$0x1] =	stream.linear.gather [hbm4b:s6+s3], $0x4000, $0x38;
	[tilespmem:$0x1CD00] =	vst v63  }
0x3c: {  	s19 =	simm.s32 $0x80  }
0x3d: {  	[spmem:s2] =	stream.indirect.scatter.add.f32 [tilespmem:s28], [sflag:$0x3], $0x80, s19, s29, $0xb8;
	[tilespmem:$0x1CD00] =	vst v63  }
0x3e: {  	_ =	swait.ge [sflag:s24], $0x4000  }
0x3f: {  	s5 =	simm.s32 $0x400;
	s19 =	smov.u32 s6;
	[sflag:s24] =	ssyncset.done $0x0  }
.LBB2_2:
0x40: {  	p5 =	sne.s32 s5, $0x4800;
	[sflag:s24] =	ssyncadd.s32 $0xFFFFC000;
	s19 =	sadd.s32 $0x1000, s19  }
0x41: {  	s7 =	smov.u32 s5;
	s5 =	sadd.s32 $0x400, s5  }
0x42: {  	_ =	swait.ge [sflag:s26], $0x4000  }
0x43: {  	[sflag:s26] =	ssyncset.done $0x0  }
0x44: {  	s9 =	sadd.s32 $0xFFFFF800, s19;
	[sflag:s26] =	ssyncadd.s32 $0xFFFFC000  }
0x45: {  	[tilespmem:s28], [sflag:$0x2] =	stream.linear.gather [hbm4b:s9+s3], $0x4000, $0x38;
	[tilespmem:$0x1CD00] =	vst v63  }
0x46: {  	s7 =	sshra.s32 s7, $0x2  }
0x47: {  	[spmem:s2] =	stream.indirect.scatter.add.f32 [tilespmem:s25], [sflag:$0x3], $0x80, s7, s29, $0xb8;
	[tilespmem:$0x1CD00] =	vst v63  }
0x48: {  	_ =	swait.ge [sflag:s24], $0x4000  }
0x49: {  	[sflag:s24] =	ssyncset.done $0x0  }
0x4a: {  	[sflag:s24] =	ssyncadd.s32 $0xFFFFC000  }
0x4b: {  	_ =	swait.ge [sflag:s30], $0x4000  }
0x4c: {  	[sflag:s30] =	ssyncset.done $0x0  }
0x4d: {  	[sflag:s30] =	ssyncadd.s32 $0xFFFFC000  }
0x4e: {  	[tilespmem:s25], [sflag:$0x1] =	stream.linear.gather [hbm4b:s19+s3], $0x4000, $0x38;
	[tilespmem:$0x1CD00] =	vst v63  }
.Ltmp2:
0x4f: {  	_ = 	snop;
	(pc) =	sbr.rel @p5 .LBB2_2-.Ltmp2, $4  }
0x50: {  	s7 =	sadd.s32 $0x80, s7  }
0x51: {  	[spmem:s2] =	stream.indirect.scatter.add.f32 [tilespmem:s28], [sflag:$0x3], $0x80, s7, s29, $0xb8;
	[tilespmem:$0x1CD00] =	vst v63  }
0x52: {  	_ =	swait.ge [sflag:s24], $0x4000  }
0x53: {  	[sflag:s24] =	ssyncset.done $0x0  }
0x54: {  	[sflag:s24] =	ssyncadd.s32 $0xFFFFC000  }
0x55: {  	_ =	swait.ge [sflag:s26], $0x4000  }
0x56: {  	[sflag:s26] =	ssyncset.done $0x0  }
0x57: {  	s5 =	simm.s32 $0x0;
	[sflag:s26] =	ssyncadd.s32 $0xFFFFC000  }
0x58: {  	[tilespmem:s28], [sflag:$0x2] =	stream.linear.gather [hbm4b:s17+s5], $0x4000, $0x38;
	[tilespmem:$0x1CD00] =	vst v63  }
0x59: {  	_ = 	snop  }
0x5a: {  	[spmem:s2] =	stream.indirect.scatter.add.f32 [tilespmem:s25], [sflag:$0x3], $0x80, s31, s29, $0xb8;
	[tilespmem:$0x1CD00] =	vst v63  }
0x5b: {  	_ =	swait.ge [sflag:s24], $0x4000  }
0x5c: {  	[sflag:s24] =	ssyncset.done $0x0  }
0x5d: {  	[sflag:s24] =	ssyncadd.s32 $0xFFFFC000  }
0x5e: {  	_ =	swait.ge [sflag:s30], $0x4000  }
0x5f: {  	[sflag:s30] =	ssyncset.done $0x0  }
0x60: {  	[sflag:s30] =	ssyncadd.s32 $0xFFFFC000  }
0x61: {  	[spmem:s2] =	stream.indirect.scatter.add.f32 [tilespmem:s28], [sflag:$0x3], $0x80, s1, s29, $0xb8;
	[tilespmem:$0x1CD00] =	vst v63  }
0x62: {  	_ =	swait.ge [sflag:s24], $0x4000  }
0x63: {  	[sflag:s24] =	ssyncset.done $0x0  }
0x64: {  	[sflag:s24] =	ssyncadd.s32 $0xFFFFC000  }
0x65: {  	[tilespmem:s5], [sflag:$0x3] =	stream.linear.gather [hbm4b:s12+s5], $0x1400, $0x38;
	[tilespmem:$0x1CD00] =	vst v63  }
0x66: {  	_ =	swait.ge [sflag:s24], $0x1400  }
0x67: {  	[sflag:s24] =	ssyncset.done $0x0  }
0x68: {  	[sflag:s24] =	ssyncadd.s32 $0xFFFFEC00  }
0x69: {  	[tilespmem:s25], [sflag:$0x1] =	stream.linear.gather [hbm4b:s13+s5], $0x4000, $0x38;
	[tilespmem:$0x1CD00] =	vst v63  }
0x6a: {  	_ =	swait.ge [sflag:s26], $0x4000  }
0x6b: {  	[sflag:s26] =	ssyncset.done $0x0  }
0x6c: {  	s7 =	sadd.s32 $0xFFFFF800, s20;
	[sflag:s26] =	ssyncadd.s32 $0xFFFFC000  }
0x6d: {  	[tilespmem:s28], [sflag:$0x2] =	stream.linear.gather [hbm4b:s7+s3], $0x4000, $0x38;
	[tilespmem:$0x1CD00] =	vst v63  }
0x6e: {  	s9 =	simm.s32 $0x0  }
0x6f: {  	[spmem:s2] =	stream.indirect.scatter.add.f32 [tilespmem:s25], [sflag:$0x3], $0x80, s9, s29, $0xb8;
	[tilespmem:$0x1CD00] =	vst v63  }
0x70: {  	_ =	swait.ge [sflag:s24], $0x4000  }
0x71: {  	[sflag:s24] =	ssyncset.done $0x0  }
0x72: {  	[sflag:s24] =	ssyncadd.s32 $0xFFFFC000  }
0x73: {  	_ =	swait.ge [sflag:s30], $0x4000  }
0x74: {  	[sflag:s30] =	ssyncset.done $0x0  }
0x75: {  	[sflag:s30] =	ssyncadd.s32 $0xFFFFC000  }
0x76: {  	[tilespmem:s25], [sflag:$0x1] =	stream.linear.gather [hbm4b:s20+s3], $0x4000, $0x38;
	[tilespmem:$0x1CD00] =	vst v63  }
0x77: {  	s19 =	simm.s32 $0x80  }
0x78: {  	[spmem:s2] =	stream.indirect.scatter.add.f32 [tilespmem:s28], [sflag:$0x3], $0x80, s19, s29, $0xb8;
	[tilespmem:$0x1CD00] =	vst v63  }
0x79: {  	_ =	swait.ge [sflag:s24], $0x4000  }
0x7a: {  	s5 =	simm.s32 $0x400;
	s19 =	smov.u32 s20;
	[sflag:s24] =	ssyncset.done $0x0  }
.LBB2_4:
0x7b: {  	p5 =	sne.s32 s5, $0x4800;
	[sflag:s24] =	ssyncadd.s32 $0xFFFFC000;
	s19 =	sadd.s32 $0x1000, s19  }
0x7c: {  	s7 =	smov.u32 s5;
	s5 =	sadd.s32 $0x400, s5  }
0x7d: {  	_ =	swait.ge [sflag:s26], $0x4000  }
0x7e: {  	[sflag:s26] =	ssyncset.done $0x0  }
0x7f: {  	s9 =	sadd.s32 $0xFFFFF800, s19;
	[sflag:s26] =	ssyncadd.s32 $0xFFFFC000  }
0x80: {  	[tilespmem:s28], [sflag:$0x2] =	stream.linear.gather [hbm4b:s9+s3], $0x4000, $0x38;
	[tilespmem:$0x1CD00] =	vst v63  }
0x81: {  	s7 =	sshra.s32 s7, $0x2  }
0x82: {  	[spmem:s2] =	stream.indirect.scatter.add.f32 [tilespmem:s25], [sflag:$0x3], $0x80, s7, s29, $0xb8;
	[tilespmem:$0x1CD00] =	vst v63  }
0x83: {  	_ =	swait.ge [sflag:s24], $0x4000  }
0x84: {  	[sflag:s24] =	ssyncset.done $0x0  }
0x85: {  	[sflag:s24] =	ssyncadd.s32 $0xFFFFC000  }
0x86: {  	_ =	swait.ge [sflag:s30], $0x4000  }
0x87: {  	[sflag:s30] =	ssyncset.done $0x0  }
0x88: {  	[sflag:s30] =	ssyncadd.s32 $0xFFFFC000  }
0x89: {  	[tilespmem:s25], [sflag:$0x1] =	stream.linear.gather [hbm4b:s19+s3], $0x4000, $0x38;
	[tilespmem:$0x1CD00] =	vst v63  }
.Ltmp3:
0x8a: {  	_ = 	snop;
	(pc) =	sbr.rel @p5 .LBB2_4-.Ltmp3, $4  }
0x8b: {  	s7 =	sadd.s32 $0x80, s7  }
0x8c: {  	[spmem:s2] =	stream.indirect.scatter.add.f32 [tilespmem:s28], [sflag:$0x3], $0x80, s7, s29, $0xb8;
	[tilespmem:$0x1CD00] =	vst v63  }
0x8d: {  	_ =	swait.ge [sflag:s24], $0x4000  }
0x8e: {  	[sflag:s24] =	ssyncset.done $0x0  }
0x8f: {  	[sflag:s24] =	ssyncadd.s32 $0xFFFFC000  }
0x90: {  	_ =	swait.ge [sflag:s26], $0x4000  }
0x91: {  	[sflag:s26] =	ssyncset.done $0x0  }
0x92: {  	[sflag:s26] =	ssyncadd.s32 $0xFFFFC000  }
0x93: {  	[tilespmem:s28], [sflag:$0x2] =	stream.linear.gather [hbm4b:s18+s3], $0x4000, $0x38;
	[tilespmem:$0x1CD00] =	vst v63  }
0x94: {  	_ = 	snop  }
0x95: {  	[spmem:s2] =	stream.indirect.scatter.add.f32 [tilespmem:s25], [sflag:$0x3], $0x80, s31, s29, $0xb8;
	[tilespmem:$0x1CD00] =	vst v63  }
0x96: {  	_ =	swait.ge [sflag:s24], $0x4000  }
0x97: {  	[sflag:s24] =	ssyncset.done $0x0  }
0x98: {  	[sflag:s24] =	ssyncadd.s32 $0xFFFFC000  }
0x99: {  	_ =	swait.ge [sflag:s30], $0x4000  }
0x9a: {  	[sflag:s30] =	ssyncset.done $0x0  }
0x9b: {  	[sflag:s30] =	ssyncadd.s32 $0xFFFFC000  }
0x9c: {  	[spmem:s2] =	stream.indirect.scatter.add.f32 [tilespmem:s28], [sflag:$0x3], $0x80, s1, s29, $0xb8;
	[tilespmem:$0x1CD00] =	vst v63  }
0x9d: {  	_ =	swait.ge [sflag:s24], $0x4000  }
0x9e: {  	s5 =	sshll.u32 @p1 s0, $0x6;
	s7 =	sshrl.u32 @p1 s8, $0x3;
	[sflag:s24] =	ssyncset.done $0x0  }
0x9f: {  	p5 =	por @!p4 $0x1, $0x1;
	p6 =	por p2, p2;
	[sflag:s24] =	ssyncadd.s32 $0xFFFFC000  }
0xa0: {  	s5 =	sor.u32 @p1 $0x1C03, s5;
	p6 =	por @!p4 p5, p5;
	[bflag:$0x0] =	sbarrier.arrive $0xFFFF  }
0xa1: {  	[hbm:s14], [sflag:s5] =	dma.local @p1 [spmem:s7], $0x2800  }
0xa2: {  	p5 =	por @!p3 !p6, !p0;
	s5 =	simm.s32 @p1 $0x3  }
0xa3: {  	p5 =	por @!p3 !p5, !p5;
	_ =	swait.ge @p1 [sflag:s5], $0x2800  }
0xa4: {  	p5 =	por p3, p5;
	s7 =	sshll.u32 @!p4 s0, $0x6;
	[sflag:s5] =	ssyncset.done @p1 $0x0  }
0xa5: {  	[sflag:s5] =	ssyncadd.s32 @p1 $0xFFFFD800;
	s5 =	sor.u32 @!p4 $0x1C03, s7;
	s7 =	sshrl.u32 @!p4 s8, $0x3  }
0xa6: {  	[hbm:s15], [sflag:s5] =	dma.local @!p4 [spmem:s7], $0x2800  }
.Ltmp4:
0xa7: {  	_ = 	snop;
	(pc) =	sbr.rel @!p5 .LBB2_7-.Ltmp4, $4  }
0xa8: {  	s5 =	simm.s32 @!p4 $0x3  }
0xa9: {  	_ =	swait.ge @!p4 [sflag:s5], $0x2800  }
0xaa: {  	[sflag:s5] =	ssyncset.done @!p4 $0x0  }
0xab: {  	[sflag:s5] =	ssyncadd.s32 @!p4 $0xFFFFD800  }
0xac: {  	s5 =	rddreg [dreg:$0x4]  }
0xad: {  	s7 =	rddreg [dreg:$0x3]  }
0xae: {  	s19 =	rddreg [dreg:$0x5];
	s9 =	simm.s32 $0x1FC3;
	s5 =	smov.u32 @p3 s7  }
.Ltmp5:
0xaf: {  	s7 =	sshrl.u32 s19, $0x3;
	s5 =	sadd.s32 $0x25800, s5;
	(pc) =	sbr.rel .LBB2_7-.Ltmp5, $4  }
0xb0: {  	[hbm:s5], [sflag:s9] =	dma.local [spmem:s7], $0x1A00  }
0xb1: {  	_ =	swait.ge [sflag:s24], $0x1A00  }
0xb2: {  	[sflag:s24] =	ssyncset.done $0x0  }
0xb3: {  	[sflag:s24] =	ssyncadd.s32 $0xFFFFE600  }
.LBB2_8:
0xb4: {  	_ =	sfence.sel $0x180000  }
0xb5: {  	[bflag:$0x0] =	sbarrier.arrive $0xFFFF  }
0xb6: {  	_ =	strace $0x90000059  }
0xb7: {  	[bflag:$0x2] =	sbarrier.arrive $0xFFFF  }
0xb8: {  	p0 =	sne.s32 s0, $0x0;
	s0 =	rddreg [dreg:$0x2]  }
0xb9: {  	s0 =	sadd.s32 @!p0 $0x100000, s0  }
0xba: {  	[sflag:s0] =	ssyncadd.tile.s32 @!p0 $0x1;
	_ =	shalt  }
.Lfunc_end2:
_tile_overlayer_lowered:
.L_overlay_start_2:
0xbb: {  	(tag) =	ssettag $0x2  }
0xbc: {  	s0 =	rddreg [dreg:$0x0];
	s2 =	stileid.u32  }
0xbd: {  	s1 =	rddreg [dreg:$0x1];
	p0 =	sne.s32 s2, $0x0  }
0xbe: {  	s3 =	rddreg [dreg:$0x2];
	[bflag:$0x3] =	sbarrier.arrive $0xFFFF;
	s2 =	simm.s32 @!p0 $0x1C03  }
0xbf: {  	[timem:s3], [sflag:s2] =	dma.local @!p0 [hbm:s0], s1  }
0xc0: {  	s0 =	simm.s32 @!p0 $0x3  }
0xc1: {  	_ =	swait.ge @!p0 [sflag:s0], s1  }
0xc2: {  	s1 =	ssub.s32 @!p0 $0x0, s1;
	[sflag:s0] =	ssyncset.done @!p0 $0x0  }
0xc3: {  	[sflag:s0] =	ssyncadd.s32 @!p0 s1  }
0xc4: {  	[bflag:$0x3] =	sbarrier.arrive $0xFFFF  }
0xc5: {  	_ =	shalt  }

// kernel: kernel.28.cloned.1.call-start
scs
__scs_entry_jumppad:
0x0: {  	(pc) =	sbr.rel $0x88, $3  }
0x1: {  	(tag) =	ssettag $0x0;
	lr =	simm.s32 $0x1  }
0x2: {  	[smem:$0x3F8D] =	sst lr;
	_ =	strace $0xD0000000  }
0x3: {  	_ = 	snop  }
0x4: {  	_ = 	snop  }
0x5: {  	_ = 	snop  }
0x6: {  	_ = 	snop  }
0x7: {  	_ = 	snop  }
__scs_overlays_trampoline_lowered:
0x8: {  	[smem:$0x3F9C] =	sst s0  }
0x9: {  	[smem:$0x3F9D] =	sst s1  }
0xa: {  	[smem:$0x3F9E] =	sst s2  }
0xb: {  	[smem:$0x3F9F] =	sst s3  }
0xc: {  	[smem:$0x3FA0] =	sst s4  }
0xd: {  	[smem:$0x3FA1] =	sst s5  }
0xe: {  	[smem:$0x3FA2] =	sst s6  }
0xf: {  	[smem:$0x3FA3] =	sst s7  }
0x10: {  	[smem:$0x3FA4] =	sst s8  }
0x11: {  	[smem:$0x3FA5] =	sst s9;
	s0 =	simm.s32 @!p0 $0x0  }
0x12: {  	s1 =	sld [smem:$0x3F8B];
	s0 =	simm.s32 @p0 $0x1  }
0x13: {  	[smem:$0x3FA6] =	sst s0;
	s0 =	simm.s32 @!p1 $0x0  }
0x14: {  	s2 =	sld [smem:$0x3F8A];
	s0 =	simm.s32 @p1 $0x1  }
0x15: {  	[smem:$0x3FA7] =	sst s0;
	s0 =	simm.s32 @!p2 $0x0  }
0x16: {  	s3 =	sld [smem:$0x3FDB];
	s0 =	simm.s32 @p2 $0x1  }
0x17: {  	s4 =	simm.s32 $0x1BF5;
	[smem:$0x3FA9] =	sst s0  }
0x18: {  	s0 =	sld [smem:$0x3F8C];
	_ =	swait.ge [sflag:s4], $0x0  }
0x19: {  	s7 =	sld [smem:$0x3F8D]  }
0x1a: {  	s8 =	sadd.s32 $0xFFFFE003, lr  }
0x1b: {  	s9 =	sadd.s32 $0xFFFFFEF7, lr;
	s5 =	simm.s32 $0xFFFFFFFF;
	p2 =	slt.u32 s8, $0xFFFFF086  }
0x1c: {  	p1 =	slt.u32 s9, $0xF7A;
	s5 =	simm.s32 @!p2 $0x0  }
0x1d: {  	s5 =	simm.s32 @p1 $0x1;
	p0 =	seq.s32 s7, s2  }
0x1e: {  	s7 =	smul.u32 @!p0 $0xF7A, s2;
	p2 =	seq.s32 @!p0 s5, $0x0  }
0x1f: {  	s9 =	smul.u32 $0xF7A, s1;
	s8 =	simm.s32 @!p0 $0x1BF5;
	p2 =	por !p2, p0  }
0x20: {  	[sflag:s8] =	ssyncset.s32 @!p0 $0xFFFFF086;
	s6 =	sadd.s32 @!p0 s3, s7;
	s7 =	simm.s32 @!p0 $0x108  }
0x21: {  	s3 =	sadd.s32 s3, s9;
	s6 =	sadd.s32 @!p0 $0x88, s6;
	s7 =	simm.s32 @p2 $0x1082  }
0x22: {  	[simem:s7], [sflag:s8] =	dma.local @!p0 [hbm:s6], $0xF7A  }
0x23: {  	s9 =	sor.u32 $0xD0000000, s2;
	s6 =	simm.s32 $0x108;
	_ =	swait.ge @!p0 [sflag:s8], $0x0  }
0x24: {  	s3 =	sadd.s32 $0x88, s3;
	s6 =	simm.s32 @!p1 $0x1082;
	[sflag:s4] =	ssyncset.s32 $0xFFFFF086  }
0x25: {  	[simem:s6], [sflag:s4] =	dma.local [hbm:s3], $0xF7A  }
0x26: {  	[smem:$0x3F8D] =	sst s1;
	(tag) =	ssettag s2;
	_ =	strace s9  }
0x27: {  	s1 =	sld [smem:$0x3F9D]  }
0x28: {  	s2 =	sld [smem:$0x3F9E]  }
0x29: {  	s4 =	sld [smem:$0x3FA0]  }
0x2a: {  	p0 =	seq.s32 s5, $0x0;
	s5 =	sld [smem:$0x3FA1]  }
0x2b: {  	s6 =	sld [smem:$0x3FA2]  }
0x2c: {  	s7 =	sld [smem:$0x3FA3]  }
0x2d: {  	s3 =	simm.s32 $0x108;
	s8 =	sld [smem:$0x3FA4]  }
0x2e: {  	s3 =	simm.s32 @!p0 $0x1082;
	s9 =	sld [smem:$0x3FA5]  }
0x2f: {  	lr =	sadd.s32 s0, s3;
	s0 =	sld [smem:$0x3F9C]  }
0x30: {  	s3 =	sld [smem:$0x3F9F]  }
0x31: {  	[smem:$0x3FA8] =	sst s10  }
0x32: {  	s10 =	sld [smem:$0x3FA6];
	_ =	sdelay $0x3  }
0x33: {  	p0 =	seq.s32 s10, $0x1;
	s10 =	sld [smem:$0x3FA8];
	_ =	sdelay $0x3  }
0x34: {  	[smem:$0x3FA8] =	sst s10  }
0x35: {  	s10 =	sld [smem:$0x3FA7];
	_ =	sdelay $0x3  }
0x36: {  	p1 =	seq.s32 s10, $0x1;
	s10 =	sld [smem:$0x3FA8];
	_ =	sdelay $0x3  }
0x37: {  	[smem:$0x3FA8] =	sst s10  }
0x38: {  	s10 =	sld [smem:$0x3FA9]  }
0x39: {  	_ = 	snop;
	(pc) =	sbr.ind lr, $3  }
0x3a: {  	_ = 	snop  }
0x3b: {  	_ = 	snop  }
0x3c: {  	p2 =	seq.s32 s10, $0x1;
	s10 =	sld [smem:$0x3FA8]  }
0x3d: {  	_ =	shalt  }
0x3e: {  	_ =	shalt  }
0x3f: {  	_ =	shalt  }
0x40: {  	_ =	shalt  }
0x41: {  	_ =	shalt  }
0x42: {  	_ =	shalt  }
0x43: {  	_ =	shalt  }
0x44: {  	_ =	shalt  }
0x45: {  	_ =	shalt  }
0x46: {  	_ =	shalt  }
0x47: {  	_ =	shalt  }
0x48: {  	_ =	shalt  }
0x49: {  	_ =	shalt  }
0x4a: {  	_ =	shalt  }
0x4b: {  	_ =	shalt  }
0x4c: {  	_ =	shalt  }
0x4d: {  	_ =	shalt  }
0x4e: {  	_ =	shalt  }
0x4f: {  	_ =	shalt  }
0x50: {  	_ =	shalt  }
0x51: {  	_ =	shalt  }
0x52: {  	_ =	shalt  }
0x53: {  	_ =	shalt  }
0x54: {  	_ =	shalt  }
0x55: {  	_ =	shalt  }
0x56: {  	_ =	shalt  }
0x57: {  	_ =	shalt  }
0x58: {  	_ =	shalt  }
0x59: {  	_ =	shalt  }
0x5a: {  	_ =	shalt  }
0x5b: {  	_ =	shalt  }
0x5c: {  	_ =	shalt  }
0x5d: {  	_ =	shalt  }
0x5e: {  	_ =	shalt  }
0x5f: {  	_ =	shalt  }
0x60: {  	_ =	shalt  }
0x61: {  	_ =	shalt  }
0x62: {  	_ =	shalt  }
0x63: {  	_ =	shalt  }
0x64: {  	_ =	shalt  }
0x65: {  	_ =	shalt  }
0x66: {  	_ =	shalt  }
0x67: {  	_ =	shalt  }
0x68: {  	_ =	shalt  }
0x69: {  	_ =	shalt  }
0x6a: {  	_ =	shalt  }
0x6b: {  	_ =	shalt  }
0x6c: {  	_ =	shalt  }
0x6d: {  	_ =	shalt  }
0x6e: {  	_ =	shalt  }
0x6f: {  	_ =	shalt  }
0x70: {  	_ =	shalt  }
0x71: {  	_ =	shalt  }
0x72: {  	_ =	shalt  }
0x73: {  	_ =	shalt  }
0x74: {  	_ =	shalt  }
0x75: {  	_ =	shalt  }
0x76: {  	_ =	shalt  }
0x77: {  	_ =	shalt  }
0x78: {  	_ =	shalt  }
0x79: {  	_ =	shalt  }
0x7a: {  	_ =	shalt  }
0x7b: {  	_ =	shalt  }
0x7c: {  	_ =	shalt  }
0x7d: {  	_ =	shalt  }
0x7e: {  	_ =	shalt  }
0x7f: {  	_ =	shalt  }
0x80: {  	_ =	shalt  }
0x81: {  	_ =	shalt  }
0x82: {  	_ =	shalt  }
0x83: {  	_ =	shalt  }
0x84: {  	_ =	shalt  }
0x85: {  	_ =	shalt  }
0x86: {  	_ =	shalt  }
0x87: {  	_ =	shalt  }
.Lfunc_end0:
.L_simem_size_0:
called_computation.5_lowered:
.L_overlay_start_0:
0x88: {  	s2 =	sld [smem:$0x3FD9]  }
0x89: {  	s3 =	sld [smem:$0x3FFE];
	_ =	sdelay $0x1  }
0x8a: {  	s1 =	srdreg.scid  }
0x8b: {  	s0 =	sand.u32 $0x1, s1  }
0x8c: {  	s17 =	sshll.u32 s0, $0xA;
	s2 =	sadd.s32 s3, s2  }
0x8d: {  	s2 =	sadd.s32 s2, s17  }
0x8e: {  	[smem:$0x3FB4] =	sst s2  }
0x8f: {  	_ = 	snop  }
0x90: {  	(tm) =	ssettm $0x1  }
0x91: {  	s18 =	sld [smem:$0x3FFB];
	_ =	sdelay $0x3  }
0x92: {  	_ =	strace s18  }
0x93: {  	s2 =	sld [smem:$0x3FFC];
	_ =	sdelay $0x3  }
0x94: {  	_ =	strace s2  }
0x95: {  	s2 =	sld [smem:$0x3FFD];
	_ =	sdelay $0x3  }
0x96: {  	_ =	strace s2  }
0x97: {  	_ =	strace $0x8FFFFFFF  }
0x98: {  	s19 =	sld [smem:$0x3FDB];
	_ =	sdelay $0x1  }
0x99: {  	s20 =	simm.s32 $_scs_section_size  }
0x9a: {  	s4 =	simm.s32 $_size__tile_overlayer_lowered;
	s5 =	simm.s32 $_tile_overlayer_lowered  }
0x9b: {  	s6 =	simm.s32 $0x1BFF;
	s21 =	sshll.u32 s5, $0x1;
	s3 =	sadd.s32 s20, s19  }
0x9c: {  	s22 =	simm.s32 $0x0;
	s4 =	sshll.u32 s4, $0x1;
	s5 =	sadd.s32 s21, s3  }
0x9d: {  	[timem:s22], [sflag:s6] =	dma.local [hbm:s5], s4  }
0x9e: {  	_ =	swait.ge [sflag:s6], s4  }
0x9f: {  	s4 =	ssub.s32 $0x0, s4;
	[sflag:s6] =	ssyncset.done $0x0  }
0xa0: {  	[sflag:s6] =	ssyncadd.s32 s4;
	_ =	sdelay $0x1  }
0xa1: {  	s23 =	simm.s32 $0x1B8B  }
0xa2: {  	_ =	swait.ge [sflag:s23], $0x1  }
0xa3: {  	[sflag:s23] =	ssyncset.done $0x0  }
0xa4: {  	[sflag:s23] =	ssyncadd.s32 $0xFFFFFFFF  }
0xa5: {  	s4 =	sld [smem:$0x0]  }
0xa6: {  	s5 =	sand.u32 $0xFFFFFFFE, s1  }
0xa7: {  	p0 =	sne.s32 s1, s5  }
0xa8: {  	s5 =	sshll.u32 @p0 s5, $0xE  }
0xa9: {  	s5 =	sadd.s32 @p0 $0x11B8D, s5;
	s6 =	sshll.u32 @p0 s4, $0x11  }
0xaa: {  	s5 =	sor.u32 @p0 s6, s5  }
0xab: {  	[sflag:s5] =	ssyncadd.remote.s32 @p0 $0x1;
	_ =	sdelay $0x1  }
0xac: {  	s5 =	simm.s32 @p0 $0x1B8D  }
0xad: {  	_ =	swait.eq @p0 [sflag:s5], $0x1  }
0xae: {  	[sflag:s5] =	ssyncadd.s32 @p0 $0xFFFFFFFF  }
0xaf: {  	s6 =	sshll.u32 @!p0 s1, $0xE  }
0xb0: {  	s6 =	sor.u32 @!p0 $0x4000, s6;
	s5 =	simm.s32 @!p0 $0x1B8D  }
0xb1: {  	s4 =	sshll.u32 @!p0 s4, $0x11;
	s6 =	sadd.s32 @!p0 $0x11B8D, s6;
	_ =	swait.eq @!p0 [sflag:s5], $0x1  }
0xb2: {  	s4 =	sor.u32 @!p0 s4, s6;
	[sflag:s5] =	ssyncadd.s32 @!p0 $0xFFFFFFFF  }
0xb3: {  	s25 =	simm.s32 $0x1B8E;
	s24 =	sld [smem:$0x3FFE];
	[sflag:s4] =	ssyncadd.remote.s32 @!p0 $0x1  }
0xb4: {  	s26 =	simm.s32 $execute0_lowered;
	[smem:$0x3FD2] =	sst s25  }
0xb5: {  	s5 =	sshll.u32 s26, $0x1;
	_ =	strace $0x8000004F;
	[dreg:$0x1] =	wrdreg $0xFFFFFFFF  }
0xb6: {  	s28 =	simm.s32 $_size_execute0_lowered;
	s3 =	sadd.s32 s3, s5;
	[dreg:$0x0] =	wrdreg $0x0  }
0xb7: {  	s5 =	sshll.u32 s28, $0x1;
	[dreg:$0x2] =	wrdreg s3  }
0xb8: {  	[dreg:$0x3] =	wrdreg s5  }
0xb9: {  	[dreg:$0x4] =	wrdreg $0xC0  }
0xba: {  	_ =	task [dreg:s22], $0x5FFFF  }
0xbb: {  	[dreg:$0x1] =	wrdreg $0xFFFFFFFF  }
0xbc: {  	[dreg:$0x0] =	wrdreg $0x60  }
0xbd: {  	[dreg:$0x2] =	wrdreg s24  }
0xbe: {  	[dreg:$0x3] =	wrdreg $0x24000  }
0xbf: {  	[dreg:$0x4] =	wrdreg $0x9  }
0xc0: {  	_ =	task.clear_ibuf [dreg:s22], $0x5FFFF;
	_ =	strace $0x9000004F  }
0xc1: {  	s29 =	simm.s32 $0x9;
	_ =	strace $0x80000051  }
0xc2: {  	_ =	swait.ge [sflag:s29], $0x1  }
0xc3: {  	[sflag:s29] =	ssyncadd.s32 $0xFFFFFFFF  }
0xc4: {  	_ =	strace $0x90000051  }
0xc5: {  	_ =	sfence  }
0xc6: {  	s30 =	sld [smem:$0x0];
	_ =	sdelay $0x2  }
0xc7: {  	s31 =	sshll.u32 s1, $0xD;
	s1 =	sshrl.u32 s1, $0x2  }
0xc8: {  	s4 =	sand.u32 $0x4000, s31;
	s1 =	sadd.s32 s1, s30  }
0xc9: {  	s0 =	sor.u32 s4, s0;
	s1 =	sshll.u32 s1, $0x11  }
0xca: {  	s0 =	sor.u32 s1, s0  }
0xcb: {  	s0 =	sadd.s32 $0x8F2B, s0  }
0xcc: {  	[sflag:s0] =	ssyncadd.remote.s32 $0x1  }
0xcd: {  	_ =	sfence.sel $0xFFFF  }
0xce: {  	[dreg:$0x0] =	wrdreg $0xFFFFFFFF;
	(pc) =	sbr.abs _section_cstart, $3  }
0xcf: {  	[dreg:$0x1] =	wrdreg $0xFFFFFFFF  }
0xd0: {  	_ =	task.clear_ibuf [dreg:s22], $0x2FFFF;
	_ =	strace $0x9FFFFFFF  }
0xd1: {  	(tm) =	ssettm $0x7FFFFFFF  }
tec
execute0_lowered:
.L_overlay_start_1:
0x0: {  	(tag) =	ssettag $0x1  }
0x1: {  	s0 =	srdreg.scid  }
0x2: {  	s4 =	rddreg [dreg:$0x0];
	s6 =	sand.u32 $0x1, s0;
	s0 =	stileid.u32  }
0x3: {  	s2 =	rddreg [dreg:$0x1];
	s7 =	smul.u32 $0x2720, s0  }
0x4: {  	s3 =	simm.s32 $0x0;
	s16 =	simm.s32 $0x80;
	s24 =	smul.u32 $0x4E40, s6  }
0x5: {  	s17 =	simm.s32 $0x2;
	s18 =	simm.s32 $0x1300;
	s13 =	smul.u32 $0x14000, s6  }
0x6: {  	s19 =	simm.s32 $0x1380;
	[smem:$0x7FF] =	sst s3;
	s25 =	smul.u32 $0x1400, s0  }
0x7: {  	s8 =	sadd.s32 $0x20200, s4;
	s1 =	sshll.u32 s6, $0x4;
	s29 =	smul.u32 $0x28000, s6  }
0x8: {  	s10 =	ssub.s32 $0x2, s6;
	s26 =	sshll.u32 s0, $0x6;
	s30 =	smul.u32 $0x2800, s0  }
0x9: {  	s5 =	sor.u32 s0, s1;
	s1 =	rddreg [dreg:$0x2];
	_ =	strace $0x80000050  }
0xa: {  	s12 =	sshrl.u32 s10, $0x1;
	s5 =	smul.u32 $0x280, s5;
	s20 =	sshrl.u32 s7, $0x3  }
0xb: {  	s14 =	sadd.s32 s24, s4;
	s10 =	ssub.s32 s10, s12;
	s15 =	sadd.s32 s7, s2  }
0xc: {  	s28 =	sadd.s32 s25, s13;
	s12 =	simm.s32 $0x3;
	s13 =	simm.s32 $0x1400  }
0xd: {  	s11 =	sadd.s32 s20, s4;
	s7 =	sshll.u32 s28, $0x1;
	s21 =	sadd.s32 $0x70200, s14  }
0xe: {  	s14 =	simm.s32 $0x1;
	s9 =	sadd.s32 s5, s4;
	s4 =	sadd.s32 $0x7200, s11  }
0xf: {  	s5 =	sor.u32 $0x1C03, s26;
	s7 =	sadd.s32 s8, s7;
	s11 =	sadd.s32 s29, s8  }
0x10: {  	s8 =	smax.u32 s10, $0x1;
	s20 =	sadd.s32 s20, s21;
	s21 =	simm.s32 $0x0  }
0x11: {  	s6 =	sadd.s32 $0xBE5400, s9;
	s9 =	sadd.s32 $0x2700, s7;
	s31 =	sadd.s32 s30, s11  }
0x12: {  	s11 =	sshrl.u32 s15, $0x3;
	s15 =	simm.s32 $0x1C00;
	s10 =	sadd.s32 $0x200, s31  }
.LBB2_1:
0x13: {  	[spmem:s11], [sflag:s5] =	dma.local [hbm:s4], $0x4E4  }
0x14: {  	_ =	swait.ge [sflag:s12], $0x4E4  }
0x15: {  	[sflag:s12] =	ssyncset.done $0x0  }
0x16: {  	[sflag:s12] =	ssyncadd.s32 $0xFFFFFB1C  }
0x17: {  	[bflag:$0x0] =	sbarrier.arrive $0xFFFF  }
0x18: {  	[tilespmem:s3], [sflag:$0x3] =	stream.linear.gather [hbm4b:s6+s3], $0x1400, $0x38;
	[tilespmem:$0x4B20] =	vst v63  }
0x19: {  	_ =	swait.ge [sflag:s12], $0x1400  }
0x1a: {  	[sflag:s12] =	ssyncset.done $0x0  }
0x1b: {  	[sflag:s12] =	ssyncadd.s32 $0xFFFFEC00  }
0x1c: {  	[tilespmem:s13], [sflag:$0x1] =	stream.linear.gather [hbm4b:s7+s3], $0x800, $0x38;
	[tilespmem:$0x4B20] =	vst v63  }
0x1d: {  	_ =	swait.ge [sflag:s14], $0x800  }
0x1e: {  	[sflag:s14] =	ssyncset.done $0x0  }
0x1f: {  	s22 =	sadd.s32 $0xFFFFFF00, s10;
	[sflag:s14] =	ssyncadd.s32 $0xFFFFF800  }
0x20: {  	[tilespmem:s15], [sflag:$0x2] =	stream.linear.gather [hbm4b:s22+s3], $0x800, $0x38;
	[tilespmem:$0x4B20] =	vst v63  }
0x21: {  	s30 =	simm.s32 $0x0  }
0x22: {  	[spmem:s2] =	stream.indirect.scatter.add.f32 [tilespmem:s13], [sflag:$0x3], $0x10, s30, s16, $0xb8;
	[tilespmem:$0x4B20] =	vst v63  }
0x23: {  	_ =	swait.ge [sflag:s12], $0x800  }
0x24: {  	[sflag:s12] =	ssyncset.done $0x0  }
0x25: {  	[sflag:s12] =	ssyncadd.s32 $0xFFFFF800  }
0x26: {  	_ =	swait.ge [sflag:s17], $0x800  }
0x27: {  	[sflag:s17] =	ssyncset.done $0x0  }
0x28: {  	[sflag:s17] =	ssyncadd.s32 $0xFFFFF800  }
0x29: {  	[tilespmem:s13], [sflag:$0x1] =	stream.linear.gather [hbm4b:s10+s3], $0x800, $0x38;
	[tilespmem:$0x4B20] =	vst v63  }
0x2a: {  	s31 =	simm.s32 $0x80  }
0x2b: {  	[spmem:s2] =	stream.indirect.scatter.add.f32 [tilespmem:s15], [sflag:$0x3], $0x10, s31, s16, $0xb8;
	[tilespmem:$0x4B20] =	vst v63  }
0x2c: {  	_ =	swait.ge [sflag:s12], $0x800  }
0x2d: {  	s23 =	smov.u32 s10;
	s22 =	simm.s32 $0x400;
	[sflag:s12] =	ssyncset.done $0x0  }
.LBB2_2:
0x2e: {  	p0 =	sne.s32 s22, $0x4800;
	[sflag:s12] =	ssyncadd.s32 $0xFFFFF800;
	s23 =	sadd.s32 $0x200, s23  }
0x2f: {  	s24 =	smov.u32 s22;
	s22 =	sadd.s32 $0x400, s22  }
0x30: {  	_ =	swait.ge [sflag:s14], $0x800  }
0x31: {  	[sflag:s14] =	ssyncset.done $0x0  }
0x32: {  	s25 =	sadd.s32 $0xFFFFFF00, s23;
	[sflag:s14] =	ssyncadd.s32 $0xFFFFF800  }
0x33: {  	[tilespmem:s15], [sflag:$0x2] =	stream.linear.gather [hbm4b:s25+s3], $0x800, $0x38;
	[tilespmem:$0x4B20] =	vst v63  }
0x34: {  	s24 =	sshra.s32 s24, $0x2  }
0x35: {  	[spmem:s2] =	stream.indirect.scatter.add.f32 [tilespmem:s13], [sflag:$0x3], $0x10, s24, s16, $0xb8;
	[tilespmem:$0x4B20] =	vst v63  }
0x36: {  	_ =	swait.ge [sflag:s12], $0x800  }
0x37: {  	[sflag:s12] =	ssyncset.done $0x0  }
0x38: {  	[sflag:s12] =	ssyncadd.s32 $0xFFFFF800  }
0x39: {  	_ =	swait.ge [sflag:s17], $0x800  }
0x3a: {  	[sflag:s17] =	ssyncset.done $0x0  }
0x3b: {  	[sflag:s17] =	ssyncadd.s32 $0xFFFFF800  }
0x3c: {  	[tilespmem:s13], [sflag:$0x1] =	stream.linear.gather [hbm4b:s23+s3], $0x800, $0x38;
	[tilespmem:$0x4B20] =	vst v63  }
.Ltmp0:
0x3d: {  	_ = 	snop;
	(pc) =	sbr.rel @p0 .LBB2_2-.Ltmp0, $4  }
0x3e: {  	s24 =	sadd.s32 $0x80, s24  }
0x3f: {  	[spmem:s2] =	stream.indirect.scatter.add.f32 [tilespmem:s15], [sflag:$0x3], $0x10, s24, s16, $0xb8;
	[tilespmem:$0x4B20] =	vst v63  }
0x40: {  	_ =	swait.ge [sflag:s12], $0x800  }
0x41: {  	[sflag:s12] =	ssyncset.done $0x0  }
0x42: {  	[sflag:s12] =	ssyncadd.s32 $0xFFFFF800  }
0x43: {  	_ =	swait.ge [sflag:s14], $0x800  }
0x44: {  	[sflag:s14] =	ssyncset.done $0x0  }
0x45: {  	[sflag:s14] =	ssyncadd.s32 $0xFFFFF800  }
0x46: {  	[tilespmem:s15], [sflag:$0x2] =	stream.linear.gather [hbm4b:s9+s3], $0x800, $0x38;
	[tilespmem:$0x4B20] =	vst v63  }
0x47: {  	_ = 	snop  }
0x48: {  	[spmem:s2] =	stream.indirect.scatter.add.f32 [tilespmem:s13], [sflag:$0x3], $0x10, s18, s16, $0xb8;
	[tilespmem:$0x4B20] =	vst v63  }
0x49: {  	_ =	swait.ge [sflag:s12], $0x800  }
0x4a: {  	[sflag:s12] =	ssyncset.done $0x0  }
0x4b: {  	[sflag:s12] =	ssyncadd.s32 $0xFFFFF800  }
0x4c: {  	_ =	swait.ge [sflag:s17], $0x800  }
0x4d: {  	[sflag:s17] =	ssyncset.done $0x0  }
0x4e: {  	[sflag:s17] =	ssyncadd.s32 $0xFFFFF800  }
0x4f: {  	[spmem:s2] =	stream.indirect.scatter.add.f32 [tilespmem:s15], [sflag:$0x3], $0x10, s19, s16, $0xb8;
	[tilespmem:$0x4B20] =	vst v63  }
0x50: {  	_ =	swait.ge [sflag:s12], $0x800  }
0x51: {  	s21 =	sadd.s32 $0x1, s21;
	[sflag:s12] =	ssyncset.done $0x0  }
0x52: {  	p0 =	sne.s32 s21, s8;
	[sflag:s12] =	ssyncadd.s32 $0xFFFFF800  }
.Ltmp1:
0x53: {  	[bflag:$0x0] =	sbarrier.arrive $0xFFFF;
	(pc) =	sbr.rel @p0 .LBB2_1-.Ltmp1, $4  }
0x54: {  	[hbm:s20], [sflag:s5] =	dma.local [spmem:s11], $0x4E4  }
0x55: {  	_ =	swait.ge [sflag:s12], $0x4E4  }
0x56: {  	[sflag:s12] =	ssyncset.done $0x0  }
0x57: {  	[sflag:s12] =	ssyncadd.s32 $0xFFFFFB1C  }
0x58: {  	_ =	sfence.sel $0x180000  }
0x59: {  	[bflag:$0x0] =	sbarrier.arrive $0xFFFF  }
0x5a: {  	p0 =	sne.s32 s0, $0x0;
	_ =	strace $0x90000050  }
0x5b: {  	s0 =	sadd.s32 @!p0 $0x100000, s1;
	[bflag:$0x2] =	sbarrier.arrive $0xFFFF  }
0x5c: {  	[sflag:s0] =	ssyncadd.tile.s32 @!p0 $0x1;
	_ =	shalt  }
.Lfunc_end2:
_tile_overlayer_lowered:
.L_overlay_start_2:
0x5d: {  	(tag) =	ssettag $0x2  }
0x5e: {  	s0 =	rddreg [dreg:$0x0];
	s2 =	stileid.u32  }
0x5f: {  	s1 =	rddreg [dreg:$0x1];
	p0 =	sne.s32 s2, $0x0  }
0x60: {  	s3 =	rddreg [dreg:$0x2];
	[bflag:$0x3] =	sbarrier.arrive $0xFFFF;
	s2 =	simm.s32 @!p0 $0x1C03  }
0x61: {  	[timem:s3], [sflag:s2] =	dma.local @!p0 [hbm:s0], s1  }
0x62: {  	s0 =	simm.s32 @!p0 $0x3  }
0x63: {  	_ =	swait.ge @!p0 [sflag:s0], s1  }
0x64: {  	s1 =	ssub.s32 @!p0 $0x0, s1;
	[sflag:s0] =	ssyncset.done @!p0 $0x0  }
0x65: {  	[sflag:s0] =	ssyncadd.s32 @!p0 s1  }
0x66: {  	[bflag:$0x3] =	sbarrier.arrive $0xFFFF  }
0x67: {  	_ =	shalt  }

// kernel: kernel.31.cloned.1.call-start
scs
__scs_entry_jumppad:
0x0: {  	(pc) =	sbr.rel $0x88, $3  }
0x1: {  	(tag) =	ssettag $0x0;
	lr =	simm.s32 $0x1  }
0x2: {  	[smem:$0x3F8D] =	sst lr;
	_ =	strace $0xD0000000  }
0x3: {  	_ = 	snop  }
0x4: {  	_ = 	snop  }
0x5: {  	_ = 	snop  }
0x6: {  	_ = 	snop  }
0x7: {  	_ = 	snop  }
__scs_overlays_trampoline_lowered:
0x8: {  	[smem:$0x3F9C] =	sst s0  }
0x9: {  	[smem:$0x3F9D] =	sst s1  }
0xa: {  	[smem:$0x3F9E] =	sst s2  }
0xb: {  	[smem:$0x3F9F] =	sst s3  }
0xc: {  	[smem:$0x3FA0] =	sst s4  }
0xd: {  	[smem:$0x3FA1] =	sst s5  }
0xe: {  	[smem:$0x3FA2] =	sst s6  }
0xf: {  	[smem:$0x3FA3] =	sst s7  }
0x10: {  	[smem:$0x3FA4] =	sst s8  }
0x11: {  	[smem:$0x3FA5] =	sst s9;
	s0 =	simm.s32 @!p0 $0x0  }
0x12: {  	s1 =	sld [smem:$0x3F8B];
	s0 =	simm.s32 @p0 $0x1  }
0x13: {  	[smem:$0x3FA6] =	sst s0;
	s0 =	simm.s32 @!p1 $0x0  }
0x14: {  	s2 =	sld [smem:$0x3F8A];
	s0 =	simm.s32 @p1 $0x1  }
0x15: {  	[smem:$0x3FA7] =	sst s0;
	s0 =	simm.s32 @!p2 $0x0  }
0x16: {  	s3 =	sld [smem:$0x3FDB];
	s0 =	simm.s32 @p2 $0x1  }
0x17: {  	s4 =	simm.s32 $0x1BF5;
	[smem:$0x3FA9] =	sst s0  }
0x18: {  	s0 =	sld [smem:$0x3F8C];
	_ =	swait.ge [sflag:s4], $0x0  }
0x19: {  	s7 =	sld [smem:$0x3F8D]  }
0x1a: {  	s8 =	sadd.s32 $0xFFFFE003, lr  }
0x1b: {  	s9 =	sadd.s32 $0xFFFFFEF7, lr;
	s5 =	simm.s32 $0xFFFFFFFF;
	p2 =	slt.u32 s8, $0xFFFFF086  }
0x1c: {  	p1 =	slt.u32 s9, $0xF7A;
	s5 =	simm.s32 @!p2 $0x0  }
0x1d: {  	s5 =	simm.s32 @p1 $0x1;
	p0 =	seq.s32 s7, s2  }
0x1e: {  	s7 =	smul.u32 @!p0 $0xF7A, s2;
	p2 =	seq.s32 @!p0 s5, $0x0  }
0x1f: {  	s9 =	smul.u32 $0xF7A, s1;
	s8 =	simm.s32 @!p0 $0x1BF5;
	p2 =	por !p2, p0  }
0x20: {  	[sflag:s8] =	ssyncset.s32 @!p0 $0xFFFFF086;
	s6 =	sadd.s32 @!p0 s3, s7;
	s7 =	simm.s32 @!p0 $0x108  }
0x21: {  	s3 =	sadd.s32 s3, s9;
	s6 =	sadd.s32 @!p0 $0x88, s6;
	s7 =	simm.s32 @p2 $0x1082  }
0x22: {  	[simem:s7], [sflag:s8] =	dma.local @!p0 [hbm:s6], $0xF7A  }
0x23: {  	s9 =	sor.u32 $0xD0000000, s2;
	s6 =	simm.s32 $0x108;
	_ =	swait.ge @!p0 [sflag:s8], $0x0  }
0x24: {  	s3 =	sadd.s32 $0x88, s3;
	s6 =	simm.s32 @!p1 $0x1082;
	[sflag:s4] =	ssyncset.s32 $0xFFFFF086  }
0x25: {  	[simem:s6], [sflag:s4] =	dma.local [hbm:s3], $0xF7A  }
0x26: {  	[smem:$0x3F8D] =	sst s1;
	(tag) =	ssettag s2;
	_ =	strace s9  }
0x27: {  	s1 =	sld [smem:$0x3F9D]  }
0x28: {  	s2 =	sld [smem:$0x3F9E]  }
0x29: {  	s4 =	sld [smem:$0x3FA0]  }
0x2a: {  	p0 =	seq.s32 s5, $0x0;
	s5 =	sld [smem:$0x3FA1]  }
0x2b: {  	s6 =	sld [smem:$0x3FA2]  }
0x2c: {  	s7 =	sld [smem:$0x3FA3]  }
0x2d: {  	s3 =	simm.s32 $0x108;
	s8 =	sld [smem:$0x3FA4]  }
0x2e: {  	s3 =	simm.s32 @!p0 $0x1082;
	s9 =	sld [smem:$0x3FA5]  }
0x2f: {  	lr =	sadd.s32 s0, s3;
	s0 =	sld [smem:$0x3F9C]  }
0x30: {  	s3 =	sld [smem:$0x3F9F]  }
0x31: {  	[smem:$0x3FA8] =	sst s10  }
0x32: {  	s10 =	sld [smem:$0x3FA6];
	_ =	sdelay $0x3  }
0x33: {  	p0 =	seq.s32 s10, $0x1;
	s10 =	sld [smem:$0x3FA8];
	_ =	sdelay $0x3  }
0x34: {  	[smem:$0x3FA8] =	sst s10  }
0x35: {  	s10 =	sld [smem:$0x3FA7];
	_ =	sdelay $0x3  }
0x36: {  	p1 =	seq.s32 s10, $0x1;
	s10 =	sld [smem:$0x3FA8];
	_ =	sdelay $0x3  }
0x37: {  	[smem:$0x3FA8] =	sst s10  }
0x38: {  	s10 =	sld [smem:$0x3FA9]  }
0x39: {  	_ = 	snop;
	(pc) =	sbr.ind lr, $3  }
0x3a: {  	_ = 	snop  }
0x3b: {  	_ = 	snop  }
0x3c: {  	p2 =	seq.s32 s10, $0x1;
	s10 =	sld [smem:$0x3FA8]  }
0x3d: {  	_ =	shalt  }
0x3e: {  	_ =	shalt  }
0x3f: {  	_ =	shalt  }
0x40: {  	_ =	shalt  }
0x41: {  	_ =	shalt  }
0x42: {  	_ =	shalt  }
0x43: {  	_ =	shalt  }
0x44: {  	_ =	shalt  }
0x45: {  	_ =	shalt  }
0x46: {  	_ =	shalt  }
0x47: {  	_ =	shalt  }
0x48: {  	_ =	shalt  }
0x49: {  	_ =	shalt  }
0x4a: {  	_ =	shalt  }
0x4b: {  	_ =	shalt  }
0x4c: {  	_ =	shalt  }
0x4d: {  	_ =	shalt  }
0x4e: {  	_ =	shalt  }
0x4f: {  	_ =	shalt  }
0x50: {  	_ =	shalt  }
0x51: {  	_ =	shalt  }
0x52: {  	_ =	shalt  }
0x53: {  	_ =	shalt  }
0x54: {  	_ =	shalt  }
0x55: {  	_ =	shalt  }
0x56: {  	_ =	shalt  }
0x57: {  	_ =	shalt  }
0x58: {  	_ =	shalt  }
0x59: {  	_ =	shalt  }
0x5a: {  	_ =	shalt  }
0x5b: {  	_ =	shalt  }
0x5c: {  	_ =	shalt  }
0x5d: {  	_ =	shalt  }
0x5e: {  	_ =	shalt  }
0x5f: {  	_ =	shalt  }
0x60: {  	_ =	shalt  }
0x61: {  	_ =	shalt  }
0x62: {  	_ =	shalt  }
0x63: {  	_ =	shalt  }
0x64: {  	_ =	shalt  }
0x65: {  	_ =	shalt  }
0x66: {  	_ =	shalt  }
0x67: {  	_ =	shalt  }
0x68: {  	_ =	shalt  }
0x69: {  	_ =	shalt  }
0x6a: {  	_ =	shalt  }
0x6b: {  	_ =	shalt  }
0x6c: {  	_ =	shalt  }
0x6d: {  	_ =	shalt  }
0x6e: {  	_ =	shalt  }
0x6f: {  	_ =	shalt  }
0x70: {  	_ =	shalt  }
0x71: {  	_ =	shalt  }
0x72: {  	_ =	shalt  }
0x73: {  	_ =	shalt  }
0x74: {  	_ =	shalt  }
0x75: {  	_ =	shalt  }
0x76: {  	_ =	shalt  }
0x77: {  	_ =	shalt  }
0x78: {  	_ =	shalt  }
0x79: {  	_ =	shalt  }
0x7a: {  	_ =	shalt  }
0x7b: {  	_ =	shalt  }
0x7c: {  	_ =	shalt  }
0x7d: {  	_ =	shalt  }
0x7e: {  	_ =	shalt  }
0x7f: {  	_ =	shalt  }
0x80: {  	_ =	shalt  }
0x81: {  	_ =	shalt  }
0x82: {  	_ =	shalt  }
0x83: {  	_ =	shalt  }
0x84: {  	_ =	shalt  }
0x85: {  	_ =	shalt  }
0x86: {  	_ =	shalt  }
0x87: {  	_ =	shalt  }
.Lfunc_end0:
.L_simem_size_0:
called_computation.6_lowered:
.L_overlay_start_0:
0x88: {  	s2 =	sld [smem:$0x3FD9]  }
0x89: {  	s3 =	sld [smem:$0x3FFE];
	_ =	sdelay $0x1  }
0x8a: {  	s1 =	srdreg.scid  }
0x8b: {  	s0 =	sand.u32 $0x1, s1  }
0x8c: {  	s17 =	sshll.u32 s0, $0xA;
	s2 =	sadd.s32 s3, s2  }
0x8d: {  	s2 =	sadd.s32 s2, s17  }
0x8e: {  	[smem:$0x3FB4] =	sst s2  }
0x8f: {  	_ = 	snop  }
0x90: {  	(tm) =	ssettm $0x1  }
0x91: {  	s18 =	sld [smem:$0x3FFB];
	_ =	sdelay $0x3  }
0x92: {  	_ =	strace s18  }
0x93: {  	s2 =	sld [smem:$0x3FFC];
	_ =	sdelay $0x3  }
0x94: {  	_ =	strace s2  }
0x95: {  	s2 =	sld [smem:$0x3FFD];
	_ =	sdelay $0x3  }
0x96: {  	_ =	strace s2  }
0x97: {  	_ =	strace $0x8FFFFFFF  }
0x98: {  	s19 =	sld [smem:$0x3FDB];
	_ =	sdelay $0x1  }
0x99: {  	s20 =	simm.s32 $_scs_section_size  }
0x9a: {  	s4 =	simm.s32 $_size__tile_overlayer_lowered;
	s5 =	simm.s32 $_tile_overlayer_lowered  }
0x9b: {  	s6 =	simm.s32 $0x1BFF;
	s21 =	sshll.u32 s5, $0x1;
	s3 =	sadd.s32 s20, s19  }
0x9c: {  	s22 =	simm.s32 $0x0;
	s4 =	sshll.u32 s4, $0x1;
	s5 =	sadd.s32 s21, s3  }
0x9d: {  	[timem:s22], [sflag:s6] =	dma.local [hbm:s5], s4  }
0x9e: {  	_ =	swait.ge [sflag:s6], s4  }
0x9f: {  	s4 =	ssub.s32 $0x0, s4;
	[sflag:s6] =	ssyncset.done $0x0  }
0xa0: {  	[sflag:s6] =	ssyncadd.s32 s4;
	_ =	sdelay $0x1  }
0xa1: {  	s23 =	simm.s32 $0x1B8B  }
0xa2: {  	_ =	swait.ge [sflag:s23], $0x1  }
0xa3: {  	[sflag:s23] =	ssyncset.done $0x0  }
0xa4: {  	[sflag:s23] =	ssyncadd.s32 $0xFFFFFFFF  }
0xa5: {  	s4 =	sld [smem:$0x0]  }
0xa6: {  	s5 =	sand.u32 $0xFFFFFFFE, s1  }
0xa7: {  	p0 =	sne.s32 s1, s5  }
0xa8: {  	s5 =	sshll.u32 @p0 s5, $0xE  }
0xa9: {  	s5 =	sadd.s32 @p0 $0x11B8D, s5;
	s6 =	sshll.u32 @p0 s4, $0x11  }
0xaa: {  	s5 =	sor.u32 @p0 s6, s5  }
0xab: {  	[sflag:s5] =	ssyncadd.remote.s32 @p0 $0x1;
	_ =	sdelay $0x1  }
0xac: {  	s5 =	simm.s32 @p0 $0x1B8D  }
0xad: {  	_ =	swait.eq @p0 [sflag:s5], $0x1  }
0xae: {  	[sflag:s5] =	ssyncadd.s32 @p0 $0xFFFFFFFF  }
0xaf: {  	s6 =	sshll.u32 @!p0 s1, $0xE  }
0xb0: {  	s6 =	sor.u32 @!p0 $0x4000, s6;
	s5 =	simm.s32 @!p0 $0x1B8D  }
0xb1: {  	s4 =	sshll.u32 @!p0 s4, $0x11;
	s6 =	sadd.s32 @!p0 $0x11B8D, s6;
	_ =	swait.eq @!p0 [sflag:s5], $0x1  }
0xb2: {  	s4 =	sor.u32 @!p0 s4, s6;
	[sflag:s5] =	ssyncadd.s32 @!p0 $0xFFFFFFFF  }
0xb3: {  	s25 =	simm.s32 $0x1B8E;
	s24 =	sld [smem:$0x3FFE];
	[sflag:s4] =	ssyncadd.remote.s32 @!p0 $0x1  }
0xb4: {  	s26 =	simm.s32 $execute0_lowered;
	[smem:$0x3FD2] =	sst s25  }
0xb5: {  	s5 =	sshll.u32 s26, $0x1;
	_ =	strace $0x80000055;
	[dreg:$0x1] =	wrdreg $0xFFFFFFFF  }
0xb6: {  	s28 =	simm.s32 $_size_execute0_lowered;
	s3 =	sadd.s32 s3, s5;
	[dreg:$0x0] =	wrdreg $0x0  }
0xb7: {  	s5 =	sshll.u32 s28, $0x1;
	[dreg:$0x2] =	wrdreg s3  }
0xb8: {  	[dreg:$0x3] =	wrdreg s5  }
0xb9: {  	[dreg:$0x4] =	wrdreg $0xC0  }
0xba: {  	_ =	task [dreg:s22], $0x5FFFF  }
0xbb: {  	[dreg:$0x1] =	wrdreg $0xFFFFFFFF  }
0xbc: {  	[dreg:$0x0] =	wrdreg $0x60  }
0xbd: {  	[dreg:$0x2] =	wrdreg s24  }
0xbe: {  	[dreg:$0x3] =	wrdreg $0x94000  }
0xbf: {  	[dreg:$0x4] =	wrdreg $0xC  }
0xc0: {  	_ =	task.clear_ibuf [dreg:s22], $0x5FFFF;
	_ =	strace $0x90000055  }
0xc1: {  	s29 =	simm.s32 $0xC;
	_ =	strace $0x80000057  }
0xc2: {  	_ =	swait.ge [sflag:s29], $0x1  }
0xc3: {  	[sflag:s29] =	ssyncadd.s32 $0xFFFFFFFF  }
0xc4: {  	_ =	strace $0x90000057  }
0xc5: {  	_ =	sfence  }
0xc6: {  	s30 =	sld [smem:$0x0];
	_ =	sdelay $0x2  }
0xc7: {  	s31 =	sshll.u32 s1, $0xD;
	s1 =	sshrl.u32 s1, $0x2  }
0xc8: {  	s4 =	sand.u32 $0x4000, s31;
	s1 =	sadd.s32 s1, s30  }
0xc9: {  	s0 =	sor.u32 s4, s0;
	s1 =	sshll.u32 s1, $0x11  }
0xca: {  	s0 =	sor.u32 s1, s0  }
0xcb: {  	s0 =	sadd.s32 $0x8F2B, s0  }
0xcc: {  	[sflag:s0] =	ssyncadd.remote.s32 $0x1  }
0xcd: {  	_ =	sfence.sel $0xFFFF  }
0xce: {  	[dreg:$0x0] =	wrdreg $0xFFFFFFFF;
	(pc) =	sbr.abs _section_cstart, $3  }
0xcf: {  	[dreg:$0x1] =	wrdreg $0xFFFFFFFF  }
0xd0: {  	_ =	task.clear_ibuf [dreg:s22], $0x2FFFF;
	_ =	strace $0x9FFFFFFF  }
0xd1: {  	(tm) =	ssettm $0x7FFFFFFF  }
tec
execute0_lowered:
.L_overlay_start_1:
0x0: {  	(tag) =	ssettag $0x1  }
0x1: {  	s4 =	rddreg [dreg:$0x0]  }
0x2: {  	s0 =	srdreg.scid;
	s2 =	rddreg [dreg:$0x1]  }
0x3: {  	s28 =	simm.s32 $0x5400;
	s29 =	simm.s32 $0x80;
	s30 =	simm.s32 $0x2  }
0x4: {  	s1 =	sand.u32 $0x1, s0;
	s0 =	stileid.u32;
	s15 =	sadd.s32 $0x1FC7400, s4  }
0x5: {  	s31 =	simm.s32 $0x1300;
	s14 =	sadd.s32 $0x371200, s4;
	s6 =	smul.u32 $0x2800, s0  }
0x6: {  	s17 =	sadd.s32 $0x398400, s4;
	s3 =	sshll.u32 s1, $0x4;
	s22 =	smul.u32 $0x50000, s0  }
0x7: {  	s7 =	ssub.s32 $0x2, s1;
	p0 =	seq.s32 s0, $0xF;
	s11 =	smul.u32 $0x28000, s0  }
0x8: {  	p3 =	sne.s32 s0, $0xF;
	s25 =	smul.u32 $0x140000, s0;
	p4 =	seq.s32 s1, $0x0  }
0x9: {  	p2 =	seq.s32 s1, $0x1;
	s5 =	sor.u32 s0, s3;
	s3 =	simm.s32 $0x0  }
0xa: {  	s8 =	sshrl.u32 s7, $0x1;
	p1 =	por !p4, !p3;
	p4 =	por !p4, !p0  }
0xb: {  	p5 =	por !p3, !p2;
	s5 =	smul.u32 $0x2800, s5;
	[smem:$0x7FF] =	sst s3  }
0xc: {  	s9 =	sadd.s32 s6, s4;
	s16 =	ssub.s32 s7, s8;
	s7 =	sadd.s32 $0x12C000, s2  }
0xd: {  	s23 =	sshrl.u32 s22, $0x2;
	s11 =	sadd.s32 s15, s11;
	p1 =	por !p1, !p1  }
0xe: {  	s26 =	sshrl.u32 s25, $0x3;
	p3 =	por !p4, !p4;
	p6 =	por !p5, !p5  }
0xf: {  	s25 =	simm.s32 $0x1400;
	_ =	strace $0x80000056;
	s8 =	sadd.s32 s23, s2  }
0x10: {  	s24 =	sadd.s32 $0x34A000, s9;
	s13 =	sadd.s32 $0x14000, s11;
	[dreg:$0x3] =	wrdreg s14  }
0x11: {  	s14 =	sadd.s32 s14, s6;
	s1 =	sadd.s32 s15, s26;
	[dreg:$0x4] =	wrdreg s17  }
0x12: {  	s15 =	sadd.s32 s17, s6;
	s16 =	smax.u32 s16, $0x1;
	s18 =	sadd.s32 $0x27800, s11  }
0x13: {  	s6 =	sadd.s32 $0x1000, s11;
	s20 =	sadd.s32 $0x15000, s11;
	[dreg:$0x5] =	wrdreg s7  }
0x14: {  	s21 =	sshrl.u32 @p0 s7, $0x3;
	p4 =	por !p6, p3;
	s26 =	simm.s32 $0x1  }
.Ltmp0:
0x15: {  	s5 =	sshrl.u32 s5, $0x3;
	[dreg:$0x7] =	wrdreg s24;
	(pc) =	sbr.rel .LBB2_1-.Ltmp0, $4  }
0x16: {  	s17 =	sadd.s32 $0x13800, s1;
	s1 =	sshll.u32 @!p0 s0, $0x6;
	s23 =	sshrl.u32 @!p0 s8, $0x3  }
0x17: {  	s24 =	simm.s32 $0x3;
	s5 =	sadd.s32 s5, s4;
	s4 =	sadd.s32 $0x36F800, s4  }
0x18: {  	s22 =	sor.u32 @!p0 $0x1C03, s1;
	s1 =	simm.s32 $0x1380;
	[dreg:$0x6] =	wrdreg s4  }
0x19: {  	s10 =	sadd.s32 $0xC200, s5;
	s12 =	sadd.s32 $0xC480, s5;
	s4 =	simm.s32 $0x0  }
.LBB2_7:
0x1a: {  	s4 =	sadd.s32 $0x1, s4  }
0x1b: {  	p5 =	sne.s32 s4, s16  }
.Ltmp1:
0x1c: {  	_ = 	snop;
	(pc) =	sbr.rel @!p5 .LBB2_8-.Ltmp1, $1  }
0x1d: {  	_ =	sdelay $0x3  }
.LBB2_1:
0x1e: {  	s5 =	simm.s32 @p0 $0x1FC3;
	s7 =	rddreg [dreg:$0x6]  }
0x1f: {  	[spmem:s21], [sflag:s5] =	dma.local @p0 [hbm:s7], $0x1A00  }
0x20: {  	s5 =	simm.s32 @p0 $0x3  }
0x21: {  	_ =	swait.ge @p0 [sflag:s5], $0x1A00  }
0x22: {  	[sflag:s5] =	ssyncset.done @p0 $0x0  }
0x23: {  	[sflag:s5] =	ssyncadd.s32 @p0 $0xFFFFE600;
	s5 =	rddreg [dreg:$0x7]  }
0x24: {  	[spmem:s23], [sflag:s22] =	dma.local @!p0 [hbm:s5], $0x2800  }
0x25: {  	s5 =	simm.s32 @!p0 $0x3  }
0x26: {  	_ =	swait.ge @!p0 [sflag:s5], $0x2800  }
0x27: {  	[sflag:s5] =	ssyncset.done @!p0 $0x0  }
0x28: {  	[sflag:s5] =	ssyncadd.s32 @!p0 $0xFFFFD800  }
0x29: {  	[bflag:$0x0] =	sbarrier.arrive $0xFFFF  }
0x2a: {  	[tilespmem:s3], [sflag:$0x3] =	stream.linear.gather [hbm4b:s10+s3], $0x1400, $0x38;
	[tilespmem:$0x1CD00] =	vst v63  }
0x2b: {  	_ =	swait.ge [sflag:s24], $0x1400  }
0x2c: {  	[sflag:s24] =	ssyncset.done $0x0  }
0x2d: {  	[sflag:s24] =	ssyncadd.s32 $0xFFFFEC00  }
0x2e: {  	[tilespmem:s25], [sflag:$0x1] =	stream.linear.gather [hbm4b:s11+s3], $0x4000, $0x38;
	[tilespmem:$0x1CD00] =	vst v63  }
0x2f: {  	_ =	swait.ge [sflag:s26], $0x4000  }
0x30: {  	[sflag:s26] =	ssyncset.done $0x0  }
0x31: {  	s7 =	sadd.s32 $0xFFFFF800, s6;
	[sflag:s26] =	ssyncadd.s32 $0xFFFFC000  }
0x32: {  	[tilespmem:s28], [sflag:$0x2] =	stream.linear.gather [hbm4b:s7+s3], $0x4000, $0x38;
	[tilespmem:$0x1CD00] =	vst v63  }
0x33: {  	s9 =	simm.s32 $0x0  }
0x34: {  	[spmem:s2] =	stream.indirect.scatter.add.f32 [tilespmem:s25], [sflag:$0x3], $0x80, s9, s29, $0xb8;
	[tilespmem:$0x1CD00] =	vst v63  }
0x35: {  	_ =	swait.ge [sflag:s24], $0x4000  }
0x36: {  	[sflag:s24] =	ssyncset.done $0x0  }
0x37: {  	[sflag:s24] =	ssyncadd.s32 $0xFFFFC000  }
0x38: {  	_ =	swait.ge [sflag:s30], $0x4000  }
0x39: {  	[sflag:s30] =	ssyncset.done $0x0  }
0x3a: {  	[sflag:s30] =	ssyncadd.s32 $0xFFFFC000  }
0x3b: {  	[tilespmem:s25], [sflag:$0x1] =	stream.linear.gather [hbm4b:s6+s3], $0x4000, $0x38;
	[tilespmem:$0x1CD00] =	vst v63  }
0x3c: {  	s19 =	simm.s32 $0x80  }
0x3d: {  	[spmem:s2] =	stream.indirect.scatter.add.f32 [tilespmem:s28], [sflag:$0x3], $0x80, s19, s29, $0xb8;
	[tilespmem:$0x1CD00] =	vst v63  }
0x3e: {  	_ =	swait.ge [sflag:s24], $0x4000  }
0x3f: {  	s5 =	simm.s32 $0x400;
	s19 =	smov.u32 s6;
	[sflag:s24] =	ssyncset.done $0x0  }
.LBB2_2:
0x40: {  	p5 =	sne.s32 s5, $0x4800;
	[sflag:s24] =	ssyncadd.s32 $0xFFFFC000;
	s19 =	sadd.s32 $0x1000, s19  }
0x41: {  	s7 =	smov.u32 s5;
	s5 =	sadd.s32 $0x400, s5  }
0x42: {  	_ =	swait.ge [sflag:s26], $0x4000  }
0x43: {  	[sflag:s26] =	ssyncset.done $0x0  }
0x44: {  	s9 =	sadd.s32 $0xFFFFF800, s19;
	[sflag:s26] =	ssyncadd.s32 $0xFFFFC000  }
0x45: {  	[tilespmem:s28], [sflag:$0x2] =	stream.linear.gather [hbm4b:s9+s3], $0x4000, $0x38;
	[tilespmem:$0x1CD00] =	vst v63  }
0x46: {  	s7 =	sshra.s32 s7, $0x2  }
0x47: {  	[spmem:s2] =	stream.indirect.scatter.add.f32 [tilespmem:s25], [sflag:$0x3], $0x80, s7, s29, $0xb8;
	[tilespmem:$0x1CD00] =	vst v63  }
0x48: {  	_ =	swait.ge [sflag:s24], $0x4000  }
0x49: {  	[sflag:s24] =	ssyncset.done $0x0  }
0x4a: {  	[sflag:s24] =	ssyncadd.s32 $0xFFFFC000  }
0x4b: {  	_ =	swait.ge [sflag:s30], $0x4000  }
0x4c: {  	[sflag:s30] =	ssyncset.done $0x0  }
0x4d: {  	[sflag:s30] =	ssyncadd.s32 $0xFFFFC000  }
0x4e: {  	[tilespmem:s25], [sflag:$0x1] =	stream.linear.gather [hbm4b:s19+s3], $0x4000, $0x38;
	[tilespmem:$0x1CD00] =	vst v63  }
.Ltmp2:
0x4f: {  	_ = 	snop;
	(pc) =	sbr.rel @p5 .LBB2_2-.Ltmp2, $4  }
0x50: {  	s7 =	sadd.s32 $0x80, s7  }
0x51: {  	[spmem:s2] =	stream.indirect.scatter.add.f32 [tilespmem:s28], [sflag:$0x3], $0x80, s7, s29, $0xb8;
	[tilespmem:$0x1CD00] =	vst v63  }
0x52: {  	_ =	swait.ge [sflag:s24], $0x4000  }
0x53: {  	[sflag:s24] =	ssyncset.done $0x0  }
0x54: {  	[sflag:s24] =	ssyncadd.s32 $0xFFFFC000  }
0x55: {  	_ =	swait.ge [sflag:s26], $0x4000  }
0x56: {  	[sflag:s26] =	ssyncset.done $0x0  }
0x57: {  	s5 =	simm.s32 $0x0;
	[sflag:s26] =	ssyncadd.s32 $0xFFFFC000  }
0x58: {  	[tilespmem:s28], [sflag:$0x2] =	stream.linear.gather [hbm4b:s17+s5], $0x4000, $0x38;
	[tilespmem:$0x1CD00] =	vst v63  }
0x59: {  	_ = 	snop  }
0x5a: {  	[spmem:s2] =	stream.indirect.scatter.add.f32 [tilespmem:s25], [sflag:$0x3], $0x80, s31, s29, $0xb8;
	[tilespmem:$0x1CD00] =	vst v63  }
0x5b: {  	_ =	swait.ge [sflag:s24], $0x4000  }
0x5c: {  	[sflag:s24] =	ssyncset.done $0x0  }
0x5d: {  	[sflag:s24] =	ssyncadd.s32 $0xFFFFC000  }
0x5e: {  	_ =	swait.ge [sflag:s30], $0x4000  }
0x5f: {  	[sflag:s30] =	ssyncset.done $0x0  }
0x60: {  	[sflag:s30] =	ssyncadd.s32 $0xFFFFC000  }
0x61: {  	[spmem:s2] =	stream.indirect.scatter.add.f32 [tilespmem:s28], [sflag:$0x3], $0x80, s1, s29, $0xb8;
	[tilespmem:$0x1CD00] =	vst v63  }
0x62: {  	_ =	swait.ge [sflag:s24], $0x4000  }
0x63: {  	[sflag:s24] =	ssyncset.done $0x0  }
0x64: {  	[sflag:s24] =	ssyncadd.s32 $0xFFFFC000  }
0x65: {  	[tilespmem:s5], [sflag:$0x3] =	stream.linear.gather [hbm4b:s12+s5], $0x1400, $0x38;
	[tilespmem:$0x1CD00] =	vst v63  }
0x66: {  	_ =	swait.ge [sflag:s24], $0x1400  }
0x67: {  	[sflag:s24] =	ssyncset.done $0x0  }
0x68: {  	[sflag:s24] =	ssyncadd.s32 $0xFFFFEC00  }
0x69: {  	[tilespmem:s25], [sflag:$0x1] =	stream.linear.gather [hbm4b:s13+s5], $0x4000, $0x38;
	[tilespmem:$0x1CD00] =	vst v63  }
0x6a: {  	_ =	swait.ge [sflag:s26], $0x4000  }
0x6b: {  	[sflag:s26] =	ssyncset.done $0x0  }
0x6c: {  	s7 =	sadd.s32 $0xFFFFF800, s20;
	[sflag:s26] =	ssyncadd.s32 $0xFFFFC000  }
0x6d: {  	[tilespmem:s28], [sflag:$0x2] =	stream.linear.gather [hbm4b:s7+s3], $0x4000, $0x38;
	[tilespmem:$0x1CD00] =	vst v63  }
0x6e: {  	s9 =	simm.s32 $0x0  }
0x6f: {  	[spmem:s2] =	stream.indirect.scatter.add.f32 [tilespmem:s25], [sflag:$0x3], $0x80, s9, s29, $0xb8;
	[tilespmem:$0x1CD00] =	vst v63  }
0x70: {  	_ =	swait.ge [sflag:s24], $0x4000  }
0x71: {  	[sflag:s24] =	ssyncset.done $0x0  }
0x72: {  	[sflag:s24] =	ssyncadd.s32 $0xFFFFC000  }
0x73: {  	_ =	swait.ge [sflag:s30], $0x4000  }
0x74: {  	[sflag:s30] =	ssyncset.done $0x0  }
0x75: {  	[sflag:s30] =	ssyncadd.s32 $0xFFFFC000  }
0x76: {  	[tilespmem:s25], [sflag:$0x1] =	stream.linear.gather [hbm4b:s20+s3], $0x4000, $0x38;
	[tilespmem:$0x1CD00] =	vst v63  }
0x77: {  	s19 =	simm.s32 $0x80  }
0x78: {  	[spmem:s2] =	stream.indirect.scatter.add.f32 [tilespmem:s28], [sflag:$0x3], $0x80, s19, s29, $0xb8;
	[tilespmem:$0x1CD00] =	vst v63  }
0x79: {  	_ =	swait.ge [sflag:s24], $0x4000  }
0x7a: {  	s5 =	simm.s32 $0x400;
	s19 =	smov.u32 s20;
	[sflag:s24] =	ssyncset.done $0x0  }
.LBB2_4:
0x7b: {  	p5 =	sne.s32 s5, $0x4800;
	[sflag:s24] =	ssyncadd.s32 $0xFFFFC000;
	s19 =	sadd.s32 $0x1000, s19  }
0x7c: {  	s7 =	smov.u32 s5;
	s5 =	sadd.s32 $0x400, s5  }
0x7d: {  	_ =	swait.ge [sflag:s26], $0x4000  }
0x7e: {  	[sflag:s26] =	ssyncset.done $0x0  }
0x7f: {  	s9 =	sadd.s32 $0xFFFFF800, s19;
	[sflag:s26] =	ssyncadd.s32 $0xFFFFC000  }
0x80: {  	[tilespmem:s28], [sflag:$0x2] =	stream.linear.gather [hbm4b:s9+s3], $0x4000, $0x38;
	[tilespmem:$0x1CD00] =	vst v63  }
0x81: {  	s7 =	sshra.s32 s7, $0x2  }
0x82: {  	[spmem:s2] =	stream.indirect.scatter.add.f32 [tilespmem:s25], [sflag:$0x3], $0x80, s7, s29, $0xb8;
	[tilespmem:$0x1CD00] =	vst v63  }
0x83: {  	_ =	swait.ge [sflag:s24], $0x4000  }
0x84: {  	[sflag:s24] =	ssyncset.done $0x0  }
0x85: {  	[sflag:s24] =	ssyncadd.s32 $0xFFFFC000  }
0x86: {  	_ =	swait.ge [sflag:s30], $0x4000  }
0x87: {  	[sflag:s30] =	ssyncset.done $0x0  }
0x88: {  	[sflag:s30] =	ssyncadd.s32 $0xFFFFC000  }
0x89: {  	[tilespmem:s25], [sflag:$0x1] =	stream.linear.gather [hbm4b:s19+s3], $0x4000, $0x38;
	[tilespmem:$0x1CD00] =	vst v63  }
.Ltmp3:
0x8a: {  	_ = 	snop;
	(pc) =	sbr.rel @p5 .LBB2_4-.Ltmp3, $4  }
0x8b: {  	s7 =	sadd.s32 $0x80, s7  }
0x8c: {  	[spmem:s2] =	stream.indirect.scatter.add.f32 [tilespmem:s28], [sflag:$0x3], $0x80, s7, s29, $0xb8;
	[tilespmem:$0x1CD00] =	vst v63  }
0x8d: {  	_ =	swait.ge [sflag:s24], $0x4000  }
0x8e: {  	[sflag:s24] =	ssyncset.done $0x0  }
0x8f: {  	[sflag:s24] =	ssyncadd.s32 $0xFFFFC000  }
0x90: {  	_ =	swait.ge [sflag:s26], $0x4000  }
0x91: {  	[sflag:s26] =	ssyncset.done $0x0  }
0x92: {  	[sflag:s26] =	ssyncadd.s32 $0xFFFFC000  }
0x93: {  	[tilespmem:s28], [sflag:$0x2] =	stream.linear.gather [hbm4b:s18+s3], $0x4000, $0x38;
	[tilespmem:$0x1CD00] =	vst v63  }
0x94: {  	_ = 	snop  }
0x95: {  	[spmem:s2] =	stream.indirect.scatter.add.f32 [tilespmem:s25], [sflag:$0x3], $0x80, s31, s29, $0xb8;
	[tilespmem:$0x1CD00] =	vst v63  }
0x96: {  	_ =	swait.ge [sflag:s24], $0x4000  }
0x97: {  	[sflag:s24] =	ssyncset.done $0x0  }
0x98: {  	[sflag:s24] =	ssyncadd.s32 $0xFFFFC000  }
0x99: {  	_ =	swait.ge [sflag:s30], $0x4000  }
0x9a: {  	[sflag:s30] =	ssyncset.done $0x0  }
0x9b: {  	[sflag:s30] =	ssyncadd.s32 $0xFFFFC000  }
0x9c: {  	[spmem:s2] =	stream.indirect.scatter.add.f32 [tilespmem:s28], [sflag:$0x3], $0x80, s1, s29, $0xb8;
	[tilespmem:$0x1CD00] =	vst v63  }
0x9d: {  	_ =	swait.ge [sflag:s24], $0x4000  }
0x9e: {  	s5 =	sshll.u32 @p1 s0, $0x6;
	s7 =	sshrl.u32 @p1 s8, $0x3;
	[sflag:s24] =	ssyncset.done $0x0  }
0x9f: {  	p5 =	por @!p4 $0x1, $0x1;
	p6 =	por p2, p2;
	[sflag:s24] =	ssyncadd.s32 $0xFFFFC000  }
0xa0: {  	s5 =	sor.u32 @p1 $0x1C03, s5;
	p6 =	por @!p4 p5, p5;
	[bflag:$0x0] =	sbarrier.arrive $0xFFFF  }
0xa1: {  	[hbm:s14], [sflag:s5] =	dma.local @p1 [spmem:s7], $0x2800  }
0xa2: {  	p5 =	por @!p3 !p6, !p0;
	s5 =	simm.s32 @p1 $0x3  }
0xa3: {  	p5 =	por @!p3 !p5, !p5;
	_ =	swait.ge @p1 [sflag:s5], $0x2800  }
0xa4: {  	p5 =	por p3, p5;
	s7 =	sshll.u32 @!p4 s0, $0x6;
	[sflag:s5] =	ssyncset.done @p1 $0x0  }
0xa5: {  	[sflag:s5] =	ssyncadd.s32 @p1 $0xFFFFD800;
	s5 =	sor.u32 @!p4 $0x1C03, s7;
	s7 =	sshrl.u32 @!p4 s8, $0x3  }
0xa6: {  	[hbm:s15], [sflag:s5] =	dma.local @!p4 [spmem:s7], $0x2800  }
.Ltmp4:
0xa7: {  	_ = 	snop;
	(pc) =	sbr.rel @!p5 .LBB2_7-.Ltmp4, $4  }
0xa8: {  	s5 =	simm.s32 @!p4 $0x3  }
0xa9: {  	_ =	swait.ge @!p4 [sflag:s5], $0x2800  }
0xaa: {  	[sflag:s5] =	ssyncset.done @!p4 $0x0  }
0xab: {  	[sflag:s5] =	ssyncadd.s32 @!p4 $0xFFFFD800  }
0xac: {  	s5 =	rddreg [dreg:$0x4]  }
0xad: {  	s7 =	rddreg [dreg:$0x3]  }
0xae: {  	s19 =	rddreg [dreg:$0x5];
	s9 =	simm.s32 $0x1FC3;
	s5 =	smov.u32 @p3 s7  }
.Ltmp5:
0xaf: {  	s7 =	sshrl.u32 s19, $0x3;
	s5 =	sadd.s32 $0x25800, s5;
	(pc) =	sbr.rel .LBB2_7-.Ltmp5, $4  }
0xb0: {  	[hbm:s5], [sflag:s9] =	dma.local [spmem:s7], $0x1A00  }
0xb1: {  	_ =	swait.ge [sflag:s24], $0x1A00  }
0xb2: {  	[sflag:s24] =	ssyncset.done $0x0  }
0xb3: {  	[sflag:s24] =	ssyncadd.s32 $0xFFFFE600  }
.LBB2_8:
0xb4: {  	_ =	sfence.sel $0x180000  }
0xb5: {  	[bflag:$0x0] =	sbarrier.arrive $0xFFFF  }
0xb6: {  	_ =	strace $0x90000056  }
0xb7: {  	[bflag:$0x2] =	sbarrier.arrive $0xFFFF  }
0xb8: {  	p0 =	sne.s32 s0, $0x0;
	s0 =	rddreg [dreg:$0x2]  }
0xb9: {  	s0 =	sadd.s32 @!p0 $0x100000, s0  }
0xba: {  	[sflag:s0] =	ssyncadd.tile.s32 @!p0 $0x1;
	_ =	shalt  }
.Lfunc_end2:
_tile_overlayer_lowered:
.L_overlay_start_2:
0xbb: {  	(tag) =	ssettag $0x2  }
0xbc: {  	s0 =	rddreg [dreg:$0x0];
	s2 =	stileid.u32  }
0xbd: {  	s1 =	rddreg [dreg:$0x1];
	p0 =	sne.s32 s2, $0x0  }
0xbe: {  	s3 =	rddreg [dreg:$0x2];
	[bflag:$0x3] =	sbarrier.arrive $0xFFFF;
	s2 =	simm.s32 @!p0 $0x1C03  }
0xbf: {  	[timem:s3], [sflag:s2] =	dma.local @!p0 [hbm:s0], s1  }
0xc0: {  	s0 =	simm.s32 @!p0 $0x3  }
0xc1: {  	_ =	swait.ge @!p0 [sflag:s0], s1  }
0xc2: {  	s1 =	ssub.s32 @!p0 $0x0, s1;
	[sflag:s0] =	ssyncset.done @!p0 $0x0  }
0xc3: {  	[sflag:s0] =	ssyncadd.s32 @!p0 s1  }
0xc4: {  	[bflag:$0x3] =	sbarrier.arrive $0xFFFF  }
0xc5: {  	_ =	shalt  }

</sc_bundles>
